<compile_context>
chip_gen: v7x
topology: tpu7x:2x2x1
jax: 0.10.2.dev20260603
libtpu: 0.0.44.dev20260713+nightly
codegen_flags: <defaults>
</compile_context>

<pallas_src>
import functools

import jax
import jax.numpy as jnp
from jax import lax
from jax.experimental import pallas as pl
from jax.experimental.pallas import tpu as pltpu
from jax.experimental.pallas import tpu_sc as plsc

_NTEC = 16
_EK = 128


def _sc_mesh():
    return plsc.VectorSubcoreMesh(core_axis_name="c", subcore_axis_name="s")


_SC_PARAMS = pltpu.CompilerParams(needs_layout_passes=False)


def _make_deg_kernel(E, NPAD):
    EPT = E // _NTEC
    RPT = NPAD // _NTEC

    @functools.partial(
        pl.kernel,
        out_type=jax.ShapeDtypeStruct((2 * NPAD,), jnp.float32),
        mesh=_sc_mesh(),
        compiler_params=_SC_PARAMS,
        scratch_types=[
            pltpu.VMEM((NPAD,), jnp.float32),
            pltpu.VMEM_SHARED((_NTEC, NPAD), jnp.float32),
            pltpu.VMEM((EPT,), jnp.int32),
            pltpu.VMEM((_NTEC, RPT), jnp.float32),
            pltpu.VMEM((RPT,), jnp.float32),
        ],
    )
    def deg_kernel(ei_hbm, o_hbm, accv, stage_sh, idx_all, pbuf, obuf):
        cid = lax.axis_index("c")
        sid = lax.axis_index("s")
        zeros16 = jnp.zeros((16,), jnp.float32)
        ones16 = jnp.full((16,), 1.0, jnp.float32)

        def _z(i, c):
            accv[pl.ds(i * 16, 16)] = zeros16
            return c
        lax.fori_loop(0, NPAD // 16, _z, 0)

        pltpu.sync_copy(ei_hbm.at[pl.ds(cid * E + sid * EPT, EPT)], idx_all)

        def _e(i, c):
            v = idx_all[pl.ds(i * 16, 16)]
            plsc.addupdate_scatter(accv, [v], ones16)
            return c
        lax.fori_loop(0, EPT // 16, _e, 0)

        pltpu.sync_copy(accv, stage_sh.at[sid])
        plsc.subcore_barrier()
        pltpu.sync_copy(stage_sh.at[:, pl.ds(sid * RPT, RPT)], pbuf)

        def _s(i, c):
            a = pbuf[0, pl.ds(i * 16, 16)]
            for j in range(1, _NTEC):
                a = a + pbuf[j, pl.ds(i * 16, 16)]
            obuf[pl.ds(i * 16, 16)] = a
            return c
        lax.fori_loop(0, RPT // 16, _s, 0)

        pltpu.sync_copy(obuf, o_hbm.at[pl.ds(cid * NPAD + sid * RPT, RPT)])

    return deg_kernel


def _make_msg_kernel(NP, E, DH):
    EPT = E // _NTEC
    NCH = EPT // _EK
    REM = EPT - NCH * _EK
    assert NCH % 2 == 0 and REM % 8 == 0 and 0 < REM <= _EK
    RPT = NP // _NTEC
    ZR = 16
    NB = (NCH - 2) // 2

    @functools.partial(
        pl.kernel,
        out_type=jax.ShapeDtypeStruct((2 * NP, DH), jnp.float32),
        mesh=_sc_mesh(),
        compiler_params=_SC_PARAMS,
        scratch_types=[
            pltpu.VMEM_SHARED((NP, DH), jnp.float32),
            pltpu.VMEM((_EK, DH), jnp.float32),
            pltpu.VMEM((_EK, DH), jnp.float32),
            pltpu.VMEM((EPT,), jnp.int32),
            pltpu.VMEM((_EK,), jnp.int32),
            pltpu.VMEM((_EK,), jnp.int32),
            pltpu.VMEM((REM,), jnp.int32),
            pltpu.VMEM((ZR, DH), jnp.float32),
            pltpu.SemaphoreType.DMA,
            pltpu.SemaphoreType.DMA,
            pltpu.SemaphoreType.DMA,
            pltpu.SemaphoreType.DMA,
            pltpu.SemaphoreType.DMA,
            pltpu.SemaphoreType.DMA,
            pltpu.SemaphoreType.DMA,
            pltpu.SemaphoreType.DMA,
        ],
    )
    def msg_kernel(g_hbm, ei_hbm, o_hbm,
                   acc_sh, rowsA, rowsB, gidx, dstA, dstB, dstR, zbuf,
                   sI, sZ, sgA, sgB, ssA, ssB, sdA, sdB):
        cid = lax.axis_index("c")
        sid = lax.axis_index("s")
        zeros16 = jnp.zeros((16,), jnp.float32)
        base = sid * EPT

        idx_cp = pltpu.async_copy(ei_hbm.at[pl.ds(base, EPT)], gidx, sI)

        def _z(i, c):
            for m in range(DH // 16):
                zbuf[i, pl.ds(m * 16, 16)] = zeros16
            return c
        lax.fori_loop(0, ZR, _z, 0)
        for k in range(RPT // ZR):
            pltpu.async_copy(zbuf, acc_sh.at[pl.ds(sid * RPT + k * ZR, ZR)], sZ)
        idx_cp.wait()

        cbase = cid * 8

        def _gi(i, c):
            v = gidx[pl.ds(i * 16, 16)]
            gidx[pl.ds(i * 16, 16)] = ((v >> 3) << 4) + (v & 7) + cbase
            return c
        lax.fori_loop(0, EPT // 16, _gi, 0)
        for k in range(RPT // ZR):
            pltpu.make_async_copy(
                zbuf, acc_sh.at[pl.ds(sid * RPT, ZR)], sZ).wait()
        plsc.subcore_barrier()

        def _gather(j, rows, sem):
            pltpu.async_copy(g_hbm.at[gidx.at[pl.ds(j * _EK, _EK)]], rows, sem)

        def _wait_gather(rows, sem):
            pltpu.make_async_copy(
                g_hbm.at[gidx.at[pl.ds(0, _EK)]], rows, sem).wait()

        def _scatter(rows, db, sem):
            pltpu.async_copy(rows, acc_sh.at[db], sem, add=True)

        def _wait_scatter(rows, db, sem):
            pltpu.make_async_copy(rows, acc_sh.at[db], sem).wait()

        def _dstload(j, db, sem):
            pltpu.async_copy(ei_hbm.at[pl.ds(E + base + j * _EK, _EK)], db, sem)

        def _wait_dstload(db, sem):
            pltpu.make_async_copy(
                ei_hbm.at[pl.ds(E, _EK)], db, sem).wait()

        rbase = base + NCH * _EK
        pltpu.sync_copy(ei_hbm.at[pl.ds(E + rbase, REM)], dstR)
        pltpu.async_copy(g_hbm.at[gidx.at[pl.ds(NCH * _EK, REM)]],
                         rowsA.at[pl.ds(0, REM)], sgA).wait()
        pltpu.async_copy(rowsA.at[pl.ds(0, REM)], acc_sh.at[dstR], ssA,
                         add=True)
        pltpu.make_async_copy(rowsA.at[pl.ds(0, REM)], acc_sh.at[dstR],
                              ssA).wait()

        pltpu.sync_copy(ei_hbm.at[pl.ds(E + base, _EK)], dstA)
        _gather(0, rowsA, sgA)

        def _pair(i, c):
            j0 = 2 * i

            @pl.when(i > 0)
            def _():
                _wait_scatter(rowsB, dstB, ssB)
            _dstload(j0 + 1, dstB, sdB)
            _gather(j0 + 1, rowsB, sgB)

            _wait_gather(rowsA, sgA)

            @pl.when(i > 0)
            def _():
                _wait_dstload(dstA, sdA)
            _scatter(rowsA, dstA, ssA)

            _wait_gather(rowsB, sgB)
            _wait_scatter(rowsA, dstA, ssA)
            _dstload(j0 + 2, dstA, sdA)
            _gather(j0 + 2, rowsA, sgA)

            _wait_dstload(dstB, sdB)
            _scatter(rowsB, dstB, ssB)
            return c
        lax.fori_loop(0, NB, _pair, 0)

        _wait_scatter(rowsB, dstB, ssB)
        _dstload(NCH - 1, dstB, sdB)
        _gather(NCH - 1, rowsB, sgB)
        _wait_gather(rowsA, sgA)
        _wait_dstload(dstA, sdA)
        _scatter(rowsA, dstA, ssA)
        _wait_gather(rowsB, sgB)
        _wait_dstload(dstB, sdB)
        _scatter(rowsB, dstB, ssB)
        _wait_scatter(rowsA, dstA, ssA)
        _wait_scatter(rowsB, dstB, ssB)

        plsc.subcore_barrier()
        r0 = sid * RPT
        pltpu.sync_copy(acc_sh.at[pl.ds(r0, RPT)],
                        o_hbm.at[pl.ds(cid * NP + r0, RPT)])

    return msg_kernel


def _half_shuffle(gb, B, DH):
    return gb.reshape(B // 8, 8, 2, DH).swapaxes(1, 2).reshape(2 * B, DH)


def _tc1_body(x_ref, w_ref, deg_ref, o_ref):
    s = lax.rsqrt(jnp.maximum(deg_ref[...], 1.0))
    g = jnp.dot(x_ref[...] * s, w_ref[...],
                preferred_element_type=jnp.float32)
    o_ref[...] = _half_shuffle(g, g.shape[0], g.shape[1] // 2)


def _tc1(x, W1, deg_out, NP, B):
    N, D = x.shape
    nb = NP // B
    return pl.pallas_call(
        _tc1_body,
        grid=(nb,),
        in_specs=[pl.BlockSpec((B, D), lambda i: (i, 0)),
                  pl.BlockSpec((D, D), lambda i: (0, 0)),
                  pl.BlockSpec((B, 1), lambda i: (i, 0))],
        out_specs=pl.BlockSpec((2 * B, D // 2), lambda i: (i, 0)),
        out_shape=jax.ShapeDtypeStruct((2 * NP, D // 2), jnp.float32),
    )(x, W1, deg_out)


def _tc2_body(a0_ref, a1_ref, di_ref, do_ref, b_ref, w_ref, o_ref):
    si = lax.rsqrt(jnp.maximum(di_ref[...], 1.0))
    so = lax.rsqrt(jnp.maximum(do_ref[...], 1.0))
    b = b_ref[...]
    h0 = jax.nn.relu(a0_ref[...] * si + b[:, :128]) * so
    h1 = jax.nn.relu(a1_ref[...] * si + b[:, 128:]) * so
    w = w_ref[...]
    g = (jnp.dot(h0, w[:128, :], preferred_element_type=jnp.float32)
         + jnp.dot(h1, w[128:, :], preferred_element_type=jnp.float32))
    o_ref[...] = _half_shuffle(g, g.shape[0], g.shape[1] // 2)


def _tc2(a_flat, deg_in, deg_out, b1, W2, NP, B):
    D = W2.shape[0]
    nb = NP // B
    return pl.pallas_call(
        _tc2_body,
        grid=(nb,),
        in_specs=[pl.BlockSpec((B, 128), lambda i: (i, 0)),
                  pl.BlockSpec((B, 128), lambda i, _nb=nb: (_nb + i, 0)),
                  pl.BlockSpec((B, 1), lambda i: (i, 0)),
                  pl.BlockSpec((B, 1), lambda i: (i, 0)),
                  pl.BlockSpec((1, D), lambda i: (0, 0)),
                  pl.BlockSpec((D, D), lambda i: (0, 0))],
        out_specs=pl.BlockSpec((2 * B, D // 2), lambda i: (i, 0)),
        out_shape=jax.ShapeDtypeStruct((2 * NP, D // 2), jnp.float32),
    )(a_flat, a_flat, deg_in, deg_out, b1, W2)


def _tc3_body(a0_ref, a1_ref, di_ref, b2_ref, wd1_ref, bd1_ref,
              wd2_ref, bd2_ref, wo_ref, bo_ref, o_ref, *, n_real):
    npad = a0_ref.shape[0]
    si = lax.rsqrt(jnp.maximum(di_ref[...], 1.0))
    mask = (lax.broadcasted_iota(jnp.int32, (npad, 1), 0)
            < n_real).astype(jnp.float32)
    b2 = b2_ref[...]
    h0 = jax.nn.relu(a0_ref[...] * si + b2[:, :128]) * mask
    h1 = jax.nn.relu(a1_ref[...] * si + b2[:, 128:]) * mask
    m0 = jnp.sum(h0, axis=0, keepdims=True) * (1.0 / n_real)
    m1 = jnp.sum(h1, axis=0, keepdims=True) * (1.0 / n_real)
    hg = jnp.concatenate([m0, m1], axis=1)
    z = jax.nn.relu(jnp.dot(hg, wd1_ref[...],
                            preferred_element_type=jnp.float32) + bd1_ref[...])
    z = jax.nn.relu(jnp.dot(z, wd2_ref[...],
                            preferred_element_type=jnp.float32) + bd2_ref[...])
    o_ref[...] = jnp.dot(z, wo_ref[...],
                         preferred_element_type=jnp.float32) + bo_ref[...]


def _tc3(c_flat, deg_in, b2, Wd1, bd1, Wd2, bd2, Wo, bo, N, NP):
    NC = Wo.shape[1]
    H3 = Wd1.shape[1]
    H4 = Wd2.shape[1]
    D = Wd1.shape[0]
    return pl.pallas_call(
        functools.partial(_tc3_body, n_real=N),
        grid=(1,),
        in_specs=[pl.BlockSpec((NP, 128), lambda i: (0, 0)),
                  pl.BlockSpec((NP, 128), lambda i: (1, 0)),
                  pl.BlockSpec((NP, 1), lambda i: (0, 0)),
                  pl.BlockSpec((1, D), lambda i: (0, 0)),
                  pl.BlockSpec((D, H3), lambda i: (0, 0)),
                  pl.BlockSpec((1, H3), lambda i: (0, 0)),
                  pl.BlockSpec((H3, H4), lambda i: (0, 0)),
                  pl.BlockSpec((1, H4), lambda i: (0, 0)),
                  pl.BlockSpec((H4, NC), lambda i: (0, 0)),
                  pl.BlockSpec((1, NC), lambda i: (0, 0))],
        out_specs=pl.BlockSpec((1, NC), lambda i: (0, 0)),
        out_shape=jax.ShapeDtypeStruct((1, NC), jnp.float32),
    )(c_flat, c_flat, deg_in, b2.reshape(1, -1), Wd1, bd1.reshape(1, -1),
      Wd2, bd2.reshape(1, -1), Wo, bo.reshape(1, -1))


def kernel(x, edge_index, W1, b1, W2, b2, Wd1, bd1, Wd2, bd2, Wo, bo):
    N, D = x.shape
    E = edge_index.shape[1]
    DH = D // 2
    B = 1024
    NP = -(-N // 2048) * 2048

    ei_flat = edge_index.reshape(-1)
    deg2 = _make_deg_kernel(E, NP)(ei_flat)
    deg_out = deg2[:NP].reshape(NP, 1)
    deg_in = deg2[NP:].reshape(NP, 1)

    msg = _make_msg_kernel(NP, E, DH)
    g = _tc1(x, W1, deg_out, NP, B)
    a_flat = msg(g, ei_flat)
    h = _tc2(a_flat, deg_in, deg_out, b1.reshape(1, -1), W2, NP, B)
    c_flat = msg(h, ei_flat)
    return _tc3(c_flat, deg_in, b2, Wd1, bd1, Wd2, bd2, Wo, bo, N, NP)

# --- scband reference (transcript-rebuilt; emitter-appended) ---
"""Pipeline reference for scband-gcn-model-63513976373724 (READ-ONLY COPY).

The authoritative reference and input builder live on the scoring server;
editing this copy changes nothing except your own understanding.
"""

import jax, jax.numpy as jnp
import numpy as np

N = 10000
E = 160000
D_IN = 256
H1 = 256
H2 = 256
H3 = 128
H4 = 64
NC = 10


def setup_inputs(seed: int = 0) -> dict:
    key = jax.random.key(seed)
    ks = jax.random.split(key, 12)
    x = jax.random.normal(ks[0], (N, D_IN), dtype=jnp.float32)
    edge_index = jax.random.randint(ks[1], (2, E), 0, N, dtype=jnp.int32)
    W1 = jax.random.normal(ks[2], (D_IN, H1), dtype=jnp.float32) * 0.05
    b1 = jnp.zeros((H1,), dtype=jnp.float32)
    W2 = jax.random.normal(ks[3], (H1, H2), dtype=jnp.float32) * 0.05
    b2 = jnp.zeros((H2,), dtype=jnp.float32)
    Wd1 = jax.random.normal(ks[4], (H2, H3), dtype=jnp.float32) * 0.05
    bd1 = jnp.zeros((H3,), dtype=jnp.float32)
    Wd2 = jax.random.normal(ks[5], (H3, H4), dtype=jnp.float32) * 0.05
    bd2 = jnp.zeros((H4,), dtype=jnp.float32)
    Wo = jax.random.normal(ks[6], (H4, NC), dtype=jnp.float32) * 0.05
    bo = jnp.zeros((NC,), dtype=jnp.float32)
    return {"x": x, "edge_index": edge_index, "W1": W1, "b1": b1, "W2": W2, "b2": b2,
            "Wd1": Wd1, "bd1": bd1, "Wd2": Wd2, "bd2": bd2, "Wo": Wo, "bo": bo}


def _gcn_layer(h, src, dst, W, b):
    # DGL GraphConv with norm='both': D_out^{-1/2} gather, sum-aggregate, D_in^{-1/2}, then W, b, ReLU
    ones_e = jnp.ones((src.shape[0],), dtype=h.dtype)
    deg_out = jnp.clip(jax.ops.segment_sum(ones_e, src, num_segments=N), 1.0, None)
    deg_in = jnp.clip(jax.ops.segment_sum(ones_e, dst, num_segments=N), 1.0, None)
    h = h * (deg_out ** -0.5)[:, None]
    h = h @ W
    h = jax.ops.segment_sum(h[src], dst, num_segments=N)
    h = h * (deg_in ** -0.5)[:, None]
    return jax.nn.relu(h + b)


def reference(x, edge_index, W1, b1, W2, b2, Wd1, bd1, Wd2, bd2, Wo, bo):
    src = edge_index[0]
    dst = edge_index[1]
    h1 = _gcn_layer(x, src, dst, W1, b1)
    h2 = _gcn_layer(h1, src, dst, W2, b2)
    # dgl.mean_nodes over a single graph -> [1, H2]
    hg = jnp.mean(h2, axis=0, keepdims=True)
    hg2 = jax.nn.relu(hg @ Wd1 + bd1)
    hg2 = jax.nn.relu(hg2 @ Wd2 + bd2)
    out = hg2 @ Wo + bo
    return out

if __name__ == "__main__":
    import jax
    _d = setup_inputs()
    print(jax.jit(kernel)(*tuple(_d.values())))

</pallas_src>

<mosaic_0001>
#map = affine_map<(d0, d1) -> (0, 0)>
#map1 = affine_map<(d0, d1) -> (0)>
module attributes {stable_mosaic.version = 14 : i64} {
  func.func @msg_kernel(%arg0: i32, %arg1: i32, %arg2: memref<20480x128xf32, #tpu.memory_space<hbm>>, %arg3: memref<320000xi32, #tpu.memory_space<hbm>>, %arg4: memref<20480x128xf32, #tpu.memory_space<hbm>>, %arg5: memref<10240x128xf32, #tpu.memory_space<vmem_shared>>, %arg6: memref<128x128xf32, #tpu.memory_space<vmem>>, %arg7: memref<128x128xf32, #tpu.memory_space<vmem>>, %arg8: memref<10000xi32, #tpu.memory_space<vmem>>, %arg9: memref<128xi32, #tpu.memory_space<vmem>>, %arg10: memref<128xi32, #tpu.memory_space<vmem>>, %arg11: memref<16xi32, #tpu.memory_space<vmem>>, %arg12: memref<16x128xf32, #tpu.memory_space<vmem>>, %arg13: memref<!tpu.dma_semaphore, #tpu.memory_space<semaphore_mem>>, %arg14: memref<!tpu.dma_semaphore, #tpu.memory_space<semaphore_mem>>, %arg15: memref<!tpu.dma_semaphore, #tpu.memory_space<semaphore_mem>>, %arg16: memref<!tpu.dma_semaphore, #tpu.memory_space<semaphore_mem>>, %arg17: memref<!tpu.dma_semaphore, #tpu.memory_space<semaphore_mem>>, %arg18: memref<!tpu.dma_semaphore, #tpu.memory_space<semaphore_mem>>, %arg19: memref<!tpu.dma_semaphore, #tpu.memory_space<semaphore_mem>>, %arg20: memref<!tpu.dma_semaphore, #tpu.memory_space<semaphore_mem>>) attributes {dimension_semantics = [#tpu.dimension_semantics<core_parallel>, #tpu.dimension_semantics<subcore_parallel>], iteration_bounds = array<i64: 2, 16>, scalar_prefetch = 0 : i64, scratch_operands = 16 : i64, tpu.core_type = #tpu.core_type<sc_vector_subcore>, window_params = [{transform_indices = #map}, {transform_indices = #map1}, {transform_indices = #map}]} {
    %broadcast_in_dim3A = arith.constant 0.000000e+00 : f32
    %broadcast_in_dim3A_0 = vector.broadcast %broadcast_in_dim3A : f32 to vector<16xf32>
    %mul3A = arith.constant 10000 : i32
    %mul3A_1 = arith.muli %arg1, %mul3A : i32
    %dma_start3A = tpu.memref_slice %arg3[%mul3A_1] : memref<320000xi32, #tpu.memory_space<hbm>> -> memref<10000xi32, #tpu.memory_space<hbm>>
    %dma_start3A_2 = tpu.memref_slice %arg3[%mul3A_1] : memref<320000xi32, #tpu.memory_space<hbm>> -> memref<10000xi32, #tpu.memory_space<hbm>>
    tpu.enqueue_dma source(%dma_start3A_2 : memref<10000xi32, #tpu.memory_space<hbm>>) target(%arg8 : memref<10000xi32, #tpu.memory_space<vmem>>) target_semaphore(%arg13 : memref<!tpu.dma_semaphore, #tpu.memory_space<semaphore_mem>>)
    %scan3A = arith.constant 0 : i32
    %scan3A_3 = arith.constant 0 : i32
    %scan3A_4 = arith.constant 16 : i32
    %scan3A_5 = arith.addi %scan3A_3, %scan3A_4 : i32
    %scan3A_6 = arith.constant 1 : i32
    scf.for %scan3A_671 = %scan3A_3 to %scan3A_5 step %scan3A_6  : i32 {
      %swap3A = arith.index_cast %scan3A_671 : i32 to index
      %swap3A_672 = arith.constant 0 : index
      %swap3A_673 = tpu.vector_load %arg12[%swap3A, %swap3A_672] {strides = array<i32>} : memref<16x128xf32, #tpu.memory_space<vmem>>, vector<16xf32>,
      tpu.vector_store %arg12[%swap3A, %swap3A_672], %broadcast_in_dim3A_0 {strides = array<i32>} : memref<16x128xf32, #tpu.memory_space<vmem>>, vector<16xf32>,
      %swap3A_674 = arith.index_cast %scan3A_671 : i32 to index
      %swap3A_675 = arith.constant 16 : index
      %swap3A_676 = tpu.vector_load %arg12[%swap3A_674, %swap3A_675] {strides = array<i32>} : memref<16x128xf32, #tpu.memory_space<vmem>>, vector<16xf32>,
      tpu.vector_store %arg12[%swap3A_674, %swap3A_675], %broadcast_in_dim3A_0 {strides = array<i32>} : memref<16x128xf32, #tpu.memory_space<vmem>>, vector<16xf32>,
      %swap3A_677 = arith.index_cast %scan3A_671 : i32 to index
      %swap3A_678 = arith.constant 32 : index
      %swap3A_679 = tpu.vector_load %arg12[%swap3A_677, %swap3A_678] {strides = array<i32>} : memref<16x128xf32, #tpu.memory_space<vmem>>, vector<16xf32>,
      tpu.vector_store %arg12[%swap3A_677, %swap3A_678], %broadcast_in_dim3A_0 {strides = array<i32>} : memref<16x128xf32, #tpu.memory_space<vmem>>, vector<16xf32>,
      %swap3A_680 = arith.index_cast %scan3A_671 : i32 to index
      %swap3A_681 = arith.constant 48 : index
      %swap3A_682 = tpu.vector_load %arg12[%swap3A_680, %swap3A_681] {strides = array<i32>} : memref<16x128xf32, #tpu.memory_space<vmem>>, vector<16xf32>,
      tpu.vector_store %arg12[%swap3A_680, %swap3A_681], %broadcast_in_dim3A_0 {strides = array<i32>} : memref<16x128xf32, #tpu.memory_space<vmem>>, vector<16xf32>,
      %swap3A_683 = arith.index_cast %scan3A_671 : i32 to index
      %swap3A_684 = arith.constant 64 : index
      %swap3A_685 = tpu.vector_load %arg12[%swap3A_683, %swap3A_684] {strides = array<i32>} : memref<16x128xf32, #tpu.memory_space<vmem>>, vector<16xf32>,
      tpu.vector_store %arg12[%swap3A_683, %swap3A_684], %broadcast_in_dim3A_0 {strides = array<i32>} : memref<16x128xf32, #tpu.memory_space<vmem>>, vector<16xf32>,
      %swap3A_686 = arith.index_cast %scan3A_671 : i32 to index
      %swap3A_687 = arith.constant 80 : index
      %swap3A_688 = tpu.vector_load %arg12[%swap3A_686, %swap3A_687] {strides = array<i32>} : memref<16x128xf32, #tpu.memory_space<vmem>>, vector<16xf32>,
      tpu.vector_store %arg12[%swap3A_686, %swap3A_687], %broadcast_in_dim3A_0 {strides = array<i32>} : memref<16x128xf32, #tpu.memory_space<vmem>>, vector<16xf32>,
      %swap3A_689 = arith.index_cast %scan3A_671 : i32 to index
      %swap3A_690 = arith.constant 96 : index
      %swap3A_691 = tpu.vector_load %arg12[%swap3A_689, %swap3A_690] {strides = array<i32>} : memref<16x128xf32, #tpu.memory_space<vmem>>, vector<16xf32>,
      tpu.vector_store %arg12[%swap3A_689, %swap3A_690], %broadcast_in_dim3A_0 {strides = array<i32>} : memref<16x128xf32, #tpu.memory_space<vmem>>, vector<16xf32>,
      %swap3A_692 = arith.index_cast %scan3A_671 : i32 to index
      %swap3A_693 = arith.constant 112 : index
      %swap3A_694 = tpu.vector_load %arg12[%swap3A_692, %swap3A_693] {strides = array<i32>} : memref<16x128xf32, #tpu.memory_space<vmem>>, vector<16xf32>,
      tpu.vector_store %arg12[%swap3A_692, %swap3A_693], %broadcast_in_dim3A_0 {strides = array<i32>} : memref<16x128xf32, #tpu.memory_space<vmem>>, vector<16xf32>,
    }
    %scan3A_7 = arith.constant 16 : i32
    %mul3A_8 = arith.constant 640 : i32
    %mul3A_9 = arith.muli %arg1, %mul3A_8 : i32
    %add3A = arith.constant 0 : i32
    %add3A_10 = arith.addi %mul3A_9, %add3A : i32
    %dma_start3A_11 = arith.constant 0 : i32
    %dma_start3A_12 = tpu.memref_slice %arg5[%add3A_10, %dma_start3A_11] : memref<10240x128xf32, #tpu.memory_space<vmem_shared>> -> memref<16x128xf32, #tpu.memory_space<vmem_shared>>
    %dma_start3A_13 = arith.constant 0 : i32
    %dma_start3A_14 = tpu.memref_slice %arg5[%add3A_10, %dma_start3A_13] : memref<10240x128xf32, #tpu.memory_space<vmem_shared>> -> memref<16x128xf32, #tpu.memory_space<vmem_shared>>
    tpu.enqueue_dma source(%arg12 : memref<16x128xf32, #tpu.memory_space<vmem>>) target(%dma_start3A_14 : memref<16x128xf32, #tpu.memory_space<vmem_shared>>) target_semaphore(%arg14 : memref<!tpu.dma_semaphore, #tpu.memory_space<semaphore_mem>>)
    %mul3A_15 = arith.constant 640 : i32
    %mul3A_16 = arith.muli %arg1, %mul3A_15 : i32
    %add3A_17 = arith.constant 16 : i32
    %add3A_18 = arith.addi %mul3A_16, %add3A_17 : i32
    %dma_start3A_19 = arith.constant 0 : i32
    %dma_start3A_20 = tpu.memref_slice %arg5[%add3A_18, %dma_start3A_19] : memref<10240x128xf32, #tpu.memory_space<vmem_shared>> -> memref<16x128xf32, #tpu.memory_space<vmem_shared>>
    %dma_start3A_21 = arith.constant 0 : i32
    %dma_start3A_22 = tpu.memref_slice %arg5[%add3A_18, %dma_start3A_21] : memref<10240x128xf32, #tpu.memory_space<vmem_shared>> -> memref<16x128xf32, #tpu.memory_space<vmem_shared>>
    tpu.enqueue_dma source(%arg12 : memref<16x128xf32, #tpu.memory_space<vmem>>) target(%dma_start3A_22 : memref<16x128xf32, #tpu.memory_space<vmem_shared>>) target_semaphore(%arg14 : memref<!tpu.dma_semaphore, #tpu.memory_space<semaphore_mem>>)
    %mul3A_23 = arith.constant 640 : i32
    %mul3A_24 = arith.muli %arg1, %mul3A_23 : i32
    %add3A_25 = arith.constant 32 : i32
    %add3A_26 = arith.addi %mul3A_24, %add3A_25 : i32
    %dma_start3A_27 = arith.constant 0 : i32
    %dma_start3A_28 = tpu.memref_slice %arg5[%add3A_26, %dma_start3A_27] : memref<10240x128xf32, #tpu.memory_space<vmem_shared>> -> memref<16x128xf32, #tpu.memory_space<vmem_shared>>
    %dma_start3A_29 = arith.constant 0 : i32
    %dma_start3A_30 = tpu.memref_slice %arg5[%add3A_26, %dma_start3A_29] : memref<10240x128xf32, #tpu.memory_space<vmem_shared>> -> memref<16x128xf32, #tpu.memory_space<vmem_shared>>
    tpu.enqueue_dma source(%arg12 : memref<16x128xf32, #tpu.memory_space<vmem>>) target(%dma_start3A_30 : memref<16x128xf32, #tpu.memory_space<vmem_shared>>) target_semaphore(%arg14 : memref<!tpu.dma_semaphore, #tpu.memory_space<semaphore_mem>>)
    %mul3A_31 = arith.constant 640 : i32
    %mul3A_32 = arith.muli %arg1, %mul3A_31 : i32
    %add3A_33 = arith.constant 48 : i32
    %add3A_34 = arith.addi %mul3A_32, %add3A_33 : i32
    %dma_start3A_35 = arith.constant 0 : i32
    %dma_start3A_36 = tpu.memref_slice %arg5[%add3A_34, %dma_start3A_35] : memref<10240x128xf32, #tpu.memory_space<vmem_shared>> -> memref<16x128xf32, #tpu.memory_space<vmem_shared>>
    %dma_start3A_37 = arith.constant 0 : i32
    %dma_start3A_38 = tpu.memref_slice %arg5[%add3A_34, %dma_start3A_37] : memref<10240x128xf32, #tpu.memory_space<vmem_shared>> -> memref<16x128xf32, #tpu.memory_space<vmem_shared>>
    tpu.enqueue_dma source(%arg12 : memref<16x128xf32, #tpu.memory_space<vmem>>) target(%dma_start3A_38 : memref<16x128xf32, #tpu.memory_space<vmem_shared>>) target_semaphore(%arg14 : memref<!tpu.dma_semaphore, #tpu.memory_space<semaphore_mem>>)
    %mul3A_39 = arith.constant 640 : i32
    %mul3A_40 = arith.muli %arg1, %mul3A_39 : i32
    %add3A_41 = arith.constant 64 : i32
    %add3A_42 = arith.addi %mul3A_40, %add3A_41 : i32
    %dma_start3A_43 = arith.constant 0 : i32
    %dma_start3A_44 = tpu.memref_slice %arg5[%add3A_42, %dma_start3A_43] : memref<10240x128xf32, #tpu.memory_space<vmem_shared>> -> memref<16x128xf32, #tpu.memory_space<vmem_shared>>
    %dma_start3A_45 = arith.constant 0 : i32
    %dma_start3A_46 = tpu.memref_slice %arg5[%add3A_42, %dma_start3A_45] : memref<10240x128xf32, #tpu.memory_space<vmem_shared>> -> memref<16x128xf32, #tpu.memory_space<vmem_shared>>
    tpu.enqueue_dma source(%arg12 : memref<16x128xf32, #tpu.memory_space<vmem>>) target(%dma_start3A_46 : memref<16x128xf32, #tpu.memory_space<vmem_shared>>) target_semaphore(%arg14 : memref<!tpu.dma_semaphore, #tpu.memory_space<semaphore_mem>>)
    %mul3A_47 = arith.constant 640 : i32
    %mul3A_48 = arith.muli %arg1, %mul3A_47 : i32
    %add3A_49 = arith.constant 80 : i32
    %add3A_50 = arith.addi %mul3A_48, %add3A_49 : i32
    %dma_start3A_51 = arith.constant 0 : i32
    %dma_start3A_52 = tpu.memref_slice %arg5[%add3A_50, %dma_start3A_51] : memref<10240x128xf32, #tpu.memory_space<vmem_shared>> -> memref<16x128xf32, #tpu.memory_space<vmem_shared>>
    %dma_start3A_53 = arith.constant 0 : i32
    %dma_start3A_54 = tpu.memref_slice %arg5[%add3A_50, %dma_start3A_53] : memref<10240x128xf32, #tpu.memory_space<vmem_shared>> -> memref<16x128xf32, #tpu.memory_space<vmem_shared>>
    tpu.enqueue_dma source(%arg12 : memref<16x128xf32, #tpu.memory_space<vmem>>) target(%dma_start3A_54 : memref<16x128xf32, #tpu.memory_space<vmem_shared>>) target_semaphore(%arg14 : memref<!tpu.dma_semaphore, #tpu.memory_space<semaphore_mem>>)
    %mul3A_55 = arith.constant 640 : i32
    %mul3A_56 = arith.muli %arg1, %mul3A_55 : i32
    %add3A_57 = arith.constant 96 : i32
    %add3A_58 = arith.addi %mul3A_56, %add3A_57 : i32
    %dma_start3A_59 = arith.constant 0 : i32
    %dma_start3A_60 = tpu.memref_slice %arg5[%add3A_58, %dma_start3A_59] : memref<10240x128xf32, #tpu.memory_space<vmem_shared>> -> memref<16x128xf32, #tpu.memory_space<vmem_shared>>
    %dma_start3A_61 = arith.constant 0 : i32
    %dma_start3A_62 = tpu.memref_slice %arg5[%add3A_58, %dma_start3A_61] : memref<10240x128xf32, #tpu.memory_space<vmem_shared>> -> memref<16x128xf32, #tpu.memory_space<vmem_shared>>
    tpu.enqueue_dma source(%arg12 : memref<16x128xf32, #tpu.memory_space<vmem>>) target(%dma_start3A_62 : memref<16x128xf32, #tpu.memory_space<vmem_shared>>) target_semaphore(%arg14 : memref<!tpu.dma_semaphore, #tpu.memory_space<semaphore_mem>>)
    %mul3A_63 = arith.constant 640 : i32
    %mul3A_64 = arith.muli %arg1, %mul3A_63 : i32
    %add3A_65 = arith.constant 112 : i32
    %add3A_66 = arith.addi %mul3A_64, %add3A_65 : i32
    %dma_start3A_67 = arith.constant 0 : i32
    %dma_start3A_68 = tpu.memref_slice %arg5[%add3A_66, %dma_start3A_67] : memref<10240x128xf32, #tpu.memory_space<vmem_shared>> -> memref<16x128xf32, #tpu.memory_space<vmem_shared>>
    %dma_start3A_69 = arith.constant 0 : i32
    %dma_start3A_70 = tpu.memref_slice %arg5[%add3A_66, %dma_start3A_69] : memref<10240x128xf32, #tpu.memory_space<vmem_shared>> -> memref<16x128xf32, #tpu.memory_space<vmem_shared>>
    tpu.enqueue_dma source(%arg12 : memref<16x128xf32, #tpu.memory_space<vmem>>) target(%dma_start3A_70 : memref<16x128xf32, #tpu.memory_space<vmem_shared>>) target_semaphore(%arg14 : memref<!tpu.dma_semaphore, #tpu.memory_space<semaphore_mem>>)
    %mul3A_71 = arith.constant 640 : i32
    %mul3A_72 = arith.muli %arg1, %mul3A_71 : i32
    %add3A_73 = arith.constant 128 : i32
    %add3A_74 = arith.addi %mul3A_72, %add3A_73 : i32
    %dma_start3A_75 = arith.constant 0 : i32
    %dma_start3A_76 = tpu.memref_slice %arg5[%add3A_74, %dma_start3A_75] : memref<10240x128xf32, #tpu.memory_space<vmem_shared>> -> memref<16x128xf32, #tpu.memory_space<vmem_shared>>
    %dma_start3A_77 = arith.constant 0 : i32
    %dma_start3A_78 = tpu.memref_slice %arg5[%add3A_74, %dma_start3A_77] : memref<10240x128xf32, #tpu.memory_space<vmem_shared>> -> memref<16x128xf32, #tpu.memory_space<vmem_shared>>
    tpu.enqueue_dma source(%arg12 : memref<16x128xf32, #tpu.memory_space<vmem>>) target(%dma_start3A_78 : memref<16x128xf32, #tpu.memory_space<vmem_shared>>) target_semaphore(%arg14 : memref<!tpu.dma_semaphore, #tpu.memory_space<semaphore_mem>>)
    %mul3A_79 = arith.constant 640 : i32
    %mul3A_80 = arith.muli %arg1, %mul3A_79 : i32
    %add3A_81 = arith.constant 144 : i32
    %add3A_82 = arith.addi %mul3A_80, %add3A_81 : i32
    %dma_start3A_83 = arith.constant 0 : i32
    %dma_start3A_84 = tpu.memref_slice %arg5[%add3A_82, %dma_start3A_83] : memref<10240x128xf32, #tpu.memory_space<vmem_shared>> -> memref<16x128xf32, #tpu.memory_space<vmem_shared>>
    %dma_start3A_85 = arith.constant 0 : i32
    %dma_start3A_86 = tpu.memref_slice %arg5[%add3A_82, %dma_start3A_85] : memref<10240x128xf32, #tpu.memory_space<vmem_shared>> -> memref<16x128xf32, #tpu.memory_space<vmem_shared>>
    tpu.enqueue_dma source(%arg12 : memref<16x128xf32, #tpu.memory_space<vmem>>) target(%dma_start3A_86 : memref<16x128xf32, #tpu.memory_space<vmem_shared>>) target_semaphore(%arg14 : memref<!tpu.dma_semaphore, #tpu.memory_space<semaphore_mem>>)
    %mul3A_87 = arith.constant 640 : i32
    %mul3A_88 = arith.muli %arg1, %mul3A_87 : i32
    %add3A_89 = arith.constant 160 : i32
    %add3A_90 = arith.addi %mul3A_88, %add3A_89 : i32
    %dma_start3A_91 = arith.constant 0 : i32
    %dma_start3A_92 = tpu.memref_slice %arg5[%add3A_90, %dma_start3A_91] : memref<10240x128xf32, #tpu.memory_space<vmem_shared>> -> memref<16x128xf32, #tpu.memory_space<vmem_shared>>
    %dma_start3A_93 = arith.constant 0 : i32
    %dma_start3A_94 = tpu.memref_slice %arg5[%add3A_90, %dma_start3A_93] : memref<10240x128xf32, #tpu.memory_space<vmem_shared>> -> memref<16x128xf32, #tpu.memory_space<vmem_shared>>
    tpu.enqueue_dma source(%arg12 : memref<16x128xf32, #tpu.memory_space<vmem>>) target(%dma_start3A_94 : memref<16x128xf32, #tpu.memory_space<vmem_shared>>) target_semaphore(%arg14 : memref<!tpu.dma_semaphore, #tpu.memory_space<semaphore_mem>>)
    %mul3A_95 = arith.constant 640 : i32
    %mul3A_96 = arith.muli %arg1, %mul3A_95 : i32
    %add3A_97 = arith.constant 176 : i32
    %add3A_98 = arith.addi %mul3A_96, %add3A_97 : i32
    %dma_start3A_99 = arith.constant 0 : i32
    %dma_start3A_100 = tpu.memref_slice %arg5[%add3A_98, %dma_start3A_99] : memref<10240x128xf32, #tpu.memory_space<vmem_shared>> -> memref<16x128xf32, #tpu.memory_space<vmem_shared>>
    %dma_start3A_101 = arith.constant 0 : i32
    %dma_start3A_102 = tpu.memref_slice %arg5[%add3A_98, %dma_start3A_101] : memref<10240x128xf32, #tpu.memory_space<vmem_shared>> -> memref<16x128xf32, #tpu.memory_space<vmem_shared>>
    tpu.enqueue_dma source(%arg12 : memref<16x128xf32, #tpu.memory_space<vmem>>) target(%dma_start3A_102 : memref<16x128xf32, #tpu.memory_space<vmem_shared>>) target_semaphore(%arg14 : memref<!tpu.dma_semaphore, #tpu.memory_space<semaphore_mem>>)
    %mul3A_103 = arith.constant 640 : i32
    %mul3A_104 = arith.muli %arg1, %mul3A_103 : i32
    %add3A_105 = arith.constant 192 : i32
    %add3A_106 = arith.addi %mul3A_104, %add3A_105 : i32
    %dma_start3A_107 = arith.constant 0 : i32
    %dma_start3A_108 = tpu.memref_slice %arg5[%add3A_106, %dma_start3A_107] : memref<10240x128xf32, #tpu.memory_space<vmem_shared>> -> memref<16x128xf32, #tpu.memory_space<vmem_shared>>
    %dma_start3A_109 = arith.constant 0 : i32
    %dma_start3A_110 = tpu.memref_slice %arg5[%add3A_106, %dma_start3A_109] : memref<10240x128xf32, #tpu.memory_space<vmem_shared>> -> memref<16x128xf32, #tpu.memory_space<vmem_shared>>
    tpu.enqueue_dma source(%arg12 : memref<16x128xf32, #tpu.memory_space<vmem>>) target(%dma_start3A_110 : memref<16x128xf32, #tpu.memory_space<vmem_shared>>) target_semaphore(%arg14 : memref<!tpu.dma_semaphore, #tpu.memory_space<semaphore_mem>>)
    %mul3A_111 = arith.constant 640 : i32
    %mul3A_112 = arith.muli %arg1, %mul3A_111 : i32
    %add3A_113 = arith.constant 208 : i32
    %add3A_114 = arith.addi %mul3A_112, %add3A_113 : i32
    %dma_start3A_115 = arith.constant 0 : i32
    %dma_start3A_116 = tpu.memref_slice %arg5[%add3A_114, %dma_start3A_115] : memref<10240x128xf32, #tpu.memory_space<vmem_shared>> -> memref<16x128xf32, #tpu.memory_space<vmem_shared>>
    %dma_start3A_117 = arith.constant 0 : i32
    %dma_start3A_118 = tpu.memref_slice %arg5[%add3A_114, %dma_start3A_117] : memref<10240x128xf32, #tpu.memory_space<vmem_shared>> -> memref<16x128xf32, #tpu.memory_space<vmem_shared>>
    tpu.enqueue_dma source(%arg12 : memref<16x128xf32, #tpu.memory_space<vmem>>) target(%dma_start3A_118 : memref<16x128xf32, #tpu.memory_space<vmem_shared>>) target_semaphore(%arg14 : memref<!tpu.dma_semaphore, #tpu.memory_space<semaphore_mem>>)
    %mul3A_119 = arith.constant 640 : i32
    %mul3A_120 = arith.muli %arg1, %mul3A_119 : i32
    %add3A_121 = arith.constant 224 : i32
    %add3A_122 = arith.addi %mul3A_120, %add3A_121 : i32
    %dma_start3A_123 = arith.constant 0 : i32
    %dma_start3A_124 = tpu.memref_slice %arg5[%add3A_122, %dma_start3A_123] : memref<10240x128xf32, #tpu.memory_space<vmem_shared>> -> memref<16x128xf32, #tpu.memory_space<vmem_shared>>
    %dma_start3A_125 = arith.constant 0 : i32
    %dma_start3A_126 = tpu.memref_slice %arg5[%add3A_122, %dma_start3A_125] : memref<10240x128xf32, #tpu.memory_space<vmem_shared>> -> memref<16x128xf32, #tpu.memory_space<vmem_shared>>
    tpu.enqueue_dma source(%arg12 : memref<16x128xf32, #tpu.memory_space<vmem>>) target(%dma_start3A_126 : memref<16x128xf32, #tpu.memory_space<vmem_shared>>) target_semaphore(%arg14 : memref<!tpu.dma_semaphore, #tpu.memory_space<semaphore_mem>>)
    %mul3A_127 = arith.constant 640 : i32
    %mul3A_128 = arith.muli %arg1, %mul3A_127 : i32
    %add3A_129 = arith.constant 240 : i32
    %add3A_130 = arith.addi %mul3A_128, %add3A_129 : i32
    %dma_start3A_131 = arith.constant 0 : i32
    %dma_start3A_132 = tpu.memref_slice %arg5[%add3A_130, %dma_start3A_131] : memref<10240x128xf32, #tpu.memory_space<vmem_shared>> -> memref<16x128xf32, #tpu.memory_space<vmem_shared>>
    %dma_start3A_133 = arith.constant 0 : i32
    %dma_start3A_134 = tpu.memref_slice %arg5[%add3A_130, %dma_start3A_133] : memref<10240x128xf32, #tpu.memory_space<vmem_shared>> -> memref<16x128xf32, #tpu.memory_space<vmem_shared>>
    tpu.enqueue_dma source(%arg12 : memref<16x128xf32, #tpu.memory_space<vmem>>) target(%dma_start3A_134 : memref<16x128xf32, #tpu.memory_space<vmem_shared>>) target_semaphore(%arg14 : memref<!tpu.dma_semaphore, #tpu.memory_space<semaphore_mem>>)
    %mul3A_135 = arith.constant 640 : i32
    %mul3A_136 = arith.muli %arg1, %mul3A_135 : i32
    %add3A_137 = arith.constant 256 : i32
    %add3A_138 = arith.addi %mul3A_136, %add3A_137 : i32
    %dma_start3A_139 = arith.constant 0 : i32
    %dma_start3A_140 = tpu.memref_slice %arg5[%add3A_138, %dma_start3A_139] : memref<10240x128xf32, #tpu.memory_space<vmem_shared>> -> memref<16x128xf32, #tpu.memory_space<vmem_shared>>
    %dma_start3A_141 = arith.constant 0 : i32
    %dma_start3A_142 = tpu.memref_slice %arg5[%add3A_138, %dma_start3A_141] : memref<10240x128xf32, #tpu.memory_space<vmem_shared>> -> memref<16x128xf32, #tpu.memory_space<vmem_shared>>
    tpu.enqueue_dma source(%arg12 : memref<16x128xf32, #tpu.memory_space<vmem>>) target(%dma_start3A_142 : memref<16x128xf32, #tpu.memory_space<vmem_shared>>) target_semaphore(%arg14 : memref<!tpu.dma_semaphore, #tpu.memory_space<semaphore_mem>>)
    %mul3A_143 = arith.constant 640 : i32
    %mul3A_144 = arith.muli %arg1, %mul3A_143 : i32
    %add3A_145 = arith.constant 272 : i32
    %add3A_146 = arith.addi %mul3A_144, %add3A_145 : i32
    %dma_start3A_147 = arith.constant 0 : i32
    %dma_start3A_148 = tpu.memref_slice %arg5[%add3A_146, %dma_start3A_147] : memref<10240x128xf32, #tpu.memory_space<vmem_shared>> -> memref<16x128xf32, #tpu.memory_space<vmem_shared>>
    %dma_start3A_149 = arith.constant 0 : i32
    %dma_start3A_150 = tpu.memref_slice %arg5[%add3A_146, %dma_start3A_149] : memref<10240x128xf32, #tpu.memory_space<vmem_shared>> -> memref<16x128xf32, #tpu.memory_space<vmem_shared>>
    tpu.enqueue_dma source(%arg12 : memref<16x128xf32, #tpu.memory_space<vmem>>) target(%dma_start3A_150 : memref<16x128xf32, #tpu.memory_space<vmem_shared>>) target_semaphore(%arg14 : memref<!tpu.dma_semaphore, #tpu.memory_space<semaphore_mem>>)
    %mul3A_151 = arith.constant 640 : i32
    %mul3A_152 = arith.muli %arg1, %mul3A_151 : i32
    %add3A_153 = arith.constant 288 : i32
    %add3A_154 = arith.addi %mul3A_152, %add3A_153 : i32
    %dma_start3A_155 = arith.constant 0 : i32
    %dma_start3A_156 = tpu.memref_slice %arg5[%add3A_154, %dma_start3A_155] : memref<10240x128xf32, #tpu.memory_space<vmem_shared>> -> memref<16x128xf32, #tpu.memory_space<vmem_shared>>
    %dma_start3A_157 = arith.constant 0 : i32
    %dma_start3A_158 = tpu.memref_slice %arg5[%add3A_154, %dma_start3A_157] : memref<10240x128xf32, #tpu.memory_space<vmem_shared>> -> memref<16x128xf32, #tpu.memory_space<vmem_shared>>
    tpu.enqueue_dma source(%arg12 : memref<16x128xf32, #tpu.memory_space<vmem>>) target(%dma_start3A_158 : memref<16x128xf32, #tpu.memory_space<vmem_shared>>) target_semaphore(%arg14 : memref<!tpu.dma_semaphore, #tpu.memory_space<semaphore_mem>>)
    %mul3A_159 = arith.constant 640 : i32
    %mul3A_160 = arith.muli %arg1, %mul3A_159 : i32
    %add3A_161 = arith.constant 304 : i32
    %add3A_162 = arith.addi %mul3A_160, %add3A_161 : i32
    %dma_start3A_163 = arith.constant 0 : i32
    %dma_start3A_164 = tpu.memref_slice %arg5[%add3A_162, %dma_start3A_163] : memref<10240x128xf32, #tpu.memory_space<vmem_shared>> -> memref<16x128xf32, #tpu.memory_space<vmem_shared>>
    %dma_start3A_165 = arith.constant 0 : i32
    %dma_start3A_166 = tpu.memref_slice %arg5[%add3A_162, %dma_start3A_165] : memref<10240x128xf32, #tpu.memory_space<vmem_shared>> -> memref<16x128xf32, #tpu.memory_space<vmem_shared>>
    tpu.enqueue_dma source(%arg12 : memref<16x128xf32, #tpu.memory_space<vmem>>) target(%dma_start3A_166 : memref<16x128xf32, #tpu.memory_space<vmem_shared>>) target_semaphore(%arg14 : memref<!tpu.dma_semaphore, #tpu.memory_space<semaphore_mem>>)
    %mul3A_167 = arith.constant 640 : i32
    %mul3A_168 = arith.muli %arg1, %mul3A_167 : i32
    %add3A_169 = arith.constant 320 : i32
    %add3A_170 = arith.addi %mul3A_168, %add3A_169 : i32
    %dma_start3A_171 = arith.constant 0 : i32
    %dma_start3A_172 = tpu.memref_slice %arg5[%add3A_170, %dma_start3A_171] : memref<10240x128xf32, #tpu.memory_space<vmem_shared>> -> memref<16x128xf32, #tpu.memory_space<vmem_shared>>
    %dma_start3A_173 = arith.constant 0 : i32
    %dma_start3A_174 = tpu.memref_slice %arg5[%add3A_170, %dma_start3A_173] : memref<10240x128xf32, #tpu.memory_space<vmem_shared>> -> memref<16x128xf32, #tpu.memory_space<vmem_shared>>
    tpu.enqueue_dma source(%arg12 : memref<16x128xf32, #tpu.memory_space<vmem>>) target(%dma_start3A_174 : memref<16x128xf32, #tpu.memory_space<vmem_shared>>) target_semaphore(%arg14 : memref<!tpu.dma_semaphore, #tpu.memory_space<semaphore_mem>>)
    %mul3A_175 = arith.constant 640 : i32
    %mul3A_176 = arith.muli %arg1, %mul3A_175 : i32
    %add3A_177 = arith.constant 336 : i32
    %add3A_178 = arith.addi %mul3A_176, %add3A_177 : i32
    %dma_start3A_179 = arith.constant 0 : i32
    %dma_start3A_180 = tpu.memref_slice %arg5[%add3A_178, %dma_start3A_179] : memref<10240x128xf32, #tpu.memory_space<vmem_shared>> -> memref<16x128xf32, #tpu.memory_space<vmem_shared>>
    %dma_start3A_181 = arith.constant 0 : i32
    %dma_start3A_182 = tpu.memref_slice %arg5[%add3A_178, %dma_start3A_181] : memref<10240x128xf32, #tpu.memory_space<vmem_shared>> -> memref<16x128xf32, #tpu.memory_space<vmem_shared>>
    tpu.enqueue_dma source(%arg12 : memref<16x128xf32, #tpu.memory_space<vmem>>) target(%dma_start3A_182 : memref<16x128xf32, #tpu.memory_space<vmem_shared>>) target_semaphore(%arg14 : memref<!tpu.dma_semaphore, #tpu.memory_space<semaphore_mem>>)
    %mul3A_183 = arith.constant 640 : i32
    %mul3A_184 = arith.muli %arg1, %mul3A_183 : i32
    %add3A_185 = arith.constant 352 : i32
    %add3A_186 = arith.addi %mul3A_184, %add3A_185 : i32
    %dma_start3A_187 = arith.constant 0 : i32
    %dma_start3A_188 = tpu.memref_slice %arg5[%add3A_186, %dma_start3A_187] : memref<10240x128xf32, #tpu.memory_space<vmem_shared>> -> memref<16x128xf32, #tpu.memory_space<vmem_shared>>
    %dma_start3A_189 = arith.constant 0 : i32
    %dma_start3A_190 = tpu.memref_slice %arg5[%add3A_186, %dma_start3A_189] : memref<10240x128xf32, #tpu.memory_space<vmem_shared>> -> memref<16x128xf32, #tpu.memory_space<vmem_shared>>
    tpu.enqueue_dma source(%arg12 : memref<16x128xf32, #tpu.memory_space<vmem>>) target(%dma_start3A_190 : memref<16x128xf32, #tpu.memory_space<vmem_shared>>) target_semaphore(%arg14 : memref<!tpu.dma_semaphore, #tpu.memory_space<semaphore_mem>>)
    %mul3A_191 = arith.constant 640 : i32
    %mul3A_192 = arith.muli %arg1, %mul3A_191 : i32
    %add3A_193 = arith.constant 368 : i32
    %add3A_194 = arith.addi %mul3A_192, %add3A_193 : i32
    %dma_start3A_195 = arith.constant 0 : i32
    %dma_start3A_196 = tpu.memref_slice %arg5[%add3A_194, %dma_start3A_195] : memref<10240x128xf32, #tpu.memory_space<vmem_shared>> -> memref<16x128xf32, #tpu.memory_space<vmem_shared>>
    %dma_start3A_197 = arith.constant 0 : i32
    %dma_start3A_198 = tpu.memref_slice %arg5[%add3A_194, %dma_start3A_197] : memref<10240x128xf32, #tpu.memory_space<vmem_shared>> -> memref<16x128xf32, #tpu.memory_space<vmem_shared>>
    tpu.enqueue_dma source(%arg12 : memref<16x128xf32, #tpu.memory_space<vmem>>) target(%dma_start3A_198 : memref<16x128xf32, #tpu.memory_space<vmem_shared>>) target_semaphore(%arg14 : memref<!tpu.dma_semaphore, #tpu.memory_space<semaphore_mem>>)
    %mul3A_199 = arith.constant 640 : i32
    %mul3A_200 = arith.muli %arg1, %mul3A_199 : i32
    %add3A_201 = arith.constant 384 : i32
    %add3A_202 = arith.addi %mul3A_200, %add3A_201 : i32
    %dma_start3A_203 = arith.constant 0 : i32
    %dma_start3A_204 = tpu.memref_slice %arg5[%add3A_202, %dma_start3A_203] : memref<10240x128xf32, #tpu.memory_space<vmem_shared>> -> memref<16x128xf32, #tpu.memory_space<vmem_shared>>
    %dma_start3A_205 = arith.constant 0 : i32
    %dma_start3A_206 = tpu.memref_slice %arg5[%add3A_202, %dma_start3A_205] : memref<10240x128xf32, #tpu.memory_space<vmem_shared>> -> memref<16x128xf32, #tpu.memory_space<vmem_shared>>
    tpu.enqueue_dma source(%arg12 : memref<16x128xf32, #tpu.memory_space<vmem>>) target(%dma_start3A_206 : memref<16x128xf32, #tpu.memory_space<vmem_shared>>) target_semaphore(%arg14 : memref<!tpu.dma_semaphore, #tpu.memory_space<semaphore_mem>>)
    %mul3A_207 = arith.constant 640 : i32
    %mul3A_208 = arith.muli %arg1, %mul3A_207 : i32
    %add3A_209 = arith.constant 400 : i32
    %add3A_210 = arith.addi %mul3A_208, %add3A_209 : i32
    %dma_start3A_211 = arith.constant 0 : i32
    %dma_start3A_212 = tpu.memref_slice %arg5[%add3A_210, %dma_start3A_211] : memref<10240x128xf32, #tpu.memory_space<vmem_shared>> -> memref<16x128xf32, #tpu.memory_space<vmem_shared>>
    %dma_start3A_213 = arith.constant 0 : i32
    %dma_start3A_214 = tpu.memref_slice %arg5[%add3A_210, %dma_start3A_213] : memref<10240x128xf32, #tpu.memory_space<vmem_shared>> -> memref<16x128xf32, #tpu.memory_space<vmem_shared>>
    tpu.enqueue_dma source(%arg12 : memref<16x128xf32, #tpu.memory_space<vmem>>) target(%dma_start3A_214 : memref<16x128xf32, #tpu.memory_space<vmem_shared>>) target_semaphore(%arg14 : memref<!tpu.dma_semaphore, #tpu.memory_space<semaphore_mem>>)
    %mul3A_215 = arith.constant 640 : i32
    %mul3A_216 = arith.muli %arg1, %mul3A_215 : i32
    %add3A_217 = arith.constant 416 : i32
    %add3A_218 = arith.addi %mul3A_216, %add3A_217 : i32
    %dma_start3A_219 = arith.constant 0 : i32
    %dma_start3A_220 = tpu.memref_slice %arg5[%add3A_218, %dma_start3A_219] : memref<10240x128xf32, #tpu.memory_space<vmem_shared>> -> memref<16x128xf32, #tpu.memory_space<vmem_shared>>
    %dma_start3A_221 = arith.constant 0 : i32
    %dma_start3A_222 = tpu.memref_slice %arg5[%add3A_218, %dma_start3A_221] : memref<10240x128xf32, #tpu.memory_space<vmem_shared>> -> memref<16x128xf32, #tpu.memory_space<vmem_shared>>
    tpu.enqueue_dma source(%arg12 : memref<16x128xf32, #tpu.memory_space<vmem>>) target(%dma_start3A_222 : memref<16x128xf32, #tpu.memory_space<vmem_shared>>) target_semaphore(%arg14 : memref<!tpu.dma_semaphore, #tpu.memory_space<semaphore_mem>>)
    %mul3A_223 = arith.constant 640 : i32
    %mul3A_224 = arith.muli %arg1, %mul3A_223 : i32
    %add3A_225 = arith.constant 432 : i32
    %add3A_226 = arith.addi %mul3A_224, %add3A_225 : i32
    %dma_start3A_227 = arith.constant 0 : i32
    %dma_start3A_228 = tpu.memref_slice %arg5[%add3A_226, %dma_start3A_227] : memref<10240x128xf32, #tpu.memory_space<vmem_shared>> -> memref<16x128xf32, #tpu.memory_space<vmem_shared>>
    %dma_start3A_229 = arith.constant 0 : i32
    %dma_start3A_230 = tpu.memref_slice %arg5[%add3A_226, %dma_start3A_229] : memref<10240x128xf32, #tpu.memory_space<vmem_shared>> -> memref<16x128xf32, #tpu.memory_space<vmem_shared>>
    tpu.enqueue_dma source(%arg12 : memref<16x128xf32, #tpu.memory_space<vmem>>) target(%dma_start3A_230 : memref<16x128xf32, #tpu.memory_space<vmem_shared>>) target_semaphore(%arg14 : memref<!tpu.dma_semaphore, #tpu.memory_space<semaphore_mem>>)
    %mul3A_231 = arith.constant 640 : i32
    %mul3A_232 = arith.muli %arg1, %mul3A_231 : i32
    %add3A_233 = arith.constant 448 : i32
    %add3A_234 = arith.addi %mul3A_232, %add3A_233 : i32
    %dma_start3A_235 = arith.constant 0 : i32
    %dma_start3A_236 = tpu.memref_slice %arg5[%add3A_234, %dma_start3A_235] : memref<10240x128xf32, #tpu.memory_space<vmem_shared>> -> memref<16x128xf32, #tpu.memory_space<vmem_shared>>
    %dma_start3A_237 = arith.constant 0 : i32
    %dma_start3A_238 = tpu.memref_slice %arg5[%add3A_234, %dma_start3A_237] : memref<10240x128xf32, #tpu.memory_space<vmem_shared>> -> memref<16x128xf32, #tpu.memory_space<vmem_shared>>
    tpu.enqueue_dma source(%arg12 : memref<16x128xf32, #tpu.memory_space<vmem>>) target(%dma_start3A_238 : memref<16x128xf32, #tpu.memory_space<vmem_shared>>) target_semaphore(%arg14 : memref<!tpu.dma_semaphore, #tpu.memory_space<semaphore_mem>>)
    %mul3A_239 = arith.constant 640 : i32
    %mul3A_240 = arith.muli %arg1, %mul3A_239 : i32
    %add3A_241 = arith.constant 464 : i32
    %add3A_242 = arith.addi %mul3A_240, %add3A_241 : i32
    %dma_start3A_243 = arith.constant 0 : i32
    %dma_start3A_244 = tpu.memref_slice %arg5[%add3A_242, %dma_start3A_243] : memref<10240x128xf32, #tpu.memory_space<vmem_shared>> -> memref<16x128xf32, #tpu.memory_space<vmem_shared>>
    %dma_start3A_245 = arith.constant 0 : i32
    %dma_start3A_246 = tpu.memref_slice %arg5[%add3A_242, %dma_start3A_245] : memref<10240x128xf32, #tpu.memory_space<vmem_shared>> -> memref<16x128xf32, #tpu.memory_space<vmem_shared>>
    tpu.enqueue_dma source(%arg12 : memref<16x128xf32, #tpu.memory_space<vmem>>) target(%dma_start3A_246 : memref<16x128xf32, #tpu.memory_space<vmem_shared>>) target_semaphore(%arg14 : memref<!tpu.dma_semaphore, #tpu.memory_space<semaphore_mem>>)
    %mul3A_247 = arith.constant 640 : i32
    %mul3A_248 = arith.muli %arg1, %mul3A_247 : i32
    %add3A_249 = arith.constant 480 : i32
    %add3A_250 = arith.addi %mul3A_248, %add3A_249 : i32
    %dma_start3A_251 = arith.constant 0 : i32
    %dma_start3A_252 = tpu.memref_slice %arg5[%add3A_250, %dma_start3A_251] : memref<10240x128xf32, #tpu.memory_space<vmem_shared>> -> memref<16x128xf32, #tpu.memory_space<vmem_shared>>
    %dma_start3A_253 = arith.constant 0 : i32
    %dma_start3A_254 = tpu.memref_slice %arg5[%add3A_250, %dma_start3A_253] : memref<10240x128xf32, #tpu.memory_space<vmem_shared>> -> memref<16x128xf32, #tpu.memory_space<vmem_shared>>
    tpu.enqueue_dma source(%arg12 : memref<16x128xf32, #tpu.memory_space<vmem>>) target(%dma_start3A_254 : memref<16x128xf32, #tpu.memory_space<vmem_shared>>) target_semaphore(%arg14 : memref<!tpu.dma_semaphore, #tpu.memory_space<semaphore_mem>>)
    %mul3A_255 = arith.constant 640 : i32
    %mul3A_256 = arith.muli %arg1, %mul3A_255 : i32
    %add3A_257 = arith.constant 496 : i32
    %add3A_258 = arith.addi %mul3A_256, %add3A_257 : i32
    %dma_start3A_259 = arith.constant 0 : i32
    %dma_start3A_260 = tpu.memref_slice %arg5[%add3A_258, %dma_start3A_259] : memref<10240x128xf32, #tpu.memory_space<vmem_shared>> -> memref<16x128xf32, #tpu.memory_space<vmem_shared>>
    %dma_start3A_261 = arith.constant 0 : i32
    %dma_start3A_262 = tpu.memref_slice %arg5[%add3A_258, %dma_start3A_261] : memref<10240x128xf32, #tpu.memory_space<vmem_shared>> -> memref<16x128xf32, #tpu.memory_space<vmem_shared>>
    tpu.enqueue_dma source(%arg12 : memref<16x128xf32, #tpu.memory_space<vmem>>) target(%dma_start3A_262 : memref<16x128xf32, #tpu.memory_space<vmem_shared>>) target_semaphore(%arg14 : memref<!tpu.dma_semaphore, #tpu.memory_space<semaphore_mem>>)
    %mul3A_263 = arith.constant 640 : i32
    %mul3A_264 = arith.muli %arg1, %mul3A_263 : i32
    %add3A_265 = arith.constant 512 : i32
    %add3A_266 = arith.addi %mul3A_264, %add3A_265 : i32
    %dma_start3A_267 = arith.constant 0 : i32
    %dma_start3A_268 = tpu.memref_slice %arg5[%add3A_266, %dma_start3A_267] : memref<10240x128xf32, #tpu.memory_space<vmem_shared>> -> memref<16x128xf32, #tpu.memory_space<vmem_shared>>
    %dma_start3A_269 = arith.constant 0 : i32
    %dma_start3A_270 = tpu.memref_slice %arg5[%add3A_266, %dma_start3A_269] : memref<10240x128xf32, #tpu.memory_space<vmem_shared>> -> memref<16x128xf32, #tpu.memory_space<vmem_shared>>
    tpu.enqueue_dma source(%arg12 : memref<16x128xf32, #tpu.memory_space<vmem>>) target(%dma_start3A_270 : memref<16x128xf32, #tpu.memory_space<vmem_shared>>) target_semaphore(%arg14 : memref<!tpu.dma_semaphore, #tpu.memory_space<semaphore_mem>>)
    %mul3A_271 = arith.constant 640 : i32
    %mul3A_272 = arith.muli %arg1, %mul3A_271 : i32
    %add3A_273 = arith.constant 528 : i32
    %add3A_274 = arith.addi %mul3A_272, %add3A_273 : i32
    %dma_start3A_275 = arith.constant 0 : i32
    %dma_start3A_276 = tpu.memref_slice %arg5[%add3A_274, %dma_start3A_275] : memref<10240x128xf32, #tpu.memory_space<vmem_shared>> -> memref<16x128xf32, #tpu.memory_space<vmem_shared>>
    %dma_start3A_277 = arith.constant 0 : i32
    %dma_start3A_278 = tpu.memref_slice %arg5[%add3A_274, %dma_start3A_277] : memref<10240x128xf32, #tpu.memory_space<vmem_shared>> -> memref<16x128xf32, #tpu.memory_space<vmem_shared>>
    tpu.enqueue_dma source(%arg12 : memref<16x128xf32, #tpu.memory_space<vmem>>) target(%dma_start3A_278 : memref<16x128xf32, #tpu.memory_space<vmem_shared>>) target_semaphore(%arg14 : memref<!tpu.dma_semaphore, #tpu.memory_space<semaphore_mem>>)
    %mul3A_279 = arith.constant 640 : i32
    %mul3A_280 = arith.muli %arg1, %mul3A_279 : i32
    %add3A_281 = arith.constant 544 : i32
    %add3A_282 = arith.addi %mul3A_280, %add3A_281 : i32
    %dma_start3A_283 = arith.constant 0 : i32
    %dma_start3A_284 = tpu.memref_slice %arg5[%add3A_282, %dma_start3A_283] : memref<10240x128xf32, #tpu.memory_space<vmem_shared>> -> memref<16x128xf32, #tpu.memory_space<vmem_shared>>
    %dma_start3A_285 = arith.constant 0 : i32
    %dma_start3A_286 = tpu.memref_slice %arg5[%add3A_282, %dma_start3A_285] : memref<10240x128xf32, #tpu.memory_space<vmem_shared>> -> memref<16x128xf32, #tpu.memory_space<vmem_shared>>
    tpu.enqueue_dma source(%arg12 : memref<16x128xf32, #tpu.memory_space<vmem>>) target(%dma_start3A_286 : memref<16x128xf32, #tpu.memory_space<vmem_shared>>) target_semaphore(%arg14 : memref<!tpu.dma_semaphore, #tpu.memory_space<semaphore_mem>>)
    %mul3A_287 = arith.constant 640 : i32
    %mul3A_288 = arith.muli %arg1, %mul3A_287 : i32
    %add3A_289 = arith.constant 560 : i32
    %add3A_290 = arith.addi %mul3A_288, %add3A_289 : i32
    %dma_start3A_291 = arith.constant 0 : i32
    %dma_start3A_292 = tpu.memref_slice %arg5[%add3A_290, %dma_start3A_291] : memref<10240x128xf32, #tpu.memory_space<vmem_shared>> -> memref<16x128xf32, #tpu.memory_space<vmem_shared>>
    %dma_start3A_293 = arith.constant 0 : i32
    %dma_start3A_294 = tpu.memref_slice %arg5[%add3A_290, %dma_start3A_293] : memref<10240x128xf32, #tpu.memory_space<vmem_shared>> -> memref<16x128xf32, #tpu.memory_space<vmem_shared>>
    tpu.enqueue_dma source(%arg12 : memref<16x128xf32, #tpu.memory_space<vmem>>) target(%dma_start3A_294 : memref<16x128xf32, #tpu.memory_space<vmem_shared>>) target_semaphore(%arg14 : memref<!tpu.dma_semaphore, #tpu.memory_space<semaphore_mem>>)
    %mul3A_295 = arith.constant 640 : i32
    %mul3A_296 = arith.muli %arg1, %mul3A_295 : i32
    %add3A_297 = arith.constant 576 : i32
    %add3A_298 = arith.addi %mul3A_296, %add3A_297 : i32
    %dma_start3A_299 = arith.constant 0 : i32
    %dma_start3A_300 = tpu.memref_slice %arg5[%add3A_298, %dma_start3A_299] : memref<10240x128xf32, #tpu.memory_space<vmem_shared>> -> memref<16x128xf32, #tpu.memory_space<vmem_shared>>
    %dma_start3A_301 = arith.constant 0 : i32
    %dma_start3A_302 = tpu.memref_slice %arg5[%add3A_298, %dma_start3A_301] : memref<10240x128xf32, #tpu.memory_space<vmem_shared>> -> memref<16x128xf32, #tpu.memory_space<vmem_shared>>
    tpu.enqueue_dma source(%arg12 : memref<16x128xf32, #tpu.memory_space<vmem>>) target(%dma_start3A_302 : memref<16x128xf32, #tpu.memory_space<vmem_shared>>) target_semaphore(%arg14 : memref<!tpu.dma_semaphore, #tpu.memory_space<semaphore_mem>>)
    %mul3A_303 = arith.constant 640 : i32
    %mul3A_304 = arith.muli %arg1, %mul3A_303 : i32
    %add3A_305 = arith.constant 592 : i32
    %add3A_306 = arith.addi %mul3A_304, %add3A_305 : i32
    %dma_start3A_307 = arith.constant 0 : i32
    %dma_start3A_308 = tpu.memref_slice %arg5[%add3A_306, %dma_start3A_307] : memref<10240x128xf32, #tpu.memory_space<vmem_shared>> -> memref<16x128xf32, #tpu.memory_space<vmem_shared>>
    %dma_start3A_309 = arith.constant 0 : i32
    %dma_start3A_310 = tpu.memref_slice %arg5[%add3A_306, %dma_start3A_309] : memref<10240x128xf32, #tpu.memory_space<vmem_shared>> -> memref<16x128xf32, #tpu.memory_space<vmem_shared>>
    tpu.enqueue_dma source(%arg12 : memref<16x128xf32, #tpu.memory_space<vmem>>) target(%dma_start3A_310 : memref<16x128xf32, #tpu.memory_space<vmem_shared>>) target_semaphore(%arg14 : memref<!tpu.dma_semaphore, #tpu.memory_space<semaphore_mem>>)
    %mul3A_311 = arith.constant 640 : i32
    %mul3A_312 = arith.muli %arg1, %mul3A_311 : i32
    %add3A_313 = arith.constant 608 : i32
    %add3A_314 = arith.addi %mul3A_312, %add3A_313 : i32
    %dma_start3A_315 = arith.constant 0 : i32
    %dma_start3A_316 = tpu.memref_slice %arg5[%add3A_314, %dma_start3A_315] : memref<10240x128xf32, #tpu.memory_space<vmem_shared>> -> memref<16x128xf32, #tpu.memory_space<vmem_shared>>
    %dma_start3A_317 = arith.constant 0 : i32
    %dma_start3A_318 = tpu.memref_slice %arg5[%add3A_314, %dma_start3A_317] : memref<10240x128xf32, #tpu.memory_space<vmem_shared>> -> memref<16x128xf32, #tpu.memory_space<vmem_shared>>
    tpu.enqueue_dma source(%arg12 : memref<16x128xf32, #tpu.memory_space<vmem>>) target(%dma_start3A_318 : memref<16x128xf32, #tpu.memory_space<vmem_shared>>) target_semaphore(%arg14 : memref<!tpu.dma_semaphore, #tpu.memory_space<semaphore_mem>>)
    %mul3A_319 = arith.constant 640 : i32
    %mul3A_320 = arith.muli %arg1, %mul3A_319 : i32
    %add3A_321 = arith.constant 624 : i32
    %add3A_322 = arith.addi %mul3A_320, %add3A_321 : i32
    %dma_start3A_323 = arith.constant 0 : i32
    %dma_start3A_324 = tpu.memref_slice %arg5[%add3A_322, %dma_start3A_323] : memref<10240x128xf32, #tpu.memory_space<vmem_shared>> -> memref<16x128xf32, #tpu.memory_space<vmem_shared>>
    %dma_start3A_325 = arith.constant 0 : i32
    %dma_start3A_326 = tpu.memref_slice %arg5[%add3A_322, %dma_start3A_325] : memref<10240x128xf32, #tpu.memory_space<vmem_shared>> -> memref<16x128xf32, #tpu.memory_space<vmem_shared>>
    tpu.enqueue_dma source(%arg12 : memref<16x128xf32, #tpu.memory_space<vmem>>) target(%dma_start3A_326 : memref<16x128xf32, #tpu.memory_space<vmem_shared>>) target_semaphore(%arg14 : memref<!tpu.dma_semaphore, #tpu.memory_space<semaphore_mem>>)
    %dma_wait3A = tpu.memref_slice %arg3[%mul3A_1] : memref<320000xi32, #tpu.memory_space<hbm>> -> memref<10000xi32, #tpu.memory_space<hbm>>
    %dma_wait3A_327 = tpu.memref_slice %arg3[%mul3A_1] : memref<320000xi32, #tpu.memory_space<hbm>> -> memref<10000xi32, #tpu.memory_space<hbm>>
    tpu.wait_dma2 semaphore(%arg13 : memref<!tpu.dma_semaphore, #tpu.memory_space<semaphore_mem>>) src(%dma_wait3A_327 : memref<10000xi32, #tpu.memory_space<hbm>>) dst(%arg8 : memref<10000xi32, #tpu.memory_space<vmem>>)
    %mul3A_328 = arith.constant 8 : i32
    %mul3A_329 = arith.muli %arg0, %mul3A_328 : i32
    %scan3A_330 = arith.constant 0 : i32
    %scan3A_331 = arith.constant 0 : i32
    %scan3A_332 = arith.constant 625 : i32
    %scan3A_333 = arith.addi %scan3A_331, %scan3A_332 : i32
    %scan3A_334 = arith.constant 1 : i32
    scf.for %scan3A_671 = %scan3A_331 to %scan3A_333 step %scan3A_334  : i32 {
      %mul3A_672 = arith.constant 16 : i32
      %mul3A_673 = arith.muli %scan3A_671, %mul3A_672 : i32
      %get3A = arith.index_cast %mul3A_673 : i32 to index
      %get3A_674 = tpu.vector_load %arg8[%get3A] {strides = array<i32>} : memref<10000xi32, #tpu.memory_space<vmem>>, vector<16xi32>,
      %shift_right_arithmetic3A = arith.constant 3 : i32
      %shift_right_arithmetic3A_675 = vector.broadcast %shift_right_arithmetic3A : i32 to vector<16xi32>
      %shift_right_arithmetic3A_676 = arith.shrsi %get3A_674, %shift_right_arithmetic3A_675 : vector<16xi32>
      %shift_left3A = arith.constant 4 : i32
      %shift_left3A_677 = vector.broadcast %shift_left3A : i32 to vector<16xi32>
      %shift_left3A_678 = arith.shli %shift_right_arithmetic3A_676, %shift_left3A_677 : vector<16xi32>
      %and3A = arith.constant 7 : i32
      %and3A_679 = vector.broadcast %and3A : i32 to vector<16xi32>
      %and3A_680 = arith.andi %get3A_674, %and3A_679 : vector<16xi32>
      %add3A_681 = arith.addi %shift_left3A_678, %and3A_680 : vector<16xi32>
      %add3A_682 = vector.broadcast %mul3A_329 : i32 to vector<16xi32>
      %add3A_683 = arith.addi %add3A_681, %add3A_682 : vector<16xi32>
      %mul3A_684 = arith.constant 16 : i32
      %mul3A_685 = arith.muli %scan3A_671, %mul3A_684 : i32
      %swap3A = arith.index_cast %mul3A_685 : i32 to index
      %swap3A_686 = tpu.vector_load %arg8[%swap3A] {strides = array<i32>} : memref<10000xi32, #tpu.memory_space<vmem>>, vector<16xi32>,
      tpu.vector_store %arg8[%swap3A], %add3A_683 {strides = array<i32>} : memref<10000xi32, #tpu.memory_space<vmem>>, vector<16xi32>,
    }
    %scan3A_335 = arith.constant 625 : i32
    %mul3A_336 = arith.constant 640 : i32
    %mul3A_337 = arith.muli %arg1, %mul3A_336 : i32
    %dma_wait3A_338 = arith.constant 0 : i32
    %dma_wait3A_339 = tpu.memref_slice %arg5[%mul3A_337, %dma_wait3A_338] : memref<10240x128xf32, #tpu.memory_space<vmem_shared>> -> memref<16x128xf32, #tpu.memory_space<vmem_shared>>
    %dma_wait3A_340 = arith.constant 0 : i32
    %dma_wait3A_341 = tpu.memref_slice %arg5[%mul3A_337, %dma_wait3A_340] : memref<10240x128xf32, #tpu.memory_space<vmem_shared>> -> memref<16x128xf32, #tpu.memory_space<vmem_shared>>
    tpu.wait_dma2 semaphore(%arg14 : memref<!tpu.dma_semaphore, #tpu.memory_space<semaphore_mem>>) src(%arg12 : memref<16x128xf32, #tpu.memory_space<vmem>>) dst(%dma_wait3A_341 : memref<16x128xf32, #tpu.memory_space<vmem_shared>>)
    %mul3A_342 = arith.constant 640 : i32
    %mul3A_343 = arith.muli %arg1, %mul3A_342 : i32
    %dma_wait3A_344 = arith.constant 0 : i32
    %dma_wait3A_345 = tpu.memref_slice %arg5[%mul3A_343, %dma_wait3A_344] : memref<10240x128xf32, #tpu.memory_space<vmem_shared>> -> memref<16x128xf32, #tpu.memory_space<vmem_shared>>
    %dma_wait3A_346 = arith.constant 0 : i32
    %dma_wait3A_347 = tpu.memref_slice %arg5[%mul3A_343, %dma_wait3A_346] : memref<10240x128xf32, #tpu.memory_space<vmem_shared>> -> memref<16x128xf32, #tpu.memory_space<vmem_shared>>
    tpu.wait_dma2 semaphore(%arg14 : memref<!tpu.dma_semaphore, #tpu.memory_space<semaphore_mem>>) src(%arg12 : memref<16x128xf32, #tpu.memory_space<vmem>>) dst(%dma_wait3A_347 : memref<16x128xf32, #tpu.memory_space<vmem_shared>>)
    %mul3A_348 = arith.constant 640 : i32
    %mul3A_349 = arith.muli %arg1, %mul3A_348 : i32
    %dma_wait3A_350 = arith.constant 0 : i32
    %dma_wait3A_351 = tpu.memref_slice %arg5[%mul3A_349, %dma_wait3A_350] : memref<10240x128xf32, #tpu.memory_space<vmem_shared>> -> memref<16x128xf32, #tpu.memory_space<vmem_shared>>
    %dma_wait3A_352 = arith.constant 0 : i32
    %dma_wait3A_353 = tpu.memref_slice %arg5[%mul3A_349, %dma_wait3A_352] : memref<10240x128xf32, #tpu.memory_space<vmem_shared>> -> memref<16x128xf32, #tpu.memory_space<vmem_shared>>
    tpu.wait_dma2 semaphore(%arg14 : memref<!tpu.dma_semaphore, #tpu.memory_space<semaphore_mem>>) src(%arg12 : memref<16x128xf32, #tpu.memory_space<vmem>>) dst(%dma_wait3A_353 : memref<16x128xf32, #tpu.memory_space<vmem_shared>>)
    %mul3A_354 = arith.constant 640 : i32
    %mul3A_355 = arith.muli %arg1, %mul3A_354 : i32
    %dma_wait3A_356 = arith.constant 0 : i32
    %dma_wait3A_357 = tpu.memref_slice %arg5[%mul3A_355, %dma_wait3A_356] : memref<10240x128xf32, #tpu.memory_space<vmem_shared>> -> memref<16x128xf32, #tpu.memory_space<vmem_shared>>
    %dma_wait3A_358 = arith.constant 0 : i32
    %dma_wait3A_359 = tpu.memref_slice %arg5[%mul3A_355, %dma_wait3A_358] : memref<10240x128xf32, #tpu.memory_space<vmem_shared>> -> memref<16x128xf32, #tpu.memory_space<vmem_shared>>
    tpu.wait_dma2 semaphore(%arg14 : memref<!tpu.dma_semaphore, #tpu.memory_space<semaphore_mem>>) src(%arg12 : memref<16x128xf32, #tpu.memory_space<vmem>>) dst(%dma_wait3A_359 : memref<16x128xf32, #tpu.memory_space<vmem_shared>>)
    %mul3A_360 = arith.constant 640 : i32
    %mul3A_361 = arith.muli %arg1, %mul3A_360 : i32
    %dma_wait3A_362 = arith.constant 0 : i32
    %dma_wait3A_363 = tpu.memref_slice %arg5[%mul3A_361, %dma_wait3A_362] : memref<10240x128xf32, #tpu.memory_space<vmem_shared>> -> memref<16x128xf32, #tpu.memory_space<vmem_shared>>
    %dma_wait3A_364 = arith.constant 0 : i32
    %dma_wait3A_365 = tpu.memref_slice %arg5[%mul3A_361, %dma_wait3A_364] : memref<10240x128xf32, #tpu.memory_space<vmem_shared>> -> memref<16x128xf32, #tpu.memory_space<vmem_shared>>
    tpu.wait_dma2 semaphore(%arg14 : memref<!tpu.dma_semaphore, #tpu.memory_space<semaphore_mem>>) src(%arg12 : memref<16x128xf32, #tpu.memory_space<vmem>>) dst(%dma_wait3A_365 : memref<16x128xf32, #tpu.memory_space<vmem_shared>>)
    %mul3A_366 = arith.constant 640 : i32
    %mul3A_367 = arith.muli %arg1, %mul3A_366 : i32
    %dma_wait3A_368 = arith.constant 0 : i32
    %dma_wait3A_369 = tpu.memref_slice %arg5[%mul3A_367, %dma_wait3A_368] : memref<10240x128xf32, #tpu.memory_space<vmem_shared>> -> memref<16x128xf32, #tpu.memory_space<vmem_shared>>
    %dma_wait3A_370 = arith.constant 0 : i32
    %dma_wait3A_371 = tpu.memref_slice %arg5[%mul3A_367, %dma_wait3A_370] : memref<10240x128xf32, #tpu.memory_space<vmem_shared>> -> memref<16x128xf32, #tpu.memory_space<vmem_shared>>
    tpu.wait_dma2 semaphore(%arg14 : memref<!tpu.dma_semaphore, #tpu.memory_space<semaphore_mem>>) src(%arg12 : memref<16x128xf32, #tpu.memory_space<vmem>>) dst(%dma_wait3A_371 : memref<16x128xf32, #tpu.memory_space<vmem_shared>>)
    %mul3A_372 = arith.constant 640 : i32
    %mul3A_373 = arith.muli %arg1, %mul3A_372 : i32
    %dma_wait3A_374 = arith.constant 0 : i32
    %dma_wait3A_375 = tpu.memref_slice %arg5[%mul3A_373, %dma_wait3A_374] : memref<10240x128xf32, #tpu.memory_space<vmem_shared>> -> memref<16x128xf32, #tpu.memory_space<vmem_shared>>
    %dma_wait3A_376 = arith.constant 0 : i32
    %dma_wait3A_377 = tpu.memref_slice %arg5[%mul3A_373, %dma_wait3A_376] : memref<10240x128xf32, #tpu.memory_space<vmem_shared>> -> memref<16x128xf32, #tpu.memory_space<vmem_shared>>
    tpu.wait_dma2 semaphore(%arg14 : memref<!tpu.dma_semaphore, #tpu.memory_space<semaphore_mem>>) src(%arg12 : memref<16x128xf32, #tpu.memory_space<vmem>>) dst(%dma_wait3A_377 : memref<16x128xf32, #tpu.memory_space<vmem_shared>>)
    %mul3A_378 = arith.constant 640 : i32
    %mul3A_379 = arith.muli %arg1, %mul3A_378 : i32
    %dma_wait3A_380 = arith.constant 0 : i32
    %dma_wait3A_381 = tpu.memref_slice %arg5[%mul3A_379, %dma_wait3A_380] : memref<10240x128xf32, #tpu.memory_space<vmem_shared>> -> memref<16x128xf32, #tpu.memory_space<vmem_shared>>
    %dma_wait3A_382 = arith.constant 0 : i32
    %dma_wait3A_383 = tpu.memref_slice %arg5[%mul3A_379, %dma_wait3A_382] : memref<10240x128xf32, #tpu.memory_space<vmem_shared>> -> memref<16x128xf32, #tpu.memory_space<vmem_shared>>
    tpu.wait_dma2 semaphore(%arg14 : memref<!tpu.dma_semaphore, #tpu.memory_space<semaphore_mem>>) src(%arg12 : memref<16x128xf32, #tpu.memory_space<vmem>>) dst(%dma_wait3A_383 : memref<16x128xf32, #tpu.memory_space<vmem_shared>>)
    %mul3A_384 = arith.constant 640 : i32
    %mul3A_385 = arith.muli %arg1, %mul3A_384 : i32
    %dma_wait3A_386 = arith.constant 0 : i32
    %dma_wait3A_387 = tpu.memref_slice %arg5[%mul3A_385, %dma_wait3A_386] : memref<10240x128xf32, #tpu.memory_space<vmem_shared>> -> memref<16x128xf32, #tpu.memory_space<vmem_shared>>
    %dma_wait3A_388 = arith.constant 0 : i32
    %dma_wait3A_389 = tpu.memref_slice %arg5[%mul3A_385, %dma_wait3A_388] : memref<10240x128xf32, #tpu.memory_space<vmem_shared>> -> memref<16x128xf32, #tpu.memory_space<vmem_shared>>
    tpu.wait_dma2 semaphore(%arg14 : memref<!tpu.dma_semaphore, #tpu.memory_space<semaphore_mem>>) src(%arg12 : memref<16x128xf32, #tpu.memory_space<vmem>>) dst(%dma_wait3A_389 : memref<16x128xf32, #tpu.memory_space<vmem_shared>>)
    %mul3A_390 = arith.constant 640 : i32
    %mul3A_391 = arith.muli %arg1, %mul3A_390 : i32
    %dma_wait3A_392 = arith.constant 0 : i32
    %dma_wait3A_393 = tpu.memref_slice %arg5[%mul3A_391, %dma_wait3A_392] : memref<10240x128xf32, #tpu.memory_space<vmem_shared>> -> memref<16x128xf32, #tpu.memory_space<vmem_shared>>
    %dma_wait3A_394 = arith.constant 0 : i32
    %dma_wait3A_395 = tpu.memref_slice %arg5[%mul3A_391, %dma_wait3A_394] : memref<10240x128xf32, #tpu.memory_space<vmem_shared>> -> memref<16x128xf32, #tpu.memory_space<vmem_shared>>
    tpu.wait_dma2 semaphore(%arg14 : memref<!tpu.dma_semaphore, #tpu.memory_space<semaphore_mem>>) src(%arg12 : memref<16x128xf32, #tpu.memory_space<vmem>>) dst(%dma_wait3A_395 : memref<16x128xf32, #tpu.memory_space<vmem_shared>>)
    %mul3A_396 = arith.constant 640 : i32
    %mul3A_397 = arith.muli %arg1, %mul3A_396 : i32
    %dma_wait3A_398 = arith.constant 0 : i32
    %dma_wait3A_399 = tpu.memref_slice %arg5[%mul3A_397, %dma_wait3A_398] : memref<10240x128xf32, #tpu.memory_space<vmem_shared>> -> memref<16x128xf32, #tpu.memory_space<vmem_shared>>
    %dma_wait3A_400 = arith.constant 0 : i32
    %dma_wait3A_401 = tpu.memref_slice %arg5[%mul3A_397, %dma_wait3A_400] : memref<10240x128xf32, #tpu.memory_space<vmem_shared>> -> memref<16x128xf32, #tpu.memory_space<vmem_shared>>
    tpu.wait_dma2 semaphore(%arg14 : memref<!tpu.dma_semaphore, #tpu.memory_space<semaphore_mem>>) src(%arg12 : memref<16x128xf32, #tpu.memory_space<vmem>>) dst(%dma_wait3A_401 : memref<16x128xf32, #tpu.memory_space<vmem_shared>>)
    %mul3A_402 = arith.constant 640 : i32
    %mul3A_403 = arith.muli %arg1, %mul3A_402 : i32
    %dma_wait3A_404 = arith.constant 0 : i32
    %dma_wait3A_405 = tpu.memref_slice %arg5[%mul3A_403, %dma_wait3A_404] : memref<10240x128xf32, #tpu.memory_space<vmem_shared>> -> memref<16x128xf32, #tpu.memory_space<vmem_shared>>
    %dma_wait3A_406 = arith.constant 0 : i32
    %dma_wait3A_407 = tpu.memref_slice %arg5[%mul3A_403, %dma_wait3A_406] : memref<10240x128xf32, #tpu.memory_space<vmem_shared>> -> memref<16x128xf32, #tpu.memory_space<vmem_shared>>
    tpu.wait_dma2 semaphore(%arg14 : memref<!tpu.dma_semaphore, #tpu.memory_space<semaphore_mem>>) src(%arg12 : memref<16x128xf32, #tpu.memory_space<vmem>>) dst(%dma_wait3A_407 : memref<16x128xf32, #tpu.memory_space<vmem_shared>>)
    %mul3A_408 = arith.constant 640 : i32
    %mul3A_409 = arith.muli %arg1, %mul3A_408 : i32
    %dma_wait3A_410 = arith.constant 0 : i32
    %dma_wait3A_411 = tpu.memref_slice %arg5[%mul3A_409, %dma_wait3A_410] : memref<10240x128xf32, #tpu.memory_space<vmem_shared>> -> memref<16x128xf32, #tpu.memory_space<vmem_shared>>
    %dma_wait3A_412 = arith.constant 0 : i32
    %dma_wait3A_413 = tpu.memref_slice %arg5[%mul3A_409, %dma_wait3A_412] : memref<10240x128xf32, #tpu.memory_space<vmem_shared>> -> memref<16x128xf32, #tpu.memory_space<vmem_shared>>
    tpu.wait_dma2 semaphore(%arg14 : memref<!tpu.dma_semaphore, #tpu.memory_space<semaphore_mem>>) src(%arg12 : memref<16x128xf32, #tpu.memory_space<vmem>>) dst(%dma_wait3A_413 : memref<16x128xf32, #tpu.memory_space<vmem_shared>>)
    %mul3A_414 = arith.constant 640 : i32
    %mul3A_415 = arith.muli %arg1, %mul3A_414 : i32
    %dma_wait3A_416 = arith.constant 0 : i32
    %dma_wait3A_417 = tpu.memref_slice %arg5[%mul3A_415, %dma_wait3A_416] : memref<10240x128xf32, #tpu.memory_space<vmem_shared>> -> memref<16x128xf32, #tpu.memory_space<vmem_shared>>
    %dma_wait3A_418 = arith.constant 0 : i32
    %dma_wait3A_419 = tpu.memref_slice %arg5[%mul3A_415, %dma_wait3A_418] : memref<10240x128xf32, #tpu.memory_space<vmem_shared>> -> memref<16x128xf32, #tpu.memory_space<vmem_shared>>
    tpu.wait_dma2 semaphore(%arg14 : memref<!tpu.dma_semaphore, #tpu.memory_space<semaphore_mem>>) src(%arg12 : memref<16x128xf32, #tpu.memory_space<vmem>>) dst(%dma_wait3A_419 : memref<16x128xf32, #tpu.memory_space<vmem_shared>>)
    %mul3A_420 = arith.constant 640 : i32
    %mul3A_421 = arith.muli %arg1, %mul3A_420 : i32
    %dma_wait3A_422 = arith.constant 0 : i32
    %dma_wait3A_423 = tpu.memref_slice %arg5[%mul3A_421, %dma_wait3A_422] : memref<10240x128xf32, #tpu.memory_space<vmem_shared>> -> memref<16x128xf32, #tpu.memory_space<vmem_shared>>
    %dma_wait3A_424 = arith.constant 0 : i32
    %dma_wait3A_425 = tpu.memref_slice %arg5[%mul3A_421, %dma_wait3A_424] : memref<10240x128xf32, #tpu.memory_space<vmem_shared>> -> memref<16x128xf32, #tpu.memory_space<vmem_shared>>
    tpu.wait_dma2 semaphore(%arg14 : memref<!tpu.dma_semaphore, #tpu.memory_space<semaphore_mem>>) src(%arg12 : memref<16x128xf32, #tpu.memory_space<vmem>>) dst(%dma_wait3A_425 : memref<16x128xf32, #tpu.memory_space<vmem_shared>>)
    %mul3A_426 = arith.constant 640 : i32
    %mul3A_427 = arith.muli %arg1, %mul3A_426 : i32
    %dma_wait3A_428 = arith.constant 0 : i32
    %dma_wait3A_429 = tpu.memref_slice %arg5[%mul3A_427, %dma_wait3A_428] : memref<10240x128xf32, #tpu.memory_space<vmem_shared>> -> memref<16x128xf32, #tpu.memory_space<vmem_shared>>
    %dma_wait3A_430 = arith.constant 0 : i32
    %dma_wait3A_431 = tpu.memref_slice %arg5[%mul3A_427, %dma_wait3A_430] : memref<10240x128xf32, #tpu.memory_space<vmem_shared>> -> memref<16x128xf32, #tpu.memory_space<vmem_shared>>
    tpu.wait_dma2 semaphore(%arg14 : memref<!tpu.dma_semaphore, #tpu.memory_space<semaphore_mem>>) src(%arg12 : memref<16x128xf32, #tpu.memory_space<vmem>>) dst(%dma_wait3A_431 : memref<16x128xf32, #tpu.memory_space<vmem_shared>>)
    %mul3A_432 = arith.constant 640 : i32
    %mul3A_433 = arith.muli %arg1, %mul3A_432 : i32
    %dma_wait3A_434 = arith.constant 0 : i32
    %dma_wait3A_435 = tpu.memref_slice %arg5[%mul3A_433, %dma_wait3A_434] : memref<10240x128xf32, #tpu.memory_space<vmem_shared>> -> memref<16x128xf32, #tpu.memory_space<vmem_shared>>
    %dma_wait3A_436 = arith.constant 0 : i32
    %dma_wait3A_437 = tpu.memref_slice %arg5[%mul3A_433, %dma_wait3A_436] : memref<10240x128xf32, #tpu.memory_space<vmem_shared>> -> memref<16x128xf32, #tpu.memory_space<vmem_shared>>
    tpu.wait_dma2 semaphore(%arg14 : memref<!tpu.dma_semaphore, #tpu.memory_space<semaphore_mem>>) src(%arg12 : memref<16x128xf32, #tpu.memory_space<vmem>>) dst(%dma_wait3A_437 : memref<16x128xf32, #tpu.memory_space<vmem_shared>>)
    %mul3A_438 = arith.constant 640 : i32
    %mul3A_439 = arith.muli %arg1, %mul3A_438 : i32
    %dma_wait3A_440 = arith.constant 0 : i32
    %dma_wait3A_441 = tpu.memref_slice %arg5[%mul3A_439, %dma_wait3A_440] : memref<10240x128xf32, #tpu.memory_space<vmem_shared>> -> memref<16x128xf32, #tpu.memory_space<vmem_shared>>
    %dma_wait3A_442 = arith.constant 0 : i32
    %dma_wait3A_443 = tpu.memref_slice %arg5[%mul3A_439, %dma_wait3A_442] : memref<10240x128xf32, #tpu.memory_space<vmem_shared>> -> memref<16x128xf32, #tpu.memory_space<vmem_shared>>
    tpu.wait_dma2 semaphore(%arg14 : memref<!tpu.dma_semaphore, #tpu.memory_space<semaphore_mem>>) src(%arg12 : memref<16x128xf32, #tpu.memory_space<vmem>>) dst(%dma_wait3A_443 : memref<16x128xf32, #tpu.memory_space<vmem_shared>>)
    %mul3A_444 = arith.constant 640 : i32
    %mul3A_445 = arith.muli %arg1, %mul3A_444 : i32
    %dma_wait3A_446 = arith.constant 0 : i32
    %dma_wait3A_447 = tpu.memref_slice %arg5[%mul3A_445, %dma_wait3A_446] : memref<10240x128xf32, #tpu.memory_space<vmem_shared>> -> memref<16x128xf32, #tpu.memory_space<vmem_shared>>
    %dma_wait3A_448 = arith.constant 0 : i32
    %dma_wait3A_449 = tpu.memref_slice %arg5[%mul3A_445, %dma_wait3A_448] : memref<10240x128xf32, #tpu.memory_space<vmem_shared>> -> memref<16x128xf32, #tpu.memory_space<vmem_shared>>
    tpu.wait_dma2 semaphore(%arg14 : memref<!tpu.dma_semaphore, #tpu.memory_space<semaphore_mem>>) src(%arg12 : memref<16x128xf32, #tpu.memory_space<vmem>>) dst(%dma_wait3A_449 : memref<16x128xf32, #tpu.memory_space<vmem_shared>>)
    %mul3A_450 = arith.constant 640 : i32
    %mul3A_451 = arith.muli %arg1, %mul3A_450 : i32
    %dma_wait3A_452 = arith.constant 0 : i32
    %dma_wait3A_453 = tpu.memref_slice %arg5[%mul3A_451, %dma_wait3A_452] : memref<10240x128xf32, #tpu.memory_space<vmem_shared>> -> memref<16x128xf32, #tpu.memory_space<vmem_shared>>
    %dma_wait3A_454 = arith.constant 0 : i32
    %dma_wait3A_455 = tpu.memref_slice %arg5[%mul3A_451, %dma_wait3A_454] : memref<10240x128xf32, #tpu.memory_space<vmem_shared>> -> memref<16x128xf32, #tpu.memory_space<vmem_shared>>
    tpu.wait_dma2 semaphore(%arg14 : memref<!tpu.dma_semaphore, #tpu.memory_space<semaphore_mem>>) src(%arg12 : memref<16x128xf32, #tpu.memory_space<vmem>>) dst(%dma_wait3A_455 : memref<16x128xf32, #tpu.memory_space<vmem_shared>>)
    %mul3A_456 = arith.constant 640 : i32
    %mul3A_457 = arith.muli %arg1, %mul3A_456 : i32
    %dma_wait3A_458 = arith.constant 0 : i32
    %dma_wait3A_459 = tpu.memref_slice %arg5[%mul3A_457, %dma_wait3A_458] : memref<10240x128xf32, #tpu.memory_space<vmem_shared>> -> memref<16x128xf32, #tpu.memory_space<vmem_shared>>
    %dma_wait3A_460 = arith.constant 0 : i32
    %dma_wait3A_461 = tpu.memref_slice %arg5[%mul3A_457, %dma_wait3A_460] : memref<10240x128xf32, #tpu.memory_space<vmem_shared>> -> memref<16x128xf32, #tpu.memory_space<vmem_shared>>
    tpu.wait_dma2 semaphore(%arg14 : memref<!tpu.dma_semaphore, #tpu.memory_space<semaphore_mem>>) src(%arg12 : memref<16x128xf32, #tpu.memory_space<vmem>>) dst(%dma_wait3A_461 : memref<16x128xf32, #tpu.memory_space<vmem_shared>>)
    %mul3A_462 = arith.constant 640 : i32
    %mul3A_463 = arith.muli %arg1, %mul3A_462 : i32
    %dma_wait3A_464 = arith.constant 0 : i32
    %dma_wait3A_465 = tpu.memref_slice %arg5[%mul3A_463, %dma_wait3A_464] : memref<10240x128xf32, #tpu.memory_space<vmem_shared>> -> memref<16x128xf32, #tpu.memory_space<vmem_shared>>
    %dma_wait3A_466 = arith.constant 0 : i32
    %dma_wait3A_467 = tpu.memref_slice %arg5[%mul3A_463, %dma_wait3A_466] : memref<10240x128xf32, #tpu.memory_space<vmem_shared>> -> memref<16x128xf32, #tpu.memory_space<vmem_shared>>
    tpu.wait_dma2 semaphore(%arg14 : memref<!tpu.dma_semaphore, #tpu.memory_space<semaphore_mem>>) src(%arg12 : memref<16x128xf32, #tpu.memory_space<vmem>>) dst(%dma_wait3A_467 : memref<16x128xf32, #tpu.memory_space<vmem_shared>>)
    %mul3A_468 = arith.constant 640 : i32
    %mul3A_469 = arith.muli %arg1, %mul3A_468 : i32
    %dma_wait3A_470 = arith.constant 0 : i32
    %dma_wait3A_471 = tpu.memref_slice %arg5[%mul3A_469, %dma_wait3A_470] : memref<10240x128xf32, #tpu.memory_space<vmem_shared>> -> memref<16x128xf32, #tpu.memory_space<vmem_shared>>
    %dma_wait3A_472 = arith.constant 0 : i32
    %dma_wait3A_473 = tpu.memref_slice %arg5[%mul3A_469, %dma_wait3A_472] : memref<10240x128xf32, #tpu.memory_space<vmem_shared>> -> memref<16x128xf32, #tpu.memory_space<vmem_shared>>
    tpu.wait_dma2 semaphore(%arg14 : memref<!tpu.dma_semaphore, #tpu.memory_space<semaphore_mem>>) src(%arg12 : memref<16x128xf32, #tpu.memory_space<vmem>>) dst(%dma_wait3A_473 : memref<16x128xf32, #tpu.memory_space<vmem_shared>>)
    %mul3A_474 = arith.constant 640 : i32
    %mul3A_475 = arith.muli %arg1, %mul3A_474 : i32
    %dma_wait3A_476 = arith.constant 0 : i32
    %dma_wait3A_477 = tpu.memref_slice %arg5[%mul3A_475, %dma_wait3A_476] : memref<10240x128xf32, #tpu.memory_space<vmem_shared>> -> memref<16x128xf32, #tpu.memory_space<vmem_shared>>
    %dma_wait3A_478 = arith.constant 0 : i32
    %dma_wait3A_479 = tpu.memref_slice %arg5[%mul3A_475, %dma_wait3A_478] : memref<10240x128xf32, #tpu.memory_space<vmem_shared>> -> memref<16x128xf32, #tpu.memory_space<vmem_shared>>
    tpu.wait_dma2 semaphore(%arg14 : memref<!tpu.dma_semaphore, #tpu.memory_space<semaphore_mem>>) src(%arg12 : memref<16x128xf32, #tpu.memory_space<vmem>>) dst(%dma_wait3A_479 : memref<16x128xf32, #tpu.memory_space<vmem_shared>>)
    %mul3A_480 = arith.constant 640 : i32
    %mul3A_481 = arith.muli %arg1, %mul3A_480 : i32
    %dma_wait3A_482 = arith.constant 0 : i32
    %dma_wait3A_483 = tpu.memref_slice %arg5[%mul3A_481, %dma_wait3A_482] : memref<10240x128xf32, #tpu.memory_space<vmem_shared>> -> memref<16x128xf32, #tpu.memory_space<vmem_shared>>
    %dma_wait3A_484 = arith.constant 0 : i32
    %dma_wait3A_485 = tpu.memref_slice %arg5[%mul3A_481, %dma_wait3A_484] : memref<10240x128xf32, #tpu.memory_space<vmem_shared>> -> memref<16x128xf32, #tpu.memory_space<vmem_shared>>
    tpu.wait_dma2 semaphore(%arg14 : memref<!tpu.dma_semaphore, #tpu.memory_space<semaphore_mem>>) src(%arg12 : memref<16x128xf32, #tpu.memory_space<vmem>>) dst(%dma_wait3A_485 : memref<16x128xf32, #tpu.memory_space<vmem_shared>>)
    %mul3A_486 = arith.constant 640 : i32
    %mul3A_487 = arith.muli %arg1, %mul3A_486 : i32
    %dma_wait3A_488 = arith.constant 0 : i32
    %dma_wait3A_489 = tpu.memref_slice %arg5[%mul3A_487, %dma_wait3A_488] : memref<10240x128xf32, #tpu.memory_space<vmem_shared>> -> memref<16x128xf32, #tpu.memory_space<vmem_shared>>
    %dma_wait3A_490 = arith.constant 0 : i32
    %dma_wait3A_491 = tpu.memref_slice %arg5[%mul3A_487, %dma_wait3A_490] : memref<10240x128xf32, #tpu.memory_space<vmem_shared>> -> memref<16x128xf32, #tpu.memory_space<vmem_shared>>
    tpu.wait_dma2 semaphore(%arg14 : memref<!tpu.dma_semaphore, #tpu.memory_space<semaphore_mem>>) src(%arg12 : memref<16x128xf32, #tpu.memory_space<vmem>>) dst(%dma_wait3A_491 : memref<16x128xf32, #tpu.memory_space<vmem_shared>>)
    %mul3A_492 = arith.constant 640 : i32
    %mul3A_493 = arith.muli %arg1, %mul3A_492 : i32
    %dma_wait3A_494 = arith.constant 0 : i32
    %dma_wait3A_495 = tpu.memref_slice %arg5[%mul3A_493, %dma_wait3A_494] : memref<10240x128xf32, #tpu.memory_space<vmem_shared>> -> memref<16x128xf32, #tpu.memory_space<vmem_shared>>
    %dma_wait3A_496 = arith.constant 0 : i32
    %dma_wait3A_497 = tpu.memref_slice %arg5[%mul3A_493, %dma_wait3A_496] : memref<10240x128xf32, #tpu.memory_space<vmem_shared>> -> memref<16x128xf32, #tpu.memory_space<vmem_shared>>
    tpu.wait_dma2 semaphore(%arg14 : memref<!tpu.dma_semaphore, #tpu.memory_space<semaphore_mem>>) src(%arg12 : memref<16x128xf32, #tpu.memory_space<vmem>>) dst(%dma_wait3A_497 : memref<16x128xf32, #tpu.memory_space<vmem_shared>>)
    %mul3A_498 = arith.constant 640 : i32
    %mul3A_499 = arith.muli %arg1, %mul3A_498 : i32
    %dma_wait3A_500 = arith.constant 0 : i32
    %dma_wait3A_501 = tpu.memref_slice %arg5[%mul3A_499, %dma_wait3A_500] : memref<10240x128xf32, #tpu.memory_space<vmem_shared>> -> memref<16x128xf32, #tpu.memory_space<vmem_shared>>
    %dma_wait3A_502 = arith.constant 0 : i32
    %dma_wait3A_503 = tpu.memref_slice %arg5[%mul3A_499, %dma_wait3A_502] : memref<10240x128xf32, #tpu.memory_space<vmem_shared>> -> memref<16x128xf32, #tpu.memory_space<vmem_shared>>
    tpu.wait_dma2 semaphore(%arg14 : memref<!tpu.dma_semaphore, #tpu.memory_space<semaphore_mem>>) src(%arg12 : memref<16x128xf32, #tpu.memory_space<vmem>>) dst(%dma_wait3A_503 : memref<16x128xf32, #tpu.memory_space<vmem_shared>>)
    %mul3A_504 = arith.constant 640 : i32
    %mul3A_505 = arith.muli %arg1, %mul3A_504 : i32
    %dma_wait3A_506 = arith.constant 0 : i32
    %dma_wait3A_507 = tpu.memref_slice %arg5[%mul3A_505, %dma_wait3A_506] : memref<10240x128xf32, #tpu.memory_space<vmem_shared>> -> memref<16x128xf32, #tpu.memory_space<vmem_shared>>
    %dma_wait3A_508 = arith.constant 0 : i32
    %dma_wait3A_509 = tpu.memref_slice %arg5[%mul3A_505, %dma_wait3A_508] : memref<10240x128xf32, #tpu.memory_space<vmem_shared>> -> memref<16x128xf32, #tpu.memory_space<vmem_shared>>
    tpu.wait_dma2 semaphore(%arg14 : memref<!tpu.dma_semaphore, #tpu.memory_space<semaphore_mem>>) src(%arg12 : memref<16x128xf32, #tpu.memory_space<vmem>>) dst(%dma_wait3A_509 : memref<16x128xf32, #tpu.memory_space<vmem_shared>>)
    %mul3A_510 = arith.constant 640 : i32
    %mul3A_511 = arith.muli %arg1, %mul3A_510 : i32
    %dma_wait3A_512 = arith.constant 0 : i32
    %dma_wait3A_513 = tpu.memref_slice %arg5[%mul3A_511, %dma_wait3A_512] : memref<10240x128xf32, #tpu.memory_space<vmem_shared>> -> memref<16x128xf32, #tpu.memory_space<vmem_shared>>
    %dma_wait3A_514 = arith.constant 0 : i32
    %dma_wait3A_515 = tpu.memref_slice %arg5[%mul3A_511, %dma_wait3A_514] : memref<10240x128xf32, #tpu.memory_space<vmem_shared>> -> memref<16x128xf32, #tpu.memory_space<vmem_shared>>
    tpu.wait_dma2 semaphore(%arg14 : memref<!tpu.dma_semaphore, #tpu.memory_space<semaphore_mem>>) src(%arg12 : memref<16x128xf32, #tpu.memory_space<vmem>>) dst(%dma_wait3A_515 : memref<16x128xf32, #tpu.memory_space<vmem_shared>>)
    %mul3A_516 = arith.constant 640 : i32
    %mul3A_517 = arith.muli %arg1, %mul3A_516 : i32
    %dma_wait3A_518 = arith.constant 0 : i32
    %dma_wait3A_519 = tpu.memref_slice %arg5[%mul3A_517, %dma_wait3A_518] : memref<10240x128xf32, #tpu.memory_space<vmem_shared>> -> memref<16x128xf32, #tpu.memory_space<vmem_shared>>
    %dma_wait3A_520 = arith.constant 0 : i32
    %dma_wait3A_521 = tpu.memref_slice %arg5[%mul3A_517, %dma_wait3A_520] : memref<10240x128xf32, #tpu.memory_space<vmem_shared>> -> memref<16x128xf32, #tpu.memory_space<vmem_shared>>
    tpu.wait_dma2 semaphore(%arg14 : memref<!tpu.dma_semaphore, #tpu.memory_space<semaphore_mem>>) src(%arg12 : memref<16x128xf32, #tpu.memory_space<vmem>>) dst(%dma_wait3A_521 : memref<16x128xf32, #tpu.memory_space<vmem_shared>>)
    %mul3A_522 = arith.constant 640 : i32
    %mul3A_523 = arith.muli %arg1, %mul3A_522 : i32
    %dma_wait3A_524 = arith.constant 0 : i32
    %dma_wait3A_525 = tpu.memref_slice %arg5[%mul3A_523, %dma_wait3A_524] : memref<10240x128xf32, #tpu.memory_space<vmem_shared>> -> memref<16x128xf32, #tpu.memory_space<vmem_shared>>
    %dma_wait3A_526 = arith.constant 0 : i32
    %dma_wait3A_527 = tpu.memref_slice %arg5[%mul3A_523, %dma_wait3A_526] : memref<10240x128xf32, #tpu.memory_space<vmem_shared>> -> memref<16x128xf32, #tpu.memory_space<vmem_shared>>
    tpu.wait_dma2 semaphore(%arg14 : memref<!tpu.dma_semaphore, #tpu.memory_space<semaphore_mem>>) src(%arg12 : memref<16x128xf32, #tpu.memory_space<vmem>>) dst(%dma_wait3A_527 : memref<16x128xf32, #tpu.memory_space<vmem_shared>>)
    %mul3A_528 = arith.constant 640 : i32
    %mul3A_529 = arith.muli %arg1, %mul3A_528 : i32
    %dma_wait3A_530 = arith.constant 0 : i32
    %dma_wait3A_531 = tpu.memref_slice %arg5[%mul3A_529, %dma_wait3A_530] : memref<10240x128xf32, #tpu.memory_space<vmem_shared>> -> memref<16x128xf32, #tpu.memory_space<vmem_shared>>
    %dma_wait3A_532 = arith.constant 0 : i32
    %dma_wait3A_533 = tpu.memref_slice %arg5[%mul3A_529, %dma_wait3A_532] : memref<10240x128xf32, #tpu.memory_space<vmem_shared>> -> memref<16x128xf32, #tpu.memory_space<vmem_shared>>
    tpu.wait_dma2 semaphore(%arg14 : memref<!tpu.dma_semaphore, #tpu.memory_space<semaphore_mem>>) src(%arg12 : memref<16x128xf32, #tpu.memory_space<vmem>>) dst(%dma_wait3A_533 : memref<16x128xf32, #tpu.memory_space<vmem_shared>>)
    %mul3A_534 = arith.constant 640 : i32
    %mul3A_535 = arith.muli %arg1, %mul3A_534 : i32
    %dma_wait3A_536 = arith.constant 0 : i32
    %dma_wait3A_537 = tpu.memref_slice %arg5[%mul3A_535, %dma_wait3A_536] : memref<10240x128xf32, #tpu.memory_space<vmem_shared>> -> memref<16x128xf32, #tpu.memory_space<vmem_shared>>
    %dma_wait3A_538 = arith.constant 0 : i32
    %dma_wait3A_539 = tpu.memref_slice %arg5[%mul3A_535, %dma_wait3A_538] : memref<10240x128xf32, #tpu.memory_space<vmem_shared>> -> memref<16x128xf32, #tpu.memory_space<vmem_shared>>
    tpu.wait_dma2 semaphore(%arg14 : memref<!tpu.dma_semaphore, #tpu.memory_space<semaphore_mem>>) src(%arg12 : memref<16x128xf32, #tpu.memory_space<vmem>>) dst(%dma_wait3A_539 : memref<16x128xf32, #tpu.memory_space<vmem_shared>>)
    %mul3A_540 = arith.constant 640 : i32
    %mul3A_541 = arith.muli %arg1, %mul3A_540 : i32
    %dma_wait3A_542 = arith.constant 0 : i32
    %dma_wait3A_543 = tpu.memref_slice %arg5[%mul3A_541, %dma_wait3A_542] : memref<10240x128xf32, #tpu.memory_space<vmem_shared>> -> memref<16x128xf32, #tpu.memory_space<vmem_shared>>
    %dma_wait3A_544 = arith.constant 0 : i32
    %dma_wait3A_545 = tpu.memref_slice %arg5[%mul3A_541, %dma_wait3A_544] : memref<10240x128xf32, #tpu.memory_space<vmem_shared>> -> memref<16x128xf32, #tpu.memory_space<vmem_shared>>
    tpu.wait_dma2 semaphore(%arg14 : memref<!tpu.dma_semaphore, #tpu.memory_space<semaphore_mem>>) src(%arg12 : memref<16x128xf32, #tpu.memory_space<vmem>>) dst(%dma_wait3A_545 : memref<16x128xf32, #tpu.memory_space<vmem_shared>>)
    %mul3A_546 = arith.constant 640 : i32
    %mul3A_547 = arith.muli %arg1, %mul3A_546 : i32
    %dma_wait3A_548 = arith.constant 0 : i32
    %dma_wait3A_549 = tpu.memref_slice %arg5[%mul3A_547, %dma_wait3A_548] : memref<10240x128xf32, #tpu.memory_space<vmem_shared>> -> memref<16x128xf32, #tpu.memory_space<vmem_shared>>
    %dma_wait3A_550 = arith.constant 0 : i32
    %dma_wait3A_551 = tpu.memref_slice %arg5[%mul3A_547, %dma_wait3A_550] : memref<10240x128xf32, #tpu.memory_space<vmem_shared>> -> memref<16x128xf32, #tpu.memory_space<vmem_shared>>
    tpu.wait_dma2 semaphore(%arg14 : memref<!tpu.dma_semaphore, #tpu.memory_space<semaphore_mem>>) src(%arg12 : memref<16x128xf32, #tpu.memory_space<vmem>>) dst(%dma_wait3A_551 : memref<16x128xf32, #tpu.memory_space<vmem_shared>>)
    %mul3A_552 = arith.constant 640 : i32
    %mul3A_553 = arith.muli %arg1, %mul3A_552 : i32
    %dma_wait3A_554 = arith.constant 0 : i32
    %dma_wait3A_555 = tpu.memref_slice %arg5[%mul3A_553, %dma_wait3A_554] : memref<10240x128xf32, #tpu.memory_space<vmem_shared>> -> memref<16x128xf32, #tpu.memory_space<vmem_shared>>
    %dma_wait3A_556 = arith.constant 0 : i32
    %dma_wait3A_557 = tpu.memref_slice %arg5[%mul3A_553, %dma_wait3A_556] : memref<10240x128xf32, #tpu.memory_space<vmem_shared>> -> memref<16x128xf32, #tpu.memory_space<vmem_shared>>
    tpu.wait_dma2 semaphore(%arg14 : memref<!tpu.dma_semaphore, #tpu.memory_space<semaphore_mem>>) src(%arg12 : memref<16x128xf32, #tpu.memory_space<vmem>>) dst(%dma_wait3A_557 : memref<16x128xf32, #tpu.memory_space<vmem_shared>>)
    %mul3A_558 = arith.constant 640 : i32
    %mul3A_559 = arith.muli %arg1, %mul3A_558 : i32
    %dma_wait3A_560 = arith.constant 0 : i32
    %dma_wait3A_561 = tpu.memref_slice %arg5[%mul3A_559, %dma_wait3A_560] : memref<10240x128xf32, #tpu.memory_space<vmem_shared>> -> memref<16x128xf32, #tpu.memory_space<vmem_shared>>
    %dma_wait3A_562 = arith.constant 0 : i32
    %dma_wait3A_563 = tpu.memref_slice %arg5[%mul3A_559, %dma_wait3A_562] : memref<10240x128xf32, #tpu.memory_space<vmem_shared>> -> memref<16x128xf32, #tpu.memory_space<vmem_shared>>
    tpu.wait_dma2 semaphore(%arg14 : memref<!tpu.dma_semaphore, #tpu.memory_space<semaphore_mem>>) src(%arg12 : memref<16x128xf32, #tpu.memory_space<vmem>>) dst(%dma_wait3A_563 : memref<16x128xf32, #tpu.memory_space<vmem_shared>>)
    %mul3A_564 = arith.constant 640 : i32
    %mul3A_565 = arith.muli %arg1, %mul3A_564 : i32
    %dma_wait3A_566 = arith.constant 0 : i32
    %dma_wait3A_567 = tpu.memref_slice %arg5[%mul3A_565, %dma_wait3A_566] : memref<10240x128xf32, #tpu.memory_space<vmem_shared>> -> memref<16x128xf32, #tpu.memory_space<vmem_shared>>
    %dma_wait3A_568 = arith.constant 0 : i32
    %dma_wait3A_569 = tpu.memref_slice %arg5[%mul3A_565, %dma_wait3A_568] : memref<10240x128xf32, #tpu.memory_space<vmem_shared>> -> memref<16x128xf32, #tpu.memory_space<vmem_shared>>
    tpu.wait_dma2 semaphore(%arg14 : memref<!tpu.dma_semaphore, #tpu.memory_space<semaphore_mem>>) src(%arg12 : memref<16x128xf32, #tpu.memory_space<vmem>>) dst(%dma_wait3A_569 : memref<16x128xf32, #tpu.memory_space<vmem_shared>>)
    %mul3A_570 = arith.constant 640 : i32
    %mul3A_571 = arith.muli %arg1, %mul3A_570 : i32
    %dma_wait3A_572 = arith.constant 0 : i32
    %dma_wait3A_573 = tpu.memref_slice %arg5[%mul3A_571, %dma_wait3A_572] : memref<10240x128xf32, #tpu.memory_space<vmem_shared>> -> memref<16x128xf32, #tpu.memory_space<vmem_shared>>
    %dma_wait3A_574 = arith.constant 0 : i32
    %dma_wait3A_575 = tpu.memref_slice %arg5[%mul3A_571, %dma_wait3A_574] : memref<10240x128xf32, #tpu.memory_space<vmem_shared>> -> memref<16x128xf32, #tpu.memory_space<vmem_shared>>
    tpu.wait_dma2 semaphore(%arg14 : memref<!tpu.dma_semaphore, #tpu.memory_space<semaphore_mem>>) src(%arg12 : memref<16x128xf32, #tpu.memory_space<vmem>>) dst(%dma_wait3A_575 : memref<16x128xf32, #tpu.memory_space<vmem_shared>>)
    %barrier3A = arith.constant 0 : index
    tpu.barrier barrier_id(%barrier3A)
    %add3A_576 = arith.constant 9984 : i32
    %add3A_577 = arith.addi %mul3A_1, %add3A_576 : i32
    %add3A_578 = arith.constant 160000 : i32
    %add3A_579 = arith.addi %add3A_578, %add3A_577 : i32
    "tpu.region"() ({
      %run_scoped3A = tpu.sem_alloc : memref<!tpu.dma_semaphore, #tpu.memory_space<semaphore_mem>>
      %dma_start3A_671 = tpu.memref_slice %arg3[%add3A_579] : memref<320000xi32, #tpu.memory_space<hbm>> -> memref<16xi32, #tpu.memory_space<hbm>>
      %dma_start3A_672 = tpu.memref_slice %arg3[%add3A_579] : memref<320000xi32, #tpu.memory_space<hbm>> -> memref<16xi32, #tpu.memory_space<hbm>>
      tpu.enqueue_dma source(%dma_start3A_672 : memref<16xi32, #tpu.memory_space<hbm>>) target(%arg11 : memref<16xi32, #tpu.memory_space<vmem>>) target_semaphore(%run_scoped3A : memref<!tpu.dma_semaphore, #tpu.memory_space<semaphore_mem>>)
      %dma_wait3A_673 = tpu.memref_slice %arg3[%add3A_579] : memref<320000xi32, #tpu.memory_space<hbm>> -> memref<16xi32, #tpu.memory_space<hbm>>
      %dma_wait3A_674 = tpu.memref_slice %arg3[%add3A_579] : memref<320000xi32, #tpu.memory_space<hbm>> -> memref<16xi32, #tpu.memory_space<hbm>>
      tpu.wait_dma2 semaphore(%run_scoped3A : memref<!tpu.dma_semaphore, #tpu.memory_space<semaphore_mem>>) src(%dma_wait3A_674 : memref<16xi32, #tpu.memory_space<hbm>>) dst(%arg11 : memref<16xi32, #tpu.memory_space<vmem>>)
      tpu.yield
    }) : () -> ()
    %dma_start3A_580 = arith.constant 0 : i32
    %dma_start3A_581 = arith.constant 0 : i32
    %dma_start3A_582 = tpu.memref_slice %arg6[%dma_start3A_580, %dma_start3A_581] : memref<128x128xf32, #tpu.memory_space<vmem>> -> memref<16x128xf32, #tpu.memory_space<vmem>>
    %dma_start3A_583 = arith.constant 9984 : i32
    %dma_start3A_584 = tpu.memref_slice %arg8[%dma_start3A_583] : memref<10000xi32, #tpu.memory_space<vmem>> -> memref<16xi32, #tpu.memory_space<vmem>>
    %dma_start3A_585 = arith.constant 0 : i32
    %dma_start3A_586 = arith.constant 0 : i32
    %dma_start3A_587 = tpu.memref_slice %arg2[%dma_start3A_585, %dma_start3A_586] : memref<20480x128xf32, #tpu.memory_space<hbm>> -> memref<20480x128xf32, #tpu.memory_space<hbm>>
    tpu.enqueue_indirect_dma source(%dma_start3A_587 : memref<20480x128xf32, #tpu.memory_space<hbm>>) target(%dma_start3A_582 : memref<16x128xf32, #tpu.memory_space<vmem>>) offsets(%dma_start3A_584 : memref<16xi32, #tpu.memory_space<vmem>>) semaphore(%arg15 : memref<!tpu.dma_semaphore, #tpu.memory_space<semaphore_mem>>)
    %dma_wait3A_588 = arith.constant 0 : i32
    %dma_wait3A_589 = arith.constant 0 : i32
    %dma_wait3A_590 = tpu.memref_slice %arg6[%dma_wait3A_588, %dma_wait3A_589] : memref<128x128xf32, #tpu.memory_space<vmem>> -> memref<16x128xf32, #tpu.memory_space<vmem>>
    %dma_wait3A_591 = arith.constant 9984 : i32
    %dma_wait3A_592 = tpu.memref_slice %arg8[%dma_wait3A_591] : memref<10000xi32, #tpu.memory_space<vmem>> -> memref<16xi32, #tpu.memory_space<vmem>>
    %dma_wait3A_593 = arith.constant 0 : i32
    %dma_wait3A_594 = arith.constant 0 : i32
    %dma_wait3A_595 = tpu.memref_slice %arg2[%dma_wait3A_593, %dma_wait3A_594] : memref<20480x128xf32, #tpu.memory_space<hbm>> -> memref<20480x128xf32, #tpu.memory_space<hbm>>
    tpu.wait_indirect_dma semaphore(%arg15 : memref<!tpu.dma_semaphore, #tpu.memory_space<semaphore_mem>>) src(%dma_wait3A_595 : memref<20480x128xf32, #tpu.memory_space<hbm>>) dst(%dma_wait3A_590 : memref<16x128xf32, #tpu.memory_space<vmem>>)
    %dma_start3A_596 = arith.constant 0 : i32
    %dma_start3A_597 = arith.constant 0 : i32
    %dma_start3A_598 = tpu.memref_slice %arg6[%dma_start3A_596, %dma_start3A_597] : memref<128x128xf32, #tpu.memory_space<vmem>> -> memref<16x128xf32, #tpu.memory_space<vmem>>
    %dma_start3A_599 = arith.constant 0 : i32
    %dma_start3A_600 = arith.constant 0 : i32
    %dma_start3A_601 = tpu.memref_slice %arg5[%dma_start3A_599, %dma_start3A_600] : memref<10240x128xf32, #tpu.memory_space<vmem_shared>> -> memref<10240x128xf32, #tpu.memory_space<vmem_shared>>
    tpu.enqueue_indirect_dma source(%dma_start3A_598 : memref<16x128xf32, #tpu.memory_space<vmem>>) target(%dma_start3A_601 : memref<10240x128xf32, #tpu.memory_space<vmem_shared>>) offsets(%arg11 : memref<16xi32, #tpu.memory_space<vmem>>) semaphore(%arg17 : memref<!tpu.dma_semaphore, #tpu.memory_space<semaphore_mem>>) {add = true}
    %dma_wait3A_602 = arith.constant 0 : i32
    %dma_wait3A_603 = arith.constant 0 : i32
    %dma_wait3A_604 = tpu.memref_slice %arg6[%dma_wait3A_602, %dma_wait3A_603] : memref<128x128xf32, #tpu.memory_space<vmem>> -> memref<16x128xf32, #tpu.memory_space<vmem>>
    %dma_wait3A_605 = arith.constant 0 : i32
    %dma_wait3A_606 = arith.constant 0 : i32
    %dma_wait3A_607 = tpu.memref_slice %arg5[%dma_wait3A_605, %dma_wait3A_606] : memref<10240x128xf32, #tpu.memory_space<vmem_shared>> -> memref<10240x128xf32, #tpu.memory_space<vmem_shared>>
    tpu.wait_indirect_dma semaphore(%arg17 : memref<!tpu.dma_semaphore, #tpu.memory_space<semaphore_mem>>) src(%dma_wait3A_604 : memref<16x128xf32, #tpu.memory_space<vmem>>) dst(%dma_wait3A_607 : memref<10240x128xf32, #tpu.memory_space<vmem_shared>>)
    %add3A_608 = arith.constant 160000 : i32
    %add3A_609 = arith.addi %add3A_608, %mul3A_1 : i32
    "tpu.region"() ({
      %run_scoped3A = tpu.sem_alloc : memref<!tpu.dma_semaphore, #tpu.memory_space<semaphore_mem>>
      %dma_start3A_671 = tpu.memref_slice %arg3[%add3A_609] : memref<320000xi32, #tpu.memory_space<hbm>> -> memref<128xi32, #tpu.memory_space<hbm>>
      %dma_start3A_672 = tpu.memref_slice %arg3[%add3A_609] : memref<320000xi32, #tpu.memory_space<hbm>> -> memref<128xi32, #tpu.memory_space<hbm>>
      tpu.enqueue_dma source(%dma_start3A_672 : memref<128xi32, #tpu.memory_space<hbm>>) target(%arg9 : memref<128xi32, #tpu.memory_space<vmem>>) target_semaphore(%run_scoped3A : memref<!tpu.dma_semaphore, #tpu.memory_space<semaphore_mem>>)
      %dma_wait3A_673 = tpu.memref_slice %arg3[%add3A_609] : memref<320000xi32, #tpu.memory_space<hbm>> -> memref<128xi32, #tpu.memory_space<hbm>>
      %dma_wait3A_674 = tpu.memref_slice %arg3[%add3A_609] : memref<320000xi32, #tpu.memory_space<hbm>> -> memref<128xi32, #tpu.memory_space<hbm>>
      tpu.wait_dma2 semaphore(%run_scoped3A : memref<!tpu.dma_semaphore, #tpu.memory_space<semaphore_mem>>) src(%dma_wait3A_674 : memref<128xi32, #tpu.memory_space<hbm>>) dst(%arg9 : memref<128xi32, #tpu.memory_space<vmem>>)
      tpu.yield
    }) : () -> ()
    %dma_start3A_610 = arith.constant 0 : i32
    %dma_start3A_611 = tpu.memref_slice %arg8[%dma_start3A_610] : memref<10000xi32, #tpu.memory_space<vmem>> -> memref<128xi32, #tpu.memory_space<vmem>>
    %dma_start3A_612 = arith.constant 0 : i32
    %dma_start3A_613 = arith.constant 0 : i32
    %dma_start3A_614 = tpu.memref_slice %arg2[%dma_start3A_612, %dma_start3A_613] : memref<20480x128xf32, #tpu.memory_space<hbm>> -> memref<20480x128xf32, #tpu.memory_space<hbm>>
    tpu.enqueue_indirect_dma source(%dma_start3A_614 : memref<20480x128xf32, #tpu.memory_space<hbm>>) target(%arg6 : memref<128x128xf32, #tpu.memory_space<vmem>>) offsets(%dma_start3A_611 : memref<128xi32, #tpu.memory_space<vmem>>) semaphore(%arg15 : memref<!tpu.dma_semaphore, #tpu.memory_space<semaphore_mem>>)
    %scan3A_615 = arith.constant 0 : i32
    %scan3A_616 = arith.constant 0 : i32
    %scan3A_617 = arith.constant 38 : i32
    %scan3A_618 = arith.addi %scan3A_616, %scan3A_617 : i32
    %scan3A_619 = arith.constant 1 : i32
    scf.for %scan3A_671 = %scan3A_616 to %scan3A_618 step %scan3A_619  : i32 {
      %mul3A_672 = arith.constant 2 : i32
      %mul3A_673 = arith.muli %mul3A_672, %scan3A_671 : i32
      %gt3A = arith.constant 0 : i32
      %gt3A_674 = arith.cmpi sgt, %scan3A_671, %gt3A : i32
      %convert_element_type3A = arith.extui %gt3A_674 : i1 to i32
      %cond3A = arith.constant 0 : i32
      %cond3A_675 = arith.cmpi ne, %convert_element_type3A, %cond3A : i32
      scf.if %cond3A_675 {
        %dma_wait3A_738 = arith.constant 0 : i32
        %dma_wait3A_739 = arith.constant 0 : i32
        %dma_wait3A_740 = tpu.memref_slice %arg5[%dma_wait3A_738, %dma_wait3A_739] : memref<10240x128xf32, #tpu.memory_space<vmem_shared>> -> memref<10240x128xf32, #tpu.memory_space<vmem_shared>>
        tpu.wait_indirect_dma semaphore(%arg18 : memref<!tpu.dma_semaphore, #tpu.memory_space<semaphore_mem>>) src(%arg7 : memref<128x128xf32, #tpu.memory_space<vmem>>) dst(%dma_wait3A_740 : memref<10240x128xf32, #tpu.memory_space<vmem_shared>>)
      } else {
      }
      %add3A_676 = arith.constant 1 : i32
      %add3A_677 = arith.addi %mul3A_673, %add3A_676 : i32
      %add3A_678 = arith.constant 160000 : i32
      %add3A_679 = arith.addi %add3A_678, %mul3A_1 : i32
      %mul3A_680 = arith.constant 128 : i32
      %mul3A_681 = arith.muli %add3A_677, %mul3A_680 : i32
      %add3A_682 = arith.addi %add3A_679, %mul3A_681 : i32
      %dma_start3A_683 = tpu.memref_slice %arg3[%add3A_682] : memref<320000xi32, #tpu.memory_space<hbm>> -> memref<128xi32, #tpu.memory_space<hbm>>
      %dma_start3A_684 = tpu.memref_slice %arg3[%add3A_682] : memref<320000xi32, #tpu.memory_space<hbm>> -> memref<128xi32, #tpu.memory_space<hbm>>
      tpu.enqueue_dma source(%dma_start3A_684 : memref<128xi32, #tpu.memory_space<hbm>>) target(%arg10 : memref<128xi32, #tpu.memory_space<vmem>>) target_semaphore(%arg20 : memref<!tpu.dma_semaphore, #tpu.memory_space<semaphore_mem>>)
      %add3A_685 = arith.constant 1 : i32
      %add3A_686 = arith.addi %mul3A_673, %add3A_685 : i32
      %mul3A_687 = arith.constant 128 : i32
      %mul3A_688 = arith.muli %add3A_686, %mul3A_687 : i32
      %dma_start3A_689 = tpu.memref_slice %arg8[%mul3A_688] : memref<10000xi32, #tpu.memory_space<vmem>> -> memref<128xi32, #tpu.memory_space<vmem>>
      %dma_start3A_690 = arith.constant 0 : i32
      %dma_start3A_691 = arith.constant 0 : i32
      %dma_start3A_692 = tpu.memref_slice %arg2[%dma_start3A_690, %dma_start3A_691] : memref<20480x128xf32, #tpu.memory_space<hbm>> -> memref<20480x128xf32, #tpu.memory_space<hbm>>
      tpu.enqueue_indirect_dma source(%dma_start3A_692 : memref<20480x128xf32, #tpu.memory_space<hbm>>) target(%arg7 : memref<128x128xf32, #tpu.memory_space<vmem>>) offsets(%dma_start3A_689 : memref<128xi32, #tpu.memory_space<vmem>>) semaphore(%arg16 : memref<!tpu.dma_semaphore, #tpu.memory_space<semaphore_mem>>)
      %dma_wait3A_693 = arith.constant 0 : i32
      %dma_wait3A_694 = tpu.memref_slice %arg8[%dma_wait3A_693] : memref<10000xi32, #tpu.memory_space<vmem>> -> memref<128xi32, #tpu.memory_space<vmem>>
      %dma_wait3A_695 = arith.constant 0 : i32
      %dma_wait3A_696 = arith.constant 0 : i32
      %dma_wait3A_697 = tpu.memref_slice %arg2[%dma_wait3A_695, %dma_wait3A_696] : memref<20480x128xf32, #tpu.memory_space<hbm>> -> memref<20480x128xf32, #tpu.memory_space<hbm>>
      tpu.wait_indirect_dma semaphore(%arg15 : memref<!tpu.dma_semaphore, #tpu.memory_space<semaphore_mem>>) src(%dma_wait3A_697 : memref<20480x128xf32, #tpu.memory_space<hbm>>) dst(%arg6 : memref<128x128xf32, #tpu.memory_space<vmem>>)
      %gt3A_698 = arith.constant 0 : i32
      %gt3A_699 = arith.cmpi sgt, %scan3A_671, %gt3A_698 : i32
      %convert_element_type3A_700 = arith.extui %gt3A_699 : i1 to i32
      %cond3A_701 = arith.constant 0 : i32
      %cond3A_702 = arith.cmpi ne, %convert_element_type3A_700, %cond3A_701 : i32
      scf.if %cond3A_702 {
        %dma_wait3A_738 = arith.constant 160000 : i32
        %dma_wait3A_739 = tpu.memref_slice %arg3[%dma_wait3A_738] : memref<320000xi32, #tpu.memory_space<hbm>> -> memref<128xi32, #tpu.memory_space<hbm>>
        %dma_wait3A_740 = arith.constant 160000 : i32
        %dma_wait3A_741 = tpu.memref_slice %arg3[%dma_wait3A_740] : memref<320000xi32, #tpu.memory_space<hbm>> -> memref<128xi32, #tpu.memory_space<hbm>>
        tpu.wait_dma2 semaphore(%arg19 : memref<!tpu.dma_semaphore, #tpu.memory_space<semaphore_mem>>) src(%dma_wait3A_741 : memref<128xi32, #tpu.memory_space<hbm>>) dst(%arg9 : memref<128xi32, #tpu.memory_space<vmem>>)
      } else {
      }
      %dma_start3A_703 = arith.constant 0 : i32
      %dma_start3A_704 = arith.constant 0 : i32
      %dma_start3A_705 = tpu.memref_slice %arg5[%dma_start3A_703, %dma_start3A_704] : memref<10240x128xf32, #tpu.memory_space<vmem_shared>> -> memref<10240x128xf32, #tpu.memory_space<vmem_shared>>
      tpu.enqueue_indirect_dma source(%arg6 : memref<128x128xf32, #tpu.memory_space<vmem>>) target(%dma_start3A_705 : memref<10240x128xf32, #tpu.memory_space<vmem_shared>>) offsets(%arg9 : memref<128xi32, #tpu.memory_space<vmem>>) semaphore(%arg17 : memref<!tpu.dma_semaphore, #tpu.memory_space<semaphore_mem>>) {add = true}
      %dma_wait3A_706 = arith.constant 0 : i32
      %dma_wait3A_707 = tpu.memref_slice %arg8[%dma_wait3A_706] : memref<10000xi32, #tpu.memory_space<vmem>> -> memref<128xi32, #tpu.memory_space<vmem>>
      %dma_wait3A_708 = arith.constant 0 : i32
      %dma_wait3A_709 = arith.constant 0 : i32
      %dma_wait3A_710 = tpu.memref_slice %arg2[%dma_wait3A_708, %dma_wait3A_709] : memref<20480x128xf32, #tpu.memory_space<hbm>> -> memref<20480x128xf32, #tpu.memory_space<hbm>>
      tpu.wait_indirect_dma semaphore(%arg16 : memref<!tpu.dma_semaphore, #tpu.memory_space<semaphore_mem>>) src(%dma_wait3A_710 : memref<20480x128xf32, #tpu.memory_space<hbm>>) dst(%arg7 : memref<128x128xf32, #tpu.memory_space<vmem>>)
      %dma_wait3A_711 = arith.constant 0 : i32
      %dma_wait3A_712 = arith.constant 0 : i32
      %dma_wait3A_713 = tpu.memref_slice %arg5[%dma_wait3A_711, %dma_wait3A_712] : memref<10240x128xf32, #tpu.memory_space<vmem_shared>> -> memref<10240x128xf32, #tpu.memory_space<vmem_shared>>
      tpu.wait_indirect_dma semaphore(%arg17 : memref<!tpu.dma_semaphore, #tpu.memory_space<semaphore_mem>>) src(%arg6 : memref<128x128xf32, #tpu.memory_space<vmem>>) dst(%dma_wait3A_713 : memref<10240x128xf32, #tpu.memory_space<vmem_shared>>)
      %add3A_714 = arith.constant 2 : i32
      %add3A_715 = arith.addi %mul3A_673, %add3A_714 : i32
      %add3A_716 = arith.constant 160000 : i32
      %add3A_717 = arith.addi %add3A_716, %mul3A_1 : i32
      %mul3A_718 = arith.constant 128 : i32
      %mul3A_719 = arith.muli %add3A_715, %mul3A_718 : i32
      %add3A_720 = arith.addi %add3A_717, %mul3A_719 : i32
      %dma_start3A_721 = tpu.memref_slice %arg3[%add3A_720] : memref<320000xi32, #tpu.memory_space<hbm>> -> memref<128xi32, #tpu.memory_space<hbm>>
      %dma_start3A_722 = tpu.memref_slice %arg3[%add3A_720] : memref<320000xi32, #tpu.memory_space<hbm>> -> memref<128xi32, #tpu.memory_space<hbm>>
      tpu.enqueue_dma source(%dma_start3A_722 : memref<128xi32, #tpu.memory_space<hbm>>) target(%arg9 : memref<128xi32, #tpu.memory_space<vmem>>) target_semaphore(%arg19 : memref<!tpu.dma_semaphore, #tpu.memory_space<semaphore_mem>>)
      %add3A_723 = arith.constant 2 : i32
      %add3A_724 = arith.addi %mul3A_673, %add3A_723 : i32
      %mul3A_725 = arith.constant 128 : i32
      %mul3A_726 = arith.muli %add3A_724, %mul3A_725 : i32
      %dma_start3A_727 = tpu.memref_slice %arg8[%mul3A_726] : memref<10000xi32, #tpu.memory_space<vmem>> -> memref<128xi32, #tpu.memory_space<vmem>>
      %dma_start3A_728 = arith.constant 0 : i32
      %dma_start3A_729 = arith.constant 0 : i32
      %dma_start3A_730 = tpu.memref_slice %arg2[%dma_start3A_728, %dma_start3A_729] : memref<20480x128xf32, #tpu.memory_space<hbm>> -> memref<20480x128xf32, #tpu.memory_space<hbm>>
      tpu.enqueue_indirect_dma source(%dma_start3A_730 : memref<20480x128xf32, #tpu.memory_space<hbm>>) target(%arg6 : memref<128x128xf32, #tpu.memory_space<vmem>>) offsets(%dma_start3A_727 : memref<128xi32, #tpu.memory_space<vmem>>) semaphore(%arg15 : memref<!tpu.dma_semaphore, #tpu.memory_space<semaphore_mem>>)
      %dma_wait3A_731 = arith.constant 160000 : i32
      %dma_wait3A_732 = tpu.memref_slice %arg3[%dma_wait3A_731] : memref<320000xi32, #tpu.memory_space<hbm>> -> memref<128xi32, #tpu.memory_space<hbm>>
      %dma_wait3A_733 = arith.constant 160000 : i32
      %dma_wait3A_734 = tpu.memref_slice %arg3[%dma_wait3A_733] : memref<320000xi32, #tpu.memory_space<hbm>> -> memref<128xi32, #tpu.memory_space<hbm>>
      tpu.wait_dma2 semaphore(%arg20 : memref<!tpu.dma_semaphore, #tpu.memory_space<semaphore_mem>>) src(%dma_wait3A_734 : memref<128xi32, #tpu.memory_space<hbm>>) dst(%arg10 : memref<128xi32, #tpu.memory_space<vmem>>)
      %dma_start3A_735 = arith.constant 0 : i32
      %dma_start3A_736 = arith.constant 0 : i32
      %dma_start3A_737 = tpu.memref_slice %arg5[%dma_start3A_735, %dma_start3A_736] : memref<10240x128xf32, #tpu.memory_space<vmem_shared>> -> memref<10240x128xf32, #tpu.memory_space<vmem_shared>>
      tpu.enqueue_indirect_dma source(%arg7 : memref<128x128xf32, #tpu.memory_space<vmem>>) target(%dma_start3A_737 : memref<10240x128xf32, #tpu.memory_space<vmem_shared>>) offsets(%arg10 : memref<128xi32, #tpu.memory_space<vmem>>) semaphore(%arg18 : memref<!tpu.dma_semaphore, #tpu.memory_space<semaphore_mem>>) {add = true}
    }
    %scan3A_620 = arith.constant 38 : i32
    %dma_wait3A_621 = arith.constant 0 : i32
    %dma_wait3A_622 = arith.constant 0 : i32
    %dma_wait3A_623 = tpu.memref_slice %arg5[%dma_wait3A_621, %dma_wait3A_622] : memref<10240x128xf32, #tpu.memory_space<vmem_shared>> -> memref<10240x128xf32, #tpu.memory_space<vmem_shared>>
    tpu.wait_indirect_dma semaphore(%arg18 : memref<!tpu.dma_semaphore, #tpu.memory_space<semaphore_mem>>) src(%arg7 : memref<128x128xf32, #tpu.memory_space<vmem>>) dst(%dma_wait3A_623 : memref<10240x128xf32, #tpu.memory_space<vmem_shared>>)
    %add3A_624 = arith.constant 160000 : i32
    %add3A_625 = arith.addi %add3A_624, %mul3A_1 : i32
    %add3A_626 = arith.constant 9856 : i32
    %add3A_627 = arith.addi %add3A_625, %add3A_626 : i32
    %dma_start3A_628 = tpu.memref_slice %arg3[%add3A_627] : memref<320000xi32, #tpu.memory_space<hbm>> -> memref<128xi32, #tpu.memory_space<hbm>>
    %dma_start3A_629 = tpu.memref_slice %arg3[%add3A_627] : memref<320000xi32, #tpu.memory_space<hbm>> -> memref<128xi32, #tpu.memory_space<hbm>>
    tpu.enqueue_dma source(%dma_start3A_629 : memref<128xi32, #tpu.memory_space<hbm>>) target(%arg10 : memref<128xi32, #tpu.memory_space<vmem>>) target_semaphore(%arg20 : memref<!tpu.dma_semaphore, #tpu.memory_space<semaphore_mem>>)
    %dma_start3A_630 = arith.constant 9856 : i32
    %dma_start3A_631 = tpu.memref_slice %arg8[%dma_start3A_630] : memref<10000xi32, #tpu.memory_space<vmem>> -> memref<128xi32, #tpu.memory_space<vmem>>
    %dma_start3A_632 = arith.constant 0 : i32
    %dma_start3A_633 = arith.constant 0 : i32
    %dma_start3A_634 = tpu.memref_slice %arg2[%dma_start3A_632, %dma_start3A_633] : memref<20480x128xf32, #tpu.memory_space<hbm>> -> memref<20480x128xf32, #tpu.memory_space<hbm>>
    tpu.enqueue_indirect_dma source(%dma_start3A_634 : memref<20480x128xf32, #tpu.memory_space<hbm>>) target(%arg7 : memref<128x128xf32, #tpu.memory_space<vmem>>) offsets(%dma_start3A_631 : memref<128xi32, #tpu.memory_space<vmem>>) semaphore(%arg16 : memref<!tpu.dma_semaphore, #tpu.memory_space<semaphore_mem>>)
    %dma_wait3A_635 = arith.constant 0 : i32
    %dma_wait3A_636 = tpu.memref_slice %arg8[%dma_wait3A_635] : memref<10000xi32, #tpu.memory_space<vmem>> -> memref<128xi32, #tpu.memory_space<vmem>>
    %dma_wait3A_637 = arith.constant 0 : i32
    %dma_wait3A_638 = arith.constant 0 : i32
    %dma_wait3A_639 = tpu.memref_slice %arg2[%dma_wait3A_637, %dma_wait3A_638] : memref<20480x128xf32, #tpu.memory_space<hbm>> -> memref<20480x128xf32, #tpu.memory_space<hbm>>
    tpu.wait_indirect_dma semaphore(%arg15 : memref<!tpu.dma_semaphore, #tpu.memory_space<semaphore_mem>>) src(%dma_wait3A_639 : memref<20480x128xf32, #tpu.memory_space<hbm>>) dst(%arg6 : memref<128x128xf32, #tpu.memory_space<vmem>>)
    %dma_wait3A_640 = arith.constant 160000 : i32
    %dma_wait3A_641 = tpu.memref_slice %arg3[%dma_wait3A_640] : memref<320000xi32, #tpu.memory_space<hbm>> -> memref<128xi32, #tpu.memory_space<hbm>>
    %dma_wait3A_642 = arith.constant 160000 : i32
    %dma_wait3A_643 = tpu.memref_slice %arg3[%dma_wait3A_642] : memref<320000xi32, #tpu.memory_space<hbm>> -> memref<128xi32, #tpu.memory_space<hbm>>
    tpu.wait_dma2 semaphore(%arg19 : memref<!tpu.dma_semaphore, #tpu.memory_space<semaphore_mem>>) src(%dma_wait3A_643 : memref<128xi32, #tpu.memory_space<hbm>>) dst(%arg9 : memref<128xi32, #tpu.memory_space<vmem>>)
    %dma_start3A_644 = arith.constant 0 : i32
    %dma_start3A_645 = arith.constant 0 : i32
    %dma_start3A_646 = tpu.memref_slice %arg5[%dma_start3A_644, %dma_start3A_645] : memref<10240x128xf32, #tpu.memory_space<vmem_shared>> -> memref<10240x128xf32, #tpu.memory_space<vmem_shared>>
    tpu.enqueue_indirect_dma source(%arg6 : memref<128x128xf32, #tpu.memory_space<vmem>>) target(%dma_start3A_646 : memref<10240x128xf32, #tpu.memory_space<vmem_shared>>) offsets(%arg9 : memref<128xi32, #tpu.memory_space<vmem>>) semaphore(%arg17 : memref<!tpu.dma_semaphore, #tpu.memory_space<semaphore_mem>>) {add = true}
    %dma_wait3A_647 = arith.constant 0 : i32
    %dma_wait3A_648 = tpu.memref_slice %arg8[%dma_wait3A_647] : memref<10000xi32, #tpu.memory_space<vmem>> -> memref<128xi32, #tpu.memory_space<vmem>>
    %dma_wait3A_649 = arith.constant 0 : i32
    %dma_wait3A_650 = arith.constant 0 : i32
    %dma_wait3A_651 = tpu.memref_slice %arg2[%dma_wait3A_649, %dma_wait3A_650] : memref<20480x128xf32, #tpu.memory_space<hbm>> -> memref<20480x128xf32, #tpu.memory_space<hbm>>
    tpu.wait_indirect_dma semaphore(%arg16 : memref<!tpu.dma_semaphore, #tpu.memory_space<semaphore_mem>>) src(%dma_wait3A_651 : memref<20480x128xf32, #tpu.memory_space<hbm>>) dst(%arg7 : memref<128x128xf32, #tpu.memory_space<vmem>>)
    %dma_wait3A_652 = arith.constant 160000 : i32
    %dma_wait3A_653 = tpu.memref_slice %arg3[%dma_wait3A_652] : memref<320000xi32, #tpu.memory_space<hbm>> -> memref<128xi32, #tpu.memory_space<hbm>>
    %dma_wait3A_654 = arith.constant 160000 : i32
    %dma_wait3A_655 = tpu.memref_slice %arg3[%dma_wait3A_654] : memref<320000xi32, #tpu.memory_space<hbm>> -> memref<128xi32, #tpu.memory_space<hbm>>
    tpu.wait_dma2 semaphore(%arg20 : memref<!tpu.dma_semaphore, #tpu.memory_space<semaphore_mem>>) src(%dma_wait3A_655 : memref<128xi32, #tpu.memory_space<hbm>>) dst(%arg10 : memref<128xi32, #tpu.memory_space<vmem>>)
    %dma_start3A_656 = arith.constant 0 : i32
    %dma_start3A_657 = arith.constant 0 : i32
    %dma_start3A_658 = tpu.memref_slice %arg5[%dma_start3A_656, %dma_start3A_657] : memref<10240x128xf32, #tpu.memory_space<vmem_shared>> -> memref<10240x128xf32, #tpu.memory_space<vmem_shared>>
    tpu.enqueue_indirect_dma source(%arg7 : memref<128x128xf32, #tpu.memory_space<vmem>>) target(%dma_start3A_658 : memref<10240x128xf32, #tpu.memory_space<vmem_shared>>) offsets(%arg10 : memref<128xi32, #tpu.memory_space<vmem>>) semaphore(%arg18 : memref<!tpu.dma_semaphore, #tpu.memory_space<semaphore_mem>>) {add = true}
    %dma_wait3A_659 = arith.constant 0 : i32
    %dma_wait3A_660 = arith.constant 0 : i32
    %dma_wait3A_661 = tpu.memref_slice %arg5[%dma_wait3A_659, %dma_wait3A_660] : memref<10240x128xf32, #tpu.memory_space<vmem_shared>> -> memref<10240x128xf32, #tpu.memory_space<vmem_shared>>
    tpu.wait_indirect_dma semaphore(%arg17 : memref<!tpu.dma_semaphore, #tpu.memory_space<semaphore_mem>>) src(%arg6 : memref<128x128xf32, #tpu.memory_space<vmem>>) dst(%dma_wait3A_661 : memref<10240x128xf32, #tpu.memory_space<vmem_shared>>)
    %dma_wait3A_662 = arith.constant 0 : i32
    %dma_wait3A_663 = arith.constant 0 : i32
    %dma_wait3A_664 = tpu.memref_slice %arg5[%dma_wait3A_662, %dma_wait3A_663] : memref<10240x128xf32, #tpu.memory_space<vmem_shared>> -> memref<10240x128xf32, #tpu.memory_space<vmem_shared>>
    tpu.wait_indirect_dma semaphore(%arg18 : memref<!tpu.dma_semaphore, #tpu.memory_space<semaphore_mem>>) src(%arg7 : memref<128x128xf32, #tpu.memory_space<vmem>>) dst(%dma_wait3A_664 : memref<10240x128xf32, #tpu.memory_space<vmem_shared>>)
    %barrier3A_665 = arith.constant 0 : index
    tpu.barrier barrier_id(%barrier3A_665)
    %mul3A_666 = arith.constant 640 : i32
    %mul3A_667 = arith.muli %arg1, %mul3A_666 : i32
    %mul3A_668 = arith.constant 10240 : i32
    %mul3A_669 = arith.muli %arg0, %mul3A_668 : i32
    %add3A_670 = arith.addi %mul3A_669, %mul3A_667 : i32
    "tpu.region"() ({
      %run_scoped3A = tpu.sem_alloc : memref<!tpu.dma_semaphore, #tpu.memory_space<semaphore_mem>>
      %dma_start3A_671 = arith.constant 0 : i32
      %dma_start3A_672 = tpu.memref_slice %arg4[%add3A_670, %dma_start3A_671] : memref<20480x128xf32, #tpu.memory_space<hbm>> -> memref<640x128xf32, #tpu.memory_space<hbm>>
      %dma_start3A_673 = arith.constant 0 : i32
      %dma_start3A_674 = tpu.memref_slice %arg5[%mul3A_667, %dma_start3A_673] : memref<10240x128xf32, #tpu.memory_space<vmem_shared>> -> memref<640x128xf32, #tpu.memory_space<vmem_shared>>
      tpu.enqueue_dma source(%dma_start3A_674 : memref<640x128xf32, #tpu.memory_space<vmem_shared>>) target(%dma_start3A_672 : memref<640x128xf32, #tpu.memory_space<hbm>>) target_semaphore(%run_scoped3A : memref<!tpu.dma_semaphore, #tpu.memory_space<semaphore_mem>>)
      %dma_wait3A_675 = arith.constant 0 : i32
      %dma_wait3A_676 = tpu.memref_slice %arg4[%add3A_670, %dma_wait3A_675] : memref<20480x128xf32, #tpu.memory_space<hbm>> -> memref<640x128xf32, #tpu.memory_space<hbm>>
      %dma_wait3A_677 = arith.constant 0 : i32
      %dma_wait3A_678 = tpu.memref_slice %arg5[%mul3A_667, %dma_wait3A_677] : memref<10240x128xf32, #tpu.memory_space<vmem_shared>> -> memref<640x128xf32, #tpu.memory_space<vmem_shared>>
      tpu.wait_dma2 semaphore(%run_scoped3A : memref<!tpu.dma_semaphore, #tpu.memory_space<semaphore_mem>>) src(%dma_wait3A_678 : memref<640x128xf32, #tpu.memory_space<vmem_shared>>) dst(%dma_wait3A_676 : memref<640x128xf32, #tpu.memory_space<hbm>>)
      tpu.yield
    }) : () -> ()
    return
  }
}

#map = affine_map<(d0, d1) -> (0, 0)>
#map1 = affine_map<(d0, d1) -> (0)>
module attributes {stable_mosaic.version = 14 : i64} {
  func.func @msg_kernel(%arg0: i32, %arg1: i32, %arg2: memref<20480x128xf32, #tpu.memory_space<hbm>>, %arg3: memref<320000xi32, #tpu.memory_space<hbm>>, %arg4: memref<20480x128xf32, #tpu.memory_space<hbm>>, %arg5: memref<10240x128xf32, #tpu.memory_space<vmem_shared>>, %arg6: memref<128x128xf32, #tpu.memory_space<vmem>>, %arg7: memref<128x128xf32, #tpu.memory_space<vmem>>, %arg8: memref<10000xi32, #tpu.memory_space<vmem>>, %arg9: memref<128xi32, #tpu.memory_space<vmem>>, %arg10: memref<128xi32, #tpu.memory_space<vmem>>, %arg11: memref<16xi32, #tpu.memory_space<vmem>>, %arg12: memref<16x128xf32, #tpu.memory_space<vmem>>, %arg13: memref<!tpu.dma_semaphore, #tpu.memory_space<semaphore_mem>>, %arg14: memref<!tpu.dma_semaphore, #tpu.memory_space<semaphore_mem>>, %arg15: memref<!tpu.dma_semaphore, #tpu.memory_space<semaphore_mem>>, %arg16: memref<!tpu.dma_semaphore, #tpu.memory_space<semaphore_mem>>, %arg17: memref<!tpu.dma_semaphore, #tpu.memory_space<semaphore_mem>>, %arg18: memref<!tpu.dma_semaphore, #tpu.memory_space<semaphore_mem>>, %arg19: memref<!tpu.dma_semaphore, #tpu.memory_space<semaphore_mem>>, %arg20: memref<!tpu.dma_semaphore, #tpu.memory_space<semaphore_mem>>) attributes {dimension_semantics = [#tpu.dimension_semantics<core_parallel>, #tpu.dimension_semantics<subcore_parallel>], iteration_bounds = array<i64: 2, 16>, scalar_prefetch = 0 : i64, scratch_operands = 16 : i64, tpu.core_type = #tpu.core_type<sc_vector_subcore>, window_params = [{transform_indices = #map}, {transform_indices = #map1}, {transform_indices = #map}]} {
    %broadcast_in_dim3A = arith.constant 0.000000e+00 : f32
    %broadcast_in_dim3A_0 = vector.broadcast %broadcast_in_dim3A : f32 to vector<16xf32>
    %mul3A = arith.constant 10000 : i32
    %mul3A_1 = arith.muli %arg1, %mul3A : i32
    %dma_start3A = tpu.memref_slice %arg3[%mul3A_1] : memref<320000xi32, #tpu.memory_space<hbm>> -> memref<10000xi32, #tpu.memory_space<hbm>>
    %dma_start3A_2 = tpu.memref_slice %arg3[%mul3A_1] : memref<320000xi32, #tpu.memory_space<hbm>> -> memref<10000xi32, #tpu.memory_space<hbm>>
    tpu.enqueue_dma source(%dma_start3A_2 : memref<10000xi32, #tpu.memory_space<hbm>>) target(%arg8 : memref<10000xi32, #tpu.memory_space<vmem>>) target_semaphore(%arg13 : memref<!tpu.dma_semaphore, #tpu.memory_space<semaphore_mem>>)
    %scan3A = arith.constant 0 : i32
    %scan3A_3 = arith.constant 0 : i32
    %scan3A_4 = arith.constant 16 : i32
    %scan3A_5 = arith.addi %scan3A_3, %scan3A_4 : i32
    %scan3A_6 = arith.constant 1 : i32
    scf.for %scan3A_671 = %scan3A_3 to %scan3A_5 step %scan3A_6  : i32 {
      %swap3A = arith.index_cast %scan3A_671 : i32 to index
      %swap3A_672 = arith.constant 0 : index
      %swap3A_673 = tpu.vector_load %arg12[%swap3A, %swap3A_672] {strides = array<i32>} : memref<16x128xf32, #tpu.memory_space<vmem>>, vector<16xf32>,
      tpu.vector_store %arg12[%swap3A, %swap3A_672], %broadcast_in_dim3A_0 {strides = array<i32>} : memref<16x128xf32, #tpu.memory_space<vmem>>, vector<16xf32>,
      %swap3A_674 = arith.index_cast %scan3A_671 : i32 to index
      %swap3A_675 = arith.constant 16 : index
      %swap3A_676 = tpu.vector_load %arg12[%swap3A_674, %swap3A_675] {strides = array<i32>} : memref<16x128xf32, #tpu.memory_space<vmem>>, vector<16xf32>,
      tpu.vector_store %arg12[%swap3A_674, %swap3A_675], %broadcast_in_dim3A_0 {strides = array<i32>} : memref<16x128xf32, #tpu.memory_space<vmem>>, vector<16xf32>,
      %swap3A_677 = arith.index_cast %scan3A_671 : i32 to index
      %swap3A_678 = arith.constant 32 : index
      %swap3A_679 = tpu.vector_load %arg12[%swap3A_677, %swap3A_678] {strides = array<i32>} : memref<16x128xf32, #tpu.memory_space<vmem>>, vector<16xf32>,
      tpu.vector_store %arg12[%swap3A_677, %swap3A_678], %broadcast_in_dim3A_0 {strides = array<i32>} : memref<16x128xf32, #tpu.memory_space<vmem>>, vector<16xf32>,
      %swap3A_680 = arith.index_cast %scan3A_671 : i32 to index
      %swap3A_681 = arith.constant 48 : index
      %swap3A_682 = tpu.vector_load %arg12[%swap3A_680, %swap3A_681] {strides = array<i32>} : memref<16x128xf32, #tpu.memory_space<vmem>>, vector<16xf32>,
      tpu.vector_store %arg12[%swap3A_680, %swap3A_681], %broadcast_in_dim3A_0 {strides = array<i32>} : memref<16x128xf32, #tpu.memory_space<vmem>>, vector<16xf32>,
      %swap3A_683 = arith.index_cast %scan3A_671 : i32 to index
      %swap3A_684 = arith.constant 64 : index
      %swap3A_685 = tpu.vector_load %arg12[%swap3A_683, %swap3A_684] {strides = array<i32>} : memref<16x128xf32, #tpu.memory_space<vmem>>, vector<16xf32>,
      tpu.vector_store %arg12[%swap3A_683, %swap3A_684], %broadcast_in_dim3A_0 {strides = array<i32>} : memref<16x128xf32, #tpu.memory_space<vmem>>, vector<16xf32>,
      %swap3A_686 = arith.index_cast %scan3A_671 : i32 to index
      %swap3A_687 = arith.constant 80 : index
      %swap3A_688 = tpu.vector_load %arg12[%swap3A_686, %swap3A_687] {strides = array<i32>} : memref<16x128xf32, #tpu.memory_space<vmem>>, vector<16xf32>,
      tpu.vector_store %arg12[%swap3A_686, %swap3A_687], %broadcast_in_dim3A_0 {strides = array<i32>} : memref<16x128xf32, #tpu.memory_space<vmem>>, vector<16xf32>,
      %swap3A_689 = arith.index_cast %scan3A_671 : i32 to index
      %swap3A_690 = arith.constant 96 : index
      %swap3A_691 = tpu.vector_load %arg12[%swap3A_689, %swap3A_690] {strides = array<i32>} : memref<16x128xf32, #tpu.memory_space<vmem>>, vector<16xf32>,
      tpu.vector_store %arg12[%swap3A_689, %swap3A_690], %broadcast_in_dim3A_0 {strides = array<i32>} : memref<16x128xf32, #tpu.memory_space<vmem>>, vector<16xf32>,
      %swap3A_692 = arith.index_cast %scan3A_671 : i32 to index
      %swap3A_693 = arith.constant 112 : index
      %swap3A_694 = tpu.vector_load %arg12[%swap3A_692, %swap3A_693] {strides = array<i32>} : memref<16x128xf32, #tpu.memory_space<vmem>>, vector<16xf32>,
      tpu.vector_store %arg12[%swap3A_692, %swap3A_693], %broadcast_in_dim3A_0 {strides = array<i32>} : memref<16x128xf32, #tpu.memory_space<vmem>>, vector<16xf32>,
    }
    %scan3A_7 = arith.constant 16 : i32
    %mul3A_8 = arith.constant 640 : i32
    %mul3A_9 = arith.muli %arg1, %mul3A_8 : i32
    %add3A = arith.constant 0 : i32
    %add3A_10 = arith.addi %mul3A_9, %add3A : i32
    %dma_start3A_11 = arith.constant 0 : i32
    %dma_start3A_12 = tpu.memref_slice %arg5[%add3A_10, %dma_start3A_11] : memref<10240x128xf32, #tpu.memory_space<vmem_shared>> -> memref<16x128xf32, #tpu.memory_space<vmem_shared>>
    %dma_start3A_13 = arith.constant 0 : i32
    %dma_start3A_14 = tpu.memref_slice %arg5[%add3A_10, %dma_start3A_13] : memref<10240x128xf32, #tpu.memory_space<vmem_shared>> -> memref<16x128xf32, #tpu.memory_space<vmem_shared>>
    tpu.enqueue_dma source(%arg12 : memref<16x128xf32, #tpu.memory_space<vmem>>) target(%dma_start3A_14 : memref<16x128xf32, #tpu.memory_space<vmem_shared>>) target_semaphore(%arg14 : memref<!tpu.dma_semaphore, #tpu.memory_space<semaphore_mem>>)
    %mul3A_15 = arith.constant 640 : i32
    %mul3A_16 = arith.muli %arg1, %mul3A_15 : i32
    %add3A_17 = arith.constant 16 : i32
    %add3A_18 = arith.addi %mul3A_16, %add3A_17 : i32
    %dma_start3A_19 = arith.constant 0 : i32
    %dma_start3A_20 = tpu.memref_slice %arg5[%add3A_18, %dma_start3A_19] : memref<10240x128xf32, #tpu.memory_space<vmem_shared>> -> memref<16x128xf32, #tpu.memory_space<vmem_shared>>
    %dma_start3A_21 = arith.constant 0 : i32
    %dma_start3A_22 = tpu.memref_slice %arg5[%add3A_18, %dma_start3A_21] : memref<10240x128xf32, #tpu.memory_space<vmem_shared>> -> memref<16x128xf32, #tpu.memory_space<vmem_shared>>
    tpu.enqueue_dma source(%arg12 : memref<16x128xf32, #tpu.memory_space<vmem>>) target(%dma_start3A_22 : memref<16x128xf32, #tpu.memory_space<vmem_shared>>) target_semaphore(%arg14 : memref<!tpu.dma_semaphore, #tpu.memory_space<semaphore_mem>>)
    %mul3A_23 = arith.constant 640 : i32
    %mul3A_24 = arith.muli %arg1, %mul3A_23 : i32
    %add3A_25 = arith.constant 32 : i32
    %add3A_26 = arith.addi %mul3A_24, %add3A_25 : i32
    %dma_start3A_27 = arith.constant 0 : i32
    %dma_start3A_28 = tpu.memref_slice %arg5[%add3A_26, %dma_start3A_27] : memref<10240x128xf32, #tpu.memory_space<vmem_shared>> -> memref<16x128xf32, #tpu.memory_space<vmem_shared>>
    %dma_start3A_29 = arith.constant 0 : i32
    %dma_start3A_30 = tpu.memref_slice %arg5[%add3A_26, %dma_start3A_29] : memref<10240x128xf32, #tpu.memory_space<vmem_shared>> -> memref<16x128xf32, #tpu.memory_space<vmem_shared>>
    tpu.enqueue_dma source(%arg12 : memref<16x128xf32, #tpu.memory_space<vmem>>) target(%dma_start3A_30 : memref<16x128xf32, #tpu.memory_space<vmem_shared>>) target_semaphore(%arg14 : memref<!tpu.dma_semaphore, #tpu.memory_space<semaphore_mem>>)
    %mul3A_31 = arith.constant 640 : i32
    %mul3A_32 = arith.muli %arg1, %mul3A_31 : i32
    %add3A_33 = arith.constant 48 : i32
    %add3A_34 = arith.addi %mul3A_32, %add3A_33 : i32
    %dma_start3A_35 = arith.constant 0 : i32
    %dma_start3A_36 = tpu.memref_slice %arg5[%add3A_34, %dma_start3A_35] : memref<10240x128xf32, #tpu.memory_space<vmem_shared>> -> memref<16x128xf32, #tpu.memory_space<vmem_shared>>
    %dma_start3A_37 = arith.constant 0 : i32
    %dma_start3A_38 = tpu.memref_slice %arg5[%add3A_34, %dma_start3A_37] : memref<10240x128xf32, #tpu.memory_space<vmem_shared>> -> memref<16x128xf32, #tpu.memory_space<vmem_shared>>
    tpu.enqueue_dma source(%arg12 : memref<16x128xf32, #tpu.memory_space<vmem>>) target(%dma_start3A_38 : memref<16x128xf32, #tpu.memory_space<vmem_shared>>) target_semaphore(%arg14 : memref<!tpu.dma_semaphore, #tpu.memory_space<semaphore_mem>>)
    %mul3A_39 = arith.constant 640 : i32
    %mul3A_40 = arith.muli %arg1, %mul3A_39 : i32
    %add3A_41 = arith.constant 64 : i32
    %add3A_42 = arith.addi %mul3A_40, %add3A_41 : i32
    %dma_start3A_43 = arith.constant 0 : i32
    %dma_start3A_44 = tpu.memref_slice %arg5[%add3A_42, %dma_start3A_43] : memref<10240x128xf32, #tpu.memory_space<vmem_shared>> -> memref<16x128xf32, #tpu.memory_space<vmem_shared>>
    %dma_start3A_45 = arith.constant 0 : i32
    %dma_start3A_46 = tpu.memref_slice %arg5[%add3A_42, %dma_start3A_45] : memref<10240x128xf32, #tpu.memory_space<vmem_shared>> -> memref<16x128xf32, #tpu.memory_space<vmem_shared>>
    tpu.enqueue_dma source(%arg12 : memref<16x128xf32, #tpu.memory_space<vmem>>) target(%dma_start3A_46 : memref<16x128xf32, #tpu.memory_space<vmem_shared>>) target_semaphore(%arg14 : memref<!tpu.dma_semaphore, #tpu.memory_space<semaphore_mem>>)
    %mul3A_47 = arith.constant 640 : i32
    %mul3A_48 = arith.muli %arg1, %mul3A_47 : i32
    %add3A_49 = arith.constant 80 : i32
    %add3A_50 = arith.addi %mul3A_48, %add3A_49 : i32
    %dma_start3A_51 = arith.constant 0 : i32
    %dma_start3A_52 = tpu.memref_slice %arg5[%add3A_50, %dma_start3A_51] : memref<10240x128xf32, #tpu.memory_space<vmem_shared>> -> memref<16x128xf32, #tpu.memory_space<vmem_shared>>
    %dma_start3A_53 = arith.constant 0 : i32
    %dma_start3A_54 = tpu.memref_slice %arg5[%add3A_50, %dma_start3A_53] : memref<10240x128xf32, #tpu.memory_space<vmem_shared>> -> memref<16x128xf32, #tpu.memory_space<vmem_shared>>
    tpu.enqueue_dma source(%arg12 : memref<16x128xf32, #tpu.memory_space<vmem>>) target(%dma_start3A_54 : memref<16x128xf32, #tpu.memory_space<vmem_shared>>) target_semaphore(%arg14 : memref<!tpu.dma_semaphore, #tpu.memory_space<semaphore_mem>>)
    %mul3A_55 = arith.constant 640 : i32
    %mul3A_56 = arith.muli %arg1, %mul3A_55 : i32
    %add3A_57 = arith.constant 96 : i32
    %add3A_58 = arith.addi %mul3A_56, %add3A_57 : i32
    %dma_start3A_59 = arith.constant 0 : i32
    %dma_start3A_60 = tpu.memref_slice %arg5[%add3A_58, %dma_start3A_59] : memref<10240x128xf32, #tpu.memory_space<vmem_shared>> -> memref<16x128xf32, #tpu.memory_space<vmem_shared>>
    %dma_start3A_61 = arith.constant 0 : i32
    %dma_start3A_62 = tpu.memref_slice %arg5[%add3A_58, %dma_start3A_61] : memref<10240x128xf32, #tpu.memory_space<vmem_shared>> -> memref<16x128xf32, #tpu.memory_space<vmem_shared>>
    tpu.enqueue_dma source(%arg12 : memref<16x128xf32, #tpu.memory_space<vmem>>) target(%dma_start3A_62 : memref<16x128xf32, #tpu.memory_space<vmem_shared>>) target_semaphore(%arg14 : memref<!tpu.dma_semaphore, #tpu.memory_space<semaphore_mem>>)
    %mul3A_63 = arith.constant 640 : i32
    %mul3A_64 = arith.muli %arg1, %mul3A_63 : i32
    %add3A_65 = arith.constant 112 : i32
    %add3A_66 = arith.addi %mul3A_64, %add3A_65 : i32
    %dma_start3A_67 = arith.constant 0 : i32
    %dma_start3A_68 = tpu.memref_slice %arg5[%add3A_66, %dma_start3A_67] : memref<10240x128xf32, #tpu.memory_space<vmem_shared>> -> memref<16x128xf32, #tpu.memory_space<vmem_shared>>
    %dma_start3A_69 = arith.constant 0 : i32
    %dma_start3A_70 = tpu.memref_slice %arg5[%add3A_66, %dma_start3A_69] : memref<10240x128xf32, #tpu.memory_space<vmem_shared>> -> memref<16x128xf32, #tpu.memory_space<vmem_shared>>
    tpu.enqueue_dma source(%arg12 : memref<16x128xf32, #tpu.memory_space<vmem>>) target(%dma_start3A_70 : memref<16x128xf32, #tpu.memory_space<vmem_shared>>) target_semaphore(%arg14 : memref<!tpu.dma_semaphore, #tpu.memory_space<semaphore_mem>>)
    %mul3A_71 = arith.constant 640 : i32
    %mul3A_72 = arith.muli %arg1, %mul3A_71 : i32
    %add3A_73 = arith.constant 128 : i32
    %add3A_74 = arith.addi %mul3A_72, %add3A_73 : i32
    %dma_start3A_75 = arith.constant 0 : i32
    %dma_start3A_76 = tpu.memref_slice %arg5[%add3A_74, %dma_start3A_75] : memref<10240x128xf32, #tpu.memory_space<vmem_shared>> -> memref<16x128xf32, #tpu.memory_space<vmem_shared>>
    %dma_start3A_77 = arith.constant 0 : i32
    %dma_start3A_78 = tpu.memref_slice %arg5[%add3A_74, %dma_start3A_77] : memref<10240x128xf32, #tpu.memory_space<vmem_shared>> -> memref<16x128xf32, #tpu.memory_space<vmem_shared>>
    tpu.enqueue_dma source(%arg12 : memref<16x128xf32, #tpu.memory_space<vmem>>) target(%dma_start3A_78 : memref<16x128xf32, #tpu.memory_space<vmem_shared>>) target_semaphore(%arg14 : memref<!tpu.dma_semaphore, #tpu.memory_space<semaphore_mem>>)
    %mul3A_79 = arith.constant 640 : i32
    %mul3A_80 = arith.muli %arg1, %mul3A_79 : i32
    %add3A_81 = arith.constant 144 : i32
    %add3A_82 = arith.addi %mul3A_80, %add3A_81 : i32
    %dma_start3A_83 = arith.constant 0 : i32
    %dma_start3A_84 = tpu.memref_slice %arg5[%add3A_82, %dma_start3A_83] : memref<10240x128xf32, #tpu.memory_space<vmem_shared>> -> memref<16x128xf32, #tpu.memory_space<vmem_shared>>
    %dma_start3A_85 = arith.constant 0 : i32
    %dma_start3A_86 = tpu.memref_slice %arg5[%add3A_82, %dma_start3A_85] : memref<10240x128xf32, #tpu.memory_space<vmem_shared>> -> memref<16x128xf32, #tpu.memory_space<vmem_shared>>
    tpu.enqueue_dma source(%arg12 : memref<16x128xf32, #tpu.memory_space<vmem>>) target(%dma_start3A_86 : memref<16x128xf32, #tpu.memory_space<vmem_shared>>) target_semaphore(%arg14 : memref<!tpu.dma_semaphore, #tpu.memory_space<semaphore_mem>>)
    %mul3A_87 = arith.constant 640 : i32
    %mul3A_88 = arith.muli %arg1, %mul3A_87 : i32
    %add3A_89 = arith.constant 160 : i32
    %add3A_90 = arith.addi %mul3A_88, %add3A_89 : i32
    %dma_start3A_91 = arith.constant 0 : i32
    %dma_start3A_92 = tpu.memref_slice %arg5[%add3A_90, %dma_start3A_91] : memref<10240x128xf32, #tpu.memory_space<vmem_shared>> -> memref<16x128xf32, #tpu.memory_space<vmem_shared>>
    %dma_start3A_93 = arith.constant 0 : i32
    %dma_start3A_94 = tpu.memref_slice %arg5[%add3A_90, %dma_start3A_93] : memref<10240x128xf32, #tpu.memory_space<vmem_shared>> -> memref<16x128xf32, #tpu.memory_space<vmem_shared>>
    tpu.enqueue_dma source(%arg12 : memref<16x128xf32, #tpu.memory_space<vmem>>) target(%dma_start3A_94 : memref<16x128xf32, #tpu.memory_space<vmem_shared>>) target_semaphore(%arg14 : memref<!tpu.dma_semaphore, #tpu.memory_space<semaphore_mem>>)
    %mul3A_95 = arith.constant 640 : i32
    %mul3A_96 = arith.muli %arg1, %mul3A_95 : i32
    %add3A_97 = arith.constant 176 : i32
    %add3A_98 = arith.addi %mul3A_96, %add3A_97 : i32
    %dma_start3A_99 = arith.constant 0 : i32
    %dma_start3A_100 = tpu.memref_slice %arg5[%add3A_98, %dma_start3A_99] : memref<10240x128xf32, #tpu.memory_space<vmem_shared>> -> memref<16x128xf32, #tpu.memory_space<vmem_shared>>
    %dma_start3A_101 = arith.constant 0 : i32
    %dma_start3A_102 = tpu.memref_slice %arg5[%add3A_98, %dma_start3A_101] : memref<10240x128xf32, #tpu.memory_space<vmem_shared>> -> memref<16x128xf32, #tpu.memory_space<vmem_shared>>
    tpu.enqueue_dma source(%arg12 : memref<16x128xf32, #tpu.memory_space<vmem>>) target(%dma_start3A_102 : memref<16x128xf32, #tpu.memory_space<vmem_shared>>) target_semaphore(%arg14 : memref<!tpu.dma_semaphore, #tpu.memory_space<semaphore_mem>>)
    %mul3A_103 = arith.constant 640 : i32
    %mul3A_104 = arith.muli %arg1, %mul3A_103 : i32
    %add3A_105 = arith.constant 192 : i32
    %add3A_106 = arith.addi %mul3A_104, %add3A_105 : i32
    %dma_start3A_107 = arith.constant 0 : i32
    %dma_start3A_108 = tpu.memref_slice %arg5[%add3A_106, %dma_start3A_107] : memref<10240x128xf32, #tpu.memory_space<vmem_shared>> -> memref<16x128xf32, #tpu.memory_space<vmem_shared>>
    %dma_start3A_109 = arith.constant 0 : i32
    %dma_start3A_110 = tpu.memref_slice %arg5[%add3A_106, %dma_start3A_109] : memref<10240x128xf32, #tpu.memory_space<vmem_shared>> -> memref<16x128xf32, #tpu.memory_space<vmem_shared>>
    tpu.enqueue_dma source(%arg12 : memref<16x128xf32, #tpu.memory_space<vmem>>) target(%dma_start3A_110 : memref<16x128xf32, #tpu.memory_space<vmem_shared>>) target_semaphore(%arg14 : memref<!tpu.dma_semaphore, #tpu.memory_space<semaphore_mem>>)
    %mul3A_111 = arith.constant 640 : i32
    %mul3A_112 = arith.muli %arg1, %mul3A_111 : i32
    %add3A_113 = arith.constant 208 : i32
    %add3A_114 = arith.addi %mul3A_112, %add3A_113 : i32
    %dma_start3A_115 = arith.constant 0 : i32
    %dma_start3A_116 = tpu.memref_slice %arg5[%add3A_114, %dma_start3A_115] : memref<10240x128xf32, #tpu.memory_space<vmem_shared>> -> memref<16x128xf32, #tpu.memory_space<vmem_shared>>
    %dma_start3A_117 = arith.constant 0 : i32
    %dma_start3A_118 = tpu.memref_slice %arg5[%add3A_114, %dma_start3A_117] : memref<10240x128xf32, #tpu.memory_space<vmem_shared>> -> memref<16x128xf32, #tpu.memory_space<vmem_shared>>
    tpu.enqueue_dma source(%arg12 : memref<16x128xf32, #tpu.memory_space<vmem>>) target(%dma_start3A_118 : memref<16x128xf32, #tpu.memory_space<vmem_shared>>) target_semaphore(%arg14 : memref<!tpu.dma_semaphore, #tpu.memory_space<semaphore_mem>>)
    %mul3A_119 = arith.constant 640 : i32
    %mul3A_120 = arith.muli %arg1, %mul3A_119 : i32
    %add3A_121 = arith.constant 224 : i32
    %add3A_122 = arith.addi %mul3A_120, %add3A_121 : i32
    %dma_start3A_123 = arith.constant 0 : i32
    %dma_start3A_124 = tpu.memref_slice %arg5[%add3A_122, %dma_start3A_123] : memref<10240x128xf32, #tpu.memory_space<vmem_shared>> -> memref<16x128xf32, #tpu.memory_space<vmem_shared>>
    %dma_start3A_125 = arith.constant 0 : i32
    %dma_start3A_126 = tpu.memref_slice %arg5[%add3A_122, %dma_start3A_125] : memref<10240x128xf32, #tpu.memory_space<vmem_shared>> -> memref<16x128xf32, #tpu.memory_space<vmem_shared>>
    tpu.enqueue_dma source(%arg12 : memref<16x128xf32, #tpu.memory_space<vmem>>) target(%dma_start3A_126 : memref<16x128xf32, #tpu.memory_space<vmem_shared>>) target_semaphore(%arg14 : memref<!tpu.dma_semaphore, #tpu.memory_space<semaphore_mem>>)
    %mul3A_127 = arith.constant 640 : i32
    %mul3A_128 = arith.muli %arg1, %mul3A_127 : i32
    %add3A_129 = arith.constant 240 : i32
    %add3A_130 = arith.addi %mul3A_128, %add3A_129 : i32
    %dma_start3A_131 = arith.constant 0 : i32
    %dma_start3A_132 = tpu.memref_slice %arg5[%add3A_130, %dma_start3A_131] : memref<10240x128xf32, #tpu.memory_space<vmem_shared>> -> memref<16x128xf32, #tpu.memory_space<vmem_shared>>
    %dma_start3A_133 = arith.constant 0 : i32
    %dma_start3A_134 = tpu.memref_slice %arg5[%add3A_130, %dma_start3A_133] : memref<10240x128xf32, #tpu.memory_space<vmem_shared>> -> memref<16x128xf32, #tpu.memory_space<vmem_shared>>
    tpu.enqueue_dma source(%arg12 : memref<16x128xf32, #tpu.memory_space<vmem>>) target(%dma_start3A_134 : memref<16x128xf32, #tpu.memory_space<vmem_shared>>) target_semaphore(%arg14 : memref<!tpu.dma_semaphore, #tpu.memory_space<semaphore_mem>>)
    %mul3A_135 = arith.constant 640 : i32
    %mul3A_136 = arith.muli %arg1, %mul3A_135 : i32
    %add3A_137 = arith.constant 256 : i32
    %add3A_138 = arith.addi %mul3A_136, %add3A_137 : i32
    %dma_start3A_139 = arith.constant 0 : i32
    %dma_start3A_140 = tpu.memref_slice %arg5[%add3A_138, %dma_start3A_139] : memref<10240x128xf32, #tpu.memory_space<vmem_shared>> -> memref<16x128xf32, #tpu.memory_space<vmem_shared>>
    %dma_start3A_141 = arith.constant 0 : i32
    %dma_start3A_142 = tpu.memref_slice %arg5[%add3A_138, %dma_start3A_141] : memref<10240x128xf32, #tpu.memory_space<vmem_shared>> -> memref<16x128xf32, #tpu.memory_space<vmem_shared>>
    tpu.enqueue_dma source(%arg12 : memref<16x128xf32, #tpu.memory_space<vmem>>) target(%dma_start3A_142 : memref<16x128xf32, #tpu.memory_space<vmem_shared>>) target_semaphore(%arg14 : memref<!tpu.dma_semaphore, #tpu.memory_space<semaphore_mem>>)
    %mul3A_143 = arith.constant 640 : i32
    %mul3A_144 = arith.muli %arg1, %mul3A_143 : i32
    %add3A_145 = arith.constant 272 : i32
    %add3A_146 = arith.addi %mul3A_144, %add3A_145 : i32
    %dma_start3A_147 = arith.constant 0 : i32
    %dma_start3A_148 = tpu.memref_slice %arg5[%add3A_146, %dma_start3A_147] : memref<10240x128xf32, #tpu.memory_space<vmem_shared>> -> memref<16x128xf32, #tpu.memory_space<vmem_shared>>
    %dma_start3A_149 = arith.constant 0 : i32
    %dma_start3A_150 = tpu.memref_slice %arg5[%add3A_146, %dma_start3A_149] : memref<10240x128xf32, #tpu.memory_space<vmem_shared>> -> memref<16x128xf32, #tpu.memory_space<vmem_shared>>
    tpu.enqueue_dma source(%arg12 : memref<16x128xf32, #tpu.memory_space<vmem>>) target(%dma_start3A_150 : memref<16x128xf32, #tpu.memory_space<vmem_shared>>) target_semaphore(%arg14 : memref<!tpu.dma_semaphore, #tpu.memory_space<semaphore_mem>>)
    %mul3A_151 = arith.constant 640 : i32
    %mul3A_152 = arith.muli %arg1, %mul3A_151 : i32
    %add3A_153 = arith.constant 288 : i32
    %add3A_154 = arith.addi %mul3A_152, %add3A_153 : i32
    %dma_start3A_155 = arith.constant 0 : i32
    %dma_start3A_156 = tpu.memref_slice %arg5[%add3A_154, %dma_start3A_155] : memref<10240x128xf32, #tpu.memory_space<vmem_shared>> -> memref<16x128xf32, #tpu.memory_space<vmem_shared>>
    %dma_start3A_157 = arith.constant 0 : i32
    %dma_start3A_158 = tpu.memref_slice %arg5[%add3A_154, %dma_start3A_157] : memref<10240x128xf32, #tpu.memory_space<vmem_shared>> -> memref<16x128xf32, #tpu.memory_space<vmem_shared>>
    tpu.enqueue_dma source(%arg12 : memref<16x128xf32, #tpu.memory_space<vmem>>) target(%dma_start3A_158 : memref<16x128xf32, #tpu.memory_space<vmem_shared>>) target_semaphore(%arg14 : memref<!tpu.dma_semaphore, #tpu.memory_space<semaphore_mem>>)
    %mul3A_159 = arith.constant 640 : i32
    %mul3A_160 = arith.muli %arg1, %mul3A_159 : i32
    %add3A_161 = arith.constant 304 : i32
    %add3A_162 = arith.addi %mul3A_160, %add3A_161 : i32
    %dma_start3A_163 = arith.constant 0 : i32
    %dma_start3A_164 = tpu.memref_slice %arg5[%add3A_162, %dma_start3A_163] : memref<10240x128xf32, #tpu.memory_space<vmem_shared>> -> memref<16x128xf32, #tpu.memory_space<vmem_shared>>
    %dma_start3A_165 = arith.constant 0 : i32
    %dma_start3A_166 = tpu.memref_slice %arg5[%add3A_162, %dma_start3A_165] : memref<10240x128xf32, #tpu.memory_space<vmem_shared>> -> memref<16x128xf32, #tpu.memory_space<vmem_shared>>
    tpu.enqueue_dma source(%arg12 : memref<16x128xf32, #tpu.memory_space<vmem>>) target(%dma_start3A_166 : memref<16x128xf32, #tpu.memory_space<vmem_shared>>) target_semaphore(%arg14 : memref<!tpu.dma_semaphore, #tpu.memory_space<semaphore_mem>>)
    %mul3A_167 = arith.constant 640 : i32
    %mul3A_168 = arith.muli %arg1, %mul3A_167 : i32
    %add3A_169 = arith.constant 320 : i32
    %add3A_170 = arith.addi %mul3A_168, %add3A_169 : i32
    %dma_start3A_171 = arith.constant 0 : i32
    %dma_start3A_172 = tpu.memref_slice %arg5[%add3A_170, %dma_start3A_171] : memref<10240x128xf32, #tpu.memory_space<vmem_shared>> -> memref<16x128xf32, #tpu.memory_space<vmem_shared>>
    %dma_start3A_173 = arith.constant 0 : i32
    %dma_start3A_174 = tpu.memref_slice %arg5[%add3A_170, %dma_start3A_173] : memref<10240x128xf32, #tpu.memory_space<vmem_shared>> -> memref<16x128xf32, #tpu.memory_space<vmem_shared>>
    tpu.enqueue_dma source(%arg12 : memref<16x128xf32, #tpu.memory_space<vmem>>) target(%dma_start3A_174 : memref<16x128xf32, #tpu.memory_space<vmem_shared>>) target_semaphore(%arg14 : memref<!tpu.dma_semaphore, #tpu.memory_space<semaphore_mem>>)
    %mul3A_175 = arith.constant 640 : i32
    %mul3A_176 = arith.muli %arg1, %mul3A_175 : i32
    %add3A_177 = arith.constant 336 : i32
    %add3A_178 = arith.addi %mul3A_176, %add3A_177 : i32
    %dma_start3A_179 = arith.constant 0 : i32
    %dma_start3A_180 = tpu.memref_slice %arg5[%add3A_178, %dma_start3A_179] : memref<10240x128xf32, #tpu.memory_space<vmem_shared>> -> memref<16x128xf32, #tpu.memory_space<vmem_shared>>
    %dma_start3A_181 = arith.constant 0 : i32
    %dma_start3A_182 = tpu.memref_slice %arg5[%add3A_178, %dma_start3A_181] : memref<10240x128xf32, #tpu.memory_space<vmem_shared>> -> memref<16x128xf32, #tpu.memory_space<vmem_shared>>
    tpu.enqueue_dma source(%arg12 : memref<16x128xf32, #tpu.memory_space<vmem>>) target(%dma_start3A_182 : memref<16x128xf32, #tpu.memory_space<vmem_shared>>) target_semaphore(%arg14 : memref<!tpu.dma_semaphore, #tpu.memory_space<semaphore_mem>>)
    %mul3A_183 = arith.constant 640 : i32
    %mul3A_184 = arith.muli %arg1, %mul3A_183 : i32
    %add3A_185 = arith.constant 352 : i32
    %add3A_186 = arith.addi %mul3A_184, %add3A_185 : i32
    %dma_start3A_187 = arith.constant 0 : i32
    %dma_start3A_188 = tpu.memref_slice %arg5[%add3A_186, %dma_start3A_187] : memref<10240x128xf32, #tpu.memory_space<vmem_shared>> -> memref<16x128xf32, #tpu.memory_space<vmem_shared>>
    %dma_start3A_189 = arith.constant 0 : i32
    %dma_start3A_190 = tpu.memref_slice %arg5[%add3A_186, %dma_start3A_189] : memref<10240x128xf32, #tpu.memory_space<vmem_shared>> -> memref<16x128xf32, #tpu.memory_space<vmem_shared>>
    tpu.enqueue_dma source(%arg12 : memref<16x128xf32, #tpu.memory_space<vmem>>) target(%dma_start3A_190 : memref<16x128xf32, #tpu.memory_space<vmem_shared>>) target_semaphore(%arg14 : memref<!tpu.dma_semaphore, #tpu.memory_space<semaphore_mem>>)
    %mul3A_191 = arith.constant 640 : i32
    %mul3A_192 = arith.muli %arg1, %mul3A_191 : i32
    %add3A_193 = arith.constant 368 : i32
    %add3A_194 = arith.addi %mul3A_192, %add3A_193 : i32
    %dma_start3A_195 = arith.constant 0 : i32
    %dma_start3A_196 = tpu.memref_slice %arg5[%add3A_194, %dma_start3A_195] : memref<10240x128xf32, #tpu.memory_space<vmem_shared>> -> memref<16x128xf32, #tpu.memory_space<vmem_shared>>
    %dma_start3A_197 = arith.constant 0 : i32
    %dma_start3A_198 = tpu.memref_slice %arg5[%add3A_194, %dma_start3A_197] : memref<10240x128xf32, #tpu.memory_space<vmem_shared>> -> memref<16x128xf32, #tpu.memory_space<vmem_shared>>
    tpu.enqueue_dma source(%arg12 : memref<16x128xf32, #tpu.memory_space<vmem>>) target(%dma_start3A_198 : memref<16x128xf32, #tpu.memory_space<vmem_shared>>) target_semaphore(%arg14 : memref<!tpu.dma_semaphore, #tpu.memory_space<semaphore_mem>>)
    %mul3A_199 = arith.constant 640 : i32
    %mul3A_200 = arith.muli %arg1, %mul3A_199 : i32
    %add3A_201 = arith.constant 384 : i32
    %add3A_202 = arith.addi %mul3A_200, %add3A_201 : i32
    %dma_start3A_203 = arith.constant 0 : i32
    %dma_start3A_204 = tpu.memref_slice %arg5[%add3A_202, %dma_start3A_203] : memref<10240x128xf32, #tpu.memory_space<vmem_shared>> -> memref<16x128xf32, #tpu.memory_space<vmem_shared>>
    %dma_start3A_205 = arith.constant 0 : i32
    %dma_start3A_206 = tpu.memref_slice %arg5[%add3A_202, %dma_start3A_205] : memref<10240x128xf32, #tpu.memory_space<vmem_shared>> -> memref<16x128xf32, #tpu.memory_space<vmem_shared>>
    tpu.enqueue_dma source(%arg12 : memref<16x128xf32, #tpu.memory_space<vmem>>) target(%dma_start3A_206 : memref<16x128xf32, #tpu.memory_space<vmem_shared>>) target_semaphore(%arg14 : memref<!tpu.dma_semaphore, #tpu.memory_space<semaphore_mem>>)
    %mul3A_207 = arith.constant 640 : i32
    %mul3A_208 = arith.muli %arg1, %mul3A_207 : i32
    %add3A_209 = arith.constant 400 : i32
    %add3A_210 = arith.addi %mul3A_208, %add3A_209 : i32
    %dma_start3A_211 = arith.constant 0 : i32
    %dma_start3A_212 = tpu.memref_slice %arg5[%add3A_210, %dma_start3A_211] : memref<10240x128xf32, #tpu.memory_space<vmem_shared>> -> memref<16x128xf32, #tpu.memory_space<vmem_shared>>
    %dma_start3A_213 = arith.constant 0 : i32
    %dma_start3A_214 = tpu.memref_slice %arg5[%add3A_210, %dma_start3A_213] : memref<10240x128xf32, #tpu.memory_space<vmem_shared>> -> memref<16x128xf32, #tpu.memory_space<vmem_shared>>
    tpu.enqueue_dma source(%arg12 : memref<16x128xf32, #tpu.memory_space<vmem>>) target(%dma_start3A_214 : memref<16x128xf32, #tpu.memory_space<vmem_shared>>) target_semaphore(%arg14 : memref<!tpu.dma_semaphore, #tpu.memory_space<semaphore_mem>>)
    %mul3A_215 = arith.constant 640 : i32
    %mul3A_216 = arith.muli %arg1, %mul3A_215 : i32
    %add3A_217 = arith.constant 416 : i32
    %add3A_218 = arith.addi %mul3A_216, %add3A_217 : i32
    %dma_start3A_219 = arith.constant 0 : i32
    %dma_start3A_220 = tpu.memref_slice %arg5[%add3A_218, %dma_start3A_219] : memref<10240x128xf32, #tpu.memory_space<vmem_shared>> -> memref<16x128xf32, #tpu.memory_space<vmem_shared>>
    %dma_start3A_221 = arith.constant 0 : i32
    %dma_start3A_222 = tpu.memref_slice %arg5[%add3A_218, %dma_start3A_221] : memref<10240x128xf32, #tpu.memory_space<vmem_shared>> -> memref<16x128xf32, #tpu.memory_space<vmem_shared>>
    tpu.enqueue_dma source(%arg12 : memref<16x128xf32, #tpu.memory_space<vmem>>) target(%dma_start3A_222 : memref<16x128xf32, #tpu.memory_space<vmem_shared>>) target_semaphore(%arg14 : memref<!tpu.dma_semaphore, #tpu.memory_space<semaphore_mem>>)
    %mul3A_223 = arith.constant 640 : i32
    %mul3A_224 = arith.muli %arg1, %mul3A_223 : i32
    %add3A_225 = arith.constant 432 : i32
    %add3A_226 = arith.addi %mul3A_224, %add3A_225 : i32
    %dma_start3A_227 = arith.constant 0 : i32
    %dma_start3A_228 = tpu.memref_slice %arg5[%add3A_226, %dma_start3A_227] : memref<10240x128xf32, #tpu.memory_space<vmem_shared>> -> memref<16x128xf32, #tpu.memory_space<vmem_shared>>
    %dma_start3A_229 = arith.constant 0 : i32
    %dma_start3A_230 = tpu.memref_slice %arg5[%add3A_226, %dma_start3A_229] : memref<10240x128xf32, #tpu.memory_space<vmem_shared>> -> memref<16x128xf32, #tpu.memory_space<vmem_shared>>
    tpu.enqueue_dma source(%arg12 : memref<16x128xf32, #tpu.memory_space<vmem>>) target(%dma_start3A_230 : memref<16x128xf32, #tpu.memory_space<vmem_shared>>) target_semaphore(%arg14 : memref<!tpu.dma_semaphore, #tpu.memory_space<semaphore_mem>>)
    %mul3A_231 = arith.constant 640 : i32
    %mul3A_232 = arith.muli %arg1, %mul3A_231 : i32
    %add3A_233 = arith.constant 448 : i32
    %add3A_234 = arith.addi %mul3A_232, %add3A_233 : i32
    %dma_start3A_235 = arith.constant 0 : i32
    %dma_start3A_236 = tpu.memref_slice %arg5[%add3A_234, %dma_start3A_235] : memref<10240x128xf32, #tpu.memory_space<vmem_shared>> -> memref<16x128xf32, #tpu.memory_space<vmem_shared>>
    %dma_start3A_237 = arith.constant 0 : i32
    %dma_start3A_238 = tpu.memref_slice %arg5[%add3A_234, %dma_start3A_237] : memref<10240x128xf32, #tpu.memory_space<vmem_shared>> -> memref<16x128xf32, #tpu.memory_space<vmem_shared>>
    tpu.enqueue_dma source(%arg12 : memref<16x128xf32, #tpu.memory_space<vmem>>) target(%dma_start3A_238 : memref<16x128xf32, #tpu.memory_space<vmem_shared>>) target_semaphore(%arg14 : memref<!tpu.dma_semaphore, #tpu.memory_space<semaphore_mem>>)
    %mul3A_239 = arith.constant 640 : i32
    %mul3A_240 = arith.muli %arg1, %mul3A_239 : i32
    %add3A_241 = arith.constant 464 : i32
    %add3A_242 = arith.addi %mul3A_240, %add3A_241 : i32
    %dma_start3A_243 = arith.constant 0 : i32
    %dma_start3A_244 = tpu.memref_slice %arg5[%add3A_242, %dma_start3A_243] : memref<10240x128xf32, #tpu.memory_space<vmem_shared>> -> memref<16x128xf32, #tpu.memory_space<vmem_shared>>
    %dma_start3A_245 = arith.constant 0 : i32
    %dma_start3A_246 = tpu.memref_slice %arg5[%add3A_242, %dma_start3A_245] : memref<10240x128xf32, #tpu.memory_space<vmem_shared>> -> memref<16x128xf32, #tpu.memory_space<vmem_shared>>
    tpu.enqueue_dma source(%arg12 : memref<16x128xf32, #tpu.memory_space<vmem>>) target(%dma_start3A_246 : memref<16x128xf32, #tpu.memory_space<vmem_shared>>) target_semaphore(%arg14 : memref<!tpu.dma_semaphore, #tpu.memory_space<semaphore_mem>>)
    %mul3A_247 = arith.constant 640 : i32
    %mul3A_248 = arith.muli %arg1, %mul3A_247 : i32
    %add3A_249 = arith.constant 480 : i32
    %add3A_250 = arith.addi %mul3A_248, %add3A_249 : i32
    %dma_start3A_251 = arith.constant 0 : i32
    %dma_start3A_252 = tpu.memref_slice %arg5[%add3A_250, %dma_start3A_251] : memref<10240x128xf32, #tpu.memory_space<vmem_shared>> -> memref<16x128xf32, #tpu.memory_space<vmem_shared>>
    %dma_start3A_253 = arith.constant 0 : i32
    %dma_start3A_254 = tpu.memref_slice %arg5[%add3A_250, %dma_start3A_253] : memref<10240x128xf32, #tpu.memory_space<vmem_shared>> -> memref<16x128xf32, #tpu.memory_space<vmem_shared>>
    tpu.enqueue_dma source(%arg12 : memref<16x128xf32, #tpu.memory_space<vmem>>) target(%dma_start3A_254 : memref<16x128xf32, #tpu.memory_space<vmem_shared>>) target_semaphore(%arg14 : memref<!tpu.dma_semaphore, #tpu.memory_space<semaphore_mem>>)
    %mul3A_255 = arith.constant 640 : i32
    %mul3A_256 = arith.muli %arg1, %mul3A_255 : i32
    %add3A_257 = arith.constant 496 : i32
    %add3A_258 = arith.addi %mul3A_256, %add3A_257 : i32
    %dma_start3A_259 = arith.constant 0 : i32
    %dma_start3A_260 = tpu.memref_slice %arg5[%add3A_258, %dma_start3A_259] : memref<10240x128xf32, #tpu.memory_space<vmem_shared>> -> memref<16x128xf32, #tpu.memory_space<vmem_shared>>
    %dma_start3A_261 = arith.constant 0 : i32
    %dma_start3A_262 = tpu.memref_slice %arg5[%add3A_258, %dma_start3A_261] : memref<10240x128xf32, #tpu.memory_space<vmem_shared>> -> memref<16x128xf32, #tpu.memory_space<vmem_shared>>
    tpu.enqueue_dma source(%arg12 : memref<16x128xf32, #tpu.memory_space<vmem>>) target(%dma_start3A_262 : memref<16x128xf32, #tpu.memory_space<vmem_shared>>) target_semaphore(%arg14 : memref<!tpu.dma_semaphore, #tpu.memory_space<semaphore_mem>>)
    %mul3A_263 = arith.constant 640 : i32
    %mul3A_264 = arith.muli %arg1, %mul3A_263 : i32
    %add3A_265 = arith.constant 512 : i32
    %add3A_266 = arith.addi %mul3A_264, %add3A_265 : i32
    %dma_start3A_267 = arith.constant 0 : i32
    %dma_start3A_268 = tpu.memref_slice %arg5[%add3A_266, %dma_start3A_267] : memref<10240x128xf32, #tpu.memory_space<vmem_shared>> -> memref<16x128xf32, #tpu.memory_space<vmem_shared>>
    %dma_start3A_269 = arith.constant 0 : i32
    %dma_start3A_270 = tpu.memref_slice %arg5[%add3A_266, %dma_start3A_269] : memref<10240x128xf32, #tpu.memory_space<vmem_shared>> -> memref<16x128xf32, #tpu.memory_space<vmem_shared>>
    tpu.enqueue_dma source(%arg12 : memref<16x128xf32, #tpu.memory_space<vmem>>) target(%dma_start3A_270 : memref<16x128xf32, #tpu.memory_space<vmem_shared>>) target_semaphore(%arg14 : memref<!tpu.dma_semaphore, #tpu.memory_space<semaphore_mem>>)
    %mul3A_271 = arith.constant 640 : i32
    %mul3A_272 = arith.muli %arg1, %mul3A_271 : i32
    %add3A_273 = arith.constant 528 : i32
    %add3A_274 = arith.addi %mul3A_272, %add3A_273 : i32
    %dma_start3A_275 = arith.constant 0 : i32
    %dma_start3A_276 = tpu.memref_slice %arg5[%add3A_274, %dma_start3A_275] : memref<10240x128xf32, #tpu.memory_space<vmem_shared>> -> memref<16x128xf32, #tpu.memory_space<vmem_shared>>
    %dma_start3A_277 = arith.constant 0 : i32
    %dma_start3A_278 = tpu.memref_slice %arg5[%add3A_274, %dma_start3A_277] : memref<10240x128xf32, #tpu.memory_space<vmem_shared>> -> memref<16x128xf32, #tpu.memory_space<vmem_shared>>
    tpu.enqueue_dma source(%arg12 : memref<16x128xf32, #tpu.memory_space<vmem>>) target(%dma_start3A_278 : memref<16x128xf32, #tpu.memory_space<vmem_shared>>) target_semaphore(%arg14 : memref<!tpu.dma_semaphore, #tpu.memory_space<semaphore_mem>>)
    %mul3A_279 = arith.constant 640 : i32
    %mul3A_280 = arith.muli %arg1, %mul3A_279 : i32
    %add3A_281 = arith.constant 544 : i32
    %add3A_282 = arith.addi %mul3A_280, %add3A_281 : i32
    %dma_start3A_283 = arith.constant 0 : i32
    %dma_start3A_284 = tpu.memref_slice %arg5[%add3A_282, %dma_start3A_283] : memref<10240x128xf32, #tpu.memory_space<vmem_shared>> -> memref<16x128xf32, #tpu.memory_space<vmem_shared>>
    %dma_start3A_285 = arith.constant 0 : i32
    %dma_start3A_286 = tpu.memref_slice %arg5[%add3A_282, %dma_start3A_285] : memref<10240x128xf32, #tpu.memory_space<vmem_shared>> -> memref<16x128xf32, #tpu.memory_space<vmem_shared>>
    tpu.enqueue_dma source(%arg12 : memref<16x128xf32, #tpu.memory_space<vmem>>) target(%dma_start3A_286 : memref<16x128xf32, #tpu.memory_space<vmem_shared>>) target_semaphore(%arg14 : memref<!tpu.dma_semaphore, #tpu.memory_space<semaphore_mem>>)
    %mul3A_287 = arith.constant 640 : i32
    %mul3A_288 = arith.muli %arg1, %mul3A_287 : i32
    %add3A_289 = arith.constant 560 : i32
    %add3A_290 = arith.addi %mul3A_288, %add3A_289 : i32
    %dma_start3A_291 = arith.constant 0 : i32
    %dma_start3A_292 = tpu.memref_slice %arg5[%add3A_290, %dma_start3A_291] : memref<10240x128xf32, #tpu.memory_space<vmem_shared>> -> memref<16x128xf32, #tpu.memory_space<vmem_shared>>
    %dma_start3A_293 = arith.constant 0 : i32
    %dma_start3A_294 = tpu.memref_slice %arg5[%add3A_290, %dma_start3A_293] : memref<10240x128xf32, #tpu.memory_space<vmem_shared>> -> memref<16x128xf32, #tpu.memory_space<vmem_shared>>
    tpu.enqueue_dma source(%arg12 : memref<16x128xf32, #tpu.memory_space<vmem>>) target(%dma_start3A_294 : memref<16x128xf32, #tpu.memory_space<vmem_shared>>) target_semaphore(%arg14 : memref<!tpu.dma_semaphore, #tpu.memory_space<semaphore_mem>>)
    %mul3A_295 = arith.constant 640 : i32
    %mul3A_296 = arith.muli %arg1, %mul3A_295 : i32
    %add3A_297 = arith.constant 576 : i32
    %add3A_298 = arith.addi %mul3A_296, %add3A_297 : i32
    %dma_start3A_299 = arith.constant 0 : i32
    %dma_start3A_300 = tpu.memref_slice %arg5[%add3A_298, %dma_start3A_299] : memref<10240x128xf32, #tpu.memory_space<vmem_shared>> -> memref<16x128xf32, #tpu.memory_space<vmem_shared>>
    %dma_start3A_301 = arith.constant 0 : i32
    %dma_start3A_302 = tpu.memref_slice %arg5[%add3A_298, %dma_start3A_301] : memref<10240x128xf32, #tpu.memory_space<vmem_shared>> -> memref<16x128xf32, #tpu.memory_space<vmem_shared>>
    tpu.enqueue_dma source(%arg12 : memref<16x128xf32, #tpu.memory_space<vmem>>) target(%dma_start3A_302 : memref<16x128xf32, #tpu.memory_space<vmem_shared>>) target_semaphore(%arg14 : memref<!tpu.dma_semaphore, #tpu.memory_space<semaphore_mem>>)
    %mul3A_303 = arith.constant 640 : i32
    %mul3A_304 = arith.muli %arg1, %mul3A_303 : i32
    %add3A_305 = arith.constant 592 : i32
    %add3A_306 = arith.addi %mul3A_304, %add3A_305 : i32
    %dma_start3A_307 = arith.constant 0 : i32
    %dma_start3A_308 = tpu.memref_slice %arg5[%add3A_306, %dma_start3A_307] : memref<10240x128xf32, #tpu.memory_space<vmem_shared>> -> memref<16x128xf32, #tpu.memory_space<vmem_shared>>
    %dma_start3A_309 = arith.constant 0 : i32
    %dma_start3A_310 = tpu.memref_slice %arg5[%add3A_306, %dma_start3A_309] : memref<10240x128xf32, #tpu.memory_space<vmem_shared>> -> memref<16x128xf32, #tpu.memory_space<vmem_shared>>
    tpu.enqueue_dma source(%arg12 : memref<16x128xf32, #tpu.memory_space<vmem>>) target(%dma_start3A_310 : memref<16x128xf32, #tpu.memory_space<vmem_shared>>) target_semaphore(%arg14 : memref<!tpu.dma_semaphore, #tpu.memory_space<semaphore_mem>>)
    %mul3A_311 = arith.constant 640 : i32
    %mul3A_312 = arith.muli %arg1, %mul3A_311 : i32
    %add3A_313 = arith.constant 608 : i32
    %add3A_314 = arith.addi %mul3A_312, %add3A_313 : i32
    %dma_start3A_315 = arith.constant 0 : i32
    %dma_start3A_316 = tpu.memref_slice %arg5[%add3A_314, %dma_start3A_315] : memref<10240x128xf32, #tpu.memory_space<vmem_shared>> -> memref<16x128xf32, #tpu.memory_space<vmem_shared>>
    %dma_start3A_317 = arith.constant 0 : i32
    %dma_start3A_318 = tpu.memref_slice %arg5[%add3A_314, %dma_start3A_317] : memref<10240x128xf32, #tpu.memory_space<vmem_shared>> -> memref<16x128xf32, #tpu.memory_space<vmem_shared>>
    tpu.enqueue_dma source(%arg12 : memref<16x128xf32, #tpu.memory_space<vmem>>) target(%dma_start3A_318 : memref<16x128xf32, #tpu.memory_space<vmem_shared>>) target_semaphore(%arg14 : memref<!tpu.dma_semaphore, #tpu.memory_space<semaphore_mem>>)
    %mul3A_319 = arith.constant 640 : i32
    %mul3A_320 = arith.muli %arg1, %mul3A_319 : i32
    %add3A_321 = arith.constant 624 : i32
    %add3A_322 = arith.addi %mul3A_320, %add3A_321 : i32
    %dma_start3A_323 = arith.constant 0 : i32
    %dma_start3A_324 = tpu.memref_slice %arg5[%add3A_322, %dma_start3A_323] : memref<10240x128xf32, #tpu.memory_space<vmem_shared>> -> memref<16x128xf32, #tpu.memory_space<vmem_shared>>
    %dma_start3A_325 = arith.constant 0 : i32
    %dma_start3A_326 = tpu.memref_slice %arg5[%add3A_322, %dma_start3A_325] : memref<10240x128xf32, #tpu.memory_space<vmem_shared>> -> memref<16x128xf32, #tpu.memory_space<vmem_shared>>
    tpu.enqueue_dma source(%arg12 : memref<16x128xf32, #tpu.memory_space<vmem>>) target(%dma_start3A_326 : memref<16x128xf32, #tpu.memory_space<vmem_shared>>) target_semaphore(%arg14 : memref<!tpu.dma_semaphore, #tpu.memory_space<semaphore_mem>>)
    %dma_wait3A = tpu.memref_slice %arg3[%mul3A_1] : memref<320000xi32, #tpu.memory_space<hbm>> -> memref<10000xi32, #tpu.memory_space<hbm>>
    %dma_wait3A_327 = tpu.memref_slice %arg3[%mul3A_1] : memref<320000xi32, #tpu.memory_space<hbm>> -> memref<10000xi32, #tpu.memory_space<hbm>>
    tpu.wait_dma2 semaphore(%arg13 : memref<!tpu.dma_semaphore, #tpu.memory_space<semaphore_mem>>) src(%dma_wait3A_327 : memref<10000xi32, #tpu.memory_space<hbm>>) dst(%arg8 : memref<10000xi32, #tpu.memory_space<vmem>>)
    %mul3A_328 = arith.constant 8 : i32
    %mul3A_329 = arith.muli %arg0, %mul3A_328 : i32
    %scan3A_330 = arith.constant 0 : i32
    %scan3A_331 = arith.constant 0 : i32
    %scan3A_332 = arith.constant 625 : i32
    %scan3A_333 = arith.addi %scan3A_331, %scan3A_332 : i32
    %scan3A_334 = arith.constant 1 : i32
    scf.for %scan3A_671 = %scan3A_331 to %scan3A_333 step %scan3A_334  : i32 {
      %mul3A_672 = arith.constant 16 : i32
      %mul3A_673 = arith.muli %scan3A_671, %mul3A_672 : i32
      %get3A = arith.index_cast %mul3A_673 : i32 to index
      %get3A_674 = tpu.vector_load %arg8[%get3A] {strides = array<i32>} : memref<10000xi32, #tpu.memory_space<vmem>>, vector<16xi32>,
      %shift_right_arithmetic3A = arith.constant 3 : i32
      %shift_right_arithmetic3A_675 = vector.broadcast %shift_right_arithmetic3A : i32 to vector<16xi32>
      %shift_right_arithmetic3A_676 = arith.shrsi %get3A_674, %shift_right_arithmetic3A_675 : vector<16xi32>
      %shift_left3A = arith.constant 4 : i32
      %shift_left3A_677 = vector.broadcast %shift_left3A : i32 to vector<16xi32>
      %shift_left3A_678 = arith.shli %shift_right_arithmetic3A_676, %shift_left3A_677 : vector<16xi32>
      %and3A = arith.constant 7 : i32
      %and3A_679 = vector.broadcast %and3A : i32 to vector<16xi32>
      %and3A_680 = arith.andi %get3A_674, %and3A_679 : vector<16xi32>
      %add3A_681 = arith.addi %shift_left3A_678, %and3A_680 : vector<16xi32>
      %add3A_682 = vector.broadcast %mul3A_329 : i32 to vector<16xi32>
      %add3A_683 = arith.addi %add3A_681, %add3A_682 : vector<16xi32>
      %mul3A_684 = arith.constant 16 : i32
      %mul3A_685 = arith.muli %scan3A_671, %mul3A_684 : i32
      %swap3A = arith.index_cast %mul3A_685 : i32 to index
      %swap3A_686 = tpu.vector_load %arg8[%swap3A] {strides = array<i32>} : memref<10000xi32, #tpu.memory_space<vmem>>, vector<16xi32>,
      tpu.vector_store %arg8[%swap3A], %add3A_683 {strides = array<i32>} : memref<10000xi32, #tpu.memory_space<vmem>>, vector<16xi32>,
    }
    %scan3A_335 = arith.constant 625 : i32
    %mul3A_336 = arith.constant 640 : i32
    %mul3A_337 = arith.muli %arg1, %mul3A_336 : i32
    %dma_wait3A_338 = arith.constant 0 : i32
    %dma_wait3A_339 = tpu.memref_slice %arg5[%mul3A_337, %dma_wait3A_338] : memref<10240x128xf32, #tpu.memory_space<vmem_shared>> -> memref<16x128xf32, #tpu.memory_space<vmem_shared>>
    %dma_wait3A_340 = arith.constant 0 : i32
    %dma_wait3A_341 = tpu.memref_slice %arg5[%mul3A_337, %dma_wait3A_340] : memref<10240x128xf32, #tpu.memory_space<vmem_shared>> -> memref<16x128xf32, #tpu.memory_space<vmem_shared>>
    tpu.wait_dma2 semaphore(%arg14 : memref<!tpu.dma_semaphore, #tpu.memory_space<semaphore_mem>>) src(%arg12 : memref<16x128xf32, #tpu.memory_space<vmem>>) dst(%dma_wait3A_341 : memref<16x128xf32, #tpu.memory_space<vmem_shared>>)
    %mul3A_342 = arith.constant 640 : i32
    %mul3A_343 = arith.muli %arg1, %mul3A_342 : i32
    %dma_wait3A_344 = arith.constant 0 : i32
    %dma_wait3A_345 = tpu.memref_slice %arg5[%mul3A_343, %dma_wait3A_344] : memref<10240x128xf32, #tpu.memory_space<vmem_shared>> -> memref<16x128xf32, #tpu.memory_space<vmem_shared>>
    %dma_wait3A_346 = arith.constant 0 : i32
    %dma_wait3A_347 = tpu.memref_slice %arg5[%mul3A_343, %dma_wait3A_346] : memref<10240x128xf32, #tpu.memory_space<vmem_shared>> -> memref<16x128xf32, #tpu.memory_space<vmem_shared>>
    tpu.wait_dma2 semaphore(%arg14 : memref<!tpu.dma_semaphore, #tpu.memory_space<semaphore_mem>>) src(%arg12 : memref<16x128xf32, #tpu.memory_space<vmem>>) dst(%dma_wait3A_347 : memref<16x128xf32, #tpu.memory_space<vmem_shared>>)
    %mul3A_348 = arith.constant 640 : i32
    %mul3A_349 = arith.muli %arg1, %mul3A_348 : i32
    %dma_wait3A_350 = arith.constant 0 : i32
    %dma_wait3A_351 = tpu.memref_slice %arg5[%mul3A_349, %dma_wait3A_350] : memref<10240x128xf32, #tpu.memory_space<vmem_shared>> -> memref<16x128xf32, #tpu.memory_space<vmem_shared>>
    %dma_wait3A_352 = arith.constant 0 : i32
    %dma_wait3A_353 = tpu.memref_slice %arg5[%mul3A_349, %dma_wait3A_352] : memref<10240x128xf32, #tpu.memory_space<vmem_shared>> -> memref<16x128xf32, #tpu.memory_space<vmem_shared>>
    tpu.wait_dma2 semaphore(%arg14 : memref<!tpu.dma_semaphore, #tpu.memory_space<semaphore_mem>>) src(%arg12 : memref<16x128xf32, #tpu.memory_space<vmem>>) dst(%dma_wait3A_353 : memref<16x128xf32, #tpu.memory_space<vmem_shared>>)
    %mul3A_354 = arith.constant 640 : i32
    %mul3A_355 = arith.muli %arg1, %mul3A_354 : i32
    %dma_wait3A_356 = arith.constant 0 : i32
    %dma_wait3A_357 = tpu.memref_slice %arg5[%mul3A_355, %dma_wait3A_356] : memref<10240x128xf32, #tpu.memory_space<vmem_shared>> -> memref<16x128xf32, #tpu.memory_space<vmem_shared>>
    %dma_wait3A_358 = arith.constant 0 : i32
    %dma_wait3A_359 = tpu.memref_slice %arg5[%mul3A_355, %dma_wait3A_358] : memref<10240x128xf32, #tpu.memory_space<vmem_shared>> -> memref<16x128xf32, #tpu.memory_space<vmem_shared>>
    tpu.wait_dma2 semaphore(%arg14 : memref<!tpu.dma_semaphore, #tpu.memory_space<semaphore_mem>>) src(%arg12 : memref<16x128xf32, #tpu.memory_space<vmem>>) dst(%dma_wait3A_359 : memref<16x128xf32, #tpu.memory_space<vmem_shared>>)
    %mul3A_360 = arith.constant 640 : i32
    %mul3A_361 = arith.muli %arg1, %mul3A_360 : i32
    %dma_wait3A_362 = arith.constant 0 : i32
    %dma_wait3A_363 = tpu.memref_slice %arg5[%mul3A_361, %dma_wait3A_362] : memref<10240x128xf32, #tpu.memory_space<vmem_shared>> -> memref<16x128xf32, #tpu.memory_space<vmem_shared>>
    %dma_wait3A_364 = arith.constant 0 : i32
    %dma_wait3A_365 = tpu.memref_slice %arg5[%mul3A_361, %dma_wait3A_364] : memref<10240x128xf32, #tpu.memory_space<vmem_shared>> -> memref<16x128xf32, #tpu.memory_space<vmem_shared>>
    tpu.wait_dma2 semaphore(%arg14 : memref<!tpu.dma_semaphore, #tpu.memory_space<semaphore_mem>>) src(%arg12 : memref<16x128xf32, #tpu.memory_space<vmem>>) dst(%dma_wait3A_365 : memref<16x128xf32, #tpu.memory_space<vmem_shared>>)
    %mul3A_366 = arith.constant 640 : i32
    %mul3A_367 = arith.muli %arg1, %mul3A_366 : i32
    %dma_wait3A_368 = arith.constant 0 : i32
    %dma_wait3A_369 = tpu.memref_slice %arg5[%mul3A_367, %dma_wait3A_368] : memref<10240x128xf32, #tpu.memory_space<vmem_shared>> -> memref<16x128xf32, #tpu.memory_space<vmem_shared>>
    %dma_wait3A_370 = arith.constant 0 : i32
    %dma_wait3A_371 = tpu.memref_slice %arg5[%mul3A_367, %dma_wait3A_370] : memref<10240x128xf32, #tpu.memory_space<vmem_shared>> -> memref<16x128xf32, #tpu.memory_space<vmem_shared>>
    tpu.wait_dma2 semaphore(%arg14 : memref<!tpu.dma_semaphore, #tpu.memory_space<semaphore_mem>>) src(%arg12 : memref<16x128xf32, #tpu.memory_space<vmem>>) dst(%dma_wait3A_371 : memref<16x128xf32, #tpu.memory_space<vmem_shared>>)
    %mul3A_372 = arith.constant 640 : i32
    %mul3A_373 = arith.muli %arg1, %mul3A_372 : i32
    %dma_wait3A_374 = arith.constant 0 : i32
    %dma_wait3A_375 = tpu.memref_slice %arg5[%mul3A_373, %dma_wait3A_374] : memref<10240x128xf32, #tpu.memory_space<vmem_shared>> -> memref<16x128xf32, #tpu.memory_space<vmem_shared>>
    %dma_wait3A_376 = arith.constant 0 : i32
    %dma_wait3A_377 = tpu.memref_slice %arg5[%mul3A_373, %dma_wait3A_376] : memref<10240x128xf32, #tpu.memory_space<vmem_shared>> -> memref<16x128xf32, #tpu.memory_space<vmem_shared>>
    tpu.wait_dma2 semaphore(%arg14 : memref<!tpu.dma_semaphore, #tpu.memory_space<semaphore_mem>>) src(%arg12 : memref<16x128xf32, #tpu.memory_space<vmem>>) dst(%dma_wait3A_377 : memref<16x128xf32, #tpu.memory_space<vmem_shared>>)
    %mul3A_378 = arith.constant 640 : i32
    %mul3A_379 = arith.muli %arg1, %mul3A_378 : i32
    %dma_wait3A_380 = arith.constant 0 : i32
    %dma_wait3A_381 = tpu.memref_slice %arg5[%mul3A_379, %dma_wait3A_380] : memref<10240x128xf32, #tpu.memory_space<vmem_shared>> -> memref<16x128xf32, #tpu.memory_space<vmem_shared>>
    %dma_wait3A_382 = arith.constant 0 : i32
    %dma_wait3A_383 = tpu.memref_slice %arg5[%mul3A_379, %dma_wait3A_382] : memref<10240x128xf32, #tpu.memory_space<vmem_shared>> -> memref<16x128xf32, #tpu.memory_space<vmem_shared>>
    tpu.wait_dma2 semaphore(%arg14 : memref<!tpu.dma_semaphore, #tpu.memory_space<semaphore_mem>>) src(%arg12 : memref<16x128xf32, #tpu.memory_space<vmem>>) dst(%dma_wait3A_383 : memref<16x128xf32, #tpu.memory_space<vmem_shared>>)
    %mul3A_384 = arith.constant 640 : i32
    %mul3A_385 = arith.muli %arg1, %mul3A_384 : i32
    %dma_wait3A_386 = arith.constant 0 : i32
    %dma_wait3A_387 = tpu.memref_slice %arg5[%mul3A_385, %dma_wait3A_386] : memref<10240x128xf32, #tpu.memory_space<vmem_shared>> -> memref<16x128xf32, #tpu.memory_space<vmem_shared>>
    %dma_wait3A_388 = arith.constant 0 : i32
    %dma_wait3A_389 = tpu.memref_slice %arg5[%mul3A_385, %dma_wait3A_388] : memref<10240x128xf32, #tpu.memory_space<vmem_shared>> -> memref<16x128xf32, #tpu.memory_space<vmem_shared>>
    tpu.wait_dma2 semaphore(%arg14 : memref<!tpu.dma_semaphore, #tpu.memory_space<semaphore_mem>>) src(%arg12 : memref<16x128xf32, #tpu.memory_space<vmem>>) dst(%dma_wait3A_389 : memref<16x128xf32, #tpu.memory_space<vmem_shared>>)
    %mul3A_390 = arith.constant 640 : i32
    %mul3A_391 = arith.muli %arg1, %mul3A_390 : i32
    %dma_wait3A_392 = arith.constant 0 : i32
    %dma_wait3A_393 = tpu.memref_slice %arg5[%mul3A_391, %dma_wait3A_392] : memref<10240x128xf32, #tpu.memory_space<vmem_shared>> -> memref<16x128xf32, #tpu.memory_space<vmem_shared>>
    %dma_wait3A_394 = arith.constant 0 : i32
    %dma_wait3A_395 = tpu.memref_slice %arg5[%mul3A_391, %dma_wait3A_394] : memref<10240x128xf32, #tpu.memory_space<vmem_shared>> -> memref<16x128xf32, #tpu.memory_space<vmem_shared>>
    tpu.wait_dma2 semaphore(%arg14 : memref<!tpu.dma_semaphore, #tpu.memory_space<semaphore_mem>>) src(%arg12 : memref<16x128xf32, #tpu.memory_space<vmem>>) dst(%dma_wait3A_395 : memref<16x128xf32, #tpu.memory_space<vmem_shared>>)
    %mul3A_396 = arith.constant 640 : i32
    %mul3A_397 = arith.muli %arg1, %mul3A_396 : i32
    %dma_wait3A_398 = arith.constant 0 : i32
    %dma_wait3A_399 = tpu.memref_slice %arg5[%mul3A_397, %dma_wait3A_398] : memref<10240x128xf32, #tpu.memory_space<vmem_shared>> -> memref<16x128xf32, #tpu.memory_space<vmem_shared>>
    %dma_wait3A_400 = arith.constant 0 : i32
    %dma_wait3A_401 = tpu.memref_slice %arg5[%mul3A_397, %dma_wait3A_400] : memref<10240x128xf32, #tpu.memory_space<vmem_shared>> -> memref<16x128xf32, #tpu.memory_space<vmem_shared>>
    tpu.wait_dma2 semaphore(%arg14 : memref<!tpu.dma_semaphore, #tpu.memory_space<semaphore_mem>>) src(%arg12 : memref<16x128xf32, #tpu.memory_space<vmem>>) dst(%dma_wait3A_401 : memref<16x128xf32, #tpu.memory_space<vmem_shared>>)
    %mul3A_402 = arith.constant 640 : i32
    %mul3A_403 = arith.muli %arg1, %mul3A_402 : i32
    %dma_wait3A_404 = arith.constant 0 : i32
    %dma_wait3A_405 = tpu.memref_slice %arg5[%mul3A_403, %dma_wait3A_404] : memref<10240x128xf32, #tpu.memory_space<vmem_shared>> -> memref<16x128xf32, #tpu.memory_space<vmem_shared>>
    %dma_wait3A_406 = arith.constant 0 : i32
    %dma_wait3A_407 = tpu.memref_slice %arg5[%mul3A_403, %dma_wait3A_406] : memref<10240x128xf32, #tpu.memory_space<vmem_shared>> -> memref<16x128xf32, #tpu.memory_space<vmem_shared>>
    tpu.wait_dma2 semaphore(%arg14 : memref<!tpu.dma_semaphore, #tpu.memory_space<semaphore_mem>>) src(%arg12 : memref<16x128xf32, #tpu.memory_space<vmem>>) dst(%dma_wait3A_407 : memref<16x128xf32, #tpu.memory_space<vmem_shared>>)
    %mul3A_408 = arith.constant 640 : i32
    %mul3A_409 = arith.muli %arg1, %mul3A_408 : i32
    %dma_wait3A_410 = arith.constant 0 : i32
    %dma_wait3A_411 = tpu.memref_slice %arg5[%mul3A_409, %dma_wait3A_410] : memref<10240x128xf32, #tpu.memory_space<vmem_shared>> -> memref<16x128xf32, #tpu.memory_space<vmem_shared>>
    %dma_wait3A_412 = arith.constant 0 : i32
    %dma_wait3A_413 = tpu.memref_slice %arg5[%mul3A_409, %dma_wait3A_412] : memref<10240x128xf32, #tpu.memory_space<vmem_shared>> -> memref<16x128xf32, #tpu.memory_space<vmem_shared>>
    tpu.wait_dma2 semaphore(%arg14 : memref<!tpu.dma_semaphore, #tpu.memory_space<semaphore_mem>>) src(%arg12 : memref<16x128xf32, #tpu.memory_space<vmem>>) dst(%dma_wait3A_413 : memref<16x128xf32, #tpu.memory_space<vmem_shared>>)
    %mul3A_414 = arith.constant 640 : i32
    %mul3A_415 = arith.muli %arg1, %mul3A_414 : i32
    %dma_wait3A_416 = arith.constant 0 : i32
    %dma_wait3A_417 = tpu.memref_slice %arg5[%mul3A_415, %dma_wait3A_416] : memref<10240x128xf32, #tpu.memory_space<vmem_shared>> -> memref<16x128xf32, #tpu.memory_space<vmem_shared>>
    %dma_wait3A_418 = arith.constant 0 : i32
    %dma_wait3A_419 = tpu.memref_slice %arg5[%mul3A_415, %dma_wait3A_418] : memref<10240x128xf32, #tpu.memory_space<vmem_shared>> -> memref<16x128xf32, #tpu.memory_space<vmem_shared>>
    tpu.wait_dma2 semaphore(%arg14 : memref<!tpu.dma_semaphore, #tpu.memory_space<semaphore_mem>>) src(%arg12 : memref<16x128xf32, #tpu.memory_space<vmem>>) dst(%dma_wait3A_419 : memref<16x128xf32, #tpu.memory_space<vmem_shared>>)
    %mul3A_420 = arith.constant 640 : i32
    %mul3A_421 = arith.muli %arg1, %mul3A_420 : i32
    %dma_wait3A_422 = arith.constant 0 : i32
    %dma_wait3A_423 = tpu.memref_slice %arg5[%mul3A_421, %dma_wait3A_422] : memref<10240x128xf32, #tpu.memory_space<vmem_shared>> -> memref<16x128xf32, #tpu.memory_space<vmem_shared>>
    %dma_wait3A_424 = arith.constant 0 : i32
    %dma_wait3A_425 = tpu.memref_slice %arg5[%mul3A_421, %dma_wait3A_424] : memref<10240x128xf32, #tpu.memory_space<vmem_shared>> -> memref<16x128xf32, #tpu.memory_space<vmem_shared>>
    tpu.wait_dma2 semaphore(%arg14 : memref<!tpu.dma_semaphore, #tpu.memory_space<semaphore_mem>>) src(%arg12 : memref<16x128xf32, #tpu.memory_space<vmem>>) dst(%dma_wait3A_425 : memref<16x128xf32, #tpu.memory_space<vmem_shared>>)
    %mul3A_426 = arith.constant 640 : i32
    %mul3A_427 = arith.muli %arg1, %mul3A_426 : i32
    %dma_wait3A_428 = arith.constant 0 : i32
    %dma_wait3A_429 = tpu.memref_slice %arg5[%mul3A_427, %dma_wait3A_428] : memref<10240x128xf32, #tpu.memory_space<vmem_shared>> -> memref<16x128xf32, #tpu.memory_space<vmem_shared>>
    %dma_wait3A_430 = arith.constant 0 : i32
    %dma_wait3A_431 = tpu.memref_slice %arg5[%mul3A_427, %dma_wait3A_430] : memref<10240x128xf32, #tpu.memory_space<vmem_shared>> -> memref<16x128xf32, #tpu.memory_space<vmem_shared>>
    tpu.wait_dma2 semaphore(%arg14 : memref<!tpu.dma_semaphore, #tpu.memory_space<semaphore_mem>>) src(%arg12 : memref<16x128xf32, #tpu.memory_space<vmem>>) dst(%dma_wait3A_431 : memref<16x128xf32, #tpu.memory_space<vmem_shared>>)
    %mul3A_432 = arith.constant 640 : i32
    %mul3A_433 = arith.muli %arg1, %mul3A_432 : i32
    %dma_wait3A_434 = arith.constant 0 : i32
    %dma_wait3A_435 = tpu.memref_slice %arg5[%mul3A_433, %dma_wait3A_434] : memref<10240x128xf32, #tpu.memory_space<vmem_shared>> -> memref<16x128xf32, #tpu.memory_space<vmem_shared>>
    %dma_wait3A_436 = arith.constant 0 : i32
    %dma_wait3A_437 = tpu.memref_slice %arg5[%mul3A_433, %dma_wait3A_436] : memref<10240x128xf32, #tpu.memory_space<vmem_shared>> -> memref<16x128xf32, #tpu.memory_space<vmem_shared>>
    tpu.wait_dma2 semaphore(%arg14 : memref<!tpu.dma_semaphore, #tpu.memory_space<semaphore_mem>>) src(%arg12 : memref<16x128xf32, #tpu.memory_space<vmem>>) dst(%dma_wait3A_437 : memref<16x128xf32, #tpu.memory_space<vmem_shared>>)
    %mul3A_438 = arith.constant 640 : i32
    %mul3A_439 = arith.muli %arg1, %mul3A_438 : i32
    %dma_wait3A_440 = arith.constant 0 : i32
    %dma_wait3A_441 = tpu.memref_slice %arg5[%mul3A_439, %dma_wait3A_440] : memref<10240x128xf32, #tpu.memory_space<vmem_shared>> -> memref<16x128xf32, #tpu.memory_space<vmem_shared>>
    %dma_wait3A_442 = arith.constant 0 : i32
    %dma_wait3A_443 = tpu.memref_slice %arg5[%mul3A_439, %dma_wait3A_442] : memref<10240x128xf32, #tpu.memory_space<vmem_shared>> -> memref<16x128xf32, #tpu.memory_space<vmem_shared>>
    tpu.wait_dma2 semaphore(%arg14 : memref<!tpu.dma_semaphore, #tpu.memory_space<semaphore_mem>>) src(%arg12 : memref<16x128xf32, #tpu.memory_space<vmem>>) dst(%dma_wait3A_443 : memref<16x128xf32, #tpu.memory_space<vmem_shared>>)
    %mul3A_444 = arith.constant 640 : i32
    %mul3A_445 = arith.muli %arg1, %mul3A_444 : i32
    %dma_wait3A_446 = arith.constant 0 : i32
    %dma_wait3A_447 = tpu.memref_slice %arg5[%mul3A_445, %dma_wait3A_446] : memref<10240x128xf32, #tpu.memory_space<vmem_shared>> -> memref<16x128xf32, #tpu.memory_space<vmem_shared>>
    %dma_wait3A_448 = arith.constant 0 : i32
    %dma_wait3A_449 = tpu.memref_slice %arg5[%mul3A_445, %dma_wait3A_448] : memref<10240x128xf32, #tpu.memory_space<vmem_shared>> -> memref<16x128xf32, #tpu.memory_space<vmem_shared>>
    tpu.wait_dma2 semaphore(%arg14 : memref<!tpu.dma_semaphore, #tpu.memory_space<semaphore_mem>>) src(%arg12 : memref<16x128xf32, #tpu.memory_space<vmem>>) dst(%dma_wait3A_449 : memref<16x128xf32, #tpu.memory_space<vmem_shared>>)
    %mul3A_450 = arith.constant 640 : i32
    %mul3A_451 = arith.muli %arg1, %mul3A_450 : i32
    %dma_wait3A_452 = arith.constant 0 : i32
    %dma_wait3A_453 = tpu.memref_slice %arg5[%mul3A_451, %dma_wait3A_452] : memref<10240x128xf32, #tpu.memory_space<vmem_shared>> -> memref<16x128xf32, #tpu.memory_space<vmem_shared>>
    %dma_wait3A_454 = arith.constant 0 : i32
    %dma_wait3A_455 = tpu.memref_slice %arg5[%mul3A_451, %dma_wait3A_454] : memref<10240x128xf32, #tpu.memory_space<vmem_shared>> -> memref<16x128xf32, #tpu.memory_space<vmem_shared>>
    tpu.wait_dma2 semaphore(%arg14 : memref<!tpu.dma_semaphore, #tpu.memory_space<semaphore_mem>>) src(%arg12 : memref<16x128xf32, #tpu.memory_space<vmem>>) dst(%dma_wait3A_455 : memref<16x128xf32, #tpu.memory_space<vmem_shared>>)
    %mul3A_456 = arith.constant 640 : i32
    %mul3A_457 = arith.muli %arg1, %mul3A_456 : i32
    %dma_wait3A_458 = arith.constant 0 : i32
    %dma_wait3A_459 = tpu.memref_slice %arg5[%mul3A_457, %dma_wait3A_458] : memref<10240x128xf32, #tpu.memory_space<vmem_shared>> -> memref<16x128xf32, #tpu.memory_space<vmem_shared>>
    %dma_wait3A_460 = arith.constant 0 : i32
    %dma_wait3A_461 = tpu.memref_slice %arg5[%mul3A_457, %dma_wait3A_460] : memref<10240x128xf32, #tpu.memory_space<vmem_shared>> -> memref<16x128xf32, #tpu.memory_space<vmem_shared>>
    tpu.wait_dma2 semaphore(%arg14 : memref<!tpu.dma_semaphore, #tpu.memory_space<semaphore_mem>>) src(%arg12 : memref<16x128xf32, #tpu.memory_space<vmem>>) dst(%dma_wait3A_461 : memref<16x128xf32, #tpu.memory_space<vmem_shared>>)
    %mul3A_462 = arith.constant 640 : i32
    %mul3A_463 = arith.muli %arg1, %mul3A_462 : i32
    %dma_wait3A_464 = arith.constant 0 : i32
    %dma_wait3A_465 = tpu.memref_slice %arg5[%mul3A_463, %dma_wait3A_464] : memref<10240x128xf32, #tpu.memory_space<vmem_shared>> -> memref<16x128xf32, #tpu.memory_space<vmem_shared>>
    %dma_wait3A_466 = arith.constant 0 : i32
    %dma_wait3A_467 = tpu.memref_slice %arg5[%mul3A_463, %dma_wait3A_466] : memref<10240x128xf32, #tpu.memory_space<vmem_shared>> -> memref<16x128xf32, #tpu.memory_space<vmem_shared>>
    tpu.wait_dma2 semaphore(%arg14 : memref<!tpu.dma_semaphore, #tpu.memory_space<semaphore_mem>>) src(%arg12 : memref<16x128xf32, #tpu.memory_space<vmem>>) dst(%dma_wait3A_467 : memref<16x128xf32, #tpu.memory_space<vmem_shared>>)
    %mul3A_468 = arith.constant 640 : i32
    %mul3A_469 = arith.muli %arg1, %mul3A_468 : i32
    %dma_wait3A_470 = arith.constant 0 : i32
    %dma_wait3A_471 = tpu.memref_slice %arg5[%mul3A_469, %dma_wait3A_470] : memref<10240x128xf32, #tpu.memory_space<vmem_shared>> -> memref<16x128xf32, #tpu.memory_space<vmem_shared>>
    %dma_wait3A_472 = arith.constant 0 : i32
    %dma_wait3A_473 = tpu.memref_slice %arg5[%mul3A_469, %dma_wait3A_472] : memref<10240x128xf32, #tpu.memory_space<vmem_shared>> -> memref<16x128xf32, #tpu.memory_space<vmem_shared>>
    tpu.wait_dma2 semaphore(%arg14 : memref<!tpu.dma_semaphore, #tpu.memory_space<semaphore_mem>>) src(%arg12 : memref<16x128xf32, #tpu.memory_space<vmem>>) dst(%dma_wait3A_473 : memref<16x128xf32, #tpu.memory_space<vmem_shared>>)
    %mul3A_474 = arith.constant 640 : i32
    %mul3A_475 = arith.muli %arg1, %mul3A_474 : i32
    %dma_wait3A_476 = arith.constant 0 : i32
    %dma_wait3A_477 = tpu.memref_slice %arg5[%mul3A_475, %dma_wait3A_476] : memref<10240x128xf32, #tpu.memory_space<vmem_shared>> -> memref<16x128xf32, #tpu.memory_space<vmem_shared>>
    %dma_wait3A_478 = arith.constant 0 : i32
    %dma_wait3A_479 = tpu.memref_slice %arg5[%mul3A_475, %dma_wait3A_478] : memref<10240x128xf32, #tpu.memory_space<vmem_shared>> -> memref<16x128xf32, #tpu.memory_space<vmem_shared>>
    tpu.wait_dma2 semaphore(%arg14 : memref<!tpu.dma_semaphore, #tpu.memory_space<semaphore_mem>>) src(%arg12 : memref<16x128xf32, #tpu.memory_space<vmem>>) dst(%dma_wait3A_479 : memref<16x128xf32, #tpu.memory_space<vmem_shared>>)
    %mul3A_480 = arith.constant 640 : i32
    %mul3A_481 = arith.muli %arg1, %mul3A_480 : i32
    %dma_wait3A_482 = arith.constant 0 : i32
    %dma_wait3A_483 = tpu.memref_slice %arg5[%mul3A_481, %dma_wait3A_482] : memref<10240x128xf32, #tpu.memory_space<vmem_shared>> -> memref<16x128xf32, #tpu.memory_space<vmem_shared>>
    %dma_wait3A_484 = arith.constant 0 : i32
    %dma_wait3A_485 = tpu.memref_slice %arg5[%mul3A_481, %dma_wait3A_484] : memref<10240x128xf32, #tpu.memory_space<vmem_shared>> -> memref<16x128xf32, #tpu.memory_space<vmem_shared>>
    tpu.wait_dma2 semaphore(%arg14 : memref<!tpu.dma_semaphore, #tpu.memory_space<semaphore_mem>>) src(%arg12 : memref<16x128xf32, #tpu.memory_space<vmem>>) dst(%dma_wait3A_485 : memref<16x128xf32, #tpu.memory_space<vmem_shared>>)
    %mul3A_486 = arith.constant 640 : i32
    %mul3A_487 = arith.muli %arg1, %mul3A_486 : i32
    %dma_wait3A_488 = arith.constant 0 : i32
    %dma_wait3A_489 = tpu.memref_slice %arg5[%mul3A_487, %dma_wait3A_488] : memref<10240x128xf32, #tpu.memory_space<vmem_shared>> -> memref<16x128xf32, #tpu.memory_space<vmem_shared>>
    %dma_wait3A_490 = arith.constant 0 : i32
    %dma_wait3A_491 = tpu.memref_slice %arg5[%mul3A_487, %dma_wait3A_490] : memref<10240x128xf32, #tpu.memory_space<vmem_shared>> -> memref<16x128xf32, #tpu.memory_space<vmem_shared>>
    tpu.wait_dma2 semaphore(%arg14 : memref<!tpu.dma_semaphore, #tpu.memory_space<semaphore_mem>>) src(%arg12 : memref<16x128xf32, #tpu.memory_space<vmem>>) dst(%dma_wait3A_491 : memref<16x128xf32, #tpu.memory_space<vmem_shared>>)
    %mul3A_492 = arith.constant 640 : i32
    %mul3A_493 = arith.muli %arg1, %mul3A_492 : i32
    %dma_wait3A_494 = arith.constant 0 : i32
    %dma_wait3A_495 = tpu.memref_slice %arg5[%mul3A_493, %dma_wait3A_494] : memref<10240x128xf32, #tpu.memory_space<vmem_shared>> -> memref<16x128xf32, #tpu.memory_space<vmem_shared>>
    %dma_wait3A_496 = arith.constant 0 : i32
    %dma_wait3A_497 = tpu.memref_slice %arg5[%mul3A_493, %dma_wait3A_496] : memref<10240x128xf32, #tpu.memory_space<vmem_shared>> -> memref<16x128xf32, #tpu.memory_space<vmem_shared>>
    tpu.wait_dma2 semaphore(%arg14 : memref<!tpu.dma_semaphore, #tpu.memory_space<semaphore_mem>>) src(%arg12 : memref<16x128xf32, #tpu.memory_space<vmem>>) dst(%dma_wait3A_497 : memref<16x128xf32, #tpu.memory_space<vmem_shared>>)
    %mul3A_498 = arith.constant 640 : i32
    %mul3A_499 = arith.muli %arg1, %mul3A_498 : i32
    %dma_wait3A_500 = arith.constant 0 : i32
    %dma_wait3A_501 = tpu.memref_slice %arg5[%mul3A_499, %dma_wait3A_500] : memref<10240x128xf32, #tpu.memory_space<vmem_shared>> -> memref<16x128xf32, #tpu.memory_space<vmem_shared>>
    %dma_wait3A_502 = arith.constant 0 : i32
    %dma_wait3A_503 = tpu.memref_slice %arg5[%mul3A_499, %dma_wait3A_502] : memref<10240x128xf32, #tpu.memory_space<vmem_shared>> -> memref<16x128xf32, #tpu.memory_space<vmem_shared>>
    tpu.wait_dma2 semaphore(%arg14 : memref<!tpu.dma_semaphore, #tpu.memory_space<semaphore_mem>>) src(%arg12 : memref<16x128xf32, #tpu.memory_space<vmem>>) dst(%dma_wait3A_503 : memref<16x128xf32, #tpu.memory_space<vmem_shared>>)
    %mul3A_504 = arith.constant 640 : i32
    %mul3A_505 = arith.muli %arg1, %mul3A_504 : i32
    %dma_wait3A_506 = arith.constant 0 : i32
    %dma_wait3A_507 = tpu.memref_slice %arg5[%mul3A_505, %dma_wait3A_506] : memref<10240x128xf32, #tpu.memory_space<vmem_shared>> -> memref<16x128xf32, #tpu.memory_space<vmem_shared>>
    %dma_wait3A_508 = arith.constant 0 : i32
    %dma_wait3A_509 = tpu.memref_slice %arg5[%mul3A_505, %dma_wait3A_508] : memref<10240x128xf32, #tpu.memory_space<vmem_shared>> -> memref<16x128xf32, #tpu.memory_space<vmem_shared>>
    tpu.wait_dma2 semaphore(%arg14 : memref<!tpu.dma_semaphore, #tpu.memory_space<semaphore_mem>>) src(%arg12 : memref<16x128xf32, #tpu.memory_space<vmem>>) dst(%dma_wait3A_509 : memref<16x128xf32, #tpu.memory_space<vmem_shared>>)
    %mul3A_510 = arith.constant 640 : i32
    %mul3A_511 = arith.muli %arg1, %mul3A_510 : i32
    %dma_wait3A_512 = arith.constant 0 : i32
    %dma_wait3A_513 = tpu.memref_slice %arg5[%mul3A_511, %dma_wait3A_512] : memref<10240x128xf32, #tpu.memory_space<vmem_shared>> -> memref<16x128xf32, #tpu.memory_space<vmem_shared>>
    %dma_wait3A_514 = arith.constant 0 : i32
    %dma_wait3A_515 = tpu.memref_slice %arg5[%mul3A_511, %dma_wait3A_514] : memref<10240x128xf32, #tpu.memory_space<vmem_shared>> -> memref<16x128xf32, #tpu.memory_space<vmem_shared>>
    tpu.wait_dma2 semaphore(%arg14 : memref<!tpu.dma_semaphore, #tpu.memory_space<semaphore_mem>>) src(%arg12 : memref<16x128xf32, #tpu.memory_space<vmem>>) dst(%dma_wait3A_515 : memref<16x128xf32, #tpu.memory_space<vmem_shared>>)
    %mul3A_516 = arith.constant 640 : i32
    %mul3A_517 = arith.muli %arg1, %mul3A_516 : i32
    %dma_wait3A_518 = arith.constant 0 : i32
    %dma_wait3A_519 = tpu.memref_slice %arg5[%mul3A_517, %dma_wait3A_518] : memref<10240x128xf32, #tpu.memory_space<vmem_shared>> -> memref<16x128xf32, #tpu.memory_space<vmem_shared>>
    %dma_wait3A_520 = arith.constant 0 : i32
    %dma_wait3A_521 = tpu.memref_slice %arg5[%mul3A_517, %dma_wait3A_520] : memref<10240x128xf32, #tpu.memory_space<vmem_shared>> -> memref<16x128xf32, #tpu.memory_space<vmem_shared>>
    tpu.wait_dma2 semaphore(%arg14 : memref<!tpu.dma_semaphore, #tpu.memory_space<semaphore_mem>>) src(%arg12 : memref<16x128xf32, #tpu.memory_space<vmem>>) dst(%dma_wait3A_521 : memref<16x128xf32, #tpu.memory_space<vmem_shared>>)
    %mul3A_522 = arith.constant 640 : i32
    %mul3A_523 = arith.muli %arg1, %mul3A_522 : i32
    %dma_wait3A_524 = arith.constant 0 : i32
    %dma_wait3A_525 = tpu.memref_slice %arg5[%mul3A_523, %dma_wait3A_524] : memref<10240x128xf32, #tpu.memory_space<vmem_shared>> -> memref<16x128xf32, #tpu.memory_space<vmem_shared>>
    %dma_wait3A_526 = arith.constant 0 : i32
    %dma_wait3A_527 = tpu.memref_slice %arg5[%mul3A_523, %dma_wait3A_526] : memref<10240x128xf32, #tpu.memory_space<vmem_shared>> -> memref<16x128xf32, #tpu.memory_space<vmem_shared>>
    tpu.wait_dma2 semaphore(%arg14 : memref<!tpu.dma_semaphore, #tpu.memory_space<semaphore_mem>>) src(%arg12 : memref<16x128xf32, #tpu.memory_space<vmem>>) dst(%dma_wait3A_527 : memref<16x128xf32, #tpu.memory_space<vmem_shared>>)
    %mul3A_528 = arith.constant 640 : i32
    %mul3A_529 = arith.muli %arg1, %mul3A_528 : i32
    %dma_wait3A_530 = arith.constant 0 : i32
    %dma_wait3A_531 = tpu.memref_slice %arg5[%mul3A_529, %dma_wait3A_530] : memref<10240x128xf32, #tpu.memory_space<vmem_shared>> -> memref<16x128xf32, #tpu.memory_space<vmem_shared>>
    %dma_wait3A_532 = arith.constant 0 : i32
    %dma_wait3A_533 = tpu.memref_slice %arg5[%mul3A_529, %dma_wait3A_532] : memref<10240x128xf32, #tpu.memory_space<vmem_shared>> -> memref<16x128xf32, #tpu.memory_space<vmem_shared>>
    tpu.wait_dma2 semaphore(%arg14 : memref<!tpu.dma_semaphore, #tpu.memory_space<semaphore_mem>>) src(%arg12 : memref<16x128xf32, #tpu.memory_space<vmem>>) dst(%dma_wait3A_533 : memref<16x128xf32, #tpu.memory_space<vmem_shared>>)
    %mul3A_534 = arith.constant 640 : i32
    %mul3A_535 = arith.muli %arg1, %mul3A_534 : i32
    %dma_wait3A_536 = arith.constant 0 : i32
    %dma_wait3A_537 = tpu.memref_slice %arg5[%mul3A_535, %dma_wait3A_536] : memref<10240x128xf32, #tpu.memory_space<vmem_shared>> -> memref<16x128xf32, #tpu.memory_space<vmem_shared>>
    %dma_wait3A_538 = arith.constant 0 : i32
    %dma_wait3A_539 = tpu.memref_slice %arg5[%mul3A_535, %dma_wait3A_538] : memref<10240x128xf32, #tpu.memory_space<vmem_shared>> -> memref<16x128xf32, #tpu.memory_space<vmem_shared>>
    tpu.wait_dma2 semaphore(%arg14 : memref<!tpu.dma_semaphore, #tpu.memory_space<semaphore_mem>>) src(%arg12 : memref<16x128xf32, #tpu.memory_space<vmem>>) dst(%dma_wait3A_539 : memref<16x128xf32, #tpu.memory_space<vmem_shared>>)
    %mul3A_540 = arith.constant 640 : i32
    %mul3A_541 = arith.muli %arg1, %mul3A_540 : i32
    %dma_wait3A_542 = arith.constant 0 : i32
    %dma_wait3A_543 = tpu.memref_slice %arg5[%mul3A_541, %dma_wait3A_542] : memref<10240x128xf32, #tpu.memory_space<vmem_shared>> -> memref<16x128xf32, #tpu.memory_space<vmem_shared>>
    %dma_wait3A_544 = arith.constant 0 : i32
    %dma_wait3A_545 = tpu.memref_slice %arg5[%mul3A_541, %dma_wait3A_544] : memref<10240x128xf32, #tpu.memory_space<vmem_shared>> -> memref<16x128xf32, #tpu.memory_space<vmem_shared>>
    tpu.wait_dma2 semaphore(%arg14 : memref<!tpu.dma_semaphore, #tpu.memory_space<semaphore_mem>>) src(%arg12 : memref<16x128xf32, #tpu.memory_space<vmem>>) dst(%dma_wait3A_545 : memref<16x128xf32, #tpu.memory_space<vmem_shared>>)
    %mul3A_546 = arith.constant 640 : i32
    %mul3A_547 = arith.muli %arg1, %mul3A_546 : i32
    %dma_wait3A_548 = arith.constant 0 : i32
    %dma_wait3A_549 = tpu.memref_slice %arg5[%mul3A_547, %dma_wait3A_548] : memref<10240x128xf32, #tpu.memory_space<vmem_shared>> -> memref<16x128xf32, #tpu.memory_space<vmem_shared>>
    %dma_wait3A_550 = arith.constant 0 : i32
    %dma_wait3A_551 = tpu.memref_slice %arg5[%mul3A_547, %dma_wait3A_550] : memref<10240x128xf32, #tpu.memory_space<vmem_shared>> -> memref<16x128xf32, #tpu.memory_space<vmem_shared>>
    tpu.wait_dma2 semaphore(%arg14 : memref<!tpu.dma_semaphore, #tpu.memory_space<semaphore_mem>>) src(%arg12 : memref<16x128xf32, #tpu.memory_space<vmem>>) dst(%dma_wait3A_551 : memref<16x128xf32, #tpu.memory_space<vmem_shared>>)
    %mul3A_552 = arith.constant 640 : i32
    %mul3A_553 = arith.muli %arg1, %mul3A_552 : i32
    %dma_wait3A_554 = arith.constant 0 : i32
    %dma_wait3A_555 = tpu.memref_slice %arg5[%mul3A_553, %dma_wait3A_554] : memref<10240x128xf32, #tpu.memory_space<vmem_shared>> -> memref<16x128xf32, #tpu.memory_space<vmem_shared>>
    %dma_wait3A_556 = arith.constant 0 : i32
    %dma_wait3A_557 = tpu.memref_slice %arg5[%mul3A_553, %dma_wait3A_556] : memref<10240x128xf32, #tpu.memory_space<vmem_shared>> -> memref<16x128xf32, #tpu.memory_space<vmem_shared>>
    tpu.wait_dma2 semaphore(%arg14 : memref<!tpu.dma_semaphore, #tpu.memory_space<semaphore_mem>>) src(%arg12 : memref<16x128xf32, #tpu.memory_space<vmem>>) dst(%dma_wait3A_557 : memref<16x128xf32, #tpu.memory_space<vmem_shared>>)
    %mul3A_558 = arith.constant 640 : i32
    %mul3A_559 = arith.muli %arg1, %mul3A_558 : i32
    %dma_wait3A_560 = arith.constant 0 : i32
    %dma_wait3A_561 = tpu.memref_slice %arg5[%mul3A_559, %dma_wait3A_560] : memref<10240x128xf32, #tpu.memory_space<vmem_shared>> -> memref<16x128xf32, #tpu.memory_space<vmem_shared>>
    %dma_wait3A_562 = arith.constant 0 : i32
    %dma_wait3A_563 = tpu.memref_slice %arg5[%mul3A_559, %dma_wait3A_562] : memref<10240x128xf32, #tpu.memory_space<vmem_shared>> -> memref<16x128xf32, #tpu.memory_space<vmem_shared>>
    tpu.wait_dma2 semaphore(%arg14 : memref<!tpu.dma_semaphore, #tpu.memory_space<semaphore_mem>>) src(%arg12 : memref<16x128xf32, #tpu.memory_space<vmem>>) dst(%dma_wait3A_563 : memref<16x128xf32, #tpu.memory_space<vmem_shared>>)
    %mul3A_564 = arith.constant 640 : i32
    %mul3A_565 = arith.muli %arg1, %mul3A_564 : i32
    %dma_wait3A_566 = arith.constant 0 : i32
    %dma_wait3A_567 = tpu.memref_slice %arg5[%mul3A_565, %dma_wait3A_566] : memref<10240x128xf32, #tpu.memory_space<vmem_shared>> -> memref<16x128xf32, #tpu.memory_space<vmem_shared>>
    %dma_wait3A_568 = arith.constant 0 : i32
    %dma_wait3A_569 = tpu.memref_slice %arg5[%mul3A_565, %dma_wait3A_568] : memref<10240x128xf32, #tpu.memory_space<vmem_shared>> -> memref<16x128xf32, #tpu.memory_space<vmem_shared>>
    tpu.wait_dma2 semaphore(%arg14 : memref<!tpu.dma_semaphore, #tpu.memory_space<semaphore_mem>>) src(%arg12 : memref<16x128xf32, #tpu.memory_space<vmem>>) dst(%dma_wait3A_569 : memref<16x128xf32, #tpu.memory_space<vmem_shared>>)
    %mul3A_570 = arith.constant 640 : i32
    %mul3A_571 = arith.muli %arg1, %mul3A_570 : i32
    %dma_wait3A_572 = arith.constant 0 : i32
    %dma_wait3A_573 = tpu.memref_slice %arg5[%mul3A_571, %dma_wait3A_572] : memref<10240x128xf32, #tpu.memory_space<vmem_shared>> -> memref<16x128xf32, #tpu.memory_space<vmem_shared>>
    %dma_wait3A_574 = arith.constant 0 : i32
    %dma_wait3A_575 = tpu.memref_slice %arg5[%mul3A_571, %dma_wait3A_574] : memref<10240x128xf32, #tpu.memory_space<vmem_shared>> -> memref<16x128xf32, #tpu.memory_space<vmem_shared>>
    tpu.wait_dma2 semaphore(%arg14 : memref<!tpu.dma_semaphore, #tpu.memory_space<semaphore_mem>>) src(%arg12 : memref<16x128xf32, #tpu.memory_space<vmem>>) dst(%dma_wait3A_575 : memref<16x128xf32, #tpu.memory_space<vmem_shared>>)
    %barrier3A = arith.constant 0 : index
    tpu.barrier barrier_id(%barrier3A)
    %add3A_576 = arith.constant 9984 : i32
    %add3A_577 = arith.addi %mul3A_1, %add3A_576 : i32
    %add3A_578 = arith.constant 160000 : i32
    %add3A_579 = arith.addi %add3A_578, %add3A_577 : i32
    "tpu.region"() ({
      %run_scoped3A = tpu.sem_alloc : memref<!tpu.dma_semaphore, #tpu.memory_space<semaphore_mem>>
      %dma_start3A_671 = tpu.memref_slice %arg3[%add3A_579] : memref<320000xi32, #tpu.memory_space<hbm>> -> memref<16xi32, #tpu.memory_space<hbm>>
      %dma_start3A_672 = tpu.memref_slice %arg3[%add3A_579] : memref<320000xi32, #tpu.memory_space<hbm>> -> memref<16xi32, #tpu.memory_space<hbm>>
      tpu.enqueue_dma source(%dma_start3A_672 : memref<16xi32, #tpu.memory_space<hbm>>) target(%arg11 : memref<16xi32, #tpu.memory_space<vmem>>) target_semaphore(%run_scoped3A : memref<!tpu.dma_semaphore, #tpu.memory_space<semaphore_mem>>)
      %dma_wait3A_673 = tpu.memref_slice %arg3[%add3A_579] : memref<320000xi32, #tpu.memory_space<hbm>> -> memref<16xi32, #tpu.memory_space<hbm>>
      %dma_wait3A_674 = tpu.memref_slice %arg3[%add3A_579] : memref<320000xi32, #tpu.memory_space<hbm>> -> memref<16xi32, #tpu.memory_space<hbm>>
      tpu.wait_dma2 semaphore(%run_scoped3A : memref<!tpu.dma_semaphore, #tpu.memory_space<semaphore_mem>>) src(%dma_wait3A_674 : memref<16xi32, #tpu.memory_space<hbm>>) dst(%arg11 : memref<16xi32, #tpu.memory_space<vmem>>)
      tpu.yield
    }) : () -> ()
    %dma_start3A_580 = arith.constant 0 : i32
    %dma_start3A_581 = arith.constant 0 : i32
    %dma_start3A_582 = tpu.memref_slice %arg6[%dma_start3A_580, %dma_start3A_581] : memref<128x128xf32, #tpu.memory_space<vmem>> -> memref<16x128xf32, #tpu.memory_space<vmem>>
    %dma_start3A_583 = arith.constant 9984 : i32
    %dma_start3A_584 = tpu.memref_slice %arg8[%dma_start3A_583] : memref<10000xi32, #tpu.memory_space<vmem>> -> memref<16xi32, #tpu.memory_space<vmem>>
    %dma_start3A_585 = arith.constant 0 : i32
    %dma_start3A_586 = arith.constant 0 : i32
    %dma_start3A_587 = tpu.memref_slice %arg2[%dma_start3A_585, %dma_start3A_586] : memref<20480x128xf32, #tpu.memory_space<hbm>> -> memref<20480x128xf32, #tpu.memory_space<hbm>>
    tpu.enqueue_indirect_dma source(%dma_start3A_587 : memref<20480x128xf32, #tpu.memory_space<hbm>>) target(%dma_start3A_582 : memref<16x128xf32, #tpu.memory_space<vmem>>) offsets(%dma_start3A_584 : memref<16xi32, #tpu.memory_space<vmem>>) semaphore(%arg15 : memref<!tpu.dma_semaphore, #tpu.memory_space<semaphore_mem>>)
    %dma_wait3A_588 = arith.constant 0 : i32
    %dma_wait3A_589 = arith.constant 0 : i32
    %dma_wait3A_590 = tpu.memref_slice %arg6[%dma_wait3A_588, %dma_wait3A_589] : memref<128x128xf32, #tpu.memory_space<vmem>> -> memref<16x128xf32, #tpu.memory_space<vmem>>
    %dma_wait3A_591 = arith.constant 9984 : i32
    %dma_wait3A_592 = tpu.memref_slice %arg8[%dma_wait3A_591] : memref<10000xi32, #tpu.memory_space<vmem>> -> memref<16xi32, #tpu.memory_space<vmem>>
    %dma_wait3A_593 = arith.constant 0 : i32
    %dma_wait3A_594 = arith.constant 0 : i32
    %dma_wait3A_595 = tpu.memref_slice %arg2[%dma_wait3A_593, %dma_wait3A_594] : memref<20480x128xf32, #tpu.memory_space<hbm>> -> memref<20480x128xf32, #tpu.memory_space<hbm>>
    tpu.wait_indirect_dma semaphore(%arg15 : memref<!tpu.dma_semaphore, #tpu.memory_space<semaphore_mem>>) src(%dma_wait3A_595 : memref<20480x128xf32, #tpu.memory_space<hbm>>) dst(%dma_wait3A_590 : memref<16x128xf32, #tpu.memory_space<vmem>>)
    %dma_start3A_596 = arith.constant 0 : i32
    %dma_start3A_597 = arith.constant 0 : i32
    %dma_start3A_598 = tpu.memref_slice %arg6[%dma_start3A_596, %dma_start3A_597] : memref<128x128xf32, #tpu.memory_space<vmem>> -> memref<16x128xf32, #tpu.memory_space<vmem>>
    %dma_start3A_599 = arith.constant 0 : i32
    %dma_start3A_600 = arith.constant 0 : i32
    %dma_start3A_601 = tpu.memref_slice %arg5[%dma_start3A_599, %dma_start3A_600] : memref<10240x128xf32, #tpu.memory_space<vmem_shared>> -> memref<10240x128xf32, #tpu.memory_space<vmem_shared>>
    tpu.enqueue_indirect_dma source(%dma_start3A_598 : memref<16x128xf32, #tpu.memory_space<vmem>>) target(%dma_start3A_601 : memref<10240x128xf32, #tpu.memory_space<vmem_shared>>) offsets(%arg11 : memref<16xi32, #tpu.memory_space<vmem>>) semaphore(%arg17 : memref<!tpu.dma_semaphore, #tpu.memory_space<semaphore_mem>>) {add = true}
    %dma_wait3A_602 = arith.constant 0 : i32
    %dma_wait3A_603 = arith.constant 0 : i32
    %dma_wait3A_604 = tpu.memref_slice %arg6[%dma_wait3A_602, %dma_wait3A_603] : memref<128x128xf32, #tpu.memory_space<vmem>> -> memref<16x128xf32, #tpu.memory_space<vmem>>
    %dma_wait3A_605 = arith.constant 0 : i32
    %dma_wait3A_606 = arith.constant 0 : i32
    %dma_wait3A_607 = tpu.memref_slice %arg5[%dma_wait3A_605, %dma_wait3A_606] : memref<10240x128xf32, #tpu.memory_space<vmem_shared>> -> memref<10240x128xf32, #tpu.memory_space<vmem_shared>>
    tpu.wait_indirect_dma semaphore(%arg17 : memref<!tpu.dma_semaphore, #tpu.memory_space<semaphore_mem>>) src(%dma_wait3A_604 : memref<16x128xf32, #tpu.memory_space<vmem>>) dst(%dma_wait3A_607 : memref<10240x128xf32, #tpu.memory_space<vmem_shared>>)
    %add3A_608 = arith.constant 160000 : i32
    %add3A_609 = arith.addi %add3A_608, %mul3A_1 : i32
    "tpu.region"() ({
      %run_scoped3A = tpu.sem_alloc : memref<!tpu.dma_semaphore, #tpu.memory_space<semaphore_mem>>
      %dma_start3A_671 = tpu.memref_slice %arg3[%add3A_609] : memref<320000xi32, #tpu.memory_space<hbm>> -> memref<128xi32, #tpu.memory_space<hbm>>
      %dma_start3A_672 = tpu.memref_slice %arg3[%add3A_609] : memref<320000xi32, #tpu.memory_space<hbm>> -> memref<128xi32, #tpu.memory_space<hbm>>
      tpu.enqueue_dma source(%dma_start3A_672 : memref<128xi32, #tpu.memory_space<hbm>>) target(%arg9 : memref<128xi32, #tpu.memory_space<vmem>>) target_semaphore(%run_scoped3A : memref<!tpu.dma_semaphore, #tpu.memory_space<semaphore_mem>>)
      %dma_wait3A_673 = tpu.memref_slice %arg3[%add3A_609] : memref<320000xi32, #tpu.memory_space<hbm>> -> memref<128xi32, #tpu.memory_space<hbm>>
      %dma_wait3A_674 = tpu.memref_slice %arg3[%add3A_609] : memref<320000xi32, #tpu.memory_space<hbm>> -> memref<128xi32, #tpu.memory_space<hbm>>
      tpu.wait_dma2 semaphore(%run_scoped3A : memref<!tpu.dma_semaphore, #tpu.memory_space<semaphore_mem>>) src(%dma_wait3A_674 : memref<128xi32, #tpu.memory_space<hbm>>) dst(%arg9 : memref<128xi32, #tpu.memory_space<vmem>>)
      tpu.yield
    }) : () -> ()
    %dma_start3A_610 = arith.constant 0 : i32
    %dma_start3A_611 = tpu.memref_slice %arg8[%dma_start3A_610] : memref<10000xi32, #tpu.memory_space<vmem>> -> memref<128xi32, #tpu.memory_space<vmem>>
    %dma_start3A_612 = arith.constant 0 : i32
    %dma_start3A_613 = arith.constant 0 : i32
    %dma_start3A_614 = tpu.memref_slice %arg2[%dma_start3A_612, %dma_start3A_613] : memref<20480x128xf32, #tpu.memory_space<hbm>> -> memref<20480x128xf32, #tpu.memory_space<hbm>>
    tpu.enqueue_indirect_dma source(%dma_start3A_614 : memref<20480x128xf32, #tpu.memory_space<hbm>>) target(%arg6 : memref<128x128xf32, #tpu.memory_space<vmem>>) offsets(%dma_start3A_611 : memref<128xi32, #tpu.memory_space<vmem>>) semaphore(%arg15 : memref<!tpu.dma_semaphore, #tpu.memory_space<semaphore_mem>>)
    %scan3A_615 = arith.constant 0 : i32
    %scan3A_616 = arith.constant 0 : i32
    %scan3A_617 = arith.constant 38 : i32
    %scan3A_618 = arith.addi %scan3A_616, %scan3A_617 : i32
    %scan3A_619 = arith.constant 1 : i32
    scf.for %scan3A_671 = %scan3A_616 to %scan3A_618 step %scan3A_619  : i32 {
      %mul3A_672 = arith.constant 2 : i32
      %mul3A_673 = arith.muli %mul3A_672, %scan3A_671 : i32
      %gt3A = arith.constant 0 : i32
      %gt3A_674 = arith.cmpi sgt, %scan3A_671, %gt3A : i32
      %convert_element_type3A = arith.extui %gt3A_674 : i1 to i32
      %cond3A = arith.constant 0 : i32
      %cond3A_675 = arith.cmpi ne, %convert_element_type3A, %cond3A : i32
      scf.if %cond3A_675 {
        %dma_wait3A_738 = arith.constant 0 : i32
        %dma_wait3A_739 = arith.constant 0 : i32
        %dma_wait3A_740 = tpu.memref_slice %arg5[%dma_wait3A_738, %dma_wait3A_739] : memref<10240x128xf32, #tpu.memory_space<vmem_shared>> -> memref<10240x128xf32, #tpu.memory_space<vmem_shared>>
        tpu.wait_indirect_dma semaphore(%arg18 : memref<!tpu.dma_semaphore, #tpu.memory_space<semaphore_mem>>) src(%arg7 : memref<128x128xf32, #tpu.memory_space<vmem>>) dst(%dma_wait3A_740 : memref<10240x128xf32, #tpu.memory_space<vmem_shared>>)
      } else {
      }
      %add3A_676 = arith.constant 1 : i32
      %add3A_677 = arith.addi %mul3A_673, %add3A_676 : i32
      %add3A_678 = arith.constant 160000 : i32
      %add3A_679 = arith.addi %add3A_678, %mul3A_1 : i32
      %mul3A_680 = arith.constant 128 : i32
      %mul3A_681 = arith.muli %add3A_677, %mul3A_680 : i32
      %add3A_682 = arith.addi %add3A_679, %mul3A_681 : i32
      %dma_start3A_683 = tpu.memref_slice %arg3[%add3A_682] : memref<320000xi32, #tpu.memory_space<hbm>> -> memref<128xi32, #tpu.memory_space<hbm>>
      %dma_start3A_684 = tpu.memref_slice %arg3[%add3A_682] : memref<320000xi32, #tpu.memory_space<hbm>> -> memref<128xi32, #tpu.memory_space<hbm>>
      tpu.enqueue_dma source(%dma_start3A_684 : memref<128xi32, #tpu.memory_space<hbm>>) target(%arg10 : memref<128xi32, #tpu.memory_space<vmem>>) target_semaphore(%arg20 : memref<!tpu.dma_semaphore, #tpu.memory_space<semaphore_mem>>)
      %add3A_685 = arith.constant 1 : i32
      %add3A_686 = arith.addi %mul3A_673, %add3A_685 : i32
      %mul3A_687 = arith.constant 128 : i32
      %mul3A_688 = arith.muli %add3A_686, %mul3A_687 : i32
      %dma_start3A_689 = tpu.memref_slice %arg8[%mul3A_688] : memref<10000xi32, #tpu.memory_space<vmem>> -> memref<128xi32, #tpu.memory_space<vmem>>
      %dma_start3A_690 = arith.constant 0 : i32
      %dma_start3A_691 = arith.constant 0 : i32
      %dma_start3A_692 = tpu.memref_slice %arg2[%dma_start3A_690, %dma_start3A_691] : memref<20480x128xf32, #tpu.memory_space<hbm>> -> memref<20480x128xf32, #tpu.memory_space<hbm>>
      tpu.enqueue_indirect_dma source(%dma_start3A_692 : memref<20480x128xf32, #tpu.memory_space<hbm>>) target(%arg7 : memref<128x128xf32, #tpu.memory_space<vmem>>) offsets(%dma_start3A_689 : memref<128xi32, #tpu.memory_space<vmem>>) semaphore(%arg16 : memref<!tpu.dma_semaphore, #tpu.memory_space<semaphore_mem>>)
      %dma_wait3A_693 = arith.constant 0 : i32
      %dma_wait3A_694 = tpu.memref_slice %arg8[%dma_wait3A_693] : memref<10000xi32, #tpu.memory_space<vmem>> -> memref<128xi32, #tpu.memory_space<vmem>>
      %dma_wait3A_695 = arith.constant 0 : i32
      %dma_wait3A_696 = arith.constant 0 : i32
      %dma_wait3A_697 = tpu.memref_slice %arg2[%dma_wait3A_695, %dma_wait3A_696] : memref<20480x128xf32, #tpu.memory_space<hbm>> -> memref<20480x128xf32, #tpu.memory_space<hbm>>
      tpu.wait_indirect_dma semaphore(%arg15 : memref<!tpu.dma_semaphore, #tpu.memory_space<semaphore_mem>>) src(%dma_wait3A_697 : memref<20480x128xf32, #tpu.memory_space<hbm>>) dst(%arg6 : memref<128x128xf32, #tpu.memory_space<vmem>>)
      %gt3A_698 = arith.constant 0 : i32
      %gt3A_699 = arith.cmpi sgt, %scan3A_671, %gt3A_698 : i32
      %convert_element_type3A_700 = arith.extui %gt3A_699 : i1 to i32
      %cond3A_701 = arith.constant 0 : i32
      %cond3A_702 = arith.cmpi ne, %convert_element_type3A_700, %cond3A_701 : i32
      scf.if %cond3A_702 {
        %dma_wait3A_738 = arith.constant 160000 : i32
        %dma_wait3A_739 = tpu.memref_slice %arg3[%dma_wait3A_738] : memref<320000xi32, #tpu.memory_space<hbm>> -> memref<128xi32, #tpu.memory_space<hbm>>
        %dma_wait3A_740 = arith.constant 160000 : i32
        %dma_wait3A_741 = tpu.memref_slice %arg3[%dma_wait3A_740] : memref<320000xi32, #tpu.memory_space<hbm>> -> memref<128xi32, #tpu.memory_space<hbm>>
        tpu.wait_dma2 semaphore(%arg19 : memref<!tpu.dma_semaphore, #tpu.memory_space<semaphore_mem>>) src(%dma_wait3A_741 : memref<128xi32, #tpu.memory_space<hbm>>) dst(%arg9 : memref<128xi32, #tpu.memory_space<vmem>>)
      } else {
      }
      %dma_start3A_703 = arith.constant 0 : i32
      %dma_start3A_704 = arith.constant 0 : i32
      %dma_start3A_705 = tpu.memref_slice %arg5[%dma_start3A_703, %dma_start3A_704] : memref<10240x128xf32, #tpu.memory_space<vmem_shared>> -> memref<10240x128xf32, #tpu.memory_space<vmem_shared>>
      tpu.enqueue_indirect_dma source(%arg6 : memref<128x128xf32, #tpu.memory_space<vmem>>) target(%dma_start3A_705 : memref<10240x128xf32, #tpu.memory_space<vmem_shared>>) offsets(%arg9 : memref<128xi32, #tpu.memory_space<vmem>>) semaphore(%arg17 : memref<!tpu.dma_semaphore, #tpu.memory_space<semaphore_mem>>) {add = true}
      %dma_wait3A_706 = arith.constant 0 : i32
      %dma_wait3A_707 = tpu.memref_slice %arg8[%dma_wait3A_706] : memref<10000xi32, #tpu.memory_space<vmem>> -> memref<128xi32, #tpu.memory_space<vmem>>
      %dma_wait3A_708 = arith.constant 0 : i32
      %dma_wait3A_709 = arith.constant 0 : i32
      %dma_wait3A_710 = tpu.memref_slice %arg2[%dma_wait3A_708, %dma_wait3A_709] : memref<20480x128xf32, #tpu.memory_space<hbm>> -> memref<20480x128xf32, #tpu.memory_space<hbm>>
      tpu.wait_indirect_dma semaphore(%arg16 : memref<!tpu.dma_semaphore, #tpu.memory_space<semaphore_mem>>) src(%dma_wait3A_710 : memref<20480x128xf32, #tpu.memory_space<hbm>>) dst(%arg7 : memref<128x128xf32, #tpu.memory_space<vmem>>)
      %dma_wait3A_711 = arith.constant 0 : i32
      %dma_wait3A_712 = arith.constant 0 : i32
      %dma_wait3A_713 = tpu.memref_slice %arg5[%dma_wait3A_711, %dma_wait3A_712] : memref<10240x128xf32, #tpu.memory_space<vmem_shared>> -> memref<10240x128xf32, #tpu.memory_space<vmem_shared>>
      tpu.wait_indirect_dma semaphore(%arg17 : memref<!tpu.dma_semaphore, #tpu.memory_space<semaphore_mem>>) src(%arg6 : memref<128x128xf32, #tpu.memory_space<vmem>>) dst(%dma_wait3A_713 : memref<10240x128xf32, #tpu.memory_space<vmem_shared>>)
      %add3A_714 = arith.constant 2 : i32
      %add3A_715 = arith.addi %mul3A_673, %add3A_714 : i32
      %add3A_716 = arith.constant 160000 : i32
      %add3A_717 = arith.addi %add3A_716, %mul3A_1 : i32
      %mul3A_718 = arith.constant 128 : i32
      %mul3A_719 = arith.muli %add3A_715, %mul3A_718 : i32
      %add3A_720 = arith.addi %add3A_717, %mul3A_719 : i32
      %dma_start3A_721 = tpu.memref_slice %arg3[%add3A_720] : memref<320000xi32, #tpu.memory_space<hbm>> -> memref<128xi32, #tpu.memory_space<hbm>>
      %dma_start3A_722 = tpu.memref_slice %arg3[%add3A_720] : memref<320000xi32, #tpu.memory_space<hbm>> -> memref<128xi32, #tpu.memory_space<hbm>>
      tpu.enqueue_dma source(%dma_start3A_722 : memref<128xi32, #tpu.memory_space<hbm>>) target(%arg9 : memref<128xi32, #tpu.memory_space<vmem>>) target_semaphore(%arg19 : memref<!tpu.dma_semaphore, #tpu.memory_space<semaphore_mem>>)
      %add3A_723 = arith.constant 2 : i32
      %add3A_724 = arith.addi %mul3A_673, %add3A_723 : i32
      %mul3A_725 = arith.constant 128 : i32
      %mul3A_726 = arith.muli %add3A_724, %mul3A_725 : i32
      %dma_start3A_727 = tpu.memref_slice %arg8[%mul3A_726] : memref<10000xi32, #tpu.memory_space<vmem>> -> memref<128xi32, #tpu.memory_space<vmem>>
      %dma_start3A_728 = arith.constant 0 : i32
      %dma_start3A_729 = arith.constant 0 : i32
      %dma_start3A_730 = tpu.memref_slice %arg2[%dma_start3A_728, %dma_start3A_729] : memref<20480x128xf32, #tpu.memory_space<hbm>> -> memref<20480x128xf32, #tpu.memory_space<hbm>>
      tpu.enqueue_indirect_dma source(%dma_start3A_730 : memref<20480x128xf32, #tpu.memory_space<hbm>>) target(%arg6 : memref<128x128xf32, #tpu.memory_space<vmem>>) offsets(%dma_start3A_727 : memref<128xi32, #tpu.memory_space<vmem>>) semaphore(%arg15 : memref<!tpu.dma_semaphore, #tpu.memory_space<semaphore_mem>>)
      %dma_wait3A_731 = arith.constant 160000 : i32
      %dma_wait3A_732 = tpu.memref_slice %arg3[%dma_wait3A_731] : memref<320000xi32, #tpu.memory_space<hbm>> -> memref<128xi32, #tpu.memory_space<hbm>>
      %dma_wait3A_733 = arith.constant 160000 : i32
      %dma_wait3A_734 = tpu.memref_slice %arg3[%dma_wait3A_733] : memref<320000xi32, #tpu.memory_space<hbm>> -> memref<128xi32, #tpu.memory_space<hbm>>
      tpu.wait_dma2 semaphore(%arg20 : memref<!tpu.dma_semaphore, #tpu.memory_space<semaphore_mem>>) src(%dma_wait3A_734 : memref<128xi32, #tpu.memory_space<hbm>>) dst(%arg10 : memref<128xi32, #tpu.memory_space<vmem>>)
      %dma_start3A_735 = arith.constant 0 : i32
      %dma_start3A_736 = arith.constant 0 : i32
      %dma_start3A_737 = tpu.memref_slice %arg5[%dma_start3A_735, %dma_start3A_736] : memref<10240x128xf32, #tpu.memory_space<vmem_shared>> -> memref<10240x128xf32, #tpu.memory_space<vmem_shared>>
      tpu.enqueue_indirect_dma source(%arg7 : memref<128x128xf32, #tpu.memory_space<vmem>>) target(%dma_start3A_737 : memref<10240x128xf32, #tpu.memory_space<vmem_shared>>) offsets(%arg10 : memref<128xi32, #tpu.memory_space<vmem>>) semaphore(%arg18 : memref<!tpu.dma_semaphore, #tpu.memory_space<semaphore_mem>>) {add = true}
    }
    %scan3A_620 = arith.constant 38 : i32
    %dma_wait3A_621 = arith.constant 0 : i32
    %dma_wait3A_622 = arith.constant 0 : i32
    %dma_wait3A_623 = tpu.memref_slice %arg5[%dma_wait3A_621, %dma_wait3A_622] : memref<10240x128xf32, #tpu.memory_space<vmem_shared>> -> memref<10240x128xf32, #tpu.memory_space<vmem_shared>>
    tpu.wait_indirect_dma semaphore(%arg18 : memref<!tpu.dma_semaphore, #tpu.memory_space<semaphore_mem>>) src(%arg7 : memref<128x128xf32, #tpu.memory_space<vmem>>) dst(%dma_wait3A_623 : memref<10240x128xf32, #tpu.memory_space<vmem_shared>>)
    %add3A_624 = arith.constant 160000 : i32
    %add3A_625 = arith.addi %add3A_624, %mul3A_1 : i32
    %add3A_626 = arith.constant 9856 : i32
    %add3A_627 = arith.addi %add3A_625, %add3A_626 : i32
    %dma_start3A_628 = tpu.memref_slice %arg3[%add3A_627] : memref<320000xi32, #tpu.memory_space<hbm>> -> memref<128xi32, #tpu.memory_space<hbm>>
    %dma_start3A_629 = tpu.memref_slice %arg3[%add3A_627] : memref<320000xi32, #tpu.memory_space<hbm>> -> memref<128xi32, #tpu.memory_space<hbm>>
    tpu.enqueue_dma source(%dma_start3A_629 : memref<128xi32, #tpu.memory_space<hbm>>) target(%arg10 : memref<128xi32, #tpu.memory_space<vmem>>) target_semaphore(%arg20 : memref<!tpu.dma_semaphore, #tpu.memory_space<semaphore_mem>>)
    %dma_start3A_630 = arith.constant 9856 : i32
    %dma_start3A_631 = tpu.memref_slice %arg8[%dma_start3A_630] : memref<10000xi32, #tpu.memory_space<vmem>> -> memref<128xi32, #tpu.memory_space<vmem>>
    %dma_start3A_632 = arith.constant 0 : i32
    %dma_start3A_633 = arith.constant 0 : i32
    %dma_start3A_634 = tpu.memref_slice %arg2[%dma_start3A_632, %dma_start3A_633] : memref<20480x128xf32, #tpu.memory_space<hbm>> -> memref<20480x128xf32, #tpu.memory_space<hbm>>
    tpu.enqueue_indirect_dma source(%dma_start3A_634 : memref<20480x128xf32, #tpu.memory_space<hbm>>) target(%arg7 : memref<128x128xf32, #tpu.memory_space<vmem>>) offsets(%dma_start3A_631 : memref<128xi32, #tpu.memory_space<vmem>>) semaphore(%arg16 : memref<!tpu.dma_semaphore, #tpu.memory_space<semaphore_mem>>)
    %dma_wait3A_635 = arith.constant 0 : i32
    %dma_wait3A_636 = tpu.memref_slice %arg8[%dma_wait3A_635] : memref<10000xi32, #tpu.memory_space<vmem>> -> memref<128xi32, #tpu.memory_space<vmem>>
    %dma_wait3A_637 = arith.constant 0 : i32
    %dma_wait3A_638 = arith.constant 0 : i32
    %dma_wait3A_639 = tpu.memref_slice %arg2[%dma_wait3A_637, %dma_wait3A_638] : memref<20480x128xf32, #tpu.memory_space<hbm>> -> memref<20480x128xf32, #tpu.memory_space<hbm>>
    tpu.wait_indirect_dma semaphore(%arg15 : memref<!tpu.dma_semaphore, #tpu.memory_space<semaphore_mem>>) src(%dma_wait3A_639 : memref<20480x128xf32, #tpu.memory_space<hbm>>) dst(%arg6 : memref<128x128xf32, #tpu.memory_space<vmem>>)
    %dma_wait3A_640 = arith.constant 160000 : i32
    %dma_wait3A_641 = tpu.memref_slice %arg3[%dma_wait3A_640] : memref<320000xi32, #tpu.memory_space<hbm>> -> memref<128xi32, #tpu.memory_space<hbm>>
    %dma_wait3A_642 = arith.constant 160000 : i32
    %dma_wait3A_643 = tpu.memref_slice %arg3[%dma_wait3A_642] : memref<320000xi32, #tpu.memory_space<hbm>> -> memref<128xi32, #tpu.memory_space<hbm>>
    tpu.wait_dma2 semaphore(%arg19 : memref<!tpu.dma_semaphore, #tpu.memory_space<semaphore_mem>>) src(%dma_wait3A_643 : memref<128xi32, #tpu.memory_space<hbm>>) dst(%arg9 : memref<128xi32, #tpu.memory_space<vmem>>)
    %dma_start3A_644 = arith.constant 0 : i32
    %dma_start3A_645 = arith.constant 0 : i32
    %dma_start3A_646 = tpu.memref_slice %arg5[%dma_start3A_644, %dma_start3A_645] : memref<10240x128xf32, #tpu.memory_space<vmem_shared>> -> memref<10240x128xf32, #tpu.memory_space<vmem_shared>>
    tpu.enqueue_indirect_dma source(%arg6 : memref<128x128xf32, #tpu.memory_space<vmem>>) target(%dma_start3A_646 : memref<10240x128xf32, #tpu.memory_space<vmem_shared>>) offsets(%arg9 : memref<128xi32, #tpu.memory_space<vmem>>) semaphore(%arg17 : memref<!tpu.dma_semaphore, #tpu.memory_space<semaphore_mem>>) {add = true}
    %dma_wait3A_647 = arith.constant 0 : i32
    %dma_wait3A_648 = tpu.memref_slice %arg8[%dma_wait3A_647] : memref<10000xi32, #tpu.memory_space<vmem>> -> memref<128xi32, #tpu.memory_space<vmem>>
    %dma_wait3A_649 = arith.constant 0 : i32
    %dma_wait3A_650 = arith.constant 0 : i32
    %dma_wait3A_651 = tpu.memref_slice %arg2[%dma_wait3A_649, %dma_wait3A_650] : memref<20480x128xf32, #tpu.memory_space<hbm>> -> memref<20480x128xf32, #tpu.memory_space<hbm>>
    tpu.wait_indirect_dma semaphore(%arg16 : memref<!tpu.dma_semaphore, #tpu.memory_space<semaphore_mem>>) src(%dma_wait3A_651 : memref<20480x128xf32, #tpu.memory_space<hbm>>) dst(%arg7 : memref<128x128xf32, #tpu.memory_space<vmem>>)
    %dma_wait3A_652 = arith.constant 160000 : i32
    %dma_wait3A_653 = tpu.memref_slice %arg3[%dma_wait3A_652] : memref<320000xi32, #tpu.memory_space<hbm>> -> memref<128xi32, #tpu.memory_space<hbm>>
    %dma_wait3A_654 = arith.constant 160000 : i32
    %dma_wait3A_655 = tpu.memref_slice %arg3[%dma_wait3A_654] : memref<320000xi32, #tpu.memory_space<hbm>> -> memref<128xi32, #tpu.memory_space<hbm>>
    tpu.wait_dma2 semaphore(%arg20 : memref<!tpu.dma_semaphore, #tpu.memory_space<semaphore_mem>>) src(%dma_wait3A_655 : memref<128xi32, #tpu.memory_space<hbm>>) dst(%arg10 : memref<128xi32, #tpu.memory_space<vmem>>)
    %dma_start3A_656 = arith.constant 0 : i32
    %dma_start3A_657 = arith.constant 0 : i32
    %dma_start3A_658 = tpu.memref_slice %arg5[%dma_start3A_656, %dma_start3A_657] : memref<10240x128xf32, #tpu.memory_space<vmem_shared>> -> memref<10240x128xf32, #tpu.memory_space<vmem_shared>>
    tpu.enqueue_indirect_dma source(%arg7 : memref<128x128xf32, #tpu.memory_space<vmem>>) target(%dma_start3A_658 : memref<10240x128xf32, #tpu.memory_space<vmem_shared>>) offsets(%arg10 : memref<128xi32, #tpu.memory_space<vmem>>) semaphore(%arg18 : memref<!tpu.dma_semaphore, #tpu.memory_space<semaphore_mem>>) {add = true}
    %dma_wait3A_659 = arith.constant 0 : i32
    %dma_wait3A_660 = arith.constant 0 : i32
    %dma_wait3A_661 = tpu.memref_slice %arg5[%dma_wait3A_659, %dma_wait3A_660] : memref<10240x128xf32, #tpu.memory_space<vmem_shared>> -> memref<10240x128xf32, #tpu.memory_space<vmem_shared>>
    tpu.wait_indirect_dma semaphore(%arg17 : memref<!tpu.dma_semaphore, #tpu.memory_space<semaphore_mem>>) src(%arg6 : memref<128x128xf32, #tpu.memory_space<vmem>>) dst(%dma_wait3A_661 : memref<10240x128xf32, #tpu.memory_space<vmem_shared>>)
    %dma_wait3A_662 = arith.constant 0 : i32
    %dma_wait3A_663 = arith.constant 0 : i32
    %dma_wait3A_664 = tpu.memref_slice %arg5[%dma_wait3A_662, %dma_wait3A_663] : memref<10240x128xf32, #tpu.memory_space<vmem_shared>> -> memref<10240x128xf32, #tpu.memory_space<vmem_shared>>
    tpu.wait_indirect_dma semaphore(%arg18 : memref<!tpu.dma_semaphore, #tpu.memory_space<semaphore_mem>>) src(%arg7 : memref<128x128xf32, #tpu.memory_space<vmem>>) dst(%dma_wait3A_664 : memref<10240x128xf32, #tpu.memory_space<vmem_shared>>)
    %barrier3A_665 = arith.constant 0 : index
    tpu.barrier barrier_id(%barrier3A_665)
    %mul3A_666 = arith.constant 640 : i32
    %mul3A_667 = arith.muli %arg1, %mul3A_666 : i32
    %mul3A_668 = arith.constant 10240 : i32
    %mul3A_669 = arith.muli %arg0, %mul3A_668 : i32
    %add3A_670 = arith.addi %mul3A_669, %mul3A_667 : i32
    "tpu.region"() ({
      %run_scoped3A = tpu.sem_alloc : memref<!tpu.dma_semaphore, #tpu.memory_space<semaphore_mem>>
      %dma_start3A_671 = arith.constant 0 : i32
      %dma_start3A_672 = tpu.memref_slice %arg4[%add3A_670, %dma_start3A_671] : memref<20480x128xf32, #tpu.memory_space<hbm>> -> memref<640x128xf32, #tpu.memory_space<hbm>>
      %dma_start3A_673 = arith.constant 0 : i32
      %dma_start3A_674 = tpu.memref_slice %arg5[%mul3A_667, %dma_start3A_673] : memref<10240x128xf32, #tpu.memory_space<vmem_shared>> -> memref<640x128xf32, #tpu.memory_space<vmem_shared>>
      tpu.enqueue_dma source(%dma_start3A_674 : memref<640x128xf32, #tpu.memory_space<vmem_shared>>) target(%dma_start3A_672 : memref<640x128xf32, #tpu.memory_space<hbm>>) target_semaphore(%run_scoped3A : memref<!tpu.dma_semaphore, #tpu.memory_space<semaphore_mem>>)
      %dma_wait3A_675 = arith.constant 0 : i32
      %dma_wait3A_676 = tpu.memref_slice %arg4[%add3A_670, %dma_wait3A_675] : memref<20480x128xf32, #tpu.memory_space<hbm>> -> memref<640x128xf32, #tpu.memory_space<hbm>>
      %dma_wait3A_677 = arith.constant 0 : i32
      %dma_wait3A_678 = tpu.memref_slice %arg5[%mul3A_667, %dma_wait3A_677] : memref<10240x128xf32, #tpu.memory_space<vmem_shared>> -> memref<640x128xf32, #tpu.memory_space<vmem_shared>>
      tpu.wait_dma2 semaphore(%run_scoped3A : memref<!tpu.dma_semaphore, #tpu.memory_space<semaphore_mem>>) src(%dma_wait3A_678 : memref<640x128xf32, #tpu.memory_space<vmem_shared>>) dst(%dma_wait3A_676 : memref<640x128xf32, #tpu.memory_space<hbm>>)
      tpu.yield
    }) : () -> ()
    return
  }
}

#map = affine_map<(d0, d1) -> (0)>
module attributes {stable_mosaic.version = 14 : i64} {
  func.func @deg_kernel(%arg0: i32, %arg1: i32, %arg2: memref<320000xi32, #tpu.memory_space<hbm>>, %arg3: memref<20480xf32, #tpu.memory_space<hbm>>, %arg4: memref<10240xf32, #tpu.memory_space<vmem>>, %arg5: memref<16x10240xf32, #tpu.memory_space<vmem_shared>>, %arg6: memref<10000xi32, #tpu.memory_space<vmem>>, %arg7: memref<16x640xf32, #tpu.memory_space<vmem>>, %arg8: memref<640xf32, #tpu.memory_space<vmem>>) attributes {dimension_semantics = [#tpu.dimension_semantics<core_parallel>, #tpu.dimension_semantics<subcore_parallel>], iteration_bounds = array<i64: 2, 16>, scalar_prefetch = 0 : i64, scratch_operands = 5 : i64, tpu.core_type = #tpu.core_type<sc_vector_subcore>, window_params = [{transform_indices = #map}, {transform_indices = #map}]} {
    %broadcast_in_dim3A = arith.constant 0.000000e+00 : f32
    %broadcast_in_dim3A_0 = vector.broadcast %broadcast_in_dim3A : f32 to vector<16xf32>
    %broadcast_in_dim3A_1 = arith.constant 1.000000e+00 : f32
    %broadcast_in_dim3A_2 = vector.broadcast %broadcast_in_dim3A_1 : f32 to vector<16xf32>
    %scan3A = arith.constant 0 : i32
    %scan3A_3 = arith.constant 0 : i32
    %scan3A_4 = arith.constant 640 : i32
    %scan3A_5 = arith.addi %scan3A_3, %scan3A_4 : i32
    %scan3A_6 = arith.constant 1 : i32
    scf.for %scan3A_30 = %scan3A_3 to %scan3A_5 step %scan3A_6  : i32 {
      %mul3A_31 = arith.constant 16 : i32
      %mul3A_32 = arith.muli %scan3A_30, %mul3A_31 : i32
      %swap3A = arith.index_cast %mul3A_32 : i32 to index
      %swap3A_33 = tpu.vector_load %arg4[%swap3A] {strides = array<i32>} : memref<10240xf32, #tpu.memory_space<vmem>>, vector<16xf32>,
      tpu.vector_store %arg4[%swap3A], %broadcast_in_dim3A_0 {strides = array<i32>} : memref<10240xf32, #tpu.memory_space<vmem>>, vector<16xf32>,
    }
    %scan3A_7 = arith.constant 640 : i32
    %mul3A = arith.constant 160000 : i32
    %mul3A_8 = arith.muli %arg0, %mul3A : i32
    %mul3A_9 = arith.constant 10000 : i32
    %mul3A_10 = arith.muli %arg1, %mul3A_9 : i32
    %add3A = arith.addi %mul3A_8, %mul3A_10 : i32
    "tpu.region"() ({
      %run_scoped3A = tpu.sem_alloc : memref<!tpu.dma_semaphore, #tpu.memory_space<semaphore_mem>>
      %dma_start3A = tpu.memref_slice %arg2[%add3A] : memref<320000xi32, #tpu.memory_space<hbm>> -> memref<10000xi32, #tpu.memory_space<hbm>>
      %dma_start3A_30 = tpu.memref_slice %arg2[%add3A] : memref<320000xi32, #tpu.memory_space<hbm>> -> memref<10000xi32, #tpu.memory_space<hbm>>
      tpu.enqueue_dma source(%dma_start3A_30 : memref<10000xi32, #tpu.memory_space<hbm>>) target(%arg6 : memref<10000xi32, #tpu.memory_space<vmem>>) target_semaphore(%run_scoped3A : memref<!tpu.dma_semaphore, #tpu.memory_space<semaphore_mem>>)
      %dma_wait3A = tpu.memref_slice %arg2[%add3A] : memref<320000xi32, #tpu.memory_space<hbm>> -> memref<10000xi32, #tpu.memory_space<hbm>>
      %dma_wait3A_31 = tpu.memref_slice %arg2[%add3A] : memref<320000xi32, #tpu.memory_space<hbm>> -> memref<10000xi32, #tpu.memory_space<hbm>>
      tpu.wait_dma2 semaphore(%run_scoped3A : memref<!tpu.dma_semaphore, #tpu.memory_space<semaphore_mem>>) src(%dma_wait3A_31 : memref<10000xi32, #tpu.memory_space<hbm>>) dst(%arg6 : memref<10000xi32, #tpu.memory_space<vmem>>)
      tpu.yield
    }) : () -> ()
    %scan3A_11 = arith.constant 0 : i32
    %scan3A_12 = arith.constant 0 : i32
    %scan3A_13 = arith.constant 625 : i32
    %scan3A_14 = arith.addi %scan3A_12, %scan3A_13 : i32
    %scan3A_15 = arith.constant 1 : i32
    scf.for %scan3A_30 = %scan3A_12 to %scan3A_14 step %scan3A_15  : i32 {
      %mul3A_31 = arith.constant 16 : i32
      %mul3A_32 = arith.muli %scan3A_30, %mul3A_31 : i32
      %get3A = arith.index_cast %mul3A_32 : i32 to index
      %get3A_33 = tpu.vector_load %arg6[%get3A] {strides = array<i32>} : memref<10000xi32, #tpu.memory_space<vmem>>, vector<16xi32>,
      tpu.vector_store_idx %arg4[%get3A_33], %broadcast_in_dim3A_2 {add = true} : memref<10240xf32, #tpu.memory_space<vmem>>[vector<16xi32>], vector<16xf32>,
    }
    %scan3A_16 = arith.constant 625 : i32
    "tpu.region"() ({
      %run_scoped3A = tpu.sem_alloc : memref<!tpu.dma_semaphore, #tpu.memory_space<semaphore_mem>>
      %dma_start3A = arith.constant 0 : i32
      %dma_start3A_30 = tpu.memref_slice %arg5[%arg1, %dma_start3A] : memref<16x10240xf32, #tpu.memory_space<vmem_shared>> -> memref<1x10240xf32, #tpu.memory_space<vmem_shared>>
      %dma_start3A_31 = tpu.memref_squeeze %dma_start3A_30 : memref<1x10240xf32, #tpu.memory_space<vmem_shared>> -> memref<10240xf32, #tpu.memory_space<vmem_shared>>
      %dma_start3A_32 = arith.constant 0 : i32
      %dma_start3A_33 = tpu.memref_slice %arg5[%arg1, %dma_start3A_32] : memref<16x10240xf32, #tpu.memory_space<vmem_shared>> -> memref<1x10240xf32, #tpu.memory_space<vmem_shared>>
      %dma_start3A_34 = tpu.memref_squeeze %dma_start3A_33 : memref<1x10240xf32, #tpu.memory_space<vmem_shared>> -> memref<10240xf32, #tpu.memory_space<vmem_shared>>
      tpu.enqueue_dma source(%arg4 : memref<10240xf32, #tpu.memory_space<vmem>>) target(%dma_start3A_34 : memref<10240xf32, #tpu.memory_space<vmem_shared>>) target_semaphore(%run_scoped3A : memref<!tpu.dma_semaphore, #tpu.memory_space<semaphore_mem>>)
      %dma_wait3A = arith.constant 0 : i32
      %dma_wait3A_35 = tpu.memref_slice %arg5[%arg1, %dma_wait3A] : memref<16x10240xf32, #tpu.memory_space<vmem_shared>> -> memref<1x10240xf32, #tpu.memory_space<vmem_shared>>
      %dma_wait3A_36 = tpu.memref_squeeze %dma_wait3A_35 : memref<1x10240xf32, #tpu.memory_space<vmem_shared>> -> memref<10240xf32, #tpu.memory_space<vmem_shared>>
      %dma_wait3A_37 = arith.constant 0 : i32
      %dma_wait3A_38 = tpu.memref_slice %arg5[%arg1, %dma_wait3A_37] : memref<16x10240xf32, #tpu.memory_space<vmem_shared>> -> memref<1x10240xf32, #tpu.memory_space<vmem_shared>>
      %dma_wait3A_39 = tpu.memref_squeeze %dma_wait3A_38 : memref<1x10240xf32, #tpu.memory_space<vmem_shared>> -> memref<10240xf32, #tpu.memory_space<vmem_shared>>
      tpu.wait_dma2 semaphore(%run_scoped3A : memref<!tpu.dma_semaphore, #tpu.memory_space<semaphore_mem>>) src(%arg4 : memref<10240xf32, #tpu.memory_space<vmem>>) dst(%dma_wait3A_39 : memref<10240xf32, #tpu.memory_space<vmem_shared>>)
      tpu.yield
    }) : () -> ()
    %barrier3A = arith.constant 0 : index
    tpu.barrier barrier_id(%barrier3A)
    %mul3A_17 = arith.constant 640 : i32
    %mul3A_18 = arith.muli %arg1, %mul3A_17 : i32
    "tpu.region"() ({
      %run_scoped3A = tpu.sem_alloc : memref<!tpu.dma_semaphore, #tpu.memory_space<semaphore_mem>>
      %dma_start3A = arith.constant 0 : i32
      %dma_start3A_30 = tpu.memref_slice %arg5[%dma_start3A, %mul3A_18] : memref<16x10240xf32, #tpu.memory_space<vmem_shared>> -> memref<16x640xf32, #tpu.memory_space<vmem_shared>>
      %dma_start3A_31 = arith.constant 0 : i32
      %dma_start3A_32 = tpu.memref_slice %arg5[%dma_start3A_31, %mul3A_18] : memref<16x10240xf32, #tpu.memory_space<vmem_shared>> -> memref<16x640xf32, #tpu.memory_space<vmem_shared>>
      tpu.enqueue_dma source(%dma_start3A_32 : memref<16x640xf32, #tpu.memory_space<vmem_shared>>) target(%arg7 : memref<16x640xf32, #tpu.memory_space<vmem>>) target_semaphore(%run_scoped3A : memref<!tpu.dma_semaphore, #tpu.memory_space<semaphore_mem>>)
      %dma_wait3A = arith.constant 0 : i32
      %dma_wait3A_33 = tpu.memref_slice %arg5[%dma_wait3A, %mul3A_18] : memref<16x10240xf32, #tpu.memory_space<vmem_shared>> -> memref<16x640xf32, #tpu.memory_space<vmem_shared>>
      %dma_wait3A_34 = arith.constant 0 : i32
      %dma_wait3A_35 = tpu.memref_slice %arg5[%dma_wait3A_34, %mul3A_18] : memref<16x10240xf32, #tpu.memory_space<vmem_shared>> -> memref<16x640xf32, #tpu.memory_space<vmem_shared>>
      tpu.wait_dma2 semaphore(%run_scoped3A : memref<!tpu.dma_semaphore, #tpu.memory_space<semaphore_mem>>) src(%dma_wait3A_35 : memref<16x640xf32, #tpu.memory_space<vmem_shared>>) dst(%arg7 : memref<16x640xf32, #tpu.memory_space<vmem>>)
      tpu.yield
    }) : () -> ()
    %scan3A_19 = arith.constant 0 : i32
    %scan3A_20 = arith.constant 0 : i32
    %scan3A_21 = arith.constant 40 : i32
    %scan3A_22 = arith.addi %scan3A_20, %scan3A_21 : i32
    %scan3A_23 = arith.constant 1 : i32
    scf.for %scan3A_30 = %scan3A_20 to %scan3A_22 step %scan3A_23  : i32 {
      %mul3A_31 = arith.constant 16 : i32
      %mul3A_32 = arith.muli %scan3A_30, %mul3A_31 : i32
      %get3A = arith.constant 0 : i32
      %get3A_33 = arith.index_cast %get3A : i32 to index
      %get3A_34 = arith.index_cast %mul3A_32 : i32 to index
      %get3A_35 = tpu.vector_load %arg7[%get3A_33, %get3A_34] {strides = array<i32>} : memref<16x640xf32, #tpu.memory_space<vmem>>, vector<16xf32>,
      %mul3A_36 = arith.constant 16 : i32
      %mul3A_37 = arith.muli %scan3A_30, %mul3A_36 : i32
      %get3A_38 = arith.constant 1 : i32
      %get3A_39 = arith.index_cast %get3A_38 : i32 to index
      %get3A_40 = arith.index_cast %mul3A_37 : i32 to index
      %get3A_41 = tpu.vector_load %arg7[%get3A_39, %get3A_40] {strides = array<i32>} : memref<16x640xf32, #tpu.memory_space<vmem>>, vector<16xf32>,
      %add3A_42 = arith.addf %get3A_35, %get3A_41 : vector<16xf32>
      %mul3A_43 = arith.constant 16 : i32
      %mul3A_44 = arith.muli %scan3A_30, %mul3A_43 : i32
      %get3A_45 = arith.constant 2 : i32
      %get3A_46 = arith.index_cast %get3A_45 : i32 to index
      %get3A_47 = arith.index_cast %mul3A_44 : i32 to index
      %get3A_48 = tpu.vector_load %arg7[%get3A_46, %get3A_47] {strides = array<i32>} : memref<16x640xf32, #tpu.memory_space<vmem>>, vector<16xf32>,
      %add3A_49 = arith.addf %add3A_42, %get3A_48 : vector<16xf32>
      %mul3A_50 = arith.constant 16 : i32
      %mul3A_51 = arith.muli %scan3A_30, %mul3A_50 : i32
      %get3A_52 = arith.constant 3 : i32
      %get3A_53 = arith.index_cast %get3A_52 : i32 to index
      %get3A_54 = arith.index_cast %mul3A_51 : i32 to index
      %get3A_55 = tpu.vector_load %arg7[%get3A_53, %get3A_54] {strides = array<i32>} : memref<16x640xf32, #tpu.memory_space<vmem>>, vector<16xf32>,
      %add3A_56 = arith.addf %add3A_49, %get3A_55 : vector<16xf32>
      %mul3A_57 = arith.constant 16 : i32
      %mul3A_58 = arith.muli %scan3A_30, %mul3A_57 : i32
      %get3A_59 = arith.constant 4 : i32
      %get3A_60 = arith.index_cast %get3A_59 : i32 to index
      %get3A_61 = arith.index_cast %mul3A_58 : i32 to index
      %get3A_62 = tpu.vector_load %arg7[%get3A_60, %get3A_61] {strides = array<i32>} : memref<16x640xf32, #tpu.memory_space<vmem>>, vector<16xf32>,
      %add3A_63 = arith.addf %add3A_56, %get3A_62 : vector<16xf32>
      %mul3A_64 = arith.constant 16 : i32
      %mul3A_65 = arith.muli %scan3A_30, %mul3A_64 : i32
      %get3A_66 = arith.constant 5 : i32
      %get3A_67 = arith.index_cast %get3A_66 : i32 to index
      %get3A_68 = arith.index_cast %mul3A_65 : i32 to index
      %get3A_69 = tpu.vector_load %arg7[%get3A_67, %get3A_68] {strides = array<i32>} : memref<16x640xf32, #tpu.memory_space<vmem>>, vector<16xf32>,
      %add3A_70 = arith.addf %add3A_63, %get3A_69 : vector<16xf32>
      %mul3A_71 = arith.constant 16 : i32
      %mul3A_72 = arith.muli %scan3A_30, %mul3A_71 : i32
      %get3A_73 = arith.constant 6 : i32
      %get3A_74 = arith.index_cast %get3A_73 : i32 to index
      %get3A_75 = arith.index_cast %mul3A_72 : i32 to index
      %get3A_76 = tpu.vector_load %arg7[%get3A_74, %get3A_75] {strides = array<i32>} : memref<16x640xf32, #tpu.memory_space<vmem>>, vector<16xf32>,
      %add3A_77 = arith.addf %add3A_70, %get3A_76 : vector<16xf32>
      %mul3A_78 = arith.constant 16 : i32
      %mul3A_79 = arith.muli %scan3A_30, %mul3A_78 : i32
      %get3A_80 = arith.constant 7 : i32
      %get3A_81 = arith.index_cast %get3A_80 : i32 to index
      %get3A_82 = arith.index_cast %mul3A_79 : i32 to index
      %get3A_83 = tpu.vector_load %arg7[%get3A_81, %get3A_82] {strides = array<i32>} : memref<16x640xf32, #tpu.memory_space<vmem>>, vector<16xf32>,
      %add3A_84 = arith.addf %add3A_77, %get3A_83 : vector<16xf32>
      %mul3A_85 = arith.constant 16 : i32
      %mul3A_86 = arith.muli %scan3A_30, %mul3A_85 : i32
      %get3A_87 = arith.constant 8 : i32
      %get3A_88 = arith.index_cast %get3A_87 : i32 to index
      %get3A_89 = arith.index_cast %mul3A_86 : i32 to index
      %get3A_90 = tpu.vector_load %arg7[%get3A_88, %get3A_89] {strides = array<i32>} : memref<16x640xf32, #tpu.memory_space<vmem>>, vector<16xf32>,
      %add3A_91 = arith.addf %add3A_84, %get3A_90 : vector<16xf32>
      %mul3A_92 = arith.constant 16 : i32
      %mul3A_93 = arith.muli %scan3A_30, %mul3A_92 : i32
      %get3A_94 = arith.constant 9 : i32
      %get3A_95 = arith.index_cast %get3A_94 : i32 to index
      %get3A_96 = arith.index_cast %mul3A_93 : i32 to index
      %get3A_97 = tpu.vector_load %arg7[%get3A_95, %get3A_96] {strides = array<i32>} : memref<16x640xf32, #tpu.memory_space<vmem>>, vector<16xf32>,
      %add3A_98 = arith.addf %add3A_91, %get3A_97 : vector<16xf32>
      %mul3A_99 = arith.constant 16 : i32
      %mul3A_100 = arith.muli %scan3A_30, %mul3A_99 : i32
      %get3A_101 = arith.constant 10 : i32
      %get3A_102 = arith.index_cast %get3A_101 : i32 to index
      %get3A_103 = arith.index_cast %mul3A_100 : i32 to index
      %get3A_104 = tpu.vector_load %arg7[%get3A_102, %get3A_103] {strides = array<i32>} : memref<16x640xf32, #tpu.memory_space<vmem>>, vector<16xf32>,
      %add3A_105 = arith.addf %add3A_98, %get3A_104 : vector<16xf32>
      %mul3A_106 = arith.constant 16 : i32
      %mul3A_107 = arith.muli %scan3A_30, %mul3A_106 : i32
      %get3A_108 = arith.constant 11 : i32
      %get3A_109 = arith.index_cast %get3A_108 : i32 to index
      %get3A_110 = arith.index_cast %mul3A_107 : i32 to index
      %get3A_111 = tpu.vector_load %arg7[%get3A_109, %get3A_110] {strides = array<i32>} : memref<16x640xf32, #tpu.memory_space<vmem>>, vector<16xf32>,
      %add3A_112 = arith.addf %add3A_105, %get3A_111 : vector<16xf32>
      %mul3A_113 = arith.constant 16 : i32
      %mul3A_114 = arith.muli %scan3A_30, %mul3A_113 : i32
      %get3A_115 = arith.constant 12 : i32
      %get3A_116 = arith.index_cast %get3A_115 : i32 to index
      %get3A_117 = arith.index_cast %mul3A_114 : i32 to index
      %get3A_118 = tpu.vector_load %arg7[%get3A_116, %get3A_117] {strides = array<i32>} : memref<16x640xf32, #tpu.memory_space<vmem>>, vector<16xf32>,
      %add3A_119 = arith.addf %add3A_112, %get3A_118 : vector<16xf32>
      %mul3A_120 = arith.constant 16 : i32
      %mul3A_121 = arith.muli %scan3A_30, %mul3A_120 : i32
      %get3A_122 = arith.constant 13 : i32
      %get3A_123 = arith.index_cast %get3A_122 : i32 to index
      %get3A_124 = arith.index_cast %mul3A_121 : i32 to index
      %get3A_125 = tpu.vector_load %arg7[%get3A_123, %get3A_124] {strides = array<i32>} : memref<16x640xf32, #tpu.memory_space<vmem>>, vector<16xf32>,
      %add3A_126 = arith.addf %add3A_119, %get3A_125 : vector<16xf32>
      %mul3A_127 = arith.constant 16 : i32
      %mul3A_128 = arith.muli %scan3A_30, %mul3A_127 : i32
      %get3A_129 = arith.constant 14 : i32
      %get3A_130 = arith.index_cast %get3A_129 : i32 to index
      %get3A_131 = arith.index_cast %mul3A_128 : i32 to index
      %get3A_132 = tpu.vector_load %arg7[%get3A_130, %get3A_131] {strides = array<i32>} : memref<16x640xf32, #tpu.memory_space<vmem>>, vector<16xf32>,
      %add3A_133 = arith.addf %add3A_126, %get3A_132 : vector<16xf32>
      %mul3A_134 = arith.constant 16 : i32
      %mul3A_135 = arith.muli %scan3A_30, %mul3A_134 : i32
      %get3A_136 = arith.constant 15 : i32
      %get3A_137 = arith.index_cast %get3A_136 : i32 to index
      %get3A_138 = arith.index_cast %mul3A_135 : i32 to index
      %get3A_139 = tpu.vector_load %arg7[%get3A_137, %get3A_138] {strides = array<i32>} : memref<16x640xf32, #tpu.memory_space<vmem>>, vector<16xf32>,
      %add3A_140 = arith.addf %add3A_133, %get3A_139 : vector<16xf32>
      %mul3A_141 = arith.constant 16 : i32
      %mul3A_142 = arith.muli %scan3A_30, %mul3A_141 : i32
      %swap3A = arith.index_cast %mul3A_142 : i32 to index
      %swap3A_143 = tpu.vector_load %arg8[%swap3A] {strides = array<i32>} : memref<640xf32, #tpu.memory_space<vmem>>, vector<16xf32>,
      tpu.vector_store %arg8[%swap3A], %add3A_140 {strides = array<i32>} : memref<640xf32, #tpu.memory_space<vmem>>, vector<16xf32>,
    }
    %scan3A_24 = arith.constant 40 : i32
    %mul3A_25 = arith.constant 10240 : i32
    %mul3A_26 = arith.muli %arg0, %mul3A_25 : i32
    %mul3A_27 = arith.constant 640 : i32
    %mul3A_28 = arith.muli %arg1, %mul3A_27 : i32
    %add3A_29 = arith.addi %mul3A_26, %mul3A_28 : i32
    "tpu.region"() ({
      %run_scoped3A = tpu.sem_alloc : memref<!tpu.dma_semaphore, #tpu.memory_space<semaphore_mem>>
      %dma_start3A = tpu.memref_slice %arg3[%add3A_29] : memref<20480xf32, #tpu.memory_space<hbm>> -> memref<640xf32, #tpu.memory_space<hbm>>
      %dma_start3A_30 = tpu.memref_slice %arg3[%add3A_29] : memref<20480xf32, #tpu.memory_space<hbm>> -> memref<640xf32, #tpu.memory_space<hbm>>
      tpu.enqueue_dma source(%arg8 : memref<640xf32, #tpu.memory_space<vmem>>) target(%dma_start3A_30 : memref<640xf32, #tpu.memory_space<hbm>>) target_semaphore(%run_scoped3A : memref<!tpu.dma_semaphore, #tpu.memory_space<semaphore_mem>>)
      %dma_wait3A = tpu.memref_slice %arg3[%add3A_29] : memref<20480xf32, #tpu.memory_space<hbm>> -> memref<640xf32, #tpu.memory_space<hbm>>
      %dma_wait3A_31 = tpu.memref_slice %arg3[%add3A_29] : memref<20480xf32, #tpu.memory_space<hbm>> -> memref<640xf32, #tpu.memory_space<hbm>>
      tpu.wait_dma2 semaphore(%run_scoped3A : memref<!tpu.dma_semaphore, #tpu.memory_space<semaphore_mem>>) src(%arg8 : memref<640xf32, #tpu.memory_space<vmem>>) dst(%dma_wait3A_31 : memref<640xf32, #tpu.memory_space<hbm>>)
      tpu.yield
    }) : () -> ()
    return
  }
}

module attributes {stable_mosaic.version = 14 : i64} {
  func.func @_tc1_body(%arg0: i32, %arg1: memref<1024x256xf32, #tpu.memory_space<vmem>>, %arg2: memref<256x256xf32, #tpu.memory_space<vmem>>, %arg3: memref<1024x1xf32, #tpu.memory_space<vmem>>, %arg4: memref<2048x128xf32, #tpu.memory_space<vmem>>) attributes {dimension_semantics = [#tpu.dimension_semantics<arbitrary>], iteration_bounds = array<i64: 10>, scalar_prefetch = 0 : i64, scratch_operands = 0 : i64, tpu.core_type = #tpu.core_type<tc>, window_params = [{transform_indices = @transform_0, window_bounds = array<i64: 1024, 256>}, {pipeline_mode = #tpu.pipeline_mode<synchronous>, transform_indices = @transform_1, window_bounds = array<i64: 256, 256>}, {transform_indices = @transform_2, window_bounds = array<i64: 1024, 1>}, {transform_indices = @transform_3, window_bounds = array<i64: 2048, 128>}]} {
    %get3A = arith.constant 0 : index
    %get3A_0 = arith.constant 0 : index
    %get3A_1 = vector.load %arg3[%get3A, %get3A_0] : memref<1024x1xf32, #tpu.memory_space<vmem>>, vector<1024x1xf32>
    %max3A = arith.constant 1.000000e+00 : f32
    %max3A_2 = vector.broadcast %max3A : f32 to vector<1024x1xf32>
    %max3A_3 = arith.maximumf %get3A_1, %max3A_2 : vector<1024x1xf32>
    %rsqrt3A = math.rsqrt %max3A_3 : vector<1024x1xf32>
    %get3A_4 = arith.constant 0 : index
    %get3A_5 = arith.constant 0 : index
    %get3A_6 = vector.load %arg1[%get3A_4, %get3A_5] : memref<1024x256xf32, #tpu.memory_space<vmem>>, vector<1024x256xf32>
    %mul3A = vector.broadcast %rsqrt3A : vector<1024x1xf32> to vector<1024x256xf32>
    %mul3A_7 = arith.mulf %get3A_6, %mul3A : vector<1024x256xf32>
    %get3A_8 = arith.constant 0 : index
    %get3A_9 = arith.constant 0 : index
    %get3A_10 = vector.load %arg2[%get3A_8, %get3A_9] : memref<256x256xf32, #tpu.memory_space<vmem>>, vector<256x256xf32>
    %dot_general3A = arith.constant dense<0.000000e+00> : vector<1024x256xf32>
    %dot_general3A_11 = tpu.matmul %mul3A_7, %get3A_10, %dot_general3A {dimension_numbers = #tpu.dot_dimension_numbers<[1], [0], [0], [1], [0, 0, 1, 1], [], []>, transpose_lhs_hint = false} : vector<1024x256xf32>, vector<256x256xf32>, vector<1024x256xf32> -> vector<1024x256xf32>
    %reshape3A = vector.shape_cast %dot_general3A_11 : vector<1024x256xf32> to vector<128x8x2x128xf32>
    %transpose3A = tpu.transpose %reshape3A, [0, 2, 1, 3] : vector<128x8x2x128xf32> -> vector<128x2x8x128xf32>
    %reshape3A_12 = vector.shape_cast %transpose3A : vector<128x2x8x128xf32> to vector<2048x128xf32>
    %swap3A = arith.constant 0 : index
    %swap3A_13 = arith.constant 0 : index
    %swap3A_14 = vector.load %arg4[%swap3A, %swap3A_13] : memref<2048x128xf32, #tpu.memory_space<vmem>>, vector<2048x128xf32>
    tpu.vector_store %arg4[%swap3A, %swap3A_13], %reshape3A_12 {strides = array<i32>} : memref<2048x128xf32, #tpu.memory_space<vmem>>, vector<2048x128xf32>,
    return
  }
  func.func @transform_0(%arg0: i32) -> (i32, i32) {
    %c0_i32 = arith.constant 0 : i32
    %c0_i32_0 = arith.constant 0 : i32
    return %arg0, %c0_i32 : i32, i32
  }
  func.func @transform_1(%arg0: i32) -> (i32, i32) {
    %c0_i32 = arith.constant 0 : i32
    %c0_i32_0 = arith.constant 0 : i32
    %c0_i32_1 = arith.constant 0 : i32
    return %c0_i32, %c0_i32_0 : i32, i32
  }
  func.func @transform_2(%arg0: i32) -> (i32, i32) {
    %c0_i32 = arith.constant 0 : i32
    %c0_i32_0 = arith.constant 0 : i32
    return %arg0, %c0_i32 : i32, i32
  }
  func.func @transform_3(%arg0: i32) -> (i32, i32) {
    %c0_i32 = arith.constant 0 : i32
    %c0_i32_0 = arith.constant 0 : i32
    return %arg0, %c0_i32 : i32, i32
  }
}

module attributes {stable_mosaic.version = 14 : i64} {
  func.func @_tc2_body(%arg0: i32, %arg1: memref<1024x128xf32, #tpu.memory_space<vmem>>, %arg2: memref<1024x128xf32, #tpu.memory_space<vmem>>, %arg3: memref<1024x1xf32, #tpu.memory_space<vmem>>, %arg4: memref<1024x1xf32, #tpu.memory_space<vmem>>, %arg5: memref<1x256xf32, #tpu.memory_space<vmem>>, %arg6: memref<256x256xf32, #tpu.memory_space<vmem>>, %arg7: memref<2048x128xf32, #tpu.memory_space<vmem>>) attributes {dimension_semantics = [#tpu.dimension_semantics<arbitrary>], iteration_bounds = array<i64: 10>, scalar_prefetch = 0 : i64, scratch_operands = 0 : i64, tpu.core_type = #tpu.core_type<tc>, window_params = [{transform_indices = @transform_0, window_bounds = array<i64: 1024, 128>}, {transform_indices = @transform_1, window_bounds = array<i64: 1024, 128>}, {transform_indices = @transform_2, window_bounds = array<i64: 1024, 1>}, {transform_indices = @transform_3, window_bounds = array<i64: 1024, 1>}, {pipeline_mode = #tpu.pipeline_mode<synchronous>, transform_indices = @transform_4, window_bounds = array<i64: 1, 256>}, {pipeline_mode = #tpu.pipeline_mode<synchronous>, transform_indices = @transform_5, window_bounds = array<i64: 256, 256>}, {transform_indices = @transform_6, window_bounds = array<i64: 2048, 128>}]} {
    %get3A = arith.constant 0 : index
    %get3A_0 = arith.constant 0 : index
    %get3A_1 = vector.load %arg3[%get3A, %get3A_0] : memref<1024x1xf32, #tpu.memory_space<vmem>>, vector<1024x1xf32>
    %max3A = arith.constant 1.000000e+00 : f32
    %max3A_2 = vector.broadcast %max3A : f32 to vector<1024x1xf32>
    %max3A_3 = arith.maximumf %get3A_1, %max3A_2 : vector<1024x1xf32>
    %rsqrt3A = math.rsqrt %max3A_3 : vector<1024x1xf32>
    %get3A_4 = arith.constant 0 : index
    %get3A_5 = arith.constant 0 : index
    %get3A_6 = vector.load %arg4[%get3A_4, %get3A_5] : memref<1024x1xf32, #tpu.memory_space<vmem>>, vector<1024x1xf32>
    %max3A_7 = arith.constant 1.000000e+00 : f32
    %max3A_8 = vector.broadcast %max3A_7 : f32 to vector<1024x1xf32>
    %max3A_9 = arith.maximumf %get3A_6, %max3A_8 : vector<1024x1xf32>
    %rsqrt3A_10 = math.rsqrt %max3A_9 : vector<1024x1xf32>
    %get3A_11 = arith.constant 0 : index
    %get3A_12 = arith.constant 0 : index
    %get3A_13 = vector.load %arg5[%get3A_11, %get3A_12] : memref<1x256xf32, #tpu.memory_space<vmem>>, vector<1x256xf32>
    %get3A_14 = arith.constant 0 : index
    %get3A_15 = arith.constant 0 : index
    %get3A_16 = vector.load %arg1[%get3A_14, %get3A_15] : memref<1024x128xf32, #tpu.memory_space<vmem>>, vector<1024x128xf32>
    %mul3A = vector.broadcast %rsqrt3A : vector<1024x1xf32> to vector<1024x128xf32>
    %mul3A_17 = arith.mulf %get3A_16, %mul3A : vector<1024x128xf32>
    %slice3A = vector.extract_strided_slice %get3A_13 {offsets = [0, 0], sizes = [1, 128], strides = [1, 1]} : vector<1x256xf32> to vector<1x128xf32>
    %add3A = vector.broadcast %slice3A : vector<1x128xf32> to vector<1024x128xf32>
    %add3A_18 = arith.addf %mul3A_17, %add3A : vector<1024x128xf32>
    %max3A_19 = arith.constant 0.000000e+00 : f32
    %max3A_20 = vector.broadcast %max3A_19 : f32 to vector<1024x128xf32>
    %max3A_21 = arith.maximumf %add3A_18, %max3A_20 : vector<1024x128xf32>
    %mul3A_22 = vector.broadcast %rsqrt3A_10 : vector<1024x1xf32> to vector<1024x128xf32>
    %mul3A_23 = arith.mulf %max3A_21, %mul3A_22 : vector<1024x128xf32>
    %get3A_24 = arith.constant 0 : index
    %get3A_25 = arith.constant 0 : index
    %get3A_26 = vector.load %arg2[%get3A_24, %get3A_25] : memref<1024x128xf32, #tpu.memory_space<vmem>>, vector<1024x128xf32>
    %mul3A_27 = vector.broadcast %rsqrt3A : vector<1024x1xf32> to vector<1024x128xf32>
    %mul3A_28 = arith.mulf %get3A_26, %mul3A_27 : vector<1024x128xf32>
    %slice3A_29 = vector.extract_strided_slice %get3A_13 {offsets = [0, 128], sizes = [1, 128], strides = [1, 1]} : vector<1x256xf32> to vector<1x128xf32>
    %add3A_30 = vector.broadcast %slice3A_29 : vector<1x128xf32> to vector<1024x128xf32>
    %add3A_31 = arith.addf %mul3A_28, %add3A_30 : vector<1024x128xf32>
    %max3A_32 = arith.constant 0.000000e+00 : f32
    %max3A_33 = vector.broadcast %max3A_32 : f32 to vector<1024x128xf32>
    %max3A_34 = arith.maximumf %add3A_31, %max3A_33 : vector<1024x128xf32>
    %mul3A_35 = vector.broadcast %rsqrt3A_10 : vector<1024x1xf32> to vector<1024x128xf32>
    %mul3A_36 = arith.mulf %max3A_34, %mul3A_35 : vector<1024x128xf32>
    %get3A_37 = arith.constant 0 : index
    %get3A_38 = arith.constant 0 : index
    %get3A_39 = vector.load %arg6[%get3A_37, %get3A_38] : memref<256x256xf32, #tpu.memory_space<vmem>>, vector<256x256xf32>
    %slice3A_40 = vector.extract_strided_slice %get3A_39 {offsets = [0, 0], sizes = [128, 256], strides = [1, 1]} : vector<256x256xf32> to vector<128x256xf32>
    %dot_general3A = arith.constant dense<0.000000e+00> : vector<1024x256xf32>
    %dot_general3A_41 = tpu.matmul %mul3A_23, %slice3A_40, %dot_general3A {dimension_numbers = #tpu.dot_dimension_numbers<[1], [0], [0], [1], [0, 0, 1, 1], [], []>, transpose_lhs_hint = false} : vector<1024x128xf32>, vector<128x256xf32>, vector<1024x256xf32> -> vector<1024x256xf32>
    %slice3A_42 = vector.extract_strided_slice %get3A_39 {offsets = [128, 0], sizes = [128, 256], strides = [1, 1]} : vector<256x256xf32> to vector<128x256xf32>
    %dot_general3A_43 = arith.constant dense<0.000000e+00> : vector<1024x256xf32>
    %dot_general3A_44 = tpu.matmul %mul3A_36, %slice3A_42, %dot_general3A_43 {dimension_numbers = #tpu.dot_dimension_numbers<[1], [0], [0], [1], [0, 0, 1, 1], [], []>, transpose_lhs_hint = false} : vector<1024x128xf32>, vector<128x256xf32>, vector<1024x256xf32> -> vector<1024x256xf32>
    %add3A_45 = arith.addf %dot_general3A_41, %dot_general3A_44 : vector<1024x256xf32>
    %reshape3A = vector.shape_cast %add3A_45 : vector<1024x256xf32> to vector<128x8x2x128xf32>
    %transpose3A = tpu.transpose %reshape3A, [0, 2, 1, 3] : vector<128x8x2x128xf32> -> vector<128x2x8x128xf32>
    %reshape3A_46 = vector.shape_cast %transpose3A : vector<128x2x8x128xf32> to vector<2048x128xf32>
    %swap3A = arith.constant 0 : index
    %swap3A_47 = arith.constant 0 : index
    %swap3A_48 = vector.load %arg7[%swap3A, %swap3A_47] : memref<2048x128xf32, #tpu.memory_space<vmem>>, vector<2048x128xf32>
    tpu.vector_store %arg7[%swap3A, %swap3A_47], %reshape3A_46 {strides = array<i32>} : memref<2048x128xf32, #tpu.memory_space<vmem>>, vector<2048x128xf32>,
    return
  }
  func.func @transform_0(%arg0: i32) -> (i32, i32) {
    %c0_i32 = arith.constant 0 : i32
    %c0_i32_0 = arith.constant 0 : i32
    return %arg0, %c0_i32 : i32, i32
  }
  func.func @transform_1(%arg0: i32) -> (i32, i32) {
    %add3A = arith.constant 10 : i32
    %add3A_0 = arith.addi %add3A, %arg0 : i32
    %c0_i32 = arith.constant 0 : i32
    %c0_i32_1 = arith.constant 0 : i32
    return %add3A_0, %c0_i32 : i32, i32
  }
  func.func @transform_2(%arg0: i32) -> (i32, i32) {
    %c0_i32 = arith.constant 0 : i32
    %c0_i32_0 = arith.constant 0 : i32
    return %arg0, %c0_i32 : i32, i32
  }
  func.func @transform_3(%arg0: i32) -> (i32, i32) {
    %c0_i32 = arith.constant 0 : i32
    %c0_i32_0 = arith.constant 0 : i32
    return %arg0, %c0_i32 : i32, i32
  }
  func.func @transform_4(%arg0: i32) -> (i32, i32) {
    %c0_i32 = arith.constant 0 : i32
    %c0_i32_0 = arith.constant 0 : i32
    %c0_i32_1 = arith.constant 0 : i32
    return %c0_i32, %c0_i32_0 : i32, i32
  }
  func.func @transform_5(%arg0: i32) -> (i32, i32) {
    %c0_i32 = arith.constant 0 : i32
    %c0_i32_0 = arith.constant 0 : i32
    %c0_i32_1 = arith.constant 0 : i32
    return %c0_i32, %c0_i32_0 : i32, i32
  }
  func.func @transform_6(%arg0: i32) -> (i32, i32) {
    %c0_i32 = arith.constant 0 : i32
    %c0_i32_0 = arith.constant 0 : i32
    return %arg0, %c0_i32 : i32, i32
  }
}

module attributes {stable_mosaic.version = 14 : i64} {
  func.func @_tc3_body(%arg0: i32, %arg1: memref<10240x128xf32, #tpu.memory_space<vmem>>, %arg2: memref<10240x128xf32, #tpu.memory_space<vmem>>, %arg3: memref<10240x1xf32, #tpu.memory_space<vmem>>, %arg4: memref<1x256xf32, #tpu.memory_space<vmem>>, %arg5: memref<256x128xf32, #tpu.memory_space<vmem>>, %arg6: memref<1x128xf32, #tpu.memory_space<vmem>>, %arg7: memref<128x64xf32, #tpu.memory_space<vmem>>, %arg8: memref<1x64xf32, #tpu.memory_space<vmem>>, %arg9: memref<64x10xf32, #tpu.memory_space<vmem>>, %arg10: memref<1x10xf32, #tpu.memory_space<vmem>>, %arg11: memref<1x10xf32, #tpu.memory_space<vmem>>) attributes {dimension_semantics = [#tpu.dimension_semantics<arbitrary>], iteration_bounds = array<i64: 1>, scalar_prefetch = 0 : i64, scratch_operands = 0 : i64, tpu.core_type = #tpu.core_type<tc>, window_params = [{transform_indices = @transform_0, window_bounds = array<i64: 10240, 128>}, {transform_indices = @transform_1, window_bounds = array<i64: 10240, 128>}, {pipeline_mode = #tpu.pipeline_mode<synchronous>, transform_indices = @transform_2, window_bounds = array<i64: 10240, 1>}, {pipeline_mode = #tpu.pipeline_mode<synchronous>, transform_indices = @transform_3, window_bounds = array<i64: 1, 256>}, {pipeline_mode = #tpu.pipeline_mode<synchronous>, transform_indices = @transform_4, window_bounds = array<i64: 256, 128>}, {pipeline_mode = #tpu.pipeline_mode<synchronous>, transform_indices = @transform_5, window_bounds = array<i64: 1, 128>}, {pipeline_mode = #tpu.pipeline_mode<synchronous>, transform_indices = @transform_6, window_bounds = array<i64: 128, 64>}, {pipeline_mode = #tpu.pipeline_mode<synchronous>, transform_indices = @transform_7, window_bounds = array<i64: 1, 64>}, {pipeline_mode = #tpu.pipeline_mode<synchronous>, transform_indices = @transform_8, window_bounds = array<i64: 64, 10>}, {pipeline_mode = #tpu.pipeline_mode<synchronous>, transform_indices = @transform_9, window_bounds = array<i64: 1, 10>}, {pipeline_mode = #tpu.pipeline_mode<synchronous>, transform_indices = @transform_10, window_bounds = array<i64: 1, 10>}]} {
    %get3A = arith.constant 0 : index
    %get3A_0 = arith.constant 0 : index
    %get3A_1 = vector.load %arg3[%get3A, %get3A_0] : memref<10240x1xf32, #tpu.memory_space<vmem>>, vector<10240x1xf32>
    %max3A = arith.constant 1.000000e+00 : f32
    %max3A_2 = vector.broadcast %max3A : f32 to vector<10240x1xf32>
    %max3A_3 = arith.maximumf %get3A_1, %max3A_2 : vector<10240x1xf32>
    %rsqrt3A = math.rsqrt %max3A_3 : vector<10240x1xf32>
    %iota3A = tpu.iota {dimensions = array<i32: 0>} : vector<10240x1xi32>
    %lt3A = arith.constant 10000 : i32
    %lt3A_4 = vector.broadcast %lt3A : i32 to vector<10240x1xi32>
    %lt3A_5 = arith.cmpi slt, %iota3A, %lt3A_4 : vector<10240x1xi32>
    %convert_element_type3A = arith.extui %lt3A_5 : vector<10240x1xi1> to vector<10240x1xi32>
    %convert_element_type3A_6 = arith.sitofp %convert_element_type3A : vector<10240x1xi32> to vector<10240x1xf32>
    %get3A_7 = arith.constant 0 : index
    %get3A_8 = arith.constant 0 : index
    %get3A_9 = vector.load %arg4[%get3A_7, %get3A_8] : memref<1x256xf32, #tpu.memory_space<vmem>>, vector<1x256xf32>
    %get3A_10 = arith.constant 0 : index
    %get3A_11 = arith.constant 0 : index
    %get3A_12 = vector.load %arg1[%get3A_10, %get3A_11] : memref<10240x128xf32, #tpu.memory_space<vmem>>, vector<10240x128xf32>
    %mul3A = vector.broadcast %rsqrt3A : vector<10240x1xf32> to vector<10240x128xf32>
    %mul3A_13 = arith.mulf %get3A_12, %mul3A : vector<10240x128xf32>
    %slice3A = vector.extract_strided_slice %get3A_9 {offsets = [0, 0], sizes = [1, 128], strides = [1, 1]} : vector<1x256xf32> to vector<1x128xf32>
    %add3A = vector.broadcast %slice3A : vector<1x128xf32> to vector<10240x128xf32>
    %add3A_14 = arith.addf %mul3A_13, %add3A : vector<10240x128xf32>
    %max3A_15 = arith.constant 0.000000e+00 : f32
    %max3A_16 = vector.broadcast %max3A_15 : f32 to vector<10240x128xf32>
    %max3A_17 = arith.maximumf %add3A_14, %max3A_16 : vector<10240x128xf32>
    %mul3A_18 = vector.broadcast %convert_element_type3A_6 : vector<10240x1xf32> to vector<10240x128xf32>
    %mul3A_19 = arith.mulf %max3A_17, %mul3A_18 : vector<10240x128xf32>
    %get3A_20 = arith.constant 0 : index
    %get3A_21 = arith.constant 0 : index
    %get3A_22 = vector.load %arg2[%get3A_20, %get3A_21] : memref<10240x128xf32, #tpu.memory_space<vmem>>, vector<10240x128xf32>
    %mul3A_23 = vector.broadcast %rsqrt3A : vector<10240x1xf32> to vector<10240x128xf32>
    %mul3A_24 = arith.mulf %get3A_22, %mul3A_23 : vector<10240x128xf32>
    %slice3A_25 = vector.extract_strided_slice %get3A_9 {offsets = [0, 128], sizes = [1, 128], strides = [1, 1]} : vector<1x256xf32> to vector<1x128xf32>
    %add3A_26 = vector.broadcast %slice3A_25 : vector<1x128xf32> to vector<10240x128xf32>
    %add3A_27 = arith.addf %mul3A_24, %add3A_26 : vector<10240x128xf32>
    %max3A_28 = arith.constant 0.000000e+00 : f32
    %max3A_29 = vector.broadcast %max3A_28 : f32 to vector<10240x128xf32>
    %max3A_30 = arith.maximumf %add3A_27, %max3A_29 : vector<10240x128xf32>
    %mul3A_31 = vector.broadcast %convert_element_type3A_6 : vector<10240x1xf32> to vector<10240x128xf32>
    %mul3A_32 = arith.mulf %max3A_30, %mul3A_31 : vector<10240x128xf32>
    %reduce_sum3A = arith.constant dense<0.000000e+00> : vector<128xf32>
    %reduce_sum3A_33 = vector.multi_reduction <add>, %mul3A_19, %reduce_sum3A [0] : vector<10240x128xf32> to vector<128xf32>
    %broadcast_in_dim3A = vector.shape_cast %reduce_sum3A_33 : vector<128xf32> to vector<1x128xf32>
    %mul3A_34 = arith.constant 9.99999974E-5 : f32
    %mul3A_35 = vector.broadcast %mul3A_34 : f32 to vector<1x128xf32>
    %mul3A_36 = arith.mulf %broadcast_in_dim3A, %mul3A_35 : vector<1x128xf32>
    %reduce_sum3A_37 = arith.constant dense<0.000000e+00> : vector<128xf32>
    %reduce_sum3A_38 = vector.multi_reduction <add>, %mul3A_32, %reduce_sum3A_37 [0] : vector<10240x128xf32> to vector<128xf32>
    %broadcast_in_dim3A_39 = vector.shape_cast %reduce_sum3A_38 : vector<128xf32> to vector<1x128xf32>
    %mul3A_40 = arith.constant 9.99999974E-5 : f32
    %mul3A_41 = vector.broadcast %mul3A_40 : f32 to vector<1x128xf32>
    %mul3A_42 = arith.mulf %broadcast_in_dim3A_39, %mul3A_41 : vector<1x128xf32>
    %concatenate3A = tpu.concatenate %mul3A_36, %mul3A_42 in 1 : vector<1x128xf32>, vector<1x128xf32> -> vector<1x256xf32>
    %get3A_43 = arith.constant 0 : index
    %get3A_44 = arith.constant 0 : index
    %get3A_45 = vector.load %arg5[%get3A_43, %get3A_44] : memref<256x128xf32, #tpu.memory_space<vmem>>, vector<256x128xf32>
    %dot_general3A = arith.constant dense<0.000000e+00> : vector<1x128xf32>
    %dot_general3A_46 = tpu.matmul %concatenate3A, %get3A_45, %dot_general3A {dimension_numbers = #tpu.dot_dimension_numbers<[1], [0], [0], [1], [0, 0, 1, 1], [], []>, transpose_lhs_hint = false} : vector<1x256xf32>, vector<256x128xf32>, vector<1x128xf32> -> vector<1x128xf32>
    %get3A_47 = arith.constant 0 : index
    %get3A_48 = arith.constant 0 : index
    %get3A_49 = vector.load %arg6[%get3A_47, %get3A_48] : memref<1x128xf32, #tpu.memory_space<vmem>>, vector<1x128xf32>
    %add3A_50 = arith.addf %dot_general3A_46, %get3A_49 : vector<1x128xf32>
    %max3A_51 = arith.constant 0.000000e+00 : f32
    %max3A_52 = vector.broadcast %max3A_51 : f32 to vector<1x128xf32>
    %max3A_53 = arith.maximumf %add3A_50, %max3A_52 : vector<1x128xf32>
    %get3A_54 = arith.constant 0 : index
    %get3A_55 = arith.constant 0 : index
    %get3A_56 = vector.load %arg7[%get3A_54, %get3A_55] : memref<128x64xf32, #tpu.memory_space<vmem>>, vector<128x64xf32>
    %dot_general3A_57 = arith.constant dense<0.000000e+00> : vector<1x64xf32>
    %dot_general3A_58 = tpu.matmul %max3A_53, %get3A_56, %dot_general3A_57 {dimension_numbers = #tpu.dot_dimension_numbers<[1], [0], [0], [1], [0, 0, 1, 1], [], []>, transpose_lhs_hint = false} : vector<1x128xf32>, vector<128x64xf32>, vector<1x64xf32> -> vector<1x64xf32>
    %get3A_59 = arith.constant 0 : index
    %get3A_60 = arith.constant 0 : index
    %get3A_61 = vector.load %arg8[%get3A_59, %get3A_60] : memref<1x64xf32, #tpu.memory_space<vmem>>, vector<1x64xf32>
    %add3A_62 = arith.addf %dot_general3A_58, %get3A_61 : vector<1x64xf32>
    %max3A_63 = arith.constant 0.000000e+00 : f32
    %max3A_64 = vector.broadcast %max3A_63 : f32 to vector<1x64xf32>
    %max3A_65 = arith.maximumf %add3A_62, %max3A_64 : vector<1x64xf32>
    %get3A_66 = arith.constant 0 : index
    %get3A_67 = arith.constant 0 : index
    %get3A_68 = vector.load %arg9[%get3A_66, %get3A_67] : memref<64x10xf32, #tpu.memory_space<vmem>>, vector<64x10xf32>
    %dot_general3A_69 = arith.constant dense<0.000000e+00> : vector<1x10xf32>
    %dot_general3A_70 = tpu.matmul %max3A_65, %get3A_68, %dot_general3A_69 {dimension_numbers = #tpu.dot_dimension_numbers<[1], [0], [0], [1], [0, 0, 1, 1], [], []>, transpose_lhs_hint = false} : vector<1x64xf32>, vector<64x10xf32>, vector<1x10xf32> -> vector<1x10xf32>
    %get3A_71 = arith.constant 0 : index
    %get3A_72 = arith.constant 0 : index
    %get3A_73 = vector.load %arg10[%get3A_71, %get3A_72] : memref<1x10xf32, #tpu.memory_space<vmem>>, vector<1x10xf32>
    %add3A_74 = arith.addf %dot_general3A_70, %get3A_73 : vector<1x10xf32>
    %swap3A = arith.constant 0 : index
    %swap3A_75 = arith.constant 0 : index
    %swap3A_76 = vector.load %arg11[%swap3A, %swap3A_75] : memref<1x10xf32, #tpu.memory_space<vmem>>, vector<1x10xf32>
    tpu.vector_store %arg11[%swap3A, %swap3A_75], %add3A_74 {strides = array<i32>} : memref<1x10xf32, #tpu.memory_space<vmem>>, vector<1x10xf32>,
    return
  }
  func.func @transform_0(%arg0: i32) -> (i32, i32) {
    %c0_i32 = arith.constant 0 : i32
    %c0_i32_0 = arith.constant 0 : i32
    %c0_i32_1 = arith.constant 0 : i32
    return %c0_i32, %c0_i32_0 : i32, i32
  }
  func.func @transform_1(%arg0: i32) -> (i32, i32) {
    %c1_i32 = arith.constant 1 : i32
    %c0_i32 = arith.constant 0 : i32
    %c0_i32_0 = arith.constant 0 : i32
    return %c1_i32, %c0_i32 : i32, i32
  }
  func.func @transform_2(%arg0: i32) -> (i32, i32) {
    %c0_i32 = arith.constant 0 : i32
    %c0_i32_0 = arith.constant 0 : i32
    %c0_i32_1 = arith.constant 0 : i32
    return %c0_i32, %c0_i32_0 : i32, i32
  }
  func.func @transform_3(%arg0: i32) -> (i32, i32) {
    %c0_i32 = arith.constant 0 : i32
    %c0_i32_0 = arith.constant 0 : i32
    %c0_i32_1 = arith.constant 0 : i32
    return %c0_i32, %c0_i32_0 : i32, i32
  }
  func.func @transform_4(%arg0: i32) -> (i32, i32) {
    %c0_i32 = arith.constant 0 : i32
    %c0_i32_0 = arith.constant 0 : i32
    %c0_i32_1 = arith.constant 0 : i32
    return %c0_i32, %c0_i32_0 : i32, i32
  }
  func.func @transform_5(%arg0: i32) -> (i32, i32) {
    %c0_i32 = arith.constant 0 : i32
    %c0_i32_0 = arith.constant 0 : i32
    %c0_i32_1 = arith.constant 0 : i32
    return %c0_i32, %c0_i32_0 : i32, i32
  }
  func.func @transform_6(%arg0: i32) -> (i32, i32) {
    %c0_i32 = arith.constant 0 : i32
    %c0_i32_0 = arith.constant 0 : i32
    %c0_i32_1 = arith.constant 0 : i32
    return %c0_i32, %c0_i32_0 : i32, i32
  }
  func.func @transform_7(%arg0: i32) -> (i32, i32) {
    %c0_i32 = arith.constant 0 : i32
    %c0_i32_0 = arith.constant 0 : i32
    %c0_i32_1 = arith.constant 0 : i32
    return %c0_i32, %c0_i32_0 : i32, i32
  }
  func.func @transform_8(%arg0: i32) -> (i32, i32) {
    %c0_i32 = arith.constant 0 : i32
    %c0_i32_0 = arith.constant 0 : i32
    %c0_i32_1 = arith.constant 0 : i32
    return %c0_i32, %c0_i32_0 : i32, i32
  }
  func.func @transform_9(%arg0: i32) -> (i32, i32) {
    %c0_i32 = arith.constant 0 : i32
    %c0_i32_0 = arith.constant 0 : i32
    %c0_i32_1 = arith.constant 0 : i32
    return %c0_i32, %c0_i32_0 : i32, i32
  }
  func.func @transform_10(%arg0: i32) -> (i32, i32) {
    %c0_i32 = arith.constant 0 : i32
    %c0_i32_0 = arith.constant 0 : i32
    %c0_i32_1 = arith.constant 0 : i32
    return %c0_i32, %c0_i32_0 : i32, i32
  }
}

</mosaic_0001>

<sc_bundles>
// kernel: kernel.11.cloned.1.call-start
scs
__scs_entry_jumppad:
0x0: {  	(pc) =	sbr.rel $0x88, $3  }
0x1: {  	(tag) =	ssettag $0x0;
	lr =	simm.s32 $0x1  }
0x2: {  	[smem:$0x3F95] =	sst lr;
	_ =	strace $0xD0000000  }
0x3: {  	_ = 	snop  }
0x4: {  	_ = 	snop  }
0x5: {  	_ = 	snop  }
0x6: {  	_ = 	snop  }
0x7: {  	_ = 	snop  }
__scs_overlays_trampoline_lowered:
0x8: {  	[smem:$0x3FA4] =	sst s0  }
0x9: {  	[smem:$0x3FA5] =	sst s1  }
0xa: {  	[smem:$0x3FA6] =	sst s2  }
0xb: {  	[smem:$0x3FA7] =	sst s3  }
0xc: {  	[smem:$0x3FA8] =	sst s4  }
0xd: {  	[smem:$0x3FA9] =	sst s5  }
0xe: {  	[smem:$0x3FAA] =	sst s6  }
0xf: {  	[smem:$0x3FAB] =	sst s7  }
0x10: {  	[smem:$0x3FAC] =	sst s8  }
0x11: {  	[smem:$0x3FAD] =	sst s9;
	s0 =	simm.s32 @!p0 $0x0  }
0x12: {  	s1 =	sld [smem:$0x3F93];
	s0 =	simm.s32 @p0 $0x1  }
0x13: {  	[smem:$0x3FAE] =	sst s0;
	s0 =	simm.s32 @!p1 $0x0  }
0x14: {  	s2 =	sld [smem:$0x3F92];
	s0 =	simm.s32 @p1 $0x1  }
0x15: {  	[smem:$0x3FAF] =	sst s0;
	s0 =	simm.s32 @!p2 $0x0  }
0x16: {  	s3 =	sld [smem:$0x3FDB];
	s0 =	simm.s32 @p2 $0x1  }
0x17: {  	s4 =	simm.s32 $0x1BF5;
	[smem:$0x3FB1] =	sst s0  }
0x18: {  	s0 =	sld [smem:$0x3F94];
	_ =	swait.ge [sflag:s4], $0x0  }
0x19: {  	s7 =	sld [smem:$0x3F95]  }
0x1a: {  	s8 =	sadd.s32 $0xFFFFE003, lr  }
0x1b: {  	s9 =	sadd.s32 $0xFFFFFEF7, lr;
	s5 =	simm.s32 $0xFFFFFFFF;
	p2 =	slt.u32 s8, $0xFFFFF086  }
0x1c: {  	p1 =	slt.u32 s9, $0xF7A;
	s5 =	simm.s32 @!p2 $0x0  }
0x1d: {  	s5 =	simm.s32 @p1 $0x1;
	p0 =	seq.s32 s7, s2  }
0x1e: {  	s7 =	smul.u32 @!p0 $0xF7A, s2;
	p2 =	seq.s32 @!p0 s5, $0x0  }
0x1f: {  	s9 =	smul.u32 $0xF7A, s1;
	s8 =	simm.s32 @!p0 $0x1BF5;
	p2 =	por !p2, p0  }
0x20: {  	[sflag:s8] =	ssyncset.s32 @!p0 $0xFFFFF086;
	s6 =	sadd.s32 @!p0 s3, s7;
	s7 =	simm.s32 @!p0 $0x108  }
0x21: {  	s3 =	sadd.s32 s3, s9;
	s6 =	sadd.s32 @!p0 $0x88, s6;
	s7 =	simm.s32 @p2 $0x1082  }
0x22: {  	[simem:s7], [sflag:s8] =	dma.local @!p0 [hbm:s6], $0xF7A  }
0x23: {  	s9 =	sor.u32 $0xD0000000, s2;
	s6 =	simm.s32 $0x108;
	_ =	swait.ge @!p0 [sflag:s8], $0x0  }
0x24: {  	s3 =	sadd.s32 $0x88, s3;
	s6 =	simm.s32 @!p1 $0x1082;
	[sflag:s4] =	ssyncset.s32 $0xFFFFF086  }
0x25: {  	[simem:s6], [sflag:s4] =	dma.local [hbm:s3], $0xF7A  }
0x26: {  	[smem:$0x3F95] =	sst s1;
	(tag) =	ssettag s2;
	_ =	strace s9  }
0x27: {  	s1 =	sld [smem:$0x3FA5]  }
0x28: {  	s2 =	sld [smem:$0x3FA6]  }
0x29: {  	s4 =	sld [smem:$0x3FA8]  }
0x2a: {  	p0 =	seq.s32 s5, $0x0;
	s5 =	sld [smem:$0x3FA9]  }
0x2b: {  	s6 =	sld [smem:$0x3FAA]  }
0x2c: {  	s7 =	sld [smem:$0x3FAB]  }
0x2d: {  	s3 =	simm.s32 $0x108;
	s8 =	sld [smem:$0x3FAC]  }
0x2e: {  	s3 =	simm.s32 @!p0 $0x1082;
	s9 =	sld [smem:$0x3FAD]  }
0x2f: {  	lr =	sadd.s32 s0, s3;
	s0 =	sld [smem:$0x3FA4]  }
0x30: {  	s3 =	sld [smem:$0x3FA7]  }
0x31: {  	[smem:$0x3FB0] =	sst s10  }
0x32: {  	s10 =	sld [smem:$0x3FAE];
	_ =	sdelay $0x3  }
0x33: {  	p0 =	seq.s32 s10, $0x1;
	s10 =	sld [smem:$0x3FB0];
	_ =	sdelay $0x3  }
0x34: {  	[smem:$0x3FB0] =	sst s10  }
0x35: {  	s10 =	sld [smem:$0x3FAF];
	_ =	sdelay $0x3  }
0x36: {  	p1 =	seq.s32 s10, $0x1;
	s10 =	sld [smem:$0x3FB0];
	_ =	sdelay $0x3  }
0x37: {  	[smem:$0x3FB0] =	sst s10  }
0x38: {  	s10 =	sld [smem:$0x3FB1]  }
0x39: {  	_ = 	snop;
	(pc) =	sbr.ind lr, $3  }
0x3a: {  	_ = 	snop  }
0x3b: {  	_ = 	snop  }
0x3c: {  	p2 =	seq.s32 s10, $0x1;
	s10 =	sld [smem:$0x3FB0]  }
0x3d: {  	_ =	shalt  }
0x3e: {  	_ =	shalt  }
0x3f: {  	_ =	shalt  }
0x40: {  	_ =	shalt  }
0x41: {  	_ =	shalt  }
0x42: {  	_ =	shalt  }
0x43: {  	_ =	shalt  }
0x44: {  	_ =	shalt  }
0x45: {  	_ =	shalt  }
0x46: {  	_ =	shalt  }
0x47: {  	_ =	shalt  }
0x48: {  	_ =	shalt  }
0x49: {  	_ =	shalt  }
0x4a: {  	_ =	shalt  }
0x4b: {  	_ =	shalt  }
0x4c: {  	_ =	shalt  }
0x4d: {  	_ =	shalt  }
0x4e: {  	_ =	shalt  }
0x4f: {  	_ =	shalt  }
0x50: {  	_ =	shalt  }
0x51: {  	_ =	shalt  }
0x52: {  	_ =	shalt  }
0x53: {  	_ =	shalt  }
0x54: {  	_ =	shalt  }
0x55: {  	_ =	shalt  }
0x56: {  	_ =	shalt  }
0x57: {  	_ =	shalt  }
0x58: {  	_ =	shalt  }
0x59: {  	_ =	shalt  }
0x5a: {  	_ =	shalt  }
0x5b: {  	_ =	shalt  }
0x5c: {  	_ =	shalt  }
0x5d: {  	_ =	shalt  }
0x5e: {  	_ =	shalt  }
0x5f: {  	_ =	shalt  }
0x60: {  	_ =	shalt  }
0x61: {  	_ =	shalt  }
0x62: {  	_ =	shalt  }
0x63: {  	_ =	shalt  }
0x64: {  	_ =	shalt  }
0x65: {  	_ =	shalt  }
0x66: {  	_ =	shalt  }
0x67: {  	_ =	shalt  }
0x68: {  	_ =	shalt  }
0x69: {  	_ =	shalt  }
0x6a: {  	_ =	shalt  }
0x6b: {  	_ =	shalt  }
0x6c: {  	_ =	shalt  }
0x6d: {  	_ =	shalt  }
0x6e: {  	_ =	shalt  }
0x6f: {  	_ =	shalt  }
0x70: {  	_ =	shalt  }
0x71: {  	_ =	shalt  }
0x72: {  	_ =	shalt  }
0x73: {  	_ =	shalt  }
0x74: {  	_ =	shalt  }
0x75: {  	_ =	shalt  }
0x76: {  	_ =	shalt  }
0x77: {  	_ =	shalt  }
0x78: {  	_ =	shalt  }
0x79: {  	_ =	shalt  }
0x7a: {  	_ =	shalt  }
0x7b: {  	_ =	shalt  }
0x7c: {  	_ =	shalt  }
0x7d: {  	_ =	shalt  }
0x7e: {  	_ =	shalt  }
0x7f: {  	_ =	shalt  }
0x80: {  	_ =	shalt  }
0x81: {  	_ =	shalt  }
0x82: {  	_ =	shalt  }
0x83: {  	_ =	shalt  }
0x84: {  	_ =	shalt  }
0x85: {  	_ =	shalt  }
0x86: {  	_ =	shalt  }
0x87: {  	_ =	shalt  }
.Lfunc_end0:
.L_simem_size_0:
called_computation.1_lowered:
.L_overlay_start_0:
0x88: {  	s2 =	sld [smem:$0x3FD9]  }
0x89: {  	s3 =	sld [smem:$0x3FFE];
	_ =	sdelay $0x1  }
0x8a: {  	s1 =	srdreg.scid  }
0x8b: {  	s0 =	sand.u32 $0x1, s1  }
0x8c: {  	s16 =	sshll.u32 s0, $0xA;
	s2 =	sadd.s32 s3, s2  }
0x8d: {  	s2 =	sadd.s32 s2, s16  }
0x8e: {  	[smem:$0x3FBC] =	sst s2  }
0x8f: {  	_ = 	snop  }
0x90: {  	(tm) =	ssettm $0x1  }
0x91: {  	s17 =	sld [smem:$0x3FFB];
	_ =	sdelay $0x3  }
0x92: {  	_ =	strace s17  }
0x93: {  	s2 =	sld [smem:$0x3FFC];
	_ =	sdelay $0x3  }
0x94: {  	_ =	strace s2  }
0x95: {  	s2 =	sld [smem:$0x3FFD];
	_ =	sdelay $0x3  }
0x96: {  	_ =	strace s2  }
0x97: {  	_ =	strace $0x8FFFFFFF  }
0x98: {  	s18 =	sld [smem:$0x3FDB];
	_ =	sdelay $0x1  }
0x99: {  	s19 =	simm.s32 $_scs_section_size  }
0x9a: {  	s4 =	simm.s32 $_size__tile_overlayer_lowered;
	s5 =	simm.s32 $_tile_overlayer_lowered  }
0x9b: {  	s22 =	simm.s32 $0x1BFF;
	s21 =	sshll.u32 s5, $0x1;
	s2 =	sadd.s32 s19, s18  }
0x9c: {  	s6 =	simm.s32 $0x0;
	s20 =	sshll.u32 s4, $0x1;
	s4 =	sadd.s32 s21, s2  }
0x9d: {  	[timem:s6], [sflag:s22] =	dma.local [hbm:s4], s20  }
0x9e: {  	_ =	swait.ge [sflag:s22], s20  }
0x9f: {  	s3 =	ssub.s32 $0x0, s20;
	[sflag:s22] =	ssyncset.done $0x0  }
0xa0: {  	[sflag:s22] =	ssyncadd.s32 s3;
	_ =	sdelay $0x1  }
0xa1: {  	s23 =	simm.s32 $0x1B8B  }
0xa2: {  	_ =	swait.ge [sflag:s23], $0x1  }
0xa3: {  	[sflag:s23] =	ssyncset.done $0x0  }
0xa4: {  	s25 =	simm.s32 $0x1B8E;
	s24 =	sld [smem:$0x3FFE];
	[sflag:s23] =	ssyncadd.s32 $0xFFFFFFFF  }
0xa5: {  	s26 =	simm.s32 $execute0_lowered;
	[smem:$0x3FD2] =	sst s25  }
0xa6: {  	s4 =	sshll.u32 s26, $0x1;
	_ =	strace $0x80000049;
	[dreg:$0x1] =	wrdreg $0xFFFFFFFF  }
0xa7: {  	s28 =	simm.s32 $_size_execute0_lowered;
	s2 =	sadd.s32 s2, s4;
	[dreg:$0x0] =	wrdreg $0x0  }
0xa8: {  	s4 =	sshll.u32 s28, $0x1;
	[dreg:$0x2] =	wrdreg s2  }
0xa9: {  	[dreg:$0x3] =	wrdreg s4  }
0xaa: {  	[dreg:$0x4] =	wrdreg $0xC0  }
0xab: {  	_ =	task [dreg:s6], $0x5FFFF  }
0xac: {  	[dreg:$0x1] =	wrdreg $0xFFFFFFFF  }
0xad: {  	[dreg:$0x0] =	wrdreg $0x60  }
0xae: {  	[dreg:$0x2] =	wrdreg s24  }
0xaf: {  	[dreg:$0x3] =	wrdreg $0x0  }
0xb0: {  	[dreg:$0x4] =	wrdreg $0x9  }
0xb1: {  	_ =	task.clear_ibuf [dreg:s6], $0x5FFFF;
	_ =	strace $0x90000049  }
0xb2: {  	s29 =	simm.s32 $0x9;
	_ =	strace $0x8000004B  }
0xb3: {  	_ =	swait.ge [sflag:s29], $0x1  }
0xb4: {  	[sflag:s29] =	ssyncadd.s32 $0xFFFFFFFF  }
0xb5: {  	_ =	strace $0x9000004B  }
0xb6: {  	_ =	sfence  }
0xb7: {  	s30 =	sld [smem:$0x0];
	_ =	sdelay $0x2  }
0xb8: {  	s31 =	sshll.u32 s1, $0xD;
	s1 =	sshrl.u32 s1, $0x2  }
0xb9: {  	s3 =	sand.u32 $0x4000, s31;
	s1 =	sadd.s32 s1, s30  }
0xba: {  	s0 =	sor.u32 s3, s0;
	s1 =	sshll.u32 s1, $0x11  }
0xbb: {  	s0 =	sor.u32 s1, s0  }
0xbc: {  	s0 =	sadd.s32 $0x8F2B, s0  }
0xbd: {  	[sflag:s0] =	ssyncadd.remote.s32 $0x1  }
0xbe: {  	_ =	sfence.sel $0xFFFF  }
0xbf: {  	[dreg:$0x0] =	wrdreg $0xFFFFFFFF;
	(pc) =	sbr.abs _section_cstart, $3  }
0xc0: {  	[dreg:$0x1] =	wrdreg $0xFFFFFFFF  }
0xc1: {  	_ =	task.clear_ibuf [dreg:s6], $0x2FFFF;
	_ =	strace $0x9FFFFFFF  }
0xc2: {  	(tm) =	ssettm $0x7FFFFFFF  }
0xc3: {  	_ =	shalt  }
tec
execute0_lowered:
.L_overlay_start_1:
0x0: {  	(tag) =	ssettag $0x1  }
0x1: {  	s0 =	rddreg [dreg:$0x0]  }
0x2: {  	s2 =	rddreg [dreg:$0x1];
	s10 =	stileid.u32  }
0x3: {  	s1 =	srdreg.scid;
	s5 =	smul.u32 $0x2800, s10  }
0x4: {  	s3 =	simm.s32 $0x0;
	s1 =	sand.u32 $0x1, s1;
	s7 =	smul.u32 $0x50000, s10  }
0x5: {  	[smem:$0x7FF] =	sst s3;
	s6 =	smul.u32 $0x28000, s1;
	s9 =	ssub.s32 $0x2, s1  }
0x6: {  	s4 =	sadd.s32 $0xC600, s0;
	s8 =	sadd.s32 $0x2800, s0;
	s19 =	sshrl.u32 s9, $0x1  }
0x7: {  	s18 =	sshrl.u32 s7, $0x2;
	s5 =	sadd.s32 s5, s6;
	s7 =	ssub.s32 s9, s19  }
0x8: {  	s0 =	sadd.s32 s5, s0;
	s5 =	sadd.s32 s18, s2;
	s19 =	smax.u32 s7, $0x1  }
0x9: {  	_ =	strace $0x8000004A;
	s20 =	sadd.s32 $0x800, s5;
	[dreg:$0x13] =	wrdreg s19  }
0xa: {  	s21 =	sadd.s32 $0x1000, s5;
	[dreg:$0x3] =	wrdreg s20  }
0xb: {  	s22 =	sadd.s32 $0x1800, s5;
	[dreg:$0x4] =	wrdreg s21  }
0xc: {  	s23 =	sadd.s32 $0x2000, s5;
	[dreg:$0x5] =	wrdreg s22  }
0xd: {  	s24 =	sadd.s32 $0x2800, s5;
	[dreg:$0x6] =	wrdreg s23  }
0xe: {  	s25 =	sadd.s32 $0x3000, s5;
	[dreg:$0x7] =	wrdreg s24  }
0xf: {  	s26 =	sadd.s32 $0x3800, s5;
	[dreg:$0x8] =	wrdreg s25  }
0x10: {  	s30 =	sadd.s32 $0x4000, s5;
	[dreg:$0x9] =	wrdreg s26  }
0x11: {  	s11 =	sadd.s32 $0x4800, s5;
	[dreg:$0xa] =	wrdreg s30  }
0x12: {  	s13 =	sadd.s32 $0x5000, s5;
	[dreg:$0xb] =	wrdreg s11  }
0x13: {  	s14 =	sadd.s32 $0x5800, s5;
	[dreg:$0xc] =	wrdreg s13  }
0x14: {  	s17 =	smul.u32 $0x2710, s10;
	s15 =	sadd.s32 $0x6000, s5;
	[dreg:$0xd] =	wrdreg s14  }
0x15: {  	s16 =	sadd.s32 $0x6800, s5;
	[dreg:$0xe] =	wrdreg s15  }
0x16: {  	s6 =	sshrl.u32 s17, $0x3;
	s17 =	sadd.s32 $0x7000, s5;
	[dreg:$0xf] =	wrdreg s16  }
0x17: {  	s18 =	sadd.s32 $0x7800, s5;
	[dreg:$0x10] =	wrdreg s17  }
0x18: {  	s0 =	sadd.s32 $0x5C600, s0;
	[dreg:$0x11] =	wrdreg s18  }
0x19: {  	s7 =	sadd.s32 $0xB800, s5;
	[dreg:$0x12] =	wrdreg s0  }
0x1a: {  	s12 =	smul.u32 $0x4E2, s10;
	s9 =	sadd.s32 $0xC800, s5;
	[dreg:$0x1b] =	wrdreg s7  }
0x1b: {  	s6 =	sadd.s32 s8, s6;
	s10 =	sadd.s32 $0xD000, s5;
	[dreg:$0x1d] =	wrdreg s9  }
0x1c: {  	s8 =	sadd.s32 s12, s8;
	s12 =	sadd.s32 $0xE000, s5;
	[dreg:$0x1e] =	wrdreg s10  }
0x1d: {  	s19 =	sadd.s32 $0x11800, s5;
	[smem:$0x7F0] =	sst s12  }
0x1e: {  	s21 =	sadd.s32 $0x8000, s5;
	[smem:$0x7F7] =	sst s19  }
0x1f: {  	s22 =	sadd.s32 $0x8800, s5;
	[dreg:$0x14] =	wrdreg s21  }
0x20: {  	s23 =	sadd.s32 $0x9000, s5;
	[dreg:$0x15] =	wrdreg s22  }
0x21: {  	s25 =	sadd.s32 $0x9800, s5;
	[dreg:$0x16] =	wrdreg s23  }
0x22: {  	s26 =	sadd.s32 $0xA000, s5;
	[dreg:$0x17] =	wrdreg s25  }
0x23: {  	s31 =	simm.s32 $0x1E900;
	s30 =	sadd.s32 $0xA800, s5;
	[dreg:$0x18] =	wrdreg s26  }
0x24: {  	s20 =	sshll.u32 s1, $0x3;
	s1 =	sadd.s32 $0xB000, s5;
	[dreg:$0x19] =	wrdreg s30  }
0x25: {  	s24 =	sadd.s32 $0x4E50, s8;
	s8 =	sadd.s32 $0xC000, s5;
	[dreg:$0x1a] =	wrdreg s1  }
0x26: {  	s28 =	sadd.s32 $0x4E30, s6;
	s11 =	sadd.s32 $0xD800, s5;
	[dreg:$0x1c] =	wrdreg s8  }
0x27: {  	s29 =	sadd.s32 $0x4E40, s6;
	s13 =	sadd.s32 $0xE800, s5;
	[dreg:$0x1f] =	wrdreg s11  }
0x28: {  	s14 =	sadd.s32 $0xF000, s5;
	s15 =	sadd.s32 $0xF800, s5;
	[smem:$0x7F1] =	sst s13  }
0x29: {  	s16 =	sadd.s32 $0x10000, s5;
	s17 =	sadd.s32 $0x10800, s5;
	[smem:$0x7F2] =	sst s14  }
0x2a: {  	s18 =	sadd.s32 $0x11000, s5;
	s0 =	simm.s32 $0x1;
	[smem:$0x7F3] =	sst s15  }
0x2b: {  	s7 =	simm.s32 $0x1E880;
	s9 =	simm.s32 $0x10;
	[smem:$0x7F4] =	sst s16  }
0x2c: {  	s10 =	simm.s32 $0x14000;
	s12 =	simm.s32 $0x5;
	[smem:$0x7F5] =	sst s17  }
0x2d: {  	s19 =	simm.s32 $0x6;
	[smem:$0x7F6] =	sst s18;
	s21 =	sadd.s32 $0x12000, s5  }
0x2e: {  	s22 =	sadd.s32 $0x12800, s5;
	s23 =	sadd.s32 $0x13000, s5;
	s25 =	sadd.s32 $0x13800, s5  }
0x2f: {  	s26 =	sadd.s32 $0x5300, s6;
	s30 =	sadd.s32 $0x4E20, s6;
	[smem:$0x7F8] =	sst s21  }
0x30: {  	s1 =	simm.s32 $0x2;
	s8 =	simm.s32 $0x9;
	[smem:$0x7F9] =	sst s22  }
0x31: {  	s11 =	simm.s32 $0x3;
	s13 =	simm.s32 $0x1E780;
	[smem:$0x7FA] =	sst s23  }
0x32: {  	s14 =	simm.s32 $0x80;
	s15 =	simm.s32 $0x1E800;
	[smem:$0x7FB] =	sst s25  }
0x33: {  	s16 =	simm.s32 $0x18000;
	s17 =	simm.s32 $0x4;
	[smem:$0x7FC] =	sst s26  }
0x34: {  	s18 =	simm.s32 $0x8;
	v0 =	vmov s20;
	s20 =	simm.s32 $0x7;
	[smem:$0x7FD] =	sst s30  }
0x35: {  	v1 =	vimm.f32 $0.0e+00;
	s26 =	sadd.s32 $0x52F0, s6;
	s23 =	simm.s32 $0x1C000;
	s21 =	simm.s32 $0x0  }
.LBB2_1:
0x36: {  	[tilespmem:s23], [sflag:$0x1] =	stream.linear.gather [hbm4b:s6+s3], $0x2710, $0x38;
	[tilespmem:$0x1F100] =	vst v63  }
0x37: {  	s22 =	simm.s32 $0x0;
	s30 =	simm.s32 $0x200  }
.LBB2_2:
0x38: {  	p0 =	sne.s32 s30, $0x1E00;
	[tilespmem:s22+$0x1E970] =	vst v1  }
0x39: {  	[tilespmem:s22+$0x1E900] =	vst v1  }
0x3a: {  	[tilespmem:s22+$0x1E910] =	vst v1  }
.Ltmp0:
0x3b: {  	[tilespmem:s22+$0x1E920] =	vst v1;
	(pc) =	sbr.rel @p0 .LBB2_2-.Ltmp0, $4  }
0x3c: {  	[tilespmem:s22+$0x1E930] =	vst v1  }
0x3d: {  	[tilespmem:s22+$0x1E940] =	vst v1  }
0x3e: {  	[tilespmem:s22+$0x1E950] =	vst v1  }
0x3f: {  	[tilespmem:s22+$0x1E960] =	vst v1;
	s22 =	sshra.s32 s30, $0x2;
	s30 =	sadd.s32 $0x200, s30  }
0x40: {  	[tilespmem:s22+$0x1E970] =	vst v1  }
0x41: {  	[tilespmem:s22+$0x1E900] =	vst v1  }
0x42: {  	[tilespmem:s22+$0x1E910] =	vst v1  }
0x43: {  	[tilespmem:s22+$0x1E920] =	vst v1  }
0x44: {  	[tilespmem:s22+$0x1E930] =	vst v1  }
0x45: {  	[tilespmem:s22+$0x1E940] =	vst v1  }
0x46: {  	[tilespmem:s22+$0x1E950] =	vst v1  }
0x47: {  	[tilespmem:s22+$0x1E960] =	vst v1  }
0x48: {  	[spmem:s5] =	stream.linear.scatter [tilespmem:s31], [sflag:$0x2], $0x800, $0x38;
	[tilespmem:$0x1F100] =	vst v63  }
0x49: {  	s25 =	rddreg [dreg:$0x3]  }
0x4a: {  	[spmem:s25] =	stream.linear.scatter [tilespmem:s31], [sflag:$0x2], $0x800, $0x38;
	[tilespmem:$0x1F100] =	vst v63  }
0x4b: {  	s25 =	rddreg [dreg:$0x4]  }
0x4c: {  	[spmem:s25] =	stream.linear.scatter [tilespmem:s31], [sflag:$0x2], $0x800, $0x38;
	[tilespmem:$0x1F100] =	vst v63  }
0x4d: {  	s25 =	rddreg [dreg:$0x5]  }
0x4e: {  	[spmem:s25] =	stream.linear.scatter [tilespmem:s31], [sflag:$0x2], $0x800, $0x38;
	[tilespmem:$0x1F100] =	vst v63  }
0x4f: {  	s25 =	rddreg [dreg:$0x6]  }
0x50: {  	[spmem:s25] =	stream.linear.scatter [tilespmem:s31], [sflag:$0x2], $0x800, $0x38;
	[tilespmem:$0x1F100] =	vst v63  }
0x51: {  	s25 =	rddreg [dreg:$0x7]  }
0x52: {  	[spmem:s25] =	stream.linear.scatter [tilespmem:s31], [sflag:$0x2], $0x800, $0x38;
	[tilespmem:$0x1F100] =	vst v63  }
0x53: {  	s25 =	rddreg [dreg:$0x8]  }
0x54: {  	[spmem:s25] =	stream.linear.scatter [tilespmem:s31], [sflag:$0x2], $0x800, $0x38;
	[tilespmem:$0x1F100] =	vst v63  }
0x55: {  	s25 =	rddreg [dreg:$0x9]  }
0x56: {  	[spmem:s25] =	stream.linear.scatter [tilespmem:s31], [sflag:$0x2], $0x800, $0x38;
	[tilespmem:$0x1F100] =	vst v63  }
0x57: {  	s25 =	rddreg [dreg:$0xa]  }
0x58: {  	[spmem:s25] =	stream.linear.scatter [tilespmem:s31], [sflag:$0x2], $0x800, $0x38;
	[tilespmem:$0x1F100] =	vst v63  }
0x59: {  	s25 =	rddreg [dreg:$0xb]  }
0x5a: {  	[spmem:s25] =	stream.linear.scatter [tilespmem:s31], [sflag:$0x2], $0x800, $0x38;
	[tilespmem:$0x1F100] =	vst v63  }
0x5b: {  	s25 =	rddreg [dreg:$0xc]  }
0x5c: {  	[spmem:s25] =	stream.linear.scatter [tilespmem:s31], [sflag:$0x2], $0x800, $0x38;
	[tilespmem:$0x1F100] =	vst v63  }
0x5d: {  	s25 =	rddreg [dreg:$0xd]  }
0x5e: {  	[spmem:s25] =	stream.linear.scatter [tilespmem:s31], [sflag:$0x2], $0x800, $0x38;
	[tilespmem:$0x1F100] =	vst v63  }
0x5f: {  	s25 =	rddreg [dreg:$0xe]  }
0x60: {  	[spmem:s25] =	stream.linear.scatter [tilespmem:s31], [sflag:$0x2], $0x800, $0x38;
	[tilespmem:$0x1F100] =	vst v63  }
0x61: {  	s25 =	rddreg [dreg:$0xf]  }
0x62: {  	[spmem:s25] =	stream.linear.scatter [tilespmem:s31], [sflag:$0x2], $0x800, $0x38;
	[tilespmem:$0x1F100] =	vst v63  }
0x63: {  	s25 =	rddreg [dreg:$0x10]  }
0x64: {  	[spmem:s25] =	stream.linear.scatter [tilespmem:s31], [sflag:$0x2], $0x800, $0x38;
	[tilespmem:$0x1F100] =	vst v63  }
0x65: {  	s25 =	rddreg [dreg:$0x11]  }
0x66: {  	[spmem:s25] =	stream.linear.scatter [tilespmem:s31], [sflag:$0x2], $0x800, $0x38;
	[tilespmem:$0x1F100] =	vst v63  }
0x67: {  	s25 =	rddreg [dreg:$0x14]  }
0x68: {  	[spmem:s25] =	stream.linear.scatter [tilespmem:s31], [sflag:$0x2], $0x800, $0x38;
	[tilespmem:$0x1F100] =	vst v63  }
0x69: {  	s25 =	rddreg [dreg:$0x15]  }
0x6a: {  	[spmem:s25] =	stream.linear.scatter [tilespmem:s31], [sflag:$0x2], $0x800, $0x38;
	[tilespmem:$0x1F100] =	vst v63  }
0x6b: {  	s25 =	rddreg [dreg:$0x16]  }
0x6c: {  	[spmem:s25] =	stream.linear.scatter [tilespmem:s31], [sflag:$0x2], $0x800, $0x38;
	[tilespmem:$0x1F100] =	vst v63  }
0x6d: {  	s25 =	rddreg [dreg:$0x17]  }
0x6e: {  	[spmem:s25] =	stream.linear.scatter [tilespmem:s31], [sflag:$0x2], $0x800, $0x38;
	[tilespmem:$0x1F100] =	vst v63  }
0x6f: {  	s25 =	rddreg [dreg:$0x18]  }
0x70: {  	[spmem:s25] =	stream.linear.scatter [tilespmem:s31], [sflag:$0x2], $0x800, $0x38;
	[tilespmem:$0x1F100] =	vst v63  }
0x71: {  	s25 =	rddreg [dreg:$0x19]  }
0x72: {  	[spmem:s25] =	stream.linear.scatter [tilespmem:s31], [sflag:$0x2], $0x800, $0x38;
	[tilespmem:$0x1F100] =	vst v63  }
0x73: {  	s25 =	rddreg [dreg:$0x1a]  }
0x74: {  	[spmem:s25] =	stream.linear.scatter [tilespmem:s31], [sflag:$0x2], $0x800, $0x38;
	[tilespmem:$0x1F100] =	vst v63  }
0x75: {  	s25 =	rddreg [dreg:$0x1b]  }
0x76: {  	[spmem:s25] =	stream.linear.scatter [tilespmem:s31], [sflag:$0x2], $0x800, $0x38;
	[tilespmem:$0x1F100] =	vst v63  }
0x77: {  	s25 =	rddreg [dreg:$0x1c]  }
0x78: {  	[spmem:s25] =	stream.linear.scatter [tilespmem:s31], [sflag:$0x2], $0x800, $0x38;
	[tilespmem:$0x1F100] =	vst v63  }
0x79: {  	s25 =	rddreg [dreg:$0x1d]  }
0x7a: {  	[spmem:s25] =	stream.linear.scatter [tilespmem:s31], [sflag:$0x2], $0x800, $0x38;
	[tilespmem:$0x1F100] =	vst v63  }
0x7b: {  	s25 =	rddreg [dreg:$0x1e]  }
0x7c: {  	[spmem:s25] =	stream.linear.scatter [tilespmem:s31], [sflag:$0x2], $0x800, $0x38;
	[tilespmem:$0x1F100] =	vst v63  }
0x7d: {  	s25 =	rddreg [dreg:$0x1f]  }
0x7e: {  	[spmem:s25] =	stream.linear.scatter [tilespmem:s31], [sflag:$0x2], $0x800, $0x38;
	[tilespmem:$0x1F100] =	vst v63  }
0x7f: {  	s25 =	sld [smem:$0x7F0];
	_ =	sdelay $0x2  }
0x80: {  	[spmem:s25] =	stream.linear.scatter [tilespmem:s31], [sflag:$0x2], $0x800, $0x38;
	[tilespmem:$0x1F100] =	vst v63  }
0x81: {  	s25 =	sld [smem:$0x7F1];
	_ =	sdelay $0x2  }
0x82: {  	[spmem:s25] =	stream.linear.scatter [tilespmem:s31], [sflag:$0x2], $0x800, $0x38;
	[tilespmem:$0x1F100] =	vst v63  }
0x83: {  	s25 =	sld [smem:$0x7F2];
	_ =	sdelay $0x2  }
0x84: {  	[spmem:s25] =	stream.linear.scatter [tilespmem:s31], [sflag:$0x2], $0x800, $0x38;
	[tilespmem:$0x1F100] =	vst v63  }
0x85: {  	s25 =	sld [smem:$0x7F3];
	_ =	sdelay $0x2  }
0x86: {  	[spmem:s25] =	stream.linear.scatter [tilespmem:s31], [sflag:$0x2], $0x800, $0x38;
	[tilespmem:$0x1F100] =	vst v63  }
0x87: {  	s25 =	sld [smem:$0x7F4];
	_ =	sdelay $0x2  }
0x88: {  	[spmem:s25] =	stream.linear.scatter [tilespmem:s31], [sflag:$0x2], $0x800, $0x38;
	[tilespmem:$0x1F100] =	vst v63  }
0x89: {  	s25 =	sld [smem:$0x7F5];
	_ =	sdelay $0x2  }
0x8a: {  	[spmem:s25] =	stream.linear.scatter [tilespmem:s31], [sflag:$0x2], $0x800, $0x38;
	[tilespmem:$0x1F100] =	vst v63  }
0x8b: {  	s25 =	sld [smem:$0x7F6];
	_ =	sdelay $0x2  }
0x8c: {  	[spmem:s25] =	stream.linear.scatter [tilespmem:s31], [sflag:$0x2], $0x800, $0x38;
	[tilespmem:$0x1F100] =	vst v63  }
0x8d: {  	s25 =	sld [smem:$0x7F7];
	_ =	sdelay $0x2  }
0x8e: {  	[spmem:s25] =	stream.linear.scatter [tilespmem:s31], [sflag:$0x2], $0x800, $0x38;
	[tilespmem:$0x1F100] =	vst v63  }
0x8f: {  	s25 =	sld [smem:$0x7F8];
	_ =	sdelay $0x2  }
0x90: {  	[spmem:s25] =	stream.linear.scatter [tilespmem:s31], [sflag:$0x2], $0x800, $0x38;
	[tilespmem:$0x1F100] =	vst v63  }
0x91: {  	s25 =	sld [smem:$0x7F9];
	_ =	sdelay $0x2  }
0x92: {  	[spmem:s25] =	stream.linear.scatter [tilespmem:s31], [sflag:$0x2], $0x800, $0x38;
	[tilespmem:$0x1F100] =	vst v63  }
0x93: {  	s25 =	sld [smem:$0x7FA];
	_ =	sdelay $0x2  }
0x94: {  	[spmem:s25] =	stream.linear.scatter [tilespmem:s31], [sflag:$0x2], $0x800, $0x38;
	[tilespmem:$0x1F100] =	vst v63  }
0x95: {  	s25 =	sld [smem:$0x7FB];
	_ =	sdelay $0x2  }
0x96: {  	[spmem:s25] =	stream.linear.scatter [tilespmem:s31], [sflag:$0x2], $0x800, $0x38;
	[tilespmem:$0x1F100] =	vst v63  }
0x97: {  	_ =	swait.ge [sflag:s0], $0x2710  }
0x98: {  	[sflag:s0] =	ssyncset.done $0x0  }
0x99: {  	s22 =	simm.s32 $0x0;
	s30 =	simm.s32 $0x40;
	[sflag:s0] =	ssyncadd.s32 $0xFFFFD8F0  }
.LBB2_4:
0x9a: {  	p0 =	sne.s32 s30, $0x9C00;
	v2 =	vld [tilespmem:s22+$0x1C000];
	_ =	sdelay $0x3  }
.Ltmp1:
0x9b: {  	(pc) =	sbr.rel @p0 .LBB2_4-.Ltmp1, $4  }
0x9c: {  	v3 =	vshll.u32 v2, $0x1;
	v2 =	vand.u32 $0x7, v2  }
0x9d: {  	v3 =	vand.u32 $0xFFFFFFF0, v3;
	v2 =	vor.u32 v0, v2  }
0x9e: {  	v2 =	vor.u32 v3, v2  }
0x9f: {  	[tilespmem:s22+$0x1C000] =	vst v2;
	s22 =	sshra.s32 s30, $0x2;
	s30 =	sadd.s32 $0x40, s30  }
0xa0: {  	v2 =	vld [tilespmem:s22+$0x1C000];
	_ =	sdelay $0x4  }
0xa1: {  	v3 =	vshll.u32 v2, $0x1;
	v2 =	vand.u32 $0x7, v2  }
0xa2: {  	v3 =	vand.u32 $0xFFFFFFF0, v3;
	v2 =	vor.u32 v0, v2  }
0xa3: {  	v2 =	vor.u32 v3, v2  }
0xa4: {  	[tilespmem:s22+$0x1C000] =	vst v2  }
0xa5: {  	_ =	swait.ge [sflag:s1], $0x800  }
0xa6: {  	[sflag:s1] =	ssyncset.done $0x0  }
0xa7: {  	[sflag:s1] =	ssyncadd.s32 $0xFFFFF800  }
0xa8: {  	_ =	swait.ge [sflag:s1], $0x800  }
0xa9: {  	[sflag:s1] =	ssyncset.done $0x0  }
0xaa: {  	[sflag:s1] =	ssyncadd.s32 $0xFFFFF800  }
0xab: {  	_ =	swait.ge [sflag:s1], $0x800  }
0xac: {  	[sflag:s1] =	ssyncset.done $0x0  }
0xad: {  	[sflag:s1] =	ssyncadd.s32 $0xFFFFF800  }
0xae: {  	_ =	swait.ge [sflag:s1], $0x800  }
0xaf: {  	[sflag:s1] =	ssyncset.done $0x0  }
0xb0: {  	[sflag:s1] =	ssyncadd.s32 $0xFFFFF800  }
0xb1: {  	_ =	swait.ge [sflag:s1], $0x800  }
0xb2: {  	[sflag:s1] =	ssyncset.done $0x0  }
0xb3: {  	[sflag:s1] =	ssyncadd.s32 $0xFFFFF800  }
0xb4: {  	_ =	swait.ge [sflag:s1], $0x800  }
0xb5: {  	[sflag:s1] =	ssyncset.done $0x0  }
0xb6: {  	[sflag:s1] =	ssyncadd.s32 $0xFFFFF800  }
0xb7: {  	_ =	swait.ge [sflag:s1], $0x800  }
0xb8: {  	[sflag:s1] =	ssyncset.done $0x0  }
0xb9: {  	[sflag:s1] =	ssyncadd.s32 $0xFFFFF800  }
0xba: {  	_ =	swait.ge [sflag:s1], $0x800  }
0xbb: {  	[sflag:s1] =	ssyncset.done $0x0  }
0xbc: {  	[sflag:s1] =	ssyncadd.s32 $0xFFFFF800  }
0xbd: {  	_ =	swait.ge [sflag:s1], $0x800  }
0xbe: {  	[sflag:s1] =	ssyncset.done $0x0  }
0xbf: {  	[sflag:s1] =	ssyncadd.s32 $0xFFFFF800  }
0xc0: {  	_ =	swait.ge [sflag:s1], $0x800  }
0xc1: {  	[sflag:s1] =	ssyncset.done $0x0  }
0xc2: {  	[sflag:s1] =	ssyncadd.s32 $0xFFFFF800  }
0xc3: {  	_ =	swait.ge [sflag:s1], $0x800  }
0xc4: {  	[sflag:s1] =	ssyncset.done $0x0  }
0xc5: {  	[sflag:s1] =	ssyncadd.s32 $0xFFFFF800  }
0xc6: {  	_ =	swait.ge [sflag:s1], $0x800  }
0xc7: {  	[sflag:s1] =	ssyncset.done $0x0  }
0xc8: {  	[sflag:s1] =	ssyncadd.s32 $0xFFFFF800  }
0xc9: {  	_ =	swait.ge [sflag:s1], $0x800  }
0xca: {  	[sflag:s1] =	ssyncset.done $0x0  }
0xcb: {  	[sflag:s1] =	ssyncadd.s32 $0xFFFFF800  }
0xcc: {  	_ =	swait.ge [sflag:s1], $0x800  }
0xcd: {  	[sflag:s1] =	ssyncset.done $0x0  }
0xce: {  	[sflag:s1] =	ssyncadd.s32 $0xFFFFF800  }
0xcf: {  	_ =	swait.ge [sflag:s1], $0x800  }
0xd0: {  	[sflag:s1] =	ssyncset.done $0x0  }
0xd1: {  	[sflag:s1] =	ssyncadd.s32 $0xFFFFF800  }
0xd2: {  	_ =	swait.ge [sflag:s1], $0x800  }
0xd3: {  	[sflag:s1] =	ssyncset.done $0x0  }
0xd4: {  	[sflag:s1] =	ssyncadd.s32 $0xFFFFF800  }
0xd5: {  	_ =	swait.ge [sflag:s1], $0x800  }
0xd6: {  	[sflag:s1] =	ssyncset.done $0x0  }
0xd7: {  	[sflag:s1] =	ssyncadd.s32 $0xFFFFF800  }
0xd8: {  	_ =	swait.ge [sflag:s1], $0x800  }
0xd9: {  	[sflag:s1] =	ssyncset.done $0x0  }
0xda: {  	[sflag:s1] =	ssyncadd.s32 $0xFFFFF800  }
0xdb: {  	_ =	swait.ge [sflag:s1], $0x800  }
0xdc: {  	[sflag:s1] =	ssyncset.done $0x0  }
0xdd: {  	[sflag:s1] =	ssyncadd.s32 $0xFFFFF800  }
0xde: {  	_ =	swait.ge [sflag:s1], $0x800  }
0xdf: {  	[sflag:s1] =	ssyncset.done $0x0  }
0xe0: {  	[sflag:s1] =	ssyncadd.s32 $0xFFFFF800  }
0xe1: {  	_ =	swait.ge [sflag:s1], $0x800  }
0xe2: {  	[sflag:s1] =	ssyncset.done $0x0  }
0xe3: {  	[sflag:s1] =	ssyncadd.s32 $0xFFFFF800  }
0xe4: {  	_ =	swait.ge [sflag:s1], $0x800  }
0xe5: {  	[sflag:s1] =	ssyncset.done $0x0  }
0xe6: {  	[sflag:s1] =	ssyncadd.s32 $0xFFFFF800  }
0xe7: {  	_ =	swait.ge [sflag:s1], $0x800  }
0xe8: {  	[sflag:s1] =	ssyncset.done $0x0  }
0xe9: {  	[sflag:s1] =	ssyncadd.s32 $0xFFFFF800  }
0xea: {  	_ =	swait.ge [sflag:s1], $0x800  }
0xeb: {  	[sflag:s1] =	ssyncset.done $0x0  }
0xec: {  	[sflag:s1] =	ssyncadd.s32 $0xFFFFF800  }
0xed: {  	_ =	swait.ge [sflag:s1], $0x800  }
0xee: {  	[sflag:s1] =	ssyncset.done $0x0  }
0xef: {  	[sflag:s1] =	ssyncadd.s32 $0xFFFFF800  }
0xf0: {  	_ =	swait.ge [sflag:s1], $0x800  }
0xf1: {  	[sflag:s1] =	ssyncset.done $0x0  }
0xf2: {  	[sflag:s1] =	ssyncadd.s32 $0xFFFFF800  }
0xf3: {  	_ =	swait.ge [sflag:s1], $0x800  }
0xf4: {  	[sflag:s1] =	ssyncset.done $0x0  }
0xf5: {  	[sflag:s1] =	ssyncadd.s32 $0xFFFFF800  }
0xf6: {  	_ =	swait.ge [sflag:s1], $0x800  }
0xf7: {  	[sflag:s1] =	ssyncset.done $0x0  }
0xf8: {  	[sflag:s1] =	ssyncadd.s32 $0xFFFFF800  }
0xf9: {  	_ =	swait.ge [sflag:s1], $0x800  }
0xfa: {  	[sflag:s1] =	ssyncset.done $0x0  }
0xfb: {  	[sflag:s1] =	ssyncadd.s32 $0xFFFFF800  }
0xfc: {  	_ =	swait.ge [sflag:s1], $0x800  }
0xfd: {  	[sflag:s1] =	ssyncset.done $0x0  }
0xfe: {  	[sflag:s1] =	ssyncadd.s32 $0xFFFFF800  }
0xff: {  	_ =	swait.ge [sflag:s1], $0x800  }
0x100: {  	[sflag:s1] =	ssyncset.done $0x0  }
0x101: {  	[sflag:s1] =	ssyncadd.s32 $0xFFFFF800  }
0x102: {  	_ =	swait.ge [sflag:s1], $0x800  }
0x103: {  	[sflag:s1] =	ssyncset.done $0x0  }
0x104: {  	[sflag:s1] =	ssyncadd.s32 $0xFFFFF800  }
0x105: {  	_ =	swait.ge [sflag:s1], $0x800  }
0x106: {  	[sflag:s1] =	ssyncset.done $0x0  }
0x107: {  	[sflag:s1] =	ssyncadd.s32 $0xFFFFF800  }
0x108: {  	_ =	swait.ge [sflag:s1], $0x800  }
0x109: {  	[sflag:s1] =	ssyncset.done $0x0  }
0x10a: {  	[sflag:s1] =	ssyncadd.s32 $0xFFFFF800  }
0x10b: {  	_ =	swait.ge [sflag:s1], $0x800  }
0x10c: {  	[sflag:s1] =	ssyncset.done $0x0  }
0x10d: {  	[sflag:s1] =	ssyncadd.s32 $0xFFFFF800  }
0x10e: {  	_ =	swait.ge [sflag:s1], $0x800  }
0x10f: {  	[sflag:s1] =	ssyncset.done $0x0  }
0x110: {  	[sflag:s1] =	ssyncadd.s32 $0xFFFFF800  }
0x111: {  	_ =	swait.ge [sflag:s1], $0x800  }
0x112: {  	[sflag:s1] =	ssyncset.done $0x0  }
0x113: {  	[sflag:s1] =	ssyncadd.s32 $0xFFFFF800  }
0x114: {  	_ =	swait.ge [sflag:s1], $0x800  }
0x115: {  	[sflag:s1] =	ssyncset.done $0x0  }
0x116: {  	[sflag:s1] =	ssyncadd.s32 $0xFFFFF800  }
0x117: {  	_ =	swait.ge [sflag:s1], $0x800  }
0x118: {  	[sflag:s1] =	ssyncset.done $0x0  }
0x119: {  	[sflag:s1] =	ssyncadd.s32 $0xFFFFF800  }
0x11a: {  	_ =	swait.ge [sflag:s1], $0x800  }
0x11b: {  	[sflag:s1] =	ssyncset.done $0x0  }
0x11c: {  	[sflag:s1] =	ssyncadd.s32 $0xFFFFF800  }
0x11d: {  	[bflag:$0x0] =	sbarrier.arrive $0xFFFF  }
0x11e: {  	s25 =	sld [smem:$0x7FC];
	_ =	sdelay $0x2  }
0x11f: {  	[tilespmem:s7], [sflag:$0x9] =	stream.linear.gather [hbm4b:s25+s3], $0x10, $0x38;
	[tilespmem:$0x1F100] =	vst v63  }
0x120: {  	_ =	swait.ge [sflag:s8], $0x10  }
0x121: {  	[sflag:s8] =	ssyncset.done $0x0  }
0x122: {  	s25 =	simm.s32 $0x1E700;
	[sflag:s8] =	ssyncadd.s32 $0xFFFFFFF0  }
0x123: {  	[tilespmem:s10], [sflag:$0x3] =	stream.indirect.gather [hbm4b:s4+s9], $0x80, s25, s9, $0xb8;
	[tilespmem:$0x1F100] =	vst v63  }
0x124: {  	_ =	swait.ge [sflag:s11], $0x800  }
0x125: {  	[sflag:s11] =	ssyncset.done $0x0  }
0x126: {  	[sflag:s11] =	ssyncadd.s32 $0xFFFFF800  }
0x127: {  	[spmem:s2] =	stream.indirect.scatter.add.f32 [tilespmem:s10], [sflag:$0x5], $0x80, s7, s9, $0xb8;
	[tilespmem:$0x1F100] =	vst v63  }
0x128: {  	_ =	swait.ge [sflag:s12], $0x800  }
0x129: {  	s25 =	sld [smem:$0x7FD]  }
0x12a: {  	[sflag:s12] =	ssyncset.done $0x0  }
0x12b: {  	[sflag:s12] =	ssyncadd.s32 $0xFFFFF800  }
0x12c: {  	[tilespmem:s13], [sflag:$0x9] =	stream.linear.gather [hbm4b:s25+s3], $0x80, $0x38;
	[tilespmem:$0x1F100] =	vst v63  }
0x12d: {  	_ =	swait.ge [sflag:s8], $0x80  }
0x12e: {  	[sflag:s8] =	ssyncset.done $0x0  }
0x12f: {  	[sflag:s8] =	ssyncadd.s32 $0xFFFFFF80  }
0x130: {  	[tilespmem:s10], [sflag:$0x3] =	stream.indirect.gather [hbm4b:s4+s14], $0x80, s23, s14, $0xb8;
	[tilespmem:$0x1F100] =	vst v63  }
0x131: {  	_ = 	snop  }
0x132: {  	[tilespmem:s15], [sflag:$0x8] =	stream.linear.gather [hbm4b:s28+s3], $0x80, $0x38;
	[tilespmem:$0x1F100] =	vst v63  }
0x133: {  	s25 =	simm.s32 $0x1C080  }
0x134: {  	[tilespmem:s16], [sflag:$0x4] =	stream.indirect.gather [hbm4b:s4+s14], $0x80, s25, s14, $0xb8;
	[tilespmem:$0x1F100] =	vst v63  }
0x135: {  	_ =	swait.ge [sflag:s11], $0x4000  }
0x136: {  	[sflag:s11] =	ssyncset.done $0x0  }
0x137: {  	[sflag:s11] =	ssyncadd.s32 $0xFFFFC000  }
0x138: {  	[spmem:s2] =	stream.indirect.scatter.add.f32 [tilespmem:s10], [sflag:$0x5], $0x80, s13, s14, $0xb8;
	[tilespmem:$0x1F100] =	vst v63  }
0x139: {  	_ =	swait.ge [sflag:s17], $0x4000  }
0x13a: {  	[sflag:s17] =	ssyncset.done $0x0  }
0x13b: {  	[sflag:s17] =	ssyncadd.s32 $0xFFFFC000  }
0x13c: {  	_ =	swait.ge [sflag:s12], $0x4000  }
0x13d: {  	[sflag:s12] =	ssyncset.done $0x0  }
0x13e: {  	[sflag:s12] =	ssyncadd.s32 $0xFFFFC000  }
0x13f: {  	[tilespmem:s13], [sflag:$0x7] =	stream.linear.gather [hbm4b:s29+s3], $0x80, $0x38;
	[tilespmem:$0x1F100] =	vst v63  }
0x140: {  	s23 =	simm.s32 $0x1C100  }
0x141: {  	[tilespmem:s10], [sflag:$0x3] =	stream.indirect.gather [hbm4b:s4+s14], $0x80, s23, s14, $0xb8;
	[tilespmem:$0x1F100] =	vst v63  }
0x142: {  	_ =	swait.ge [sflag:s18], $0x80  }
0x143: {  	[sflag:s18] =	ssyncset.done $0x0  }
0x144: {  	[sflag:s18] =	ssyncadd.s32 $0xFFFFFF80  }
0x145: {  	[spmem:s2] =	stream.indirect.scatter.add.f32 [tilespmem:s16], [sflag:$0x6], $0x80, s15, s14, $0xb8;
	[tilespmem:$0x1F100] =	vst v63  }
0x146: {  	_ =	swait.ge [sflag:s19], $0x4000  }
0x147: {  	[sflag:s19] =	ssyncset.done $0x0  }
0x148: {  	[sflag:s19] =	ssyncadd.s32 $0xFFFFC000  }
0x149: {  	[tilespmem:s15], [sflag:$0x8] =	stream.linear.gather [hbm4b:s24+s3], $0x80, $0x38;
	[tilespmem:$0x1F100] =	vst v63  }
0x14a: {  	s25 =	simm.s32 $0x1C180  }
0x14b: {  	[tilespmem:s16], [sflag:$0x4] =	stream.indirect.gather [hbm4b:s4+s14], $0x80, s25, s14, $0xb8;
	[tilespmem:$0x1F100] =	vst v63  }
0x14c: {  	_ =	swait.ge [sflag:s11], $0x4000  }
0x14d: {  	[sflag:s11] =	ssyncset.done $0x0  }
0x14e: {  	[sflag:s11] =	ssyncadd.s32 $0xFFFFC000  }
0x14f: {  	_ =	swait.ge [sflag:s20], $0x80  }
0x150: {  	[sflag:s20] =	ssyncset.done $0x0  }
0x151: {  	[sflag:s20] =	ssyncadd.s32 $0xFFFFFF80  }
0x152: {  	[spmem:s2] =	stream.indirect.scatter.add.f32 [tilespmem:s10], [sflag:$0x5], $0x80, s13, s14, $0xb8;
	[tilespmem:$0x1F100] =	vst v63  }
0x153: {  	_ =	swait.ge [sflag:s17], $0x4000  }
0x154: {  	[sflag:s17] =	ssyncset.done $0x0  }
0x155: {  	[sflag:s17] =	ssyncadd.s32 $0xFFFFC000  }
0x156: {  	_ =	swait.ge [sflag:s12], $0x4000  }
0x157: {  	[sflag:s12] =	ssyncset.done $0x0  }
0x158: {  	s23 =	sadd.s32 $0x10, s24;
	[sflag:s12] =	ssyncadd.s32 $0xFFFFC000  }
0x159: {  	[tilespmem:s13], [sflag:$0x7] =	stream.linear.gather [hbm4b:s23+s3], $0x80, $0x38;
	[tilespmem:$0x1F100] =	vst v63  }
0x15a: {  	s25 =	simm.s32 $0x1C200  }
0x15b: {  	[tilespmem:s10], [sflag:$0x3] =	stream.indirect.gather [hbm4b:s4+s14], $0x80, s25, s14, $0xb8;
	[tilespmem:$0x1F100] =	vst v63  }
0x15c: {  	_ =	swait.ge [sflag:s18], $0x80  }
0x15d: {  	[sflag:s18] =	ssyncset.done $0x0  }
0x15e: {  	s30 =	simm.s32 $0xFFFF7000;
	s22 =	sadd.s32 $0x20, s24;
	[sflag:s18] =	ssyncadd.s32 $0xFFFFFF80  }
.LBB2_6:
0x15f: {  	[spmem:s2] =	stream.indirect.scatter.add.f32 [tilespmem:s16], [sflag:$0x6], $0x80, s15, s14, $0xb8;
	[tilespmem:$0x1F100] =	vst v63  }
0x160: {  	s23 =	smov.u32 s30  }
0x161: {  	p0 =	sne.s32 s30, $0xFFFFFC00;
	s30 =	sadd.s32 $0x400, s30;
	_ =	swait.ge [sflag:s19], $0x4000  }
0x162: {  	[sflag:s19] =	ssyncset.done $0x0  }
0x163: {  	s23 =	sshra.s32 s23, $0x2;
	[sflag:s19] =	ssyncadd.s32 $0xFFFFC000  }
0x164: {  	[tilespmem:s15], [sflag:$0x8] =	stream.linear.gather [hbm4b:s22+s3], $0x80, $0x38;
	[tilespmem:$0x1F100] =	vst v63  }
0x165: {  	s25 =	sadd.s32 $0x1E680, s23  }
0x166: {  	[tilespmem:s16], [sflag:$0x4] =	stream.indirect.gather [hbm4b:s4+s14], $0x80, s25, s14, $0xb8;
	[tilespmem:$0x1F100] =	vst v63  }
0x167: {  	_ =	swait.ge [sflag:s11], $0x4000  }
0x168: {  	[sflag:s11] =	ssyncset.done $0x0  }
0x169: {  	[sflag:s11] =	ssyncadd.s32 $0xFFFFC000  }
0x16a: {  	_ =	swait.ge [sflag:s20], $0x80  }
0x16b: {  	[sflag:s20] =	ssyncset.done $0x0  }
0x16c: {  	[sflag:s20] =	ssyncadd.s32 $0xFFFFFF80  }
0x16d: {  	[spmem:s2] =	stream.indirect.scatter.add.f32 [tilespmem:s10], [sflag:$0x5], $0x80, s13, s14, $0xb8;
	[tilespmem:$0x1F100] =	vst v63  }
0x16e: {  	_ =	swait.ge [sflag:s17], $0x4000  }
0x16f: {  	[sflag:s17] =	ssyncset.done $0x0  }
0x170: {  	[sflag:s17] =	ssyncadd.s32 $0xFFFFC000  }
0x171: {  	_ =	swait.ge [sflag:s12], $0x4000  }
0x172: {  	[sflag:s12] =	ssyncset.done $0x0  }
0x173: {  	s25 =	sadd.s32 $0x10, s22;
	[sflag:s12] =	ssyncadd.s32 $0xFFFFC000  }
0x174: {  	[tilespmem:s13], [sflag:$0x7] =	stream.linear.gather [hbm4b:s25+s3], $0x80, $0x38;
	[tilespmem:$0x1F100] =	vst v63  }
.Ltmp2:
0x175: {  	s23 =	sadd.s32 $0x1E700, s23;
	(pc) =	sbr.rel @p0 .LBB2_6-.Ltmp2, $4  }
0x176: {  	[tilespmem:s10], [sflag:$0x3] =	stream.indirect.gather [hbm4b:s4+s14], $0x80, s23, s14, $0xb8;
	[tilespmem:$0x1F100] =	vst v63  }
0x177: {  	_ =	swait.ge [sflag:s18], $0x80  }
0x178: {  	[sflag:s18] =	ssyncset.done $0x0  }
0x179: {  	s22 =	sadd.s32 $0x20, s22;
	[sflag:s18] =	ssyncadd.s32 $0xFFFFFF80  }
0x17a: {  	[spmem:s2] =	stream.indirect.scatter.add.f32 [tilespmem:s16], [sflag:$0x6], $0x80, s15, s14, $0xb8;
	[tilespmem:$0x1F100] =	vst v63  }
0x17b: {  	_ =	swait.ge [sflag:s19], $0x4000  }
0x17c: {  	[sflag:s19] =	ssyncset.done $0x0  }
0x17d: {  	[sflag:s19] =	ssyncadd.s32 $0xFFFFC000  }
0x17e: {  	[tilespmem:s15], [sflag:$0x8] =	stream.linear.gather [hbm4b:s26+s3], $0x80, $0x38;
	[tilespmem:$0x1F100] =	vst v63  }
0x17f: {  	s22 =	simm.s32 $0x1E680  }
0x180: {  	[tilespmem:s16], [sflag:$0x4] =	stream.indirect.gather [hbm4b:s4+s14], $0x80, s22, s14, $0xb8;
	[tilespmem:$0x1F100] =	vst v63  }
0x181: {  	_ =	swait.ge [sflag:s11], $0x4000  }
0x182: {  	[sflag:s11] =	ssyncset.done $0x0  }
0x183: {  	[sflag:s11] =	ssyncadd.s32 $0xFFFFC000  }
0x184: {  	_ =	swait.ge [sflag:s20], $0x80  }
0x185: {  	[sflag:s20] =	ssyncset.done $0x0  }
0x186: {  	[sflag:s20] =	ssyncadd.s32 $0xFFFFFF80  }
0x187: {  	[spmem:s2] =	stream.indirect.scatter.add.f32 [tilespmem:s10], [sflag:$0x5], $0x80, s13, s14, $0xb8;
	[tilespmem:$0x1F100] =	vst v63  }
0x188: {  	_ =	swait.ge [sflag:s17], $0x4000  }
0x189: {  	[sflag:s17] =	ssyncset.done $0x0  }
0x18a: {  	[sflag:s17] =	ssyncadd.s32 $0xFFFFC000  }
0x18b: {  	_ =	swait.ge [sflag:s18], $0x80  }
0x18c: {  	[sflag:s18] =	ssyncset.done $0x0  }
0x18d: {  	[sflag:s18] =	ssyncadd.s32 $0xFFFFFF80  }
0x18e: {  	[spmem:s2] =	stream.indirect.scatter.add.f32 [tilespmem:s16], [sflag:$0x6], $0x80, s15, s14, $0xb8;
	[tilespmem:$0x1F100] =	vst v63  }
0x18f: {  	_ =	swait.ge [sflag:s12], $0x4000  }
0x190: {  	[sflag:s12] =	ssyncset.done $0x0  }
0x191: {  	[sflag:s12] =	ssyncadd.s32 $0xFFFFC000  }
0x192: {  	_ =	swait.ge [sflag:s19], $0x4000  }
0x193: {  	[sflag:s19] =	ssyncset.done $0x0  }
0x194: {  	s25 =	stileid.u32;
	[sflag:s19] =	ssyncadd.s32 $0xFFFFC000  }
0x195: {  	s22 =	sshll.u32 s25, $0x6;
	[bflag:$0x0] =	sbarrier.arrive $0xFFFF  }
0x196: {  	s23 =	sshrl.u32 s5, $0x3;
	s22 =	sor.u32 $0x1C09, s22;
	s25 =	rddreg [dreg:$0x12]  }
0x197: {  	[hbm:s25], [sflag:s22] =	dma.local [spmem:s23], $0x2800  }
0x198: {  	_ =	swait.ge [sflag:s8], $0x2800  }
0x199: {  	s21 =	sadd.s32 $0x1, s21;
	s30 =	rddreg [dreg:$0x13]  }
0x19a: {  	p0 =	sne.s32 s21, s30  }
.Ltmp3:
0x19b: {  	_ = 	snop;
	(pc) =	sbr.rel @p0 .LBB2_1-.Ltmp3, $3  }
0x19c: {  	_ =	sdelay $0x1  }
0x19d: {  	[sflag:s8] =	ssyncset.done $0x0  }
0x19e: {  	s23 =	simm.s32 $0x1C000;
	[sflag:s8] =	ssyncadd.s32 $0xFFFFD800  }
0x19f: {  	_ =	sfence.sel $0x180000  }
0x1a0: {  	[bflag:$0x0] =	sbarrier.arrive $0xFFFF  }
0x1a1: {  	_ =	strace $0x9000004A  }
0x1a2: {  	s0 =	stileid.u32;
	[bflag:$0x2] =	sbarrier.arrive $0xFFFF  }
0x1a3: {  	p0 =	sne.s32 s0, $0x0;
	s0 =	rddreg [dreg:$0x2]  }
0x1a4: {  	s0 =	sadd.s32 @!p0 $0x100000, s0  }
0x1a5: {  	[sflag:s0] =	ssyncadd.tile.s32 @!p0 $0x1;
	_ =	shalt  }
.Lfunc_end2:
_tile_overlayer_lowered:
.L_overlay_start_2:
0x1a6: {  	(tag) =	ssettag $0x2  }
0x1a7: {  	s0 =	rddreg [dreg:$0x0];
	s2 =	stileid.u32  }
0x1a8: {  	s1 =	rddreg [dreg:$0x1];
	p0 =	sne.s32 s2, $0x0  }
0x1a9: {  	s3 =	rddreg [dreg:$0x2];
	[bflag:$0x3] =	sbarrier.arrive $0xFFFF;
	s2 =	simm.s32 @!p0 $0x1C09  }
0x1aa: {  	[timem:s3], [sflag:s2] =	dma.local @!p0 [hbm:s0], s1  }
0x1ab: {  	s0 =	simm.s32 @!p0 $0x9  }
0x1ac: {  	_ =	swait.ge @!p0 [sflag:s0], s1  }
0x1ad: {  	s1 =	ssub.s32 @!p0 $0x0, s1;
	[sflag:s0] =	ssyncset.done @!p0 $0x0  }
0x1ae: {  	[sflag:s0] =	ssyncadd.s32 @!p0 s1  }
0x1af: {  	[bflag:$0x3] =	sbarrier.arrive $0xFFFF  }
0x1b0: {  	_ =	shalt  }

// kernel: kernel.14.cloned.1.call-start
scs
__scs_entry_jumppad:
0x0: {  	(pc) =	sbr.rel $0x88, $3  }
0x1: {  	(tag) =	ssettag $0x0;
	lr =	simm.s32 $0x1  }
0x2: {  	[smem:$0x3F95] =	sst lr;
	_ =	strace $0xD0000000  }
0x3: {  	_ = 	snop  }
0x4: {  	_ = 	snop  }
0x5: {  	_ = 	snop  }
0x6: {  	_ = 	snop  }
0x7: {  	_ = 	snop  }
__scs_overlays_trampoline_lowered:
0x8: {  	[smem:$0x3FA4] =	sst s0  }
0x9: {  	[smem:$0x3FA5] =	sst s1  }
0xa: {  	[smem:$0x3FA6] =	sst s2  }
0xb: {  	[smem:$0x3FA7] =	sst s3  }
0xc: {  	[smem:$0x3FA8] =	sst s4  }
0xd: {  	[smem:$0x3FA9] =	sst s5  }
0xe: {  	[smem:$0x3FAA] =	sst s6  }
0xf: {  	[smem:$0x3FAB] =	sst s7  }
0x10: {  	[smem:$0x3FAC] =	sst s8  }
0x11: {  	[smem:$0x3FAD] =	sst s9;
	s0 =	simm.s32 @!p0 $0x0  }
0x12: {  	s1 =	sld [smem:$0x3F93];
	s0 =	simm.s32 @p0 $0x1  }
0x13: {  	[smem:$0x3FAE] =	sst s0;
	s0 =	simm.s32 @!p1 $0x0  }
0x14: {  	s2 =	sld [smem:$0x3F92];
	s0 =	simm.s32 @p1 $0x1  }
0x15: {  	[smem:$0x3FAF] =	sst s0;
	s0 =	simm.s32 @!p2 $0x0  }
0x16: {  	s3 =	sld [smem:$0x3FDB];
	s0 =	simm.s32 @p2 $0x1  }
0x17: {  	s4 =	simm.s32 $0x1BF5;
	[smem:$0x3FB1] =	sst s0  }
0x18: {  	s0 =	sld [smem:$0x3F94];
	_ =	swait.ge [sflag:s4], $0x0  }
0x19: {  	s7 =	sld [smem:$0x3F95]  }
0x1a: {  	s8 =	sadd.s32 $0xFFFFE003, lr  }
0x1b: {  	s9 =	sadd.s32 $0xFFFFFEF7, lr;
	s5 =	simm.s32 $0xFFFFFFFF;
	p2 =	slt.u32 s8, $0xFFFFF086  }
0x1c: {  	p1 =	slt.u32 s9, $0xF7A;
	s5 =	simm.s32 @!p2 $0x0  }
0x1d: {  	s5 =	simm.s32 @p1 $0x1;
	p0 =	seq.s32 s7, s2  }
0x1e: {  	s7 =	smul.u32 @!p0 $0xF7A, s2;
	p2 =	seq.s32 @!p0 s5, $0x0  }
0x1f: {  	s9 =	smul.u32 $0xF7A, s1;
	s8 =	simm.s32 @!p0 $0x1BF5;
	p2 =	por !p2, p0  }
0x20: {  	[sflag:s8] =	ssyncset.s32 @!p0 $0xFFFFF086;
	s6 =	sadd.s32 @!p0 s3, s7;
	s7 =	simm.s32 @!p0 $0x108  }
0x21: {  	s3 =	sadd.s32 s3, s9;
	s6 =	sadd.s32 @!p0 $0x88, s6;
	s7 =	simm.s32 @p2 $0x1082  }
0x22: {  	[simem:s7], [sflag:s8] =	dma.local @!p0 [hbm:s6], $0xF7A  }
0x23: {  	s9 =	sor.u32 $0xD0000000, s2;
	s6 =	simm.s32 $0x108;
	_ =	swait.ge @!p0 [sflag:s8], $0x0  }
0x24: {  	s3 =	sadd.s32 $0x88, s3;
	s6 =	simm.s32 @!p1 $0x1082;
	[sflag:s4] =	ssyncset.s32 $0xFFFFF086  }
0x25: {  	[simem:s6], [sflag:s4] =	dma.local [hbm:s3], $0xF7A  }
0x26: {  	[smem:$0x3F95] =	sst s1;
	(tag) =	ssettag s2;
	_ =	strace s9  }
0x27: {  	s1 =	sld [smem:$0x3FA5]  }
0x28: {  	s2 =	sld [smem:$0x3FA6]  }
0x29: {  	s4 =	sld [smem:$0x3FA8]  }
0x2a: {  	p0 =	seq.s32 s5, $0x0;
	s5 =	sld [smem:$0x3FA9]  }
0x2b: {  	s6 =	sld [smem:$0x3FAA]  }
0x2c: {  	s7 =	sld [smem:$0x3FAB]  }
0x2d: {  	s3 =	simm.s32 $0x108;
	s8 =	sld [smem:$0x3FAC]  }
0x2e: {  	s3 =	simm.s32 @!p0 $0x1082;
	s9 =	sld [smem:$0x3FAD]  }
0x2f: {  	lr =	sadd.s32 s0, s3;
	s0 =	sld [smem:$0x3FA4]  }
0x30: {  	s3 =	sld [smem:$0x3FA7]  }
0x31: {  	[smem:$0x3FB0] =	sst s10  }
0x32: {  	s10 =	sld [smem:$0x3FAE];
	_ =	sdelay $0x3  }
0x33: {  	p0 =	seq.s32 s10, $0x1;
	s10 =	sld [smem:$0x3FB0];
	_ =	sdelay $0x3  }
0x34: {  	[smem:$0x3FB0] =	sst s10  }
0x35: {  	s10 =	sld [smem:$0x3FAF];
	_ =	sdelay $0x3  }
0x36: {  	p1 =	seq.s32 s10, $0x1;
	s10 =	sld [smem:$0x3FB0];
	_ =	sdelay $0x3  }
0x37: {  	[smem:$0x3FB0] =	sst s10  }
0x38: {  	s10 =	sld [smem:$0x3FB1]  }
0x39: {  	_ = 	snop;
	(pc) =	sbr.ind lr, $3  }
0x3a: {  	_ = 	snop  }
0x3b: {  	_ = 	snop  }
0x3c: {  	p2 =	seq.s32 s10, $0x1;
	s10 =	sld [smem:$0x3FB0]  }
0x3d: {  	_ =	shalt  }
0x3e: {  	_ =	shalt  }
0x3f: {  	_ =	shalt  }
0x40: {  	_ =	shalt  }
0x41: {  	_ =	shalt  }
0x42: {  	_ =	shalt  }
0x43: {  	_ =	shalt  }
0x44: {  	_ =	shalt  }
0x45: {  	_ =	shalt  }
0x46: {  	_ =	shalt  }
0x47: {  	_ =	shalt  }
0x48: {  	_ =	shalt  }
0x49: {  	_ =	shalt  }
0x4a: {  	_ =	shalt  }
0x4b: {  	_ =	shalt  }
0x4c: {  	_ =	shalt  }
0x4d: {  	_ =	shalt  }
0x4e: {  	_ =	shalt  }
0x4f: {  	_ =	shalt  }
0x50: {  	_ =	shalt  }
0x51: {  	_ =	shalt  }
0x52: {  	_ =	shalt  }
0x53: {  	_ =	shalt  }
0x54: {  	_ =	shalt  }
0x55: {  	_ =	shalt  }
0x56: {  	_ =	shalt  }
0x57: {  	_ =	shalt  }
0x58: {  	_ =	shalt  }
0x59: {  	_ =	shalt  }
0x5a: {  	_ =	shalt  }
0x5b: {  	_ =	shalt  }
0x5c: {  	_ =	shalt  }
0x5d: {  	_ =	shalt  }
0x5e: {  	_ =	shalt  }
0x5f: {  	_ =	shalt  }
0x60: {  	_ =	shalt  }
0x61: {  	_ =	shalt  }
0x62: {  	_ =	shalt  }
0x63: {  	_ =	shalt  }
0x64: {  	_ =	shalt  }
0x65: {  	_ =	shalt  }
0x66: {  	_ =	shalt  }
0x67: {  	_ =	shalt  }
0x68: {  	_ =	shalt  }
0x69: {  	_ =	shalt  }
0x6a: {  	_ =	shalt  }
0x6b: {  	_ =	shalt  }
0x6c: {  	_ =	shalt  }
0x6d: {  	_ =	shalt  }
0x6e: {  	_ =	shalt  }
0x6f: {  	_ =	shalt  }
0x70: {  	_ =	shalt  }
0x71: {  	_ =	shalt  }
0x72: {  	_ =	shalt  }
0x73: {  	_ =	shalt  }
0x74: {  	_ =	shalt  }
0x75: {  	_ =	shalt  }
0x76: {  	_ =	shalt  }
0x77: {  	_ =	shalt  }
0x78: {  	_ =	shalt  }
0x79: {  	_ =	shalt  }
0x7a: {  	_ =	shalt  }
0x7b: {  	_ =	shalt  }
0x7c: {  	_ =	shalt  }
0x7d: {  	_ =	shalt  }
0x7e: {  	_ =	shalt  }
0x7f: {  	_ =	shalt  }
0x80: {  	_ =	shalt  }
0x81: {  	_ =	shalt  }
0x82: {  	_ =	shalt  }
0x83: {  	_ =	shalt  }
0x84: {  	_ =	shalt  }
0x85: {  	_ =	shalt  }
0x86: {  	_ =	shalt  }
0x87: {  	_ =	shalt  }
.Lfunc_end0:
.L_simem_size_0:
called_computation.2_lowered:
.L_overlay_start_0:
0x88: {  	s2 =	sld [smem:$0x3FD9]  }
0x89: {  	s3 =	sld [smem:$0x3FFE];
	_ =	sdelay $0x1  }
0x8a: {  	s1 =	srdreg.scid  }
0x8b: {  	s0 =	sand.u32 $0x1, s1  }
0x8c: {  	s16 =	sshll.u32 s0, $0xA;
	s2 =	sadd.s32 s3, s2  }
0x8d: {  	s2 =	sadd.s32 s2, s16  }
0x8e: {  	[smem:$0x3FBC] =	sst s2  }
0x8f: {  	_ = 	snop  }
0x90: {  	(tm) =	ssettm $0x1  }
0x91: {  	s17 =	sld [smem:$0x3FFB];
	_ =	sdelay $0x3  }
0x92: {  	_ =	strace s17  }
0x93: {  	s2 =	sld [smem:$0x3FFC];
	_ =	sdelay $0x3  }
0x94: {  	_ =	strace s2  }
0x95: {  	s2 =	sld [smem:$0x3FFD];
	_ =	sdelay $0x3  }
0x96: {  	_ =	strace s2  }
0x97: {  	_ =	strace $0x8FFFFFFF  }
0x98: {  	s18 =	sld [smem:$0x3FDB];
	_ =	sdelay $0x1  }
0x99: {  	s19 =	simm.s32 $_scs_section_size  }
0x9a: {  	s4 =	simm.s32 $_size__tile_overlayer_lowered;
	s5 =	simm.s32 $_tile_overlayer_lowered  }
0x9b: {  	s22 =	simm.s32 $0x1BFF;
	s21 =	sshll.u32 s5, $0x1;
	s2 =	sadd.s32 s19, s18  }
0x9c: {  	s6 =	simm.s32 $0x0;
	s20 =	sshll.u32 s4, $0x1;
	s4 =	sadd.s32 s21, s2  }
0x9d: {  	[timem:s6], [sflag:s22] =	dma.local [hbm:s4], s20  }
0x9e: {  	_ =	swait.ge [sflag:s22], s20  }
0x9f: {  	s3 =	ssub.s32 $0x0, s20;
	[sflag:s22] =	ssyncset.done $0x0  }
0xa0: {  	[sflag:s22] =	ssyncadd.s32 s3;
	_ =	sdelay $0x1  }
0xa1: {  	s23 =	simm.s32 $0x1B8B  }
0xa2: {  	_ =	swait.ge [sflag:s23], $0x1  }
0xa3: {  	[sflag:s23] =	ssyncset.done $0x0  }
0xa4: {  	s25 =	simm.s32 $0x1B8E;
	s24 =	sld [smem:$0x3FFE];
	[sflag:s23] =	ssyncadd.s32 $0xFFFFFFFF  }
0xa5: {  	s26 =	simm.s32 $execute0_lowered;
	[smem:$0x3FD2] =	sst s25  }
0xa6: {  	s4 =	sshll.u32 s26, $0x1;
	_ =	strace $0x8000004C;
	[dreg:$0x1] =	wrdreg $0xFFFFFFFF  }
0xa7: {  	s28 =	simm.s32 $_size_execute0_lowered;
	s2 =	sadd.s32 s2, s4;
	[dreg:$0x0] =	wrdreg $0x0  }
0xa8: {  	s4 =	sshll.u32 s28, $0x1;
	[dreg:$0x2] =	wrdreg s2  }
0xa9: {  	[dreg:$0x3] =	wrdreg s4  }
0xaa: {  	[dreg:$0x4] =	wrdreg $0xC0  }
0xab: {  	_ =	task [dreg:s6], $0x5FFFF  }
0xac: {  	[dreg:$0x1] =	wrdreg $0xFFFFFFFF  }
0xad: {  	[dreg:$0x0] =	wrdreg $0x60  }
0xae: {  	[dreg:$0x2] =	wrdreg s24  }
0xaf: {  	[dreg:$0x3] =	wrdreg $0x0  }
0xb0: {  	[dreg:$0x4] =	wrdreg $0x9  }
0xb1: {  	_ =	task.clear_ibuf [dreg:s6], $0x5FFFF;
	_ =	strace $0x9000004C  }
0xb2: {  	s29 =	simm.s32 $0x9;
	_ =	strace $0x8000004E  }
0xb3: {  	_ =	swait.ge [sflag:s29], $0x1  }
0xb4: {  	[sflag:s29] =	ssyncadd.s32 $0xFFFFFFFF  }
0xb5: {  	_ =	strace $0x9000004E  }
0xb6: {  	_ =	sfence  }
0xb7: {  	s30 =	sld [smem:$0x0];
	_ =	sdelay $0x2  }
0xb8: {  	s31 =	sshll.u32 s1, $0xD;
	s1 =	sshrl.u32 s1, $0x2  }
0xb9: {  	s3 =	sand.u32 $0x4000, s31;
	s1 =	sadd.s32 s1, s30  }
0xba: {  	s0 =	sor.u32 s3, s0;
	s1 =	sshll.u32 s1, $0x11  }
0xbb: {  	s0 =	sor.u32 s1, s0  }
0xbc: {  	s0 =	sadd.s32 $0x8F2B, s0  }
0xbd: {  	[sflag:s0] =	ssyncadd.remote.s32 $0x1  }
0xbe: {  	_ =	sfence.sel $0xFFFF  }
0xbf: {  	[dreg:$0x0] =	wrdreg $0xFFFFFFFF;
	(pc) =	sbr.abs _section_cstart, $3  }
0xc0: {  	[dreg:$0x1] =	wrdreg $0xFFFFFFFF  }
0xc1: {  	_ =	task.clear_ibuf [dreg:s6], $0x2FFFF;
	_ =	strace $0x9FFFFFFF  }
0xc2: {  	(tm) =	ssettm $0x7FFFFFFF  }
0xc3: {  	_ =	shalt  }
tec
execute0_lowered:
.L_overlay_start_1:
0x0: {  	(tag) =	ssettag $0x1  }
0x1: {  	s0 =	rddreg [dreg:$0x0]  }
0x2: {  	s2 =	rddreg [dreg:$0x1];
	s10 =	stileid.u32  }
0x3: {  	s1 =	srdreg.scid;
	s5 =	smul.u32 $0x2800, s10  }
0x4: {  	s3 =	simm.s32 $0x0;
	s1 =	sand.u32 $0x1, s1;
	s7 =	smul.u32 $0x50000, s10  }
0x5: {  	[smem:$0x7FF] =	sst s3;
	s6 =	smul.u32 $0x28000, s1;
	s9 =	ssub.s32 $0x2, s1  }
0x6: {  	s4 =	sadd.s32 $0xC600, s0;
	s8 =	sadd.s32 $0x2800, s0;
	s19 =	sshrl.u32 s9, $0x1  }
0x7: {  	s18 =	sshrl.u32 s7, $0x2;
	s5 =	sadd.s32 s5, s6;
	s7 =	ssub.s32 s9, s19  }
0x8: {  	s0 =	sadd.s32 s5, s0;
	s5 =	sadd.s32 s18, s2;
	s19 =	smax.u32 s7, $0x1  }
0x9: {  	_ =	strace $0x8000004D;
	s20 =	sadd.s32 $0x800, s5;
	[dreg:$0x13] =	wrdreg s19  }
0xa: {  	s21 =	sadd.s32 $0x1000, s5;
	[dreg:$0x3] =	wrdreg s20  }
0xb: {  	s22 =	sadd.s32 $0x1800, s5;
	[dreg:$0x4] =	wrdreg s21  }
0xc: {  	s23 =	sadd.s32 $0x2000, s5;
	[dreg:$0x5] =	wrdreg s22  }
0xd: {  	s24 =	sadd.s32 $0x2800, s5;
	[dreg:$0x6] =	wrdreg s23  }
0xe: {  	s25 =	sadd.s32 $0x3000, s5;
	[dreg:$0x7] =	wrdreg s24  }
0xf: {  	s26 =	sadd.s32 $0x3800, s5;
	[dreg:$0x8] =	wrdreg s25  }
0x10: {  	s30 =	sadd.s32 $0x4000, s5;
	[dreg:$0x9] =	wrdreg s26  }
0x11: {  	s11 =	sadd.s32 $0x4800, s5;
	[dreg:$0xa] =	wrdreg s30  }
0x12: {  	s13 =	sadd.s32 $0x5000, s5;
	[dreg:$0xb] =	wrdreg s11  }
0x13: {  	s14 =	sadd.s32 $0x5800, s5;
	[dreg:$0xc] =	wrdreg s13  }
0x14: {  	s17 =	smul.u32 $0x2710, s10;
	s15 =	sadd.s32 $0x6000, s5;
	[dreg:$0xd] =	wrdreg s14  }
0x15: {  	s16 =	sadd.s32 $0x6800, s5;
	[dreg:$0xe] =	wrdreg s15  }
0x16: {  	s6 =	sshrl.u32 s17, $0x3;
	s17 =	sadd.s32 $0x7000, s5;
	[dreg:$0xf] =	wrdreg s16  }
0x17: {  	s18 =	sadd.s32 $0x7800, s5;
	[dreg:$0x10] =	wrdreg s17  }
0x18: {  	s0 =	sadd.s32 $0x5C600, s0;
	[dreg:$0x11] =	wrdreg s18  }
0x19: {  	s7 =	sadd.s32 $0xB800, s5;
	[dreg:$0x12] =	wrdreg s0  }
0x1a: {  	s12 =	smul.u32 $0x4E2, s10;
	s9 =	sadd.s32 $0xC800, s5;
	[dreg:$0x1b] =	wrdreg s7  }
0x1b: {  	s6 =	sadd.s32 s8, s6;
	s10 =	sadd.s32 $0xD000, s5;
	[dreg:$0x1d] =	wrdreg s9  }
0x1c: {  	s8 =	sadd.s32 s12, s8;
	s12 =	sadd.s32 $0xE000, s5;
	[dreg:$0x1e] =	wrdreg s10  }
0x1d: {  	s19 =	sadd.s32 $0x11800, s5;
	[smem:$0x7F0] =	sst s12  }
0x1e: {  	s21 =	sadd.s32 $0x8000, s5;
	[smem:$0x7F7] =	sst s19  }
0x1f: {  	s22 =	sadd.s32 $0x8800, s5;
	[dreg:$0x14] =	wrdreg s21  }
0x20: {  	s23 =	sadd.s32 $0x9000, s5;
	[dreg:$0x15] =	wrdreg s22  }
0x21: {  	s25 =	sadd.s32 $0x9800, s5;
	[dreg:$0x16] =	wrdreg s23  }
0x22: {  	s26 =	sadd.s32 $0xA000, s5;
	[dreg:$0x17] =	wrdreg s25  }
0x23: {  	s31 =	simm.s32 $0x1E900;
	s30 =	sadd.s32 $0xA800, s5;
	[dreg:$0x18] =	wrdreg s26  }
0x24: {  	s20 =	sshll.u32 s1, $0x3;
	s1 =	sadd.s32 $0xB000, s5;
	[dreg:$0x19] =	wrdreg s30  }
0x25: {  	s24 =	sadd.s32 $0x4E50, s8;
	s8 =	sadd.s32 $0xC000, s5;
	[dreg:$0x1a] =	wrdreg s1  }
0x26: {  	s28 =	sadd.s32 $0x4E30, s6;
	s11 =	sadd.s32 $0xD800, s5;
	[dreg:$0x1c] =	wrdreg s8  }
0x27: {  	s29 =	sadd.s32 $0x4E40, s6;
	s13 =	sadd.s32 $0xE800, s5;
	[dreg:$0x1f] =	wrdreg s11  }
0x28: {  	s14 =	sadd.s32 $0xF000, s5;
	s15 =	sadd.s32 $0xF800, s5;
	[smem:$0x7F1] =	sst s13  }
0x29: {  	s16 =	sadd.s32 $0x10000, s5;
	s17 =	sadd.s32 $0x10800, s5;
	[smem:$0x7F2] =	sst s14  }
0x2a: {  	s18 =	sadd.s32 $0x11000, s5;
	s0 =	simm.s32 $0x1;
	[smem:$0x7F3] =	sst s15  }
0x2b: {  	s7 =	simm.s32 $0x1E880;
	s9 =	simm.s32 $0x10;
	[smem:$0x7F4] =	sst s16  }
0x2c: {  	s10 =	simm.s32 $0x14000;
	s12 =	simm.s32 $0x5;
	[smem:$0x7F5] =	sst s17  }
0x2d: {  	s19 =	simm.s32 $0x6;
	[smem:$0x7F6] =	sst s18;
	s21 =	sadd.s32 $0x12000, s5  }
0x2e: {  	s22 =	sadd.s32 $0x12800, s5;
	s23 =	sadd.s32 $0x13000, s5;
	s25 =	sadd.s32 $0x13800, s5  }
0x2f: {  	s26 =	sadd.s32 $0x5300, s6;
	s30 =	sadd.s32 $0x4E20, s6;
	[smem:$0x7F8] =	sst s21  }
0x30: {  	s1 =	simm.s32 $0x2;
	s8 =	simm.s32 $0x9;
	[smem:$0x7F9] =	sst s22  }
0x31: {  	s11 =	simm.s32 $0x3;
	s13 =	simm.s32 $0x1E780;
	[smem:$0x7FA] =	sst s23  }
0x32: {  	s14 =	simm.s32 $0x80;
	s15 =	simm.s32 $0x1E800;
	[smem:$0x7FB] =	sst s25  }
0x33: {  	s16 =	simm.s32 $0x18000;
	s17 =	simm.s32 $0x4;
	[smem:$0x7FC] =	sst s26  }
0x34: {  	s18 =	simm.s32 $0x8;
	v0 =	vmov s20;
	s20 =	simm.s32 $0x7;
	[smem:$0x7FD] =	sst s30  }
0x35: {  	v1 =	vimm.f32 $0.0e+00;
	s26 =	sadd.s32 $0x52F0, s6;
	s23 =	simm.s32 $0x1C000;
	s21 =	simm.s32 $0x0  }
.LBB2_1:
0x36: {  	[tilespmem:s23], [sflag:$0x1] =	stream.linear.gather [hbm4b:s6+s3], $0x2710, $0x38;
	[tilespmem:$0x1F100] =	vst v63  }
0x37: {  	s22 =	simm.s32 $0x0;
	s30 =	simm.s32 $0x200  }
.LBB2_2:
0x38: {  	p0 =	sne.s32 s30, $0x1E00;
	[tilespmem:s22+$0x1E970] =	vst v1  }
0x39: {  	[tilespmem:s22+$0x1E900] =	vst v1  }
0x3a: {  	[tilespmem:s22+$0x1E910] =	vst v1  }
.Ltmp0:
0x3b: {  	[tilespmem:s22+$0x1E920] =	vst v1;
	(pc) =	sbr.rel @p0 .LBB2_2-.Ltmp0, $4  }
0x3c: {  	[tilespmem:s22+$0x1E930] =	vst v1  }
0x3d: {  	[tilespmem:s22+$0x1E940] =	vst v1  }
0x3e: {  	[tilespmem:s22+$0x1E950] =	vst v1  }
0x3f: {  	[tilespmem:s22+$0x1E960] =	vst v1;
	s22 =	sshra.s32 s30, $0x2;
	s30 =	sadd.s32 $0x200, s30  }
0x40: {  	[tilespmem:s22+$0x1E970] =	vst v1  }
0x41: {  	[tilespmem:s22+$0x1E900] =	vst v1  }
0x42: {  	[tilespmem:s22+$0x1E910] =	vst v1  }
0x43: {  	[tilespmem:s22+$0x1E920] =	vst v1  }
0x44: {  	[tilespmem:s22+$0x1E930] =	vst v1  }
0x45: {  	[tilespmem:s22+$0x1E940] =	vst v1  }
0x46: {  	[tilespmem:s22+$0x1E950] =	vst v1  }
0x47: {  	[tilespmem:s22+$0x1E960] =	vst v1  }
0x48: {  	[spmem:s5] =	stream.linear.scatter [tilespmem:s31], [sflag:$0x2], $0x800, $0x38;
	[tilespmem:$0x1F100] =	vst v63  }
0x49: {  	s25 =	rddreg [dreg:$0x3]  }
0x4a: {  	[spmem:s25] =	stream.linear.scatter [tilespmem:s31], [sflag:$0x2], $0x800, $0x38;
	[tilespmem:$0x1F100] =	vst v63  }
0x4b: {  	s25 =	rddreg [dreg:$0x4]  }
0x4c: {  	[spmem:s25] =	stream.linear.scatter [tilespmem:s31], [sflag:$0x2], $0x800, $0x38;
	[tilespmem:$0x1F100] =	vst v63  }
0x4d: {  	s25 =	rddreg [dreg:$0x5]  }
0x4e: {  	[spmem:s25] =	stream.linear.scatter [tilespmem:s31], [sflag:$0x2], $0x800, $0x38;
	[tilespmem:$0x1F100] =	vst v63  }
0x4f: {  	s25 =	rddreg [dreg:$0x6]  }
0x50: {  	[spmem:s25] =	stream.linear.scatter [tilespmem:s31], [sflag:$0x2], $0x800, $0x38;
	[tilespmem:$0x1F100] =	vst v63  }
0x51: {  	s25 =	rddreg [dreg:$0x7]  }
0x52: {  	[spmem:s25] =	stream.linear.scatter [tilespmem:s31], [sflag:$0x2], $0x800, $0x38;
	[tilespmem:$0x1F100] =	vst v63  }
0x53: {  	s25 =	rddreg [dreg:$0x8]  }
0x54: {  	[spmem:s25] =	stream.linear.scatter [tilespmem:s31], [sflag:$0x2], $0x800, $0x38;
	[tilespmem:$0x1F100] =	vst v63  }
0x55: {  	s25 =	rddreg [dreg:$0x9]  }
0x56: {  	[spmem:s25] =	stream.linear.scatter [tilespmem:s31], [sflag:$0x2], $0x800, $0x38;
	[tilespmem:$0x1F100] =	vst v63  }
0x57: {  	s25 =	rddreg [dreg:$0xa]  }
0x58: {  	[spmem:s25] =	stream.linear.scatter [tilespmem:s31], [sflag:$0x2], $0x800, $0x38;
	[tilespmem:$0x1F100] =	vst v63  }
0x59: {  	s25 =	rddreg [dreg:$0xb]  }
0x5a: {  	[spmem:s25] =	stream.linear.scatter [tilespmem:s31], [sflag:$0x2], $0x800, $0x38;
	[tilespmem:$0x1F100] =	vst v63  }
0x5b: {  	s25 =	rddreg [dreg:$0xc]  }
0x5c: {  	[spmem:s25] =	stream.linear.scatter [tilespmem:s31], [sflag:$0x2], $0x800, $0x38;
	[tilespmem:$0x1F100] =	vst v63  }
0x5d: {  	s25 =	rddreg [dreg:$0xd]  }
0x5e: {  	[spmem:s25] =	stream.linear.scatter [tilespmem:s31], [sflag:$0x2], $0x800, $0x38;
	[tilespmem:$0x1F100] =	vst v63  }
0x5f: {  	s25 =	rddreg [dreg:$0xe]  }
0x60: {  	[spmem:s25] =	stream.linear.scatter [tilespmem:s31], [sflag:$0x2], $0x800, $0x38;
	[tilespmem:$0x1F100] =	vst v63  }
0x61: {  	s25 =	rddreg [dreg:$0xf]  }
0x62: {  	[spmem:s25] =	stream.linear.scatter [tilespmem:s31], [sflag:$0x2], $0x800, $0x38;
	[tilespmem:$0x1F100] =	vst v63  }
0x63: {  	s25 =	rddreg [dreg:$0x10]  }
0x64: {  	[spmem:s25] =	stream.linear.scatter [tilespmem:s31], [sflag:$0x2], $0x800, $0x38;
	[tilespmem:$0x1F100] =	vst v63  }
0x65: {  	s25 =	rddreg [dreg:$0x11]  }
0x66: {  	[spmem:s25] =	stream.linear.scatter [tilespmem:s31], [sflag:$0x2], $0x800, $0x38;
	[tilespmem:$0x1F100] =	vst v63  }
0x67: {  	s25 =	rddreg [dreg:$0x14]  }
0x68: {  	[spmem:s25] =	stream.linear.scatter [tilespmem:s31], [sflag:$0x2], $0x800, $0x38;
	[tilespmem:$0x1F100] =	vst v63  }
0x69: {  	s25 =	rddreg [dreg:$0x15]  }
0x6a: {  	[spmem:s25] =	stream.linear.scatter [tilespmem:s31], [sflag:$0x2], $0x800, $0x38;
	[tilespmem:$0x1F100] =	vst v63  }
0x6b: {  	s25 =	rddreg [dreg:$0x16]  }
0x6c: {  	[spmem:s25] =	stream.linear.scatter [tilespmem:s31], [sflag:$0x2], $0x800, $0x38;
	[tilespmem:$0x1F100] =	vst v63  }
0x6d: {  	s25 =	rddreg [dreg:$0x17]  }
0x6e: {  	[spmem:s25] =	stream.linear.scatter [tilespmem:s31], [sflag:$0x2], $0x800, $0x38;
	[tilespmem:$0x1F100] =	vst v63  }
0x6f: {  	s25 =	rddreg [dreg:$0x18]  }
0x70: {  	[spmem:s25] =	stream.linear.scatter [tilespmem:s31], [sflag:$0x2], $0x800, $0x38;
	[tilespmem:$0x1F100] =	vst v63  }
0x71: {  	s25 =	rddreg [dreg:$0x19]  }
0x72: {  	[spmem:s25] =	stream.linear.scatter [tilespmem:s31], [sflag:$0x2], $0x800, $0x38;
	[tilespmem:$0x1F100] =	vst v63  }
0x73: {  	s25 =	rddreg [dreg:$0x1a]  }
0x74: {  	[spmem:s25] =	stream.linear.scatter [tilespmem:s31], [sflag:$0x2], $0x800, $0x38;
	[tilespmem:$0x1F100] =	vst v63  }
0x75: {  	s25 =	rddreg [dreg:$0x1b]  }
0x76: {  	[spmem:s25] =	stream.linear.scatter [tilespmem:s31], [sflag:$0x2], $0x800, $0x38;
	[tilespmem:$0x1F100] =	vst v63  }
0x77: {  	s25 =	rddreg [dreg:$0x1c]  }
0x78: {  	[spmem:s25] =	stream.linear.scatter [tilespmem:s31], [sflag:$0x2], $0x800, $0x38;
	[tilespmem:$0x1F100] =	vst v63  }
0x79: {  	s25 =	rddreg [dreg:$0x1d]  }
0x7a: {  	[spmem:s25] =	stream.linear.scatter [tilespmem:s31], [sflag:$0x2], $0x800, $0x38;
	[tilespmem:$0x1F100] =	vst v63  }
0x7b: {  	s25 =	rddreg [dreg:$0x1e]  }
0x7c: {  	[spmem:s25] =	stream.linear.scatter [tilespmem:s31], [sflag:$0x2], $0x800, $0x38;
	[tilespmem:$0x1F100] =	vst v63  }
0x7d: {  	s25 =	rddreg [dreg:$0x1f]  }
0x7e: {  	[spmem:s25] =	stream.linear.scatter [tilespmem:s31], [sflag:$0x2], $0x800, $0x38;
	[tilespmem:$0x1F100] =	vst v63  }
0x7f: {  	s25 =	sld [smem:$0x7F0];
	_ =	sdelay $0x2  }
0x80: {  	[spmem:s25] =	stream.linear.scatter [tilespmem:s31], [sflag:$0x2], $0x800, $0x38;
	[tilespmem:$0x1F100] =	vst v63  }
0x81: {  	s25 =	sld [smem:$0x7F1];
	_ =	sdelay $0x2  }
0x82: {  	[spmem:s25] =	stream.linear.scatter [tilespmem:s31], [sflag:$0x2], $0x800, $0x38;
	[tilespmem:$0x1F100] =	vst v63  }
0x83: {  	s25 =	sld [smem:$0x7F2];
	_ =	sdelay $0x2  }
0x84: {  	[spmem:s25] =	stream.linear.scatter [tilespmem:s31], [sflag:$0x2], $0x800, $0x38;
	[tilespmem:$0x1F100] =	vst v63  }
0x85: {  	s25 =	sld [smem:$0x7F3];
	_ =	sdelay $0x2  }
0x86: {  	[spmem:s25] =	stream.linear.scatter [tilespmem:s31], [sflag:$0x2], $0x800, $0x38;
	[tilespmem:$0x1F100] =	vst v63  }
0x87: {  	s25 =	sld [smem:$0x7F4];
	_ =	sdelay $0x2  }
0x88: {  	[spmem:s25] =	stream.linear.scatter [tilespmem:s31], [sflag:$0x2], $0x800, $0x38;
	[tilespmem:$0x1F100] =	vst v63  }
0x89: {  	s25 =	sld [smem:$0x7F5];
	_ =	sdelay $0x2  }
0x8a: {  	[spmem:s25] =	stream.linear.scatter [tilespmem:s31], [sflag:$0x2], $0x800, $0x38;
	[tilespmem:$0x1F100] =	vst v63  }
0x8b: {  	s25 =	sld [smem:$0x7F6];
	_ =	sdelay $0x2  }
0x8c: {  	[spmem:s25] =	stream.linear.scatter [tilespmem:s31], [sflag:$0x2], $0x800, $0x38;
	[tilespmem:$0x1F100] =	vst v63  }
0x8d: {  	s25 =	sld [smem:$0x7F7];
	_ =	sdelay $0x2  }
0x8e: {  	[spmem:s25] =	stream.linear.scatter [tilespmem:s31], [sflag:$0x2], $0x800, $0x38;
	[tilespmem:$0x1F100] =	vst v63  }
0x8f: {  	s25 =	sld [smem:$0x7F8];
	_ =	sdelay $0x2  }
0x90: {  	[spmem:s25] =	stream.linear.scatter [tilespmem:s31], [sflag:$0x2], $0x800, $0x38;
	[tilespmem:$0x1F100] =	vst v63  }
0x91: {  	s25 =	sld [smem:$0x7F9];
	_ =	sdelay $0x2  }
0x92: {  	[spmem:s25] =	stream.linear.scatter [tilespmem:s31], [sflag:$0x2], $0x800, $0x38;
	[tilespmem:$0x1F100] =	vst v63  }
0x93: {  	s25 =	sld [smem:$0x7FA];
	_ =	sdelay $0x2  }
0x94: {  	[spmem:s25] =	stream.linear.scatter [tilespmem:s31], [sflag:$0x2], $0x800, $0x38;
	[tilespmem:$0x1F100] =	vst v63  }
0x95: {  	s25 =	sld [smem:$0x7FB];
	_ =	sdelay $0x2  }
0x96: {  	[spmem:s25] =	stream.linear.scatter [tilespmem:s31], [sflag:$0x2], $0x800, $0x38;
	[tilespmem:$0x1F100] =	vst v63  }
0x97: {  	_ =	swait.ge [sflag:s0], $0x2710  }
0x98: {  	[sflag:s0] =	ssyncset.done $0x0  }
0x99: {  	s22 =	simm.s32 $0x0;
	s30 =	simm.s32 $0x40;
	[sflag:s0] =	ssyncadd.s32 $0xFFFFD8F0  }
.LBB2_4:
0x9a: {  	p0 =	sne.s32 s30, $0x9C00;
	v2 =	vld [tilespmem:s22+$0x1C000];
	_ =	sdelay $0x3  }
.Ltmp1:
0x9b: {  	(pc) =	sbr.rel @p0 .LBB2_4-.Ltmp1, $4  }
0x9c: {  	v3 =	vshll.u32 v2, $0x1;
	v2 =	vand.u32 $0x7, v2  }
0x9d: {  	v3 =	vand.u32 $0xFFFFFFF0, v3;
	v2 =	vor.u32 v0, v2  }
0x9e: {  	v2 =	vor.u32 v3, v2  }
0x9f: {  	[tilespmem:s22+$0x1C000] =	vst v2;
	s22 =	sshra.s32 s30, $0x2;
	s30 =	sadd.s32 $0x40, s30  }
0xa0: {  	v2 =	vld [tilespmem:s22+$0x1C000];
	_ =	sdelay $0x4  }
0xa1: {  	v3 =	vshll.u32 v2, $0x1;
	v2 =	vand.u32 $0x7, v2  }
0xa2: {  	v3 =	vand.u32 $0xFFFFFFF0, v3;
	v2 =	vor.u32 v0, v2  }
0xa3: {  	v2 =	vor.u32 v3, v2  }
0xa4: {  	[tilespmem:s22+$0x1C000] =	vst v2  }
0xa5: {  	_ =	swait.ge [sflag:s1], $0x800  }
0xa6: {  	[sflag:s1] =	ssyncset.done $0x0  }
0xa7: {  	[sflag:s1] =	ssyncadd.s32 $0xFFFFF800  }
0xa8: {  	_ =	swait.ge [sflag:s1], $0x800  }
0xa9: {  	[sflag:s1] =	ssyncset.done $0x0  }
0xaa: {  	[sflag:s1] =	ssyncadd.s32 $0xFFFFF800  }
0xab: {  	_ =	swait.ge [sflag:s1], $0x800  }
0xac: {  	[sflag:s1] =	ssyncset.done $0x0  }
0xad: {  	[sflag:s1] =	ssyncadd.s32 $0xFFFFF800  }
0xae: {  	_ =	swait.ge [sflag:s1], $0x800  }
0xaf: {  	[sflag:s1] =	ssyncset.done $0x0  }
0xb0: {  	[sflag:s1] =	ssyncadd.s32 $0xFFFFF800  }
0xb1: {  	_ =	swait.ge [sflag:s1], $0x800  }
0xb2: {  	[sflag:s1] =	ssyncset.done $0x0  }
0xb3: {  	[sflag:s1] =	ssyncadd.s32 $0xFFFFF800  }
0xb4: {  	_ =	swait.ge [sflag:s1], $0x800  }
0xb5: {  	[sflag:s1] =	ssyncset.done $0x0  }
0xb6: {  	[sflag:s1] =	ssyncadd.s32 $0xFFFFF800  }
0xb7: {  	_ =	swait.ge [sflag:s1], $0x800  }
0xb8: {  	[sflag:s1] =	ssyncset.done $0x0  }
0xb9: {  	[sflag:s1] =	ssyncadd.s32 $0xFFFFF800  }
0xba: {  	_ =	swait.ge [sflag:s1], $0x800  }
0xbb: {  	[sflag:s1] =	ssyncset.done $0x0  }
0xbc: {  	[sflag:s1] =	ssyncadd.s32 $0xFFFFF800  }
0xbd: {  	_ =	swait.ge [sflag:s1], $0x800  }
0xbe: {  	[sflag:s1] =	ssyncset.done $0x0  }
0xbf: {  	[sflag:s1] =	ssyncadd.s32 $0xFFFFF800  }
0xc0: {  	_ =	swait.ge [sflag:s1], $0x800  }
0xc1: {  	[sflag:s1] =	ssyncset.done $0x0  }
0xc2: {  	[sflag:s1] =	ssyncadd.s32 $0xFFFFF800  }
0xc3: {  	_ =	swait.ge [sflag:s1], $0x800  }
0xc4: {  	[sflag:s1] =	ssyncset.done $0x0  }
0xc5: {  	[sflag:s1] =	ssyncadd.s32 $0xFFFFF800  }
0xc6: {  	_ =	swait.ge [sflag:s1], $0x800  }
0xc7: {  	[sflag:s1] =	ssyncset.done $0x0  }
0xc8: {  	[sflag:s1] =	ssyncadd.s32 $0xFFFFF800  }
0xc9: {  	_ =	swait.ge [sflag:s1], $0x800  }
0xca: {  	[sflag:s1] =	ssyncset.done $0x0  }
0xcb: {  	[sflag:s1] =	ssyncadd.s32 $0xFFFFF800  }
0xcc: {  	_ =	swait.ge [sflag:s1], $0x800  }
0xcd: {  	[sflag:s1] =	ssyncset.done $0x0  }
0xce: {  	[sflag:s1] =	ssyncadd.s32 $0xFFFFF800  }
0xcf: {  	_ =	swait.ge [sflag:s1], $0x800  }
0xd0: {  	[sflag:s1] =	ssyncset.done $0x0  }
0xd1: {  	[sflag:s1] =	ssyncadd.s32 $0xFFFFF800  }
0xd2: {  	_ =	swait.ge [sflag:s1], $0x800  }
0xd3: {  	[sflag:s1] =	ssyncset.done $0x0  }
0xd4: {  	[sflag:s1] =	ssyncadd.s32 $0xFFFFF800  }
0xd5: {  	_ =	swait.ge [sflag:s1], $0x800  }
0xd6: {  	[sflag:s1] =	ssyncset.done $0x0  }
0xd7: {  	[sflag:s1] =	ssyncadd.s32 $0xFFFFF800  }
0xd8: {  	_ =	swait.ge [sflag:s1], $0x800  }
0xd9: {  	[sflag:s1] =	ssyncset.done $0x0  }
0xda: {  	[sflag:s1] =	ssyncadd.s32 $0xFFFFF800  }
0xdb: {  	_ =	swait.ge [sflag:s1], $0x800  }
0xdc: {  	[sflag:s1] =	ssyncset.done $0x0  }
0xdd: {  	[sflag:s1] =	ssyncadd.s32 $0xFFFFF800  }
0xde: {  	_ =	swait.ge [sflag:s1], $0x800  }
0xdf: {  	[sflag:s1] =	ssyncset.done $0x0  }
0xe0: {  	[sflag:s1] =	ssyncadd.s32 $0xFFFFF800  }
0xe1: {  	_ =	swait.ge [sflag:s1], $0x800  }
0xe2: {  	[sflag:s1] =	ssyncset.done $0x0  }
0xe3: {  	[sflag:s1] =	ssyncadd.s32 $0xFFFFF800  }
0xe4: {  	_ =	swait.ge [sflag:s1], $0x800  }
0xe5: {  	[sflag:s1] =	ssyncset.done $0x0  }
0xe6: {  	[sflag:s1] =	ssyncadd.s32 $0xFFFFF800  }
0xe7: {  	_ =	swait.ge [sflag:s1], $0x800  }
0xe8: {  	[sflag:s1] =	ssyncset.done $0x0  }
0xe9: {  	[sflag:s1] =	ssyncadd.s32 $0xFFFFF800  }
0xea: {  	_ =	swait.ge [sflag:s1], $0x800  }
0xeb: {  	[sflag:s1] =	ssyncset.done $0x0  }
0xec: {  	[sflag:s1] =	ssyncadd.s32 $0xFFFFF800  }
0xed: {  	_ =	swait.ge [sflag:s1], $0x800  }
0xee: {  	[sflag:s1] =	ssyncset.done $0x0  }
0xef: {  	[sflag:s1] =	ssyncadd.s32 $0xFFFFF800  }
0xf0: {  	_ =	swait.ge [sflag:s1], $0x800  }
0xf1: {  	[sflag:s1] =	ssyncset.done $0x0  }
0xf2: {  	[sflag:s1] =	ssyncadd.s32 $0xFFFFF800  }
0xf3: {  	_ =	swait.ge [sflag:s1], $0x800  }
0xf4: {  	[sflag:s1] =	ssyncset.done $0x0  }
0xf5: {  	[sflag:s1] =	ssyncadd.s32 $0xFFFFF800  }
0xf6: {  	_ =	swait.ge [sflag:s1], $0x800  }
0xf7: {  	[sflag:s1] =	ssyncset.done $0x0  }
0xf8: {  	[sflag:s1] =	ssyncadd.s32 $0xFFFFF800  }
0xf9: {  	_ =	swait.ge [sflag:s1], $0x800  }
0xfa: {  	[sflag:s1] =	ssyncset.done $0x0  }
0xfb: {  	[sflag:s1] =	ssyncadd.s32 $0xFFFFF800  }
0xfc: {  	_ =	swait.ge [sflag:s1], $0x800  }
0xfd: {  	[sflag:s1] =	ssyncset.done $0x0  }
0xfe: {  	[sflag:s1] =	ssyncadd.s32 $0xFFFFF800  }
0xff: {  	_ =	swait.ge [sflag:s1], $0x800  }
0x100: {  	[sflag:s1] =	ssyncset.done $0x0  }
0x101: {  	[sflag:s1] =	ssyncadd.s32 $0xFFFFF800  }
0x102: {  	_ =	swait.ge [sflag:s1], $0x800  }
0x103: {  	[sflag:s1] =	ssyncset.done $0x0  }
0x104: {  	[sflag:s1] =	ssyncadd.s32 $0xFFFFF800  }
0x105: {  	_ =	swait.ge [sflag:s1], $0x800  }
0x106: {  	[sflag:s1] =	ssyncset.done $0x0  }
0x107: {  	[sflag:s1] =	ssyncadd.s32 $0xFFFFF800  }
0x108: {  	_ =	swait.ge [sflag:s1], $0x800  }
0x109: {  	[sflag:s1] =	ssyncset.done $0x0  }
0x10a: {  	[sflag:s1] =	ssyncadd.s32 $0xFFFFF800  }
0x10b: {  	_ =	swait.ge [sflag:s1], $0x800  }
0x10c: {  	[sflag:s1] =	ssyncset.done $0x0  }
0x10d: {  	[sflag:s1] =	ssyncadd.s32 $0xFFFFF800  }
0x10e: {  	_ =	swait.ge [sflag:s1], $0x800  }
0x10f: {  	[sflag:s1] =	ssyncset.done $0x0  }
0x110: {  	[sflag:s1] =	ssyncadd.s32 $0xFFFFF800  }
0x111: {  	_ =	swait.ge [sflag:s1], $0x800  }
0x112: {  	[sflag:s1] =	ssyncset.done $0x0  }
0x113: {  	[sflag:s1] =	ssyncadd.s32 $0xFFFFF800  }
0x114: {  	_ =	swait.ge [sflag:s1], $0x800  }
0x115: {  	[sflag:s1] =	ssyncset.done $0x0  }
0x116: {  	[sflag:s1] =	ssyncadd.s32 $0xFFFFF800  }
0x117: {  	_ =	swait.ge [sflag:s1], $0x800  }
0x118: {  	[sflag:s1] =	ssyncset.done $0x0  }
0x119: {  	[sflag:s1] =	ssyncadd.s32 $0xFFFFF800  }
0x11a: {  	_ =	swait.ge [sflag:s1], $0x800  }
0x11b: {  	[sflag:s1] =	ssyncset.done $0x0  }
0x11c: {  	[sflag:s1] =	ssyncadd.s32 $0xFFFFF800  }
0x11d: {  	[bflag:$0x0] =	sbarrier.arrive $0xFFFF  }
0x11e: {  	s25 =	sld [smem:$0x7FC];
	_ =	sdelay $0x2  }
0x11f: {  	[tilespmem:s7], [sflag:$0x9] =	stream.linear.gather [hbm4b:s25+s3], $0x10, $0x38;
	[tilespmem:$0x1F100] =	vst v63  }
0x120: {  	_ =	swait.ge [sflag:s8], $0x10  }
0x121: {  	[sflag:s8] =	ssyncset.done $0x0  }
0x122: {  	s25 =	simm.s32 $0x1E700;
	[sflag:s8] =	ssyncadd.s32 $0xFFFFFFF0  }
0x123: {  	[tilespmem:s10], [sflag:$0x3] =	stream.indirect.gather [hbm4b:s4+s9], $0x80, s25, s9, $0xb8;
	[tilespmem:$0x1F100] =	vst v63  }
0x124: {  	_ =	swait.ge [sflag:s11], $0x800  }
0x125: {  	[sflag:s11] =	ssyncset.done $0x0  }
0x126: {  	[sflag:s11] =	ssyncadd.s32 $0xFFFFF800  }
0x127: {  	[spmem:s2] =	stream.indirect.scatter.add.f32 [tilespmem:s10], [sflag:$0x5], $0x80, s7, s9, $0xb8;
	[tilespmem:$0x1F100] =	vst v63  }
0x128: {  	_ =	swait.ge [sflag:s12], $0x800  }
0x129: {  	s25 =	sld [smem:$0x7FD]  }
0x12a: {  	[sflag:s12] =	ssyncset.done $0x0  }
0x12b: {  	[sflag:s12] =	ssyncadd.s32 $0xFFFFF800  }
0x12c: {  	[tilespmem:s13], [sflag:$0x9] =	stream.linear.gather [hbm4b:s25+s3], $0x80, $0x38;
	[tilespmem:$0x1F100] =	vst v63  }
0x12d: {  	_ =	swait.ge [sflag:s8], $0x80  }
0x12e: {  	[sflag:s8] =	ssyncset.done $0x0  }
0x12f: {  	[sflag:s8] =	ssyncadd.s32 $0xFFFFFF80  }
0x130: {  	[tilespmem:s10], [sflag:$0x3] =	stream.indirect.gather [hbm4b:s4+s14], $0x80, s23, s14, $0xb8;
	[tilespmem:$0x1F100] =	vst v63  }
0x131: {  	_ = 	snop  }
0x132: {  	[tilespmem:s15], [sflag:$0x8] =	stream.linear.gather [hbm4b:s28+s3], $0x80, $0x38;
	[tilespmem:$0x1F100] =	vst v63  }
0x133: {  	s25 =	simm.s32 $0x1C080  }
0x134: {  	[tilespmem:s16], [sflag:$0x4] =	stream.indirect.gather [hbm4b:s4+s14], $0x80, s25, s14, $0xb8;
	[tilespmem:$0x1F100] =	vst v63  }
0x135: {  	_ =	swait.ge [sflag:s11], $0x4000  }
0x136: {  	[sflag:s11] =	ssyncset.done $0x0  }
0x137: {  	[sflag:s11] =	ssyncadd.s32 $0xFFFFC000  }
0x138: {  	[spmem:s2] =	stream.indirect.scatter.add.f32 [tilespmem:s10], [sflag:$0x5], $0x80, s13, s14, $0xb8;
	[tilespmem:$0x1F100] =	vst v63  }
0x139: {  	_ =	swait.ge [sflag:s17], $0x4000  }
0x13a: {  	[sflag:s17] =	ssyncset.done $0x0  }
0x13b: {  	[sflag:s17] =	ssyncadd.s32 $0xFFFFC000  }
0x13c: {  	_ =	swait.ge [sflag:s12], $0x4000  }
0x13d: {  	[sflag:s12] =	ssyncset.done $0x0  }
0x13e: {  	[sflag:s12] =	ssyncadd.s32 $0xFFFFC000  }
0x13f: {  	[tilespmem:s13], [sflag:$0x7] =	stream.linear.gather [hbm4b:s29+s3], $0x80, $0x38;
	[tilespmem:$0x1F100] =	vst v63  }
0x140: {  	s23 =	simm.s32 $0x1C100  }
0x141: {  	[tilespmem:s10], [sflag:$0x3] =	stream.indirect.gather [hbm4b:s4+s14], $0x80, s23, s14, $0xb8;
	[tilespmem:$0x1F100] =	vst v63  }
0x142: {  	_ =	swait.ge [sflag:s18], $0x80  }
0x143: {  	[sflag:s18] =	ssyncset.done $0x0  }
0x144: {  	[sflag:s18] =	ssyncadd.s32 $0xFFFFFF80  }
0x145: {  	[spmem:s2] =	stream.indirect.scatter.add.f32 [tilespmem:s16], [sflag:$0x6], $0x80, s15, s14, $0xb8;
	[tilespmem:$0x1F100] =	vst v63  }
0x146: {  	_ =	swait.ge [sflag:s19], $0x4000  }
0x147: {  	[sflag:s19] =	ssyncset.done $0x0  }
0x148: {  	[sflag:s19] =	ssyncadd.s32 $0xFFFFC000  }
0x149: {  	[tilespmem:s15], [sflag:$0x8] =	stream.linear.gather [hbm4b:s24+s3], $0x80, $0x38;
	[tilespmem:$0x1F100] =	vst v63  }
0x14a: {  	s25 =	simm.s32 $0x1C180  }
0x14b: {  	[tilespmem:s16], [sflag:$0x4] =	stream.indirect.gather [hbm4b:s4+s14], $0x80, s25, s14, $0xb8;
	[tilespmem:$0x1F100] =	vst v63  }
0x14c: {  	_ =	swait.ge [sflag:s11], $0x4000  }
0x14d: {  	[sflag:s11] =	ssyncset.done $0x0  }
0x14e: {  	[sflag:s11] =	ssyncadd.s32 $0xFFFFC000  }
0x14f: {  	_ =	swait.ge [sflag:s20], $0x80  }
0x150: {  	[sflag:s20] =	ssyncset.done $0x0  }
0x151: {  	[sflag:s20] =	ssyncadd.s32 $0xFFFFFF80  }
0x152: {  	[spmem:s2] =	stream.indirect.scatter.add.f32 [tilespmem:s10], [sflag:$0x5], $0x80, s13, s14, $0xb8;
	[tilespmem:$0x1F100] =	vst v63  }
0x153: {  	_ =	swait.ge [sflag:s17], $0x4000  }
0x154: {  	[sflag:s17] =	ssyncset.done $0x0  }
0x155: {  	[sflag:s17] =	ssyncadd.s32 $0xFFFFC000  }
0x156: {  	_ =	swait.ge [sflag:s12], $0x4000  }
0x157: {  	[sflag:s12] =	ssyncset.done $0x0  }
0x158: {  	s23 =	sadd.s32 $0x10, s24;
	[sflag:s12] =	ssyncadd.s32 $0xFFFFC000  }
0x159: {  	[tilespmem:s13], [sflag:$0x7] =	stream.linear.gather [hbm4b:s23+s3], $0x80, $0x38;
	[tilespmem:$0x1F100] =	vst v63  }
0x15a: {  	s25 =	simm.s32 $0x1C200  }
0x15b: {  	[tilespmem:s10], [sflag:$0x3] =	stream.indirect.gather [hbm4b:s4+s14], $0x80, s25, s14, $0xb8;
	[tilespmem:$0x1F100] =	vst v63  }
0x15c: {  	_ =	swait.ge [sflag:s18], $0x80  }
0x15d: {  	[sflag:s18] =	ssyncset.done $0x0  }
0x15e: {  	s30 =	simm.s32 $0xFFFF7000;
	s22 =	sadd.s32 $0x20, s24;
	[sflag:s18] =	ssyncadd.s32 $0xFFFFFF80  }
.LBB2_6:
0x15f: {  	[spmem:s2] =	stream.indirect.scatter.add.f32 [tilespmem:s16], [sflag:$0x6], $0x80, s15, s14, $0xb8;
	[tilespmem:$0x1F100] =	vst v63  }
0x160: {  	s23 =	smov.u32 s30  }
0x161: {  	p0 =	sne.s32 s30, $0xFFFFFC00;
	s30 =	sadd.s32 $0x400, s30;
	_ =	swait.ge [sflag:s19], $0x4000  }
0x162: {  	[sflag:s19] =	ssyncset.done $0x0  }
0x163: {  	s23 =	sshra.s32 s23, $0x2;
	[sflag:s19] =	ssyncadd.s32 $0xFFFFC000  }
0x164: {  	[tilespmem:s15], [sflag:$0x8] =	stream.linear.gather [hbm4b:s22+s3], $0x80, $0x38;
	[tilespmem:$0x1F100] =	vst v63  }
0x165: {  	s25 =	sadd.s32 $0x1E680, s23  }
0x166: {  	[tilespmem:s16], [sflag:$0x4] =	stream.indirect.gather [hbm4b:s4+s14], $0x80, s25, s14, $0xb8;
	[tilespmem:$0x1F100] =	vst v63  }
0x167: {  	_ =	swait.ge [sflag:s11], $0x4000  }
0x168: {  	[sflag:s11] =	ssyncset.done $0x0  }
0x169: {  	[sflag:s11] =	ssyncadd.s32 $0xFFFFC000  }
0x16a: {  	_ =	swait.ge [sflag:s20], $0x80  }
0x16b: {  	[sflag:s20] =	ssyncset.done $0x0  }
0x16c: {  	[sflag:s20] =	ssyncadd.s32 $0xFFFFFF80  }
0x16d: {  	[spmem:s2] =	stream.indirect.scatter.add.f32 [tilespmem:s10], [sflag:$0x5], $0x80, s13, s14, $0xb8;
	[tilespmem:$0x1F100] =	vst v63  }
0x16e: {  	_ =	swait.ge [sflag:s17], $0x4000  }
0x16f: {  	[sflag:s17] =	ssyncset.done $0x0  }
0x170: {  	[sflag:s17] =	ssyncadd.s32 $0xFFFFC000  }
0x171: {  	_ =	swait.ge [sflag:s12], $0x4000  }
0x172: {  	[sflag:s12] =	ssyncset.done $0x0  }
0x173: {  	s25 =	sadd.s32 $0x10, s22;
	[sflag:s12] =	ssyncadd.s32 $0xFFFFC000  }
0x174: {  	[tilespmem:s13], [sflag:$0x7] =	stream.linear.gather [hbm4b:s25+s3], $0x80, $0x38;
	[tilespmem:$0x1F100] =	vst v63  }
.Ltmp2:
0x175: {  	s23 =	sadd.s32 $0x1E700, s23;
	(pc) =	sbr.rel @p0 .LBB2_6-.Ltmp2, $4  }
0x176: {  	[tilespmem:s10], [sflag:$0x3] =	stream.indirect.gather [hbm4b:s4+s14], $0x80, s23, s14, $0xb8;
	[tilespmem:$0x1F100] =	vst v63  }
0x177: {  	_ =	swait.ge [sflag:s18], $0x80  }
0x178: {  	[sflag:s18] =	ssyncset.done $0x0  }
0x179: {  	s22 =	sadd.s32 $0x20, s22;
	[sflag:s18] =	ssyncadd.s32 $0xFFFFFF80  }
0x17a: {  	[spmem:s2] =	stream.indirect.scatter.add.f32 [tilespmem:s16], [sflag:$0x6], $0x80, s15, s14, $0xb8;
	[tilespmem:$0x1F100] =	vst v63  }
0x17b: {  	_ =	swait.ge [sflag:s19], $0x4000  }
0x17c: {  	[sflag:s19] =	ssyncset.done $0x0  }
0x17d: {  	[sflag:s19] =	ssyncadd.s32 $0xFFFFC000  }
0x17e: {  	[tilespmem:s15], [sflag:$0x8] =	stream.linear.gather [hbm4b:s26+s3], $0x80, $0x38;
	[tilespmem:$0x1F100] =	vst v63  }
0x17f: {  	s22 =	simm.s32 $0x1E680  }
0x180: {  	[tilespmem:s16], [sflag:$0x4] =	stream.indirect.gather [hbm4b:s4+s14], $0x80, s22, s14, $0xb8;
	[tilespmem:$0x1F100] =	vst v63  }
0x181: {  	_ =	swait.ge [sflag:s11], $0x4000  }
0x182: {  	[sflag:s11] =	ssyncset.done $0x0  }
0x183: {  	[sflag:s11] =	ssyncadd.s32 $0xFFFFC000  }
0x184: {  	_ =	swait.ge [sflag:s20], $0x80  }
0x185: {  	[sflag:s20] =	ssyncset.done $0x0  }
0x186: {  	[sflag:s20] =	ssyncadd.s32 $0xFFFFFF80  }
0x187: {  	[spmem:s2] =	stream.indirect.scatter.add.f32 [tilespmem:s10], [sflag:$0x5], $0x80, s13, s14, $0xb8;
	[tilespmem:$0x1F100] =	vst v63  }
0x188: {  	_ =	swait.ge [sflag:s17], $0x4000  }
0x189: {  	[sflag:s17] =	ssyncset.done $0x0  }
0x18a: {  	[sflag:s17] =	ssyncadd.s32 $0xFFFFC000  }
0x18b: {  	_ =	swait.ge [sflag:s18], $0x80  }
0x18c: {  	[sflag:s18] =	ssyncset.done $0x0  }
0x18d: {  	[sflag:s18] =	ssyncadd.s32 $0xFFFFFF80  }
0x18e: {  	[spmem:s2] =	stream.indirect.scatter.add.f32 [tilespmem:s16], [sflag:$0x6], $0x80, s15, s14, $0xb8;
	[tilespmem:$0x1F100] =	vst v63  }
0x18f: {  	_ =	swait.ge [sflag:s12], $0x4000  }
0x190: {  	[sflag:s12] =	ssyncset.done $0x0  }
0x191: {  	[sflag:s12] =	ssyncadd.s32 $0xFFFFC000  }
0x192: {  	_ =	swait.ge [sflag:s19], $0x4000  }
0x193: {  	[sflag:s19] =	ssyncset.done $0x0  }
0x194: {  	s25 =	stileid.u32;
	[sflag:s19] =	ssyncadd.s32 $0xFFFFC000  }
0x195: {  	s22 =	sshll.u32 s25, $0x6;
	[bflag:$0x0] =	sbarrier.arrive $0xFFFF  }
0x196: {  	s23 =	sshrl.u32 s5, $0x3;
	s22 =	sor.u32 $0x1C09, s22;
	s25 =	rddreg [dreg:$0x12]  }
0x197: {  	[hbm:s25], [sflag:s22] =	dma.local [spmem:s23], $0x2800  }
0x198: {  	_ =	swait.ge [sflag:s8], $0x2800  }
0x199: {  	s21 =	sadd.s32 $0x1, s21;
	s30 =	rddreg [dreg:$0x13]  }
0x19a: {  	p0 =	sne.s32 s21, s30  }
.Ltmp3:
0x19b: {  	_ = 	snop;
	(pc) =	sbr.rel @p0 .LBB2_1-.Ltmp3, $3  }
0x19c: {  	_ =	sdelay $0x1  }
0x19d: {  	[sflag:s8] =	ssyncset.done $0x0  }
0x19e: {  	s23 =	simm.s32 $0x1C000;
	[sflag:s8] =	ssyncadd.s32 $0xFFFFD800  }
0x19f: {  	_ =	sfence.sel $0x180000  }
0x1a0: {  	[bflag:$0x0] =	sbarrier.arrive $0xFFFF  }
0x1a1: {  	_ =	strace $0x9000004D  }
0x1a2: {  	s0 =	stileid.u32;
	[bflag:$0x2] =	sbarrier.arrive $0xFFFF  }
0x1a3: {  	p0 =	sne.s32 s0, $0x0;
	s0 =	rddreg [dreg:$0x2]  }
0x1a4: {  	s0 =	sadd.s32 @!p0 $0x100000, s0  }
0x1a5: {  	[sflag:s0] =	ssyncadd.tile.s32 @!p0 $0x1;
	_ =	shalt  }
.Lfunc_end2:
_tile_overlayer_lowered:
.L_overlay_start_2:
0x1a6: {  	(tag) =	ssettag $0x2  }
0x1a7: {  	s0 =	rddreg [dreg:$0x0];
	s2 =	stileid.u32  }
0x1a8: {  	s1 =	rddreg [dreg:$0x1];
	p0 =	sne.s32 s2, $0x0  }
0x1a9: {  	s3 =	rddreg [dreg:$0x2];
	[bflag:$0x3] =	sbarrier.arrive $0xFFFF;
	s2 =	simm.s32 @!p0 $0x1C09  }
0x1aa: {  	[timem:s3], [sflag:s2] =	dma.local @!p0 [hbm:s0], s1  }
0x1ab: {  	s0 =	simm.s32 @!p0 $0x9  }
0x1ac: {  	_ =	swait.ge @!p0 [sflag:s0], s1  }
0x1ad: {  	s1 =	ssub.s32 @!p0 $0x0, s1;
	[sflag:s0] =	ssyncset.done @!p0 $0x0  }
0x1ae: {  	[sflag:s0] =	ssyncadd.s32 @!p0 s1  }
0x1af: {  	[bflag:$0x3] =	sbarrier.arrive $0xFFFF  }
0x1b0: {  	_ =	shalt  }

// kernel: kernel.8.cloned.1.call-start
scs
__scs_entry_jumppad:
0x0: {  	(pc) =	sbr.rel $0x88, $3  }
0x1: {  	(tag) =	ssettag $0x0;
	lr =	simm.s32 $0x1  }
0x2: {  	[smem:$0x3F95] =	sst lr;
	_ =	strace $0xD0000000  }
0x3: {  	_ = 	snop  }
0x4: {  	_ = 	snop  }
0x5: {  	_ = 	snop  }
0x6: {  	_ = 	snop  }
0x7: {  	_ = 	snop  }
__scs_overlays_trampoline_lowered:
0x8: {  	[smem:$0x3FA4] =	sst s0  }
0x9: {  	[smem:$0x3FA5] =	sst s1  }
0xa: {  	[smem:$0x3FA6] =	sst s2  }
0xb: {  	[smem:$0x3FA7] =	sst s3  }
0xc: {  	[smem:$0x3FA8] =	sst s4  }
0xd: {  	[smem:$0x3FA9] =	sst s5  }
0xe: {  	[smem:$0x3FAA] =	sst s6  }
0xf: {  	[smem:$0x3FAB] =	sst s7  }
0x10: {  	[smem:$0x3FAC] =	sst s8  }
0x11: {  	[smem:$0x3FAD] =	sst s9;
	s0 =	simm.s32 @!p0 $0x0  }
0x12: {  	s1 =	sld [smem:$0x3F93];
	s0 =	simm.s32 @p0 $0x1  }
0x13: {  	[smem:$0x3FAE] =	sst s0;
	s0 =	simm.s32 @!p1 $0x0  }
0x14: {  	s2 =	sld [smem:$0x3F92];
	s0 =	simm.s32 @p1 $0x1  }
0x15: {  	[smem:$0x3FAF] =	sst s0;
	s0 =	simm.s32 @!p2 $0x0  }
0x16: {  	s3 =	sld [smem:$0x3FDB];
	s0 =	simm.s32 @p2 $0x1  }
0x17: {  	s4 =	simm.s32 $0x1BF5;
	[smem:$0x3FB1] =	sst s0  }
0x18: {  	s0 =	sld [smem:$0x3F94];
	_ =	swait.ge [sflag:s4], $0x0  }
0x19: {  	s7 =	sld [smem:$0x3F95]  }
0x1a: {  	s8 =	sadd.s32 $0xFFFFE003, lr  }
0x1b: {  	s9 =	sadd.s32 $0xFFFFFEF7, lr;
	s5 =	simm.s32 $0xFFFFFFFF;
	p2 =	slt.u32 s8, $0xFFFFF086  }
0x1c: {  	p1 =	slt.u32 s9, $0xF7A;
	s5 =	simm.s32 @!p2 $0x0  }
0x1d: {  	s5 =	simm.s32 @p1 $0x1;
	p0 =	seq.s32 s7, s2  }
0x1e: {  	s7 =	smul.u32 @!p0 $0xF7A, s2;
	p2 =	seq.s32 @!p0 s5, $0x0  }
0x1f: {  	s9 =	smul.u32 $0xF7A, s1;
	s8 =	simm.s32 @!p0 $0x1BF5;
	p2 =	por !p2, p0  }
0x20: {  	[sflag:s8] =	ssyncset.s32 @!p0 $0xFFFFF086;
	s6 =	sadd.s32 @!p0 s3, s7;
	s7 =	simm.s32 @!p0 $0x108  }
0x21: {  	s3 =	sadd.s32 s3, s9;
	s6 =	sadd.s32 @!p0 $0x88, s6;
	s7 =	simm.s32 @p2 $0x1082  }
0x22: {  	[simem:s7], [sflag:s8] =	dma.local @!p0 [hbm:s6], $0xF7A  }
0x23: {  	s9 =	sor.u32 $0xD0000000, s2;
	s6 =	simm.s32 $0x108;
	_ =	swait.ge @!p0 [sflag:s8], $0x0  }
0x24: {  	s3 =	sadd.s32 $0x88, s3;
	s6 =	simm.s32 @!p1 $0x1082;
	[sflag:s4] =	ssyncset.s32 $0xFFFFF086  }
0x25: {  	[simem:s6], [sflag:s4] =	dma.local [hbm:s3], $0xF7A  }
0x26: {  	[smem:$0x3F95] =	sst s1;
	(tag) =	ssettag s2;
	_ =	strace s9  }
0x27: {  	s1 =	sld [smem:$0x3FA5]  }
0x28: {  	s2 =	sld [smem:$0x3FA6]  }
0x29: {  	s4 =	sld [smem:$0x3FA8]  }
0x2a: {  	p0 =	seq.s32 s5, $0x0;
	s5 =	sld [smem:$0x3FA9]  }
0x2b: {  	s6 =	sld [smem:$0x3FAA]  }
0x2c: {  	s7 =	sld [smem:$0x3FAB]  }
0x2d: {  	s3 =	simm.s32 $0x108;
	s8 =	sld [smem:$0x3FAC]  }
0x2e: {  	s3 =	simm.s32 @!p0 $0x1082;
	s9 =	sld [smem:$0x3FAD]  }
0x2f: {  	lr =	sadd.s32 s0, s3;
	s0 =	sld [smem:$0x3FA4]  }
0x30: {  	s3 =	sld [smem:$0x3FA7]  }
0x31: {  	[smem:$0x3FB0] =	sst s10  }
0x32: {  	s10 =	sld [smem:$0x3FAE];
	_ =	sdelay $0x3  }
0x33: {  	p0 =	seq.s32 s10, $0x1;
	s10 =	sld [smem:$0x3FB0];
	_ =	sdelay $0x3  }
0x34: {  	[smem:$0x3FB0] =	sst s10  }
0x35: {  	s10 =	sld [smem:$0x3FAF];
	_ =	sdelay $0x3  }
0x36: {  	p1 =	seq.s32 s10, $0x1;
	s10 =	sld [smem:$0x3FB0];
	_ =	sdelay $0x3  }
0x37: {  	[smem:$0x3FB0] =	sst s10  }
0x38: {  	s10 =	sld [smem:$0x3FB1]  }
0x39: {  	_ = 	snop;
	(pc) =	sbr.ind lr, $3  }
0x3a: {  	_ = 	snop  }
0x3b: {  	_ = 	snop  }
0x3c: {  	p2 =	seq.s32 s10, $0x1;
	s10 =	sld [smem:$0x3FB0]  }
0x3d: {  	_ =	shalt  }
0x3e: {  	_ =	shalt  }
0x3f: {  	_ =	shalt  }
0x40: {  	_ =	shalt  }
0x41: {  	_ =	shalt  }
0x42: {  	_ =	shalt  }
0x43: {  	_ =	shalt  }
0x44: {  	_ =	shalt  }
0x45: {  	_ =	shalt  }
0x46: {  	_ =	shalt  }
0x47: {  	_ =	shalt  }
0x48: {  	_ =	shalt  }
0x49: {  	_ =	shalt  }
0x4a: {  	_ =	shalt  }
0x4b: {  	_ =	shalt  }
0x4c: {  	_ =	shalt  }
0x4d: {  	_ =	shalt  }
0x4e: {  	_ =	shalt  }
0x4f: {  	_ =	shalt  }
0x50: {  	_ =	shalt  }
0x51: {  	_ =	shalt  }
0x52: {  	_ =	shalt  }
0x53: {  	_ =	shalt  }
0x54: {  	_ =	shalt  }
0x55: {  	_ =	shalt  }
0x56: {  	_ =	shalt  }
0x57: {  	_ =	shalt  }
0x58: {  	_ =	shalt  }
0x59: {  	_ =	shalt  }
0x5a: {  	_ =	shalt  }
0x5b: {  	_ =	shalt  }
0x5c: {  	_ =	shalt  }
0x5d: {  	_ =	shalt  }
0x5e: {  	_ =	shalt  }
0x5f: {  	_ =	shalt  }
0x60: {  	_ =	shalt  }
0x61: {  	_ =	shalt  }
0x62: {  	_ =	shalt  }
0x63: {  	_ =	shalt  }
0x64: {  	_ =	shalt  }
0x65: {  	_ =	shalt  }
0x66: {  	_ =	shalt  }
0x67: {  	_ =	shalt  }
0x68: {  	_ =	shalt  }
0x69: {  	_ =	shalt  }
0x6a: {  	_ =	shalt  }
0x6b: {  	_ =	shalt  }
0x6c: {  	_ =	shalt  }
0x6d: {  	_ =	shalt  }
0x6e: {  	_ =	shalt  }
0x6f: {  	_ =	shalt  }
0x70: {  	_ =	shalt  }
0x71: {  	_ =	shalt  }
0x72: {  	_ =	shalt  }
0x73: {  	_ =	shalt  }
0x74: {  	_ =	shalt  }
0x75: {  	_ =	shalt  }
0x76: {  	_ =	shalt  }
0x77: {  	_ =	shalt  }
0x78: {  	_ =	shalt  }
0x79: {  	_ =	shalt  }
0x7a: {  	_ =	shalt  }
0x7b: {  	_ =	shalt  }
0x7c: {  	_ =	shalt  }
0x7d: {  	_ =	shalt  }
0x7e: {  	_ =	shalt  }
0x7f: {  	_ =	shalt  }
0x80: {  	_ =	shalt  }
0x81: {  	_ =	shalt  }
0x82: {  	_ =	shalt  }
0x83: {  	_ =	shalt  }
0x84: {  	_ =	shalt  }
0x85: {  	_ =	shalt  }
0x86: {  	_ =	shalt  }
0x87: {  	_ =	shalt  }
.Lfunc_end0:
.L_simem_size_0:
called_computation_lowered:
.L_overlay_start_0:
0x88: {  	s2 =	sld [smem:$0x3FD9]  }
0x89: {  	s3 =	sld [smem:$0x3FFE];
	_ =	sdelay $0x1  }
0x8a: {  	s1 =	srdreg.scid  }
0x8b: {  	s0 =	sand.u32 $0x1, s1  }
0x8c: {  	s16 =	sshll.u32 s0, $0xA;
	s2 =	sadd.s32 s3, s2  }
0x8d: {  	s2 =	sadd.s32 s2, s16  }
0x8e: {  	[smem:$0x3FBC] =	sst s2  }
0x8f: {  	_ = 	snop  }
0x90: {  	(tm) =	ssettm $0x1  }
0x91: {  	s17 =	sld [smem:$0x3FFB];
	_ =	sdelay $0x3  }
0x92: {  	_ =	strace s17  }
0x93: {  	s2 =	sld [smem:$0x3FFC];
	_ =	sdelay $0x3  }
0x94: {  	_ =	strace s2  }
0x95: {  	s2 =	sld [smem:$0x3FFD];
	_ =	sdelay $0x3  }
0x96: {  	_ =	strace s2  }
0x97: {  	_ =	strace $0x8FFFFFFF  }
0x98: {  	s18 =	sld [smem:$0x3FDB];
	_ =	sdelay $0x1  }
0x99: {  	s19 =	simm.s32 $_scs_section_size  }
0x9a: {  	s4 =	simm.s32 $_size__tile_overlayer_lowered;
	s5 =	simm.s32 $_tile_overlayer_lowered  }
0x9b: {  	s22 =	simm.s32 $0x1BFF;
	s21 =	sshll.u32 s5, $0x1;
	s2 =	sadd.s32 s19, s18  }
0x9c: {  	s6 =	simm.s32 $0x0;
	s20 =	sshll.u32 s4, $0x1;
	s4 =	sadd.s32 s21, s2  }
0x9d: {  	[timem:s6], [sflag:s22] =	dma.local [hbm:s4], s20  }
0x9e: {  	_ =	swait.ge [sflag:s22], s20  }
0x9f: {  	s3 =	ssub.s32 $0x0, s20;
	[sflag:s22] =	ssyncset.done $0x0  }
0xa0: {  	[sflag:s22] =	ssyncadd.s32 s3;
	_ =	sdelay $0x1  }
0xa1: {  	s23 =	simm.s32 $0x1B8B  }
0xa2: {  	_ =	swait.ge [sflag:s23], $0x1  }
0xa3: {  	[sflag:s23] =	ssyncset.done $0x0  }
0xa4: {  	s25 =	simm.s32 $0x1B8E;
	s24 =	sld [smem:$0x3FFE];
	[sflag:s23] =	ssyncadd.s32 $0xFFFFFFFF  }
0xa5: {  	s26 =	simm.s32 $execute0_lowered;
	[smem:$0x3FD2] =	sst s25  }
0xa6: {  	s4 =	sshll.u32 s26, $0x1;
	_ =	strace $0x80000046;
	[dreg:$0x1] =	wrdreg $0xFFFFFFFF  }
0xa7: {  	s28 =	simm.s32 $_size_execute0_lowered;
	s2 =	sadd.s32 s2, s4;
	[dreg:$0x0] =	wrdreg $0x0  }
0xa8: {  	s4 =	sshll.u32 s28, $0x1;
	[dreg:$0x2] =	wrdreg s2  }
0xa9: {  	[dreg:$0x3] =	wrdreg s4  }
0xaa: {  	[dreg:$0x4] =	wrdreg $0xC0  }
0xab: {  	_ =	task [dreg:s6], $0x5FFFF  }
0xac: {  	[dreg:$0x1] =	wrdreg $0xFFFFFFFF  }
0xad: {  	[dreg:$0x0] =	wrdreg $0x60  }
0xae: {  	[dreg:$0x2] =	wrdreg s24  }
0xaf: {  	[dreg:$0x3] =	wrdreg $0x28000  }
0xb0: {  	[dreg:$0x4] =	wrdreg $0x9  }
0xb1: {  	_ =	task.clear_ibuf [dreg:s6], $0x5FFFF;
	_ =	strace $0x90000046  }
0xb2: {  	s29 =	simm.s32 $0x9;
	_ =	strace $0x80000048  }
0xb3: {  	_ =	swait.ge [sflag:s29], $0x1  }
0xb4: {  	[sflag:s29] =	ssyncadd.s32 $0xFFFFFFFF  }
0xb5: {  	_ =	strace $0x90000048  }
0xb6: {  	_ =	sfence  }
0xb7: {  	s30 =	sld [smem:$0x0];
	_ =	sdelay $0x2  }
0xb8: {  	s31 =	sshll.u32 s1, $0xD;
	s1 =	sshrl.u32 s1, $0x2  }
0xb9: {  	s3 =	sand.u32 $0x4000, s31;
	s1 =	sadd.s32 s1, s30  }
0xba: {  	s0 =	sor.u32 s3, s0;
	s1 =	sshll.u32 s1, $0x11  }
0xbb: {  	s0 =	sor.u32 s1, s0  }
0xbc: {  	s0 =	sadd.s32 $0x8F2B, s0  }
0xbd: {  	[sflag:s0] =	ssyncadd.remote.s32 $0x1  }
0xbe: {  	_ =	sfence.sel $0xFFFF  }
0xbf: {  	[dreg:$0x0] =	wrdreg $0xFFFFFFFF;
	(pc) =	sbr.abs _section_cstart, $3  }
0xc0: {  	[dreg:$0x1] =	wrdreg $0xFFFFFFFF  }
0xc1: {  	_ =	task.clear_ibuf [dreg:s6], $0x2FFFF;
	_ =	strace $0x9FFFFFFF  }
0xc2: {  	(tm) =	ssettm $0x7FFFFFFF  }
0xc3: {  	_ =	shalt  }
tec
execute0_lowered:
.L_overlay_start_1:
0x0: {  	(tag) =	ssettag $0x1  }
0x1: {  	s3 =	rddreg [dreg:$0x0]  }
0x2: {  	s0 =	srdreg.scid;
	s6 =	rddreg [dreg:$0x1]  }
0x3: {  	s1 =	rddreg [dreg:$0x2];
	s4 =	sand.u32 $0x1, s0  }
0x4: {  	s2 =	simm.s32 $0x0;
	s0 =	stileid.u32;
	s5 =	smul.u32 $0x27100, s4  }
0x5: {  	s12 =	simm.s32 $0x1400;
	s13 =	simm.s32 $0x14000;
	s7 =	smul.u32 $0x2710, s0  }
0x6: {  	s14 =	simm.s32 $0x7780;
	s15 =	simm.s32 $0x9F80;
	s8 =	smul.u32 $0x280, s0  }
0x7: {  	s16 =	simm.s32 $0x0;
	[smem:$0x7FF] =	sst s2;
	s9 =	smul.u32 $0x2800, s4  }
0x8: {  	_ =	strace $0x80000047;
	s26 =	sshrl.u32 s0, $0x3;
	s4 =	ssub.s32 $0x2, s4  }
0x9: {  	s29 =	sshll.u32 s0, $0x7;
	s10 =	smul.u32 $0x5000, s0;
	s28 =	sshrl.u32 s4, $0x1  }
0xa: {  	s30 =	sand.u32 $0x380, s29;
	s5 =	sadd.s32 s7, s5;
	s25 =	sadd.s32 s8, s9  }
0xb: {  	s8 =	smul.u32 $0x50000, s26;
	s11 =	ssub.s32 s4, s28;
	s31 =	sshrl.u32 s10, $0x2  }
0xc: {  	s9 =	simm.s32 $0x1;
	s10 =	simm.s32 $0x80;
	s5 =	sshrl.u32 s5, $0x3  }
0xd: {  	s7 =	sshrl.u32 s25, $0x3;
	s5 =	sadd.s32 s5, s3;
	s8 =	sshrl.u32 s8, $0x2  }
0xe: {  	s7 =	sadd.s32 s7, s3;
	s8 =	sadd.s32 s8, s6;
	s3 =	sadd.s32 $0x2800, s5  }
0xf: {  	s5 =	sadd.s32 s31, s6;
	s6 =	sadd.s32 $0xC600, s7;
	s7 =	smax.u32 s11, $0x1  }
0x10: {  	v0 =	vimm.f32 $0.0e+00;
	v1 =	vimm.f32 $1.000000000e+00;
	s11 =	simm.s32 $0x400;
	s4 =	sadd.s32 s30, s8;
	s8 =	simm.s32 $0x5000  }
.LBB2_1:
0x11: {  	s17 =	simm.s32 $0x40;
	s18 =	simm.s32 $0x0  }
.LBB2_2:
0x12: {  	p0 =	sne.s32 s17, $0x9FC0;
	[tilespmem:s18+$0x0] =	vst v0;
	s18 =	smov.u32 s17;
	s17 =	sadd.s32 $0x40, s17  }
.Ltmp0:
0x13: {  	(pc) =	sbr.rel @p0 .LBB2_2-.Ltmp0, $2  }
0x14: {  	_ =	sdelay $0x2  }
0x15: {  	s18 =	sshra.s32 s18, $0x2  }
0x16: {  	[tilespmem:s18+$0x0] =	vst v0;
	s17 =	simm.s32 $0x0  }
0x17: {  	[tilespmem:s8], [sflag:$0x1] =	stream.linear.gather [hbm4b:s3+s17], $0x2710, $0x38;
	[tilespmem:$0xA200] =	vst v63  }
0x18: {  	_ =	swait.ge [sflag:s9], $0x2710  }
0x19: {  	[sflag:s9] =	ssyncset.done $0x0  }
0x1a: {  	s18 =	simm.s32 $0x0;
	s17 =	simm.s32 $0x40;
	[sflag:s9] =	ssyncadd.s32 $0xFFFFD8F0  }
.LBB2_4:
0x1b: {  	p0 =	sne.s32 s17, $0x9C00;
	v2 =	vld [tilespmem:s18+$0x5000];
	_ =	sdelay $0x3  }
.Ltmp1:
0x1c: {  	(pc) =	sbr.rel @p0 .LBB2_4-.Ltmp1, $2  }
0x1d: {  	_ =	sdelay $0x2  }
0x1e: {  	s18 =	sshra.s32 s17, $0x2;
	s17 =	sadd.s32 $0x40, s17;
	[tilespmem:v2+s2+$0x0] =	vst.idx.add.f32.msk $0xffff, v1  }
0x1f: {  	v2 =	vld [tilespmem:s18+$0x5000];
	_ =	sdelay $0x7  }
0x20: {  	s17 =	simm.s32 $0x0;
	[tilespmem:v2+s2+$0x0] =	vst.idx.add.f32.msk $0xffff, v1  }
0x21: {  	[spmem:s4] =	stream.strided.scatter [tilespmem:s17], [sflag:$0x1], $0x2800, s11, s10, $0x38;
	[tilespmem:$0xA200] =	vst v63  }
0x22: {  	_ =	swait.ge [sflag:s9], $0x2800  }
0x23: {  	[sflag:s9] =	ssyncset.done $0x0  }
0x24: {  	[sflag:s9] =	ssyncadd.s32 $0xFFFFD800  }
0x25: {  	[bflag:$0x0] =	sbarrier.arrive $0xFFFF  }
0x26: {  	[tilespmem:s14], [sflag:$0x1] =	stream.strided.gather [spmem:s5], $0x2800, s13, s12, $0x38;
	[tilespmem:$0xA200] =	vst v63  }
0x27: {  	_ =	swait.ge [sflag:s9], $0x2800  }
0x28: {  	s30 =	sand.u32 $0x70, s17;
	s17 =	sand.u32 $0x1C00, s17;
	[sflag:s9] =	ssyncset.done $0x0  }
0x29: {  	s17 =	sor.u32 s30, s17;
	[sflag:s9] =	ssyncadd.s32 $0xFFFFD800  }
0x2a: {  	v2 =	vld [tilespmem:s17+$0x7800]  }
0x2b: {  	v3 =	vld [tilespmem:s17+$0x7780];
	_ =	sdelay $0x1  }
0x2c: {  	v4 =	vld [tilespmem:s17+$0x7880];
	_ =	sdelay $0x1  }
0x2d: {  	v5 =	vld [tilespmem:s17+$0x7900]  }
0x2e: {  	v2 =	vadd.f32 v2, v3  }
0x2f: {  	v3 =	vld [tilespmem:s17+$0x7980]  }
0x30: {  	v2 =	vadd.f32 v4, v2  }
0x31: {  	v56 =	vld [tilespmem:s17+$0x7A00]  }
0x32: {  	v2 =	vadd.f32 v5, v2  }
0x33: {  	v57 =	vld [tilespmem:s17+$0x7A80]  }
0x34: {  	v2 =	vadd.f32 v3, v2  }
0x35: {  	v3 =	vld [tilespmem:s17+$0x7B00]  }
0x36: {  	v2 =	vadd.f32 v56, v2  }
0x37: {  	v58 =	vld [tilespmem:s17+$0x8B80]  }
0x38: {  	v2 =	vadd.f32 v57, v2  }
0x39: {  	v59 =	vld [tilespmem:s17+$0x8C00]  }
0x3a: {  	v2 =	vadd.f32 v3, v2  }
0x3b: {  	v3 =	vld [tilespmem:s17+$0x8C80]  }
0x3c: {  	v2 =	vadd.f32 v58, v2  }
0x3d: {  	v60 =	vld [tilespmem:s17+$0x8D00]  }
0x3e: {  	v2 =	vadd.f32 v59, v2  }
0x3f: {  	v61 =	vld [tilespmem:s17+$0x8D80]  }
0x40: {  	v2 =	vadd.f32 v3, v2  }
0x41: {  	v3 =	vld [tilespmem:s17+$0x8E00]  }
0x42: {  	v2 =	vadd.f32 v60, v2  }
0x43: {  	v62 =	vld [tilespmem:s17+$0x8E80]  }
0x44: {  	v2 =	vadd.f32 v61, v2  }
0x45: {  	v63 =	vld [tilespmem:s17+$0x8F00]  }
0x46: {  	v2 =	vadd.f32 v3, v2;
	_ =	sdelay $0x1  }
0x47: {  	v2 =	vadd.f32 v62, v2;
	_ =	sdelay $0x1  }
0x48: {  	s31 =	simm.s32 $0x10;
	s19 =	simm.s32 $0x80;
	v2 =	vadd.f32 v63, v2  }
0x49: {  	s18 =	sand.u32 $0x70, s31;
	s20 =	sand.u32 $0x1C00, s19;
	s17 =	simm.s32 $0x9F80  }
0x4a: {  	s18 =	sor.u32 s18, s20;
	s20 =	simm.s32 $0x20;
	[tilespmem:s17+$0x0] =	vst v2  }
.LBB2_6:
0x4b: {  	p0 =	sne.s32 s20, $0x270;
	v2 =	vld [tilespmem:s18+$0x7800]  }
0x4c: {  	v3 =	vld [tilespmem:s18+$0x7780];
	_ =	sdelay $0x1  }
0x4d: {  	v4 =	vld [tilespmem:s18+$0x7880];
	_ =	sdelay $0x1  }
0x4e: {  	v5 =	vld [tilespmem:s18+$0x7900]  }
0x4f: {  	v2 =	vadd.f32 v2, v3  }
0x50: {  	v3 =	vld [tilespmem:s18+$0x7980]  }
0x51: {  	v2 =	vadd.f32 v4, v2  }
0x52: {  	v4 =	vld [tilespmem:s18+$0x7A00]  }
0x53: {  	v2 =	vadd.f32 v5, v2  }
0x54: {  	v5 =	vld [tilespmem:s18+$0x7A80]  }
0x55: {  	v2 =	vadd.f32 v3, v2  }
0x56: {  	v3 =	vld [tilespmem:s18+$0x7B00]  }
0x57: {  	v2 =	vadd.f32 v4, v2  }
0x58: {  	v4 =	vld [tilespmem:s18+$0x8B80]  }
0x59: {  	v2 =	vadd.f32 v5, v2  }
0x5a: {  	v5 =	vld [tilespmem:s18+$0x8C00]  }
0x5b: {  	v2 =	vadd.f32 v3, v2  }
0x5c: {  	v3 =	vld [tilespmem:s18+$0x8C80]  }
0x5d: {  	v2 =	vadd.f32 v4, v2  }
0x5e: {  	v4 =	vld [tilespmem:s18+$0x8D00]  }
0x5f: {  	v2 =	vadd.f32 v5, v2  }
0x60: {  	v5 =	vld [tilespmem:s18+$0x8D80]  }
0x61: {  	v2 =	vadd.f32 v3, v2  }
0x62: {  	v3 =	vld [tilespmem:s18+$0x8E00]  }
0x63: {  	v2 =	vadd.f32 v4, v2  }
0x64: {  	v4 =	vld [tilespmem:s18+$0x8E80]  }
0x65: {  	v2 =	vadd.f32 v5, v2  }
0x66: {  	v5 =	vld [tilespmem:s18+$0x8F00]  }
0x67: {  	v2 =	vadd.f32 v3, v2;
	_ =	sdelay $0x1  }
.Ltmp2:
0x68: {  	v2 =	vadd.f32 v4, v2;
	(pc) =	sbr.rel @p0 .LBB2_6-.Ltmp2, $4  }
0x69: {  	_ = 	snop  }
0x6a: {  	s19 =	sadd.s32 $0x80, s19;
	v2 =	vadd.f32 v5, v2  }
0x6b: {  	s17 =	sadd.s32 $0x10, s17;
	s21 =	sand.u32 $0x1C00, s19;
	s18 =	sand.u32 $0x70, s20  }
0x6c: {  	s20 =	sadd.s32 $0x10, s20;
	s18 =	sor.u32 s18, s21;
	[tilespmem:s17+$0x0] =	vst v2  }
0x6d: {  	v2 =	vld [tilespmem:s18+$0x7800]  }
0x6e: {  	v3 =	vld [tilespmem:s18+$0x7780];
	_ =	sdelay $0x1  }
0x6f: {  	v4 =	vld [tilespmem:s18+$0x7880];
	_ =	sdelay $0x1  }
0x70: {  	v5 =	vld [tilespmem:s18+$0x7900]  }
0x71: {  	v2 =	vadd.f32 v2, v3  }
0x72: {  	v3 =	vld [tilespmem:s18+$0x7980]  }
0x73: {  	v2 =	vadd.f32 v4, v2  }
0x74: {  	v56 =	vld [tilespmem:s18+$0x7A00]  }
0x75: {  	v2 =	vadd.f32 v5, v2  }
0x76: {  	v57 =	vld [tilespmem:s18+$0x7A80]  }
0x77: {  	v2 =	vadd.f32 v3, v2  }
0x78: {  	v3 =	vld [tilespmem:s18+$0x7B00]  }
0x79: {  	v2 =	vadd.f32 v56, v2  }
0x7a: {  	v58 =	vld [tilespmem:s18+$0x8B80]  }
0x7b: {  	v2 =	vadd.f32 v57, v2  }
0x7c: {  	v59 =	vld [tilespmem:s18+$0x8C00]  }
0x7d: {  	v2 =	vadd.f32 v3, v2  }
0x7e: {  	v3 =	vld [tilespmem:s18+$0x8C80]  }
0x7f: {  	v2 =	vadd.f32 v58, v2  }
0x80: {  	v60 =	vld [tilespmem:s18+$0x8D00]  }
0x81: {  	v2 =	vadd.f32 v59, v2  }
0x82: {  	v61 =	vld [tilespmem:s18+$0x8D80]  }
0x83: {  	v2 =	vadd.f32 v3, v2  }
0x84: {  	v3 =	vld [tilespmem:s18+$0x8E00]  }
0x85: {  	v2 =	vadd.f32 v60, v2  }
0x86: {  	v62 =	vld [tilespmem:s18+$0x8E80]  }
0x87: {  	v2 =	vadd.f32 v61, v2  }
0x88: {  	v63 =	vld [tilespmem:s18+$0x8F00]  }
0x89: {  	v2 =	vadd.f32 v3, v2;
	_ =	sdelay $0x1  }
0x8a: {  	v2 =	vadd.f32 v62, v2;
	_ =	sdelay $0x1  }
0x8b: {  	s16 =	sadd.s32 $0x1, s16;
	v2 =	vadd.f32 v63, v2  }
0x8c: {  	s17 =	sadd.s32 $0x10, s17;
	p0 =	sne.s32 s16, s7  }
.Ltmp3:
0x8d: {  	[tilespmem:s17+$0x0] =	vst v2;
	(pc) =	sbr.rel @p0 .LBB2_1-.Ltmp3, $4  }
0x8e: {  	[hbm4b:s6+s2] =	stream.linear.scatter [tilespmem:s15], [sflag:$0x1], $0x280, $0x38;
	[tilespmem:$0xA200] =	vst v63  }
0x8f: {  	_ =	swait.ge [sflag:s9], $0x280  }
0x90: {  	[sflag:s9] =	ssyncset.done $0x0  }
0x91: {  	[sflag:s9] =	ssyncadd.s32 $0xFFFFFD80  }
0x92: {  	_ =	sfence.sel $0x180000  }
0x93: {  	[bflag:$0x0] =	sbarrier.arrive $0xFFFF  }
0x94: {  	p0 =	sne.s32 s0, $0x0;
	_ =	strace $0x90000047  }
0x95: {  	s0 =	sadd.s32 @!p0 $0x100000, s1;
	[bflag:$0x2] =	sbarrier.arrive $0xFFFF  }
0x96: {  	[sflag:s0] =	ssyncadd.tile.s32 @!p0 $0x1;
	_ =	shalt  }
.Lfunc_end2:
_tile_overlayer_lowered:
.L_overlay_start_2:
0x97: {  	(tag) =	ssettag $0x2  }
0x98: {  	s0 =	rddreg [dreg:$0x0];
	s2 =	stileid.u32  }
0x99: {  	s1 =	rddreg [dreg:$0x1];
	p0 =	sne.s32 s2, $0x0  }
0x9a: {  	s3 =	rddreg [dreg:$0x2];
	[bflag:$0x3] =	sbarrier.arrive $0xFFFF;
	s2 =	simm.s32 @!p0 $0x1C01  }
0x9b: {  	[timem:s3], [sflag:s2] =	dma.local @!p0 [hbm:s0], s1  }
0x9c: {  	s0 =	simm.s32 @!p0 $0x1  }
0x9d: {  	_ =	swait.ge @!p0 [sflag:s0], s1  }
0x9e: {  	s1 =	ssub.s32 @!p0 $0x0, s1;
	[sflag:s0] =	ssyncset.done @!p0 $0x0  }
0x9f: {  	[sflag:s0] =	ssyncadd.s32 @!p0 s1  }
0xa0: {  	[bflag:$0x3] =	sbarrier.arrive $0xFFFF  }
0xa1: {  	_ =	shalt  }

</sc_bundles>
